<compile_context>
chip_gen: v7x
topology: tpu7x:2x2x1
jax: 0.10.2.dev20260603
libtpu: 0.0.44.dev20260713+nightly
codegen_flags: <defaults>
</compile_context>

<pallas_src>
import jax
import jax.numpy as jnp
from jax import lax
from jax.experimental import pallas as pl
from jax.experimental.pallas import tpu as pltpu
from jax.experimental.pallas import tpu_sc as plsc

_VOCAB = 100000
_EMB = 64
_CTX = 20
_HIDDEN = 128

_R_SC = 24576
_V_TC = _VOCAB - _R_SC
_NB = 4
_BV = _V_TC // _NB
_NTILE = 32
_RPT = _R_SC // _NTILE
_CH = 128
_NCH = _RPT // _CH


def _head_body(idx_s, embt_any, w1_ref, b1_ref, h_ref, x_ref, sem):
    copies = []
    for j in range(_CTX):
        base = pl.multiple_of((idx_s[j] // 128) * 128, 128)
        copies.append(pltpu.make_async_copy(
            embt_any.at[:, pl.ds(base, 128)],
            x_ref.at[:, pl.ds(j * 128, 128)], sem))
    for c in copies:
        c.start()
    for c in copies:
        c.wait()
    acc = b1_ref[...]
    for t in range(_CTX):
        onehot = (lax.broadcasted_iota(jnp.int32, (1, 128), 1)
                  == (idx_s[t] % 128)).astype(jnp.float32)
        xt = lax.dot_general(
            onehot, x_ref[:, pl.ds(t * 128, 128)],
            (((1,), (1,)), ((), ())),
            preferred_element_type=jnp.float32)
        acc = acc + lax.dot_general(
            xt, w1_ref[:, pl.ds(t * _EMB, _EMB)],
            (((1,), (1,)), ((), ())),
            preferred_element_type=jnp.float32)
    h_ref[...] = jnp.maximum(acc, 0.0)


def _head(idx, embt, W1, b1c):
    return pl.pallas_call(
        _head_body,
        in_specs=[
            pl.BlockSpec(memory_space=pltpu.MemorySpace.SMEM),
            pl.BlockSpec(memory_space=pl.ANY),
            pl.BlockSpec((_HIDDEN, _CTX * _EMB), lambda: (0, 0)),
            pl.BlockSpec((1, _HIDDEN), lambda: (0, 0)),
        ],
        out_specs=pl.BlockSpec((1, _HIDDEN), lambda: (0, 0)),
        out_shape=jax.ShapeDtypeStruct((1, _HIDDEN), jnp.float32),
        scratch_shapes=[
            pltpu.VMEM((_EMB, _CTX * 128), jnp.float32),
            pltpu.SemaphoreType.DMA,
        ],
    )(idx, embt, W1, b1c)


_GDN = lax.GatherDimensionNumbers(
    offset_dims=(), collapsed_slice_dims=(0,), start_index_map=(0,))


def _lane_perm(x, k):
    idx = lax.iota(jnp.int32, 16) ^ k
    return lax.gather(x, idx[:, None], _GDN, (1,),
                      mode=lax.GatherScatterMode.PROMISE_IN_BOUNDS)


def _lane_sum(x):
    for k in (1, 2, 4, 8):
        x = x + _lane_perm(x, k)
    return x


def _lane_max(x):
    for k in (1, 2, 4, 8):
        x = jnp.maximum(x, _lane_perm(x, k))
    return x


def _sc_body(h_hbm, w2_hbm, b2_hbm, out_hbm, part_hbm,
             h_v, buf0, buf1, acc_v, b2_v, part_v, sem0, sem1, semo):
    cid = lax.axis_index("c")
    sid = lax.axis_index("s")
    tid = sid * 2 + cid
    base = _V_TC + tid * _RPT

    pltpu.sync_copy(h_hbm, h_v)
    pltpu.sync_copy(b2_hbm.at[pl.ds(base, _RPT)], b2_v)
    hk = [h_v[pl.ds(k * 16, 16)] for k in range(_HIDDEN // 16)]

    bufs = (buf0, buf1)
    sems = (sem0, sem1)
    lanes = lax.iota(jnp.int32, 16)
    for b in range(2):
        pltpu.make_async_copy(
            w2_hbm.at[pl.ds(base + b * _CH, _CH), :], bufs[b], sems[b]).start()

    def chunk_pair(cc, _):
        for b in range(2):
            c = cc * 2 + b
            roff = pl.multiple_of(base + c * _CH, 8)
            pltpu.make_async_copy(
                w2_hbm.at[pl.ds(roff, _CH), :], bufs[b], sems[b]).wait()
            buf = bufs[b]

            def grp_body(g, _):
                base_r = g * 16
                vec = jnp.zeros((16,), jnp.float32)
                for rr in range(16):
                    r = base_r + rr
                    acc = buf[r, pl.ds(0, 16)] * hk[0]
                    for k in range(1, _HIDDEN // 16):
                        acc = acc + buf[r, pl.ds(k * 16, 16)] * hk[k]
                    vec = jnp.where(lanes == rr, _lane_sum(acc), vec)
                off = c * _CH + base_r
                acc_v[pl.ds(off, 16)] = vec + b2_v[pl.ds(off, 16)]
                return 0

            lax.fori_loop(0, _CH // 16, grp_body, 0)

            @pl.when(c + 2 < _NCH)
            def _():
                nxt = pl.multiple_of(base + (c + 2) * _CH, 8)
                pltpu.make_async_copy(
                    w2_hbm.at[pl.ds(nxt, _CH), :], bufs[b], sems[b]).start()
        return 0

    lax.fori_loop(0, _NCH // 2, chunk_pair, 0)

    def max_body(i, m16):
        return jnp.maximum(m16, acc_v[pl.ds(i * 16, 16)])

    m16 = lax.fori_loop(1, _RPT // 16, max_body, acc_v[pl.ds(0, 16)])
    m16 = _lane_max(m16)

    def sum_body(i, s16):
        return s16 + jnp.exp(acc_v[pl.ds(i * 16, 16)] - m16)

    s16 = lax.fori_loop(0, _RPT // 16, sum_body,
                        jnp.zeros((16,), jnp.float32))
    s16 = _lane_sum(s16)

    lanes = lax.iota(jnp.int32, 16)
    part_v[...] = jnp.where(lanes == 0, m16, jnp.where(lanes == 1, s16, 0.0))
    pltpu.sync_copy(acc_v, out_hbm.at[pl.ds(tid * _RPT, _RPT)])
    pltpu.async_copy(part_v, part_hbm.at[tid], semo).wait()


def _sc_gemv(h_flat, W2, b2):
    k = pl.kernel(
        _sc_body,
        out_type=(
            jax.ShapeDtypeStruct((_R_SC,), jnp.float32),
            jax.ShapeDtypeStruct((_NTILE, 16), jnp.float32),
        ),
        mesh=plsc.VectorSubcoreMesh(core_axis_name="c", subcore_axis_name="s"),
        compiler_params=pltpu.CompilerParams(use_tc_tiling_on_sc=True),
        scratch_types=[
            pltpu.VMEM((_HIDDEN,), jnp.float32),
            pltpu.VMEM((_CH, _HIDDEN), jnp.float32),
            pltpu.VMEM((_CH, _HIDDEN), jnp.float32),
            pltpu.VMEM((_RPT,), jnp.float32),
            pltpu.VMEM((_RPT,), jnp.float32),
            pltpu.VMEM((16,), jnp.float32),
            pltpu.SemaphoreType.DMA,
            pltpu.SemaphoreType.DMA,
            pltpu.SemaphoreType.DMA,
        ],
    )
    return k(h_flat, W2, b2)


def _tc_body(h_ref, w2_ref, b2_ref, out_ref, m_ref, s_ref, mx_ref):
    i = pl.program_id(0)
    o = lax.dot_general(
        h_ref[...], w2_ref[...], (((1,), (1,)), ((), ())),
        preferred_element_type=jnp.float32)
    o = o + b2_ref[0]
    out_ref[pl.ds(i, 1), :] = o

    bm = jnp.max(o, axis=1, keepdims=True)

    @pl.when(i == 0)
    def _():
        mx_ref[...] = bm

    @pl.when(i > 0)
    def _():
        mx_ref[...] = jnp.maximum(mx_ref[...], bm)

    @pl.when(i == _NB - 1)
    def _():
        logits = out_ref[...]
        m = mx_ref[...]
        e = jnp.exp(logits - m)
        s = jnp.sum(jnp.sum(e, axis=1, keepdims=True), axis=0, keepdims=True)
        m_ref[...] = m
        s_ref[...] = s


def _tc_gemv(h, W2, b2_tc):
    return pl.pallas_call(
        _tc_body,
        grid=(_NB,),
        in_specs=[
            pl.BlockSpec((1, _HIDDEN), lambda i: (0, 0)),
            pl.BlockSpec((_BV, _HIDDEN), lambda i: (i, 0)),
            pl.BlockSpec((1, 1, _BV), lambda i: (i, 0, 0)),
        ],
        out_specs=[
            pl.BlockSpec((_NB, _BV), lambda i: (0, 0)),
            pl.BlockSpec((1, 1), lambda i: (0, 0)),
            pl.BlockSpec((1, 1), lambda i: (0, 0)),
        ],
        out_shape=[
            jax.ShapeDtypeStruct((_NB, _BV), jnp.float32),
            jax.ShapeDtypeStruct((1, 1), jnp.float32),
            jax.ShapeDtypeStruct((1, 1), jnp.float32),
        ],
        scratch_shapes=[pltpu.VMEM((1, 1), jnp.float32)],
    )(h, W2, b2_tc)


def _tail_body(out_tc_ref, out_sc_ref, m_ref, s_ref, part_ref,
               out_ref, lp_ref):
    pm = part_ref[:, pl.ds(0, 1)]
    ps = part_ref[:, pl.ds(1, 1)]
    m_sc = jnp.max(pm, axis=0, keepdims=True)
    M = jnp.maximum(m_ref[...], m_sc)
    s_all = jnp.sum(ps * jnp.exp(pm - M), axis=0, keepdims=True) \
        + s_ref[...] * jnp.exp(m_ref[...] - M)
    lse = M + jnp.log(s_all)
    for i in range(_NB):
        row = out_tc_ref[pl.ds(i, 1), :]
        out_ref[0:1, pl.ds(i * _BV, _BV)] = row
        lp_ref[0:1, pl.ds(i * _BV, _BV)] = row - lse
    sc = jnp.reshape(out_sc_ref[...], (1, _R_SC))
    out_ref[0:1, pl.ds(_V_TC, _R_SC)] = sc
    lp_ref[0:1, pl.ds(_V_TC, _R_SC)] = sc - lse


def _tail(out_tc, out_sc, m_tc, s_tc, part):
    return pl.pallas_call(
        _tail_body,
        out_shape=[
            jax.ShapeDtypeStruct((1, _VOCAB), jnp.float32),
            jax.ShapeDtypeStruct((1, _VOCAB), jnp.float32),
        ],
    )(out_tc, out_sc, m_tc, s_tc, part)


def kernel(inputs, emb, W1, b1, W2, b2):
    idx = inputs.astype(jnp.int32)
    h = _head(idx, emb.T, W1, b1.reshape(1, _HIDDEN))
    out_sc, part = _sc_gemv(h.reshape(_HIDDEN), W2, b2)
    out_tc, m_tc, s_tc = _tc_gemv(h, W2, b2[:_V_TC].reshape(_NB, 1, _BV))
    return _tail(out_tc, out_sc, m_tc, s_tc, part)

# --- scband reference (transcript-rebuilt; emitter-appended) ---
"""Pipeline reference for scband-ngram-mod-3530463117927 (READ-ONLY COPY).

The authoritative reference and input builder live on the scoring server;
editing this copy changes nothing except your own understanding.
"""

import jax, jax.numpy as jnp
import numpy as np

VOCAB = 100000
EMB = 64
CTX = 20
HIDDEN = 128

def setup_inputs(seed: int = 0) -> dict:
    key = jax.random.key(seed)
    k_idx, k_emb, k_w1, k_b1, k_w2, k_b2 = jax.random.split(key, 6)
    inputs = jax.random.randint(k_idx, (CTX,), 0, VOCAB, dtype=jnp.int64 if jax.config.jax_enable_x64 else jnp.int32).astype(jnp.int32)
    emb = jax.random.normal(k_emb, (VOCAB, EMB), dtype=jnp.float32)
    W1 = jax.random.normal(k_w1, (HIDDEN, CTX * EMB), dtype=jnp.float32) * (1.0 / np.sqrt(CTX * EMB))
    b1 = jax.random.normal(k_b1, (HIDDEN,), dtype=jnp.float32) * 0.01
    W2 = jax.random.normal(k_w2, (VOCAB, HIDDEN), dtype=jnp.float32) * (1.0 / np.sqrt(HIDDEN))
    b2 = jax.random.normal(k_b2, (VOCAB,), dtype=jnp.float32) * 0.01
    return {"inputs": inputs, "emb": emb, "W1": W1, "b1": b1, "W2": W2, "b2": b2}

def reference(inputs, emb, W1, b1, W2, b2):
    # embedding lookup: gather rows of the table (SparseCore-mappable)
    embeds = jnp.take(emb, inputs, axis=0).reshape(1, -1)
    h = jax.nn.relu(embeds @ W1.T + b1)
    out = h @ W2.T + b2
    log_probs = jax.nn.log_softmax(out, axis=1)
    return (out, log_probs)

if __name__ == "__main__":
    import jax
    _d = setup_inputs()
    print(jax.jit(kernel)(*tuple(_d.values())))

</pallas_src>

<mosaic_0001>
#map = affine_map<(d0, d1) -> (0)>
#map1 = affine_map<(d0, d1) -> (0, 0)>
module attributes {stable_mosaic.version = 14 : i64} {
  func.func @_sc_body(%arg0: i32, %arg1: i32, %arg2: memref<128xf32, #tpu.memory_space<hbm>>, %arg3: memref<100000x128xf32, #tpu.memory_space<hbm>>, %arg4: memref<100000xf32, #tpu.memory_space<hbm>>, %arg5: memref<24576xf32, #tpu.memory_space<hbm>>, %arg6: memref<32x16xf32, #tpu.memory_space<hbm>>, %arg7: memref<128xf32, #tpu.memory_space<vmem>>, %arg8: memref<128x128xf32, #tpu.memory_space<vmem>>, %arg9: memref<128x128xf32, #tpu.memory_space<vmem>>, %arg10: memref<768xf32, #tpu.memory_space<vmem>>, %arg11: memref<768xf32, #tpu.memory_space<vmem>>, %arg12: memref<16xf32, #tpu.memory_space<vmem>>, %arg13: memref<!tpu.dma_semaphore, #tpu.memory_space<semaphore_mem>>, %arg14: memref<!tpu.dma_semaphore, #tpu.memory_space<semaphore_mem>>, %arg15: memref<!tpu.dma_semaphore, #tpu.memory_space<semaphore_mem>>) attributes {dimension_semantics = [#tpu.dimension_semantics<core_parallel>, #tpu.dimension_semantics<subcore_parallel>], iteration_bounds = array<i64: 2, 16>, scalar_prefetch = 0 : i64, scratch_operands = 9 : i64, tpu.core_type = #tpu.core_type<sc_vector_subcore>, window_params = [{transform_indices = #map}, {transform_indices = #map1}, {transform_indices = #map}, {transform_indices = #map}, {transform_indices = #map1}]} {
    %mul3A = arith.constant 2 : i32
    %mul3A_0 = arith.muli %arg1, %mul3A : i32
    %add3A = arith.addi %mul3A_0, %arg0 : i32
    %mul3A_1 = arith.constant 768 : i32
    %mul3A_2 = arith.muli %add3A, %mul3A_1 : i32
    %add3A_3 = arith.constant 75424 : i32
    %add3A_4 = arith.addi %add3A_3, %mul3A_2 : i32
    "tpu.region"() ({
      %run_scoped3A = tpu.sem_alloc : memref<!tpu.dma_semaphore, #tpu.memory_space<semaphore_mem>>
      tpu.enqueue_dma source(%arg2 : memref<128xf32, #tpu.memory_space<hbm>>) target(%arg7 : memref<128xf32, #tpu.memory_space<vmem>>) target_semaphore(%run_scoped3A : memref<!tpu.dma_semaphore, #tpu.memory_space<semaphore_mem>>)
      tpu.wait_dma2 semaphore(%run_scoped3A : memref<!tpu.dma_semaphore, #tpu.memory_space<semaphore_mem>>) src(%arg2 : memref<128xf32, #tpu.memory_space<hbm>>) dst(%arg7 : memref<128xf32, #tpu.memory_space<vmem>>)
      tpu.yield
    }) : () -> ()
    "tpu.region"() ({
      %run_scoped3A = tpu.sem_alloc : memref<!tpu.dma_semaphore, #tpu.memory_space<semaphore_mem>>
      %dma_start3A_146 = tpu.memref_slice %arg4[%add3A_4] : memref<100000xf32, #tpu.memory_space<hbm>> -> memref<768xf32, #tpu.memory_space<hbm>>
      %dma_start3A_147 = tpu.memref_slice %arg4[%add3A_4] : memref<100000xf32, #tpu.memory_space<hbm>> -> memref<768xf32, #tpu.memory_space<hbm>>
      tpu.enqueue_dma source(%dma_start3A_147 : memref<768xf32, #tpu.memory_space<hbm>>) target(%arg11 : memref<768xf32, #tpu.memory_space<vmem>>) target_semaphore(%run_scoped3A : memref<!tpu.dma_semaphore, #tpu.memory_space<semaphore_mem>>)
      %dma_wait3A_148 = tpu.memref_slice %arg4[%add3A_4] : memref<100000xf32, #tpu.memory_space<hbm>> -> memref<768xf32, #tpu.memory_space<hbm>>
      %dma_wait3A_149 = tpu.memref_slice %arg4[%add3A_4] : memref<100000xf32, #tpu.memory_space<hbm>> -> memref<768xf32, #tpu.memory_space<hbm>>
      tpu.wait_dma2 semaphore(%run_scoped3A : memref<!tpu.dma_semaphore, #tpu.memory_space<semaphore_mem>>) src(%dma_wait3A_149 : memref<768xf32, #tpu.memory_space<hbm>>) dst(%arg11 : memref<768xf32, #tpu.memory_space<vmem>>)
      tpu.yield
    }) : () -> ()
    %get3A = arith.constant 0 : index
    %get3A_5 = tpu.vector_load %arg7[%get3A] {strides = array<i32>} : memref<128xf32, #tpu.memory_space<vmem>>, vector<16xf32>,
    %get3A_6 = vector.shape_cast %get3A_5 : vector<16xf32> to vector<16xf32>
    %get3A_7 = arith.constant 16 : index
    %get3A_8 = tpu.vector_load %arg7[%get3A_7] {strides = array<i32>} : memref<128xf32, #tpu.memory_space<vmem>>, vector<16xf32>,
    %get3A_9 = vector.shape_cast %get3A_8 : vector<16xf32> to vector<16xf32>
    %get3A_10 = arith.constant 32 : index
    %get3A_11 = tpu.vector_load %arg7[%get3A_10] {strides = array<i32>} : memref<128xf32, #tpu.memory_space<vmem>>, vector<16xf32>,
    %get3A_12 = vector.shape_cast %get3A_11 : vector<16xf32> to vector<16xf32>
    %get3A_13 = arith.constant 48 : index
    %get3A_14 = tpu.vector_load %arg7[%get3A_13] {strides = array<i32>} : memref<128xf32, #tpu.memory_space<vmem>>, vector<16xf32>,
    %get3A_15 = vector.shape_cast %get3A_14 : vector<16xf32> to vector<16xf32>
    %get3A_16 = arith.constant 64 : index
    %get3A_17 = tpu.vector_load %arg7[%get3A_16] {strides = array<i32>} : memref<128xf32, #tpu.memory_space<vmem>>, vector<16xf32>,
    %get3A_18 = vector.shape_cast %get3A_17 : vector<16xf32> to vector<16xf32>
    %get3A_19 = arith.constant 80 : index
    %get3A_20 = tpu.vector_load %arg7[%get3A_19] {strides = array<i32>} : memref<128xf32, #tpu.memory_space<vmem>>, vector<16xf32>,
    %get3A_21 = vector.shape_cast %get3A_20 : vector<16xf32> to vector<16xf32>
    %get3A_22 = arith.constant 96 : index
    %get3A_23 = tpu.vector_load %arg7[%get3A_22] {strides = array<i32>} : memref<128xf32, #tpu.memory_space<vmem>>, vector<16xf32>,
    %get3A_24 = vector.shape_cast %get3A_23 : vector<16xf32> to vector<16xf32>
    %get3A_25 = arith.constant 112 : index
    %get3A_26 = tpu.vector_load %arg7[%get3A_25] {strides = array<i32>} : memref<128xf32, #tpu.memory_space<vmem>>, vector<16xf32>,
    %get3A_27 = vector.shape_cast %get3A_26 : vector<16xf32> to vector<16xf32>
    %iota3A = tpu.iota {dimensions = array<i32: 0>} : vector<16xi32>
    %add3A_28 = arith.constant 0 : i32
    %add3A_29 = arith.addi %add3A_4, %add3A_28 : i32
    %dma_start3A = arith.constant 0 : i32
    %dma_start3A_30 = tpu.memref_slice %arg3[%add3A_29, %dma_start3A] : memref<100000x128xf32, #tpu.memory_space<hbm>> -> memref<128x128xf32, #tpu.memory_space<hbm>>
    %dma_start3A_31 = arith.constant 0 : i32
    %dma_start3A_32 = tpu.memref_slice %arg3[%add3A_29, %dma_start3A_31] : memref<100000x128xf32, #tpu.memory_space<hbm>> -> memref<128x128xf32, #tpu.memory_space<hbm>>
    tpu.enqueue_dma source(%dma_start3A_32 : memref<128x128xf32, #tpu.memory_space<hbm>>) target(%arg8 : memref<128x128xf32, #tpu.memory_space<vmem>>) target_semaphore(%arg13 : memref<!tpu.dma_semaphore, #tpu.memory_space<semaphore_mem>>)
    %add3A_33 = arith.constant 128 : i32
    %add3A_34 = arith.addi %add3A_4, %add3A_33 : i32
    %dma_start3A_35 = arith.constant 0 : i32
    %dma_start3A_36 = tpu.memref_slice %arg3[%add3A_34, %dma_start3A_35] : memref<100000x128xf32, #tpu.memory_space<hbm>> -> memref<128x128xf32, #tpu.memory_space<hbm>>
    %dma_start3A_37 = arith.constant 0 : i32
    %dma_start3A_38 = tpu.memref_slice %arg3[%add3A_34, %dma_start3A_37] : memref<100000x128xf32, #tpu.memory_space<hbm>> -> memref<128x128xf32, #tpu.memory_space<hbm>>
    tpu.enqueue_dma source(%dma_start3A_38 : memref<128x128xf32, #tpu.memory_space<hbm>>) target(%arg9 : memref<128x128xf32, #tpu.memory_space<vmem>>) target_semaphore(%arg14 : memref<!tpu.dma_semaphore, #tpu.memory_space<semaphore_mem>>)
    %scan3A = arith.constant 0 : i32
    %scan3A_39 = arith.constant 0 : i32
    %scan3A_40 = arith.constant 3 : i32
    %scan3A_41 = arith.addi %scan3A_39, %scan3A_40 : i32
    %scan3A_42 = arith.constant 1 : i32
    %scan3A_43 = scf.for %scan3A_146 = %scan3A_39 to %scan3A_41 step %scan3A_42 iter_args(%scan3A_147 = %scan3A) -> (i32)  : i32 {
      %mul3A_148 = arith.constant 2 : i32
      %mul3A_149 = arith.muli %scan3A_146, %mul3A_148 : i32
      %add3A_150 = arith.constant 0 : i32
      %add3A_151 = arith.addi %mul3A_149, %add3A_150 : i32
      %mul3A_152 = arith.constant 128 : i32
      %mul3A_153 = arith.muli %add3A_151, %mul3A_152 : i32
      %add3A_154 = arith.addi %add3A_4, %mul3A_153 : i32
      %multiple_of3A = tpu.assume_multiple %add3A_154, 8 : i32
      %dma_wait3A_155 = arith.constant 0 : i32
      %dma_wait3A_156 = tpu.memref_slice %arg3[%multiple_of3A, %dma_wait3A_155] : memref<100000x128xf32, #tpu.memory_space<hbm>> -> memref<128x128xf32, #tpu.memory_space<hbm>>
      %dma_wait3A_157 = arith.constant 0 : i32
      %dma_wait3A_158 = tpu.memref_slice %arg3[%multiple_of3A, %dma_wait3A_157] : memref<100000x128xf32, #tpu.memory_space<hbm>> -> memref<128x128xf32, #tpu.memory_space<hbm>>
      tpu.wait_dma2 semaphore(%arg13 : memref<!tpu.dma_semaphore, #tpu.memory_space<semaphore_mem>>) src(%dma_wait3A_158 : memref<128x128xf32, #tpu.memory_space<hbm>>) dst(%arg8 : memref<128x128xf32, #tpu.memory_space<vmem>>)
      %scan3A_159 = arith.constant 0 : i32
      %scan3A_160 = arith.constant 0 : i32
      %scan3A_161 = arith.constant 8 : i32
      %scan3A_162 = arith.addi %scan3A_160, %scan3A_161 : i32
      %scan3A_163 = arith.constant 1 : i32
      %scan3A_164 = scf.for %scan3A_197 = %scan3A_160 to %scan3A_162 step %scan3A_163 iter_args(%scan3A_198 = %scan3A_159) -> (i32)  : i32 {
        %mul3A_199 = arith.constant 16 : i32
        %mul3A_200 = arith.muli %scan3A_197, %mul3A_199 : i32
        %broadcast_in_dim3A_201 = arith.constant 0.000000e+00 : f32
        %broadcast_in_dim3A_202 = vector.broadcast %broadcast_in_dim3A_201 : f32 to vector<16xf32>
        %add3A_203 = arith.constant 0 : i32
        %add3A_204 = arith.addi %mul3A_200, %add3A_203 : i32
        %get3A_205 = arith.index_cast %add3A_204 : i32 to index
        %get3A_206 = arith.constant 0 : index
        %get3A_207 = tpu.vector_load %arg8[%get3A_205, %get3A_206] {strides = array<i32>} : memref<128x128xf32, #tpu.memory_space<vmem>>, vector<1x16xf32>,
        %get3A_208 = vector.shape_cast %get3A_207 : vector<1x16xf32> to vector<16xf32>
        %mul3A_209 = arith.mulf %get3A_208, %get3A_6 : vector<16xf32>
        %get3A_210 = arith.index_cast %add3A_204 : i32 to index
        %get3A_211 = arith.constant 16 : index
        %get3A_212 = tpu.vector_load %arg8[%get3A_210, %get3A_211] {strides = array<i32>} : memref<128x128xf32, #tpu.memory_space<vmem>>, vector<1x16xf32>,
        %get3A_213 = vector.shape_cast %get3A_212 : vector<1x16xf32> to vector<16xf32>
        %mul3A_214 = arith.mulf %get3A_213, %get3A_9 : vector<16xf32>
        %add3A_215 = arith.addf %mul3A_209, %mul3A_214 : vector<16xf32>
        %get3A_216 = arith.index_cast %add3A_204 : i32 to index
        %get3A_217 = arith.constant 32 : index
        %get3A_218 = tpu.vector_load %arg8[%get3A_216, %get3A_217] {strides = array<i32>} : memref<128x128xf32, #tpu.memory_space<vmem>>, vector<1x16xf32>,
        %get3A_219 = vector.shape_cast %get3A_218 : vector<1x16xf32> to vector<16xf32>
        %mul3A_220 = arith.mulf %get3A_219, %get3A_12 : vector<16xf32>
        %add3A_221 = arith.addf %add3A_215, %mul3A_220 : vector<16xf32>
        %get3A_222 = arith.index_cast %add3A_204 : i32 to index
        %get3A_223 = arith.constant 48 : index
        %get3A_224 = tpu.vector_load %arg8[%get3A_222, %get3A_223] {strides = array<i32>} : memref<128x128xf32, #tpu.memory_space<vmem>>, vector<1x16xf32>,
        %get3A_225 = vector.shape_cast %get3A_224 : vector<1x16xf32> to vector<16xf32>
        %mul3A_226 = arith.mulf %get3A_225, %get3A_15 : vector<16xf32>
        %add3A_227 = arith.addf %add3A_221, %mul3A_226 : vector<16xf32>
        %get3A_228 = arith.index_cast %add3A_204 : i32 to index
        %get3A_229 = arith.constant 64 : index
        %get3A_230 = tpu.vector_load %arg8[%get3A_228, %get3A_229] {strides = array<i32>} : memref<128x128xf32, #tpu.memory_space<vmem>>, vector<1x16xf32>,
        %get3A_231 = vector.shape_cast %get3A_230 : vector<1x16xf32> to vector<16xf32>
        %mul3A_232 = arith.mulf %get3A_231, %get3A_18 : vector<16xf32>
        %add3A_233 = arith.addf %add3A_227, %mul3A_232 : vector<16xf32>
        %get3A_234 = arith.index_cast %add3A_204 : i32 to index
        %get3A_235 = arith.constant 80 : index
        %get3A_236 = tpu.vector_load %arg8[%get3A_234, %get3A_235] {strides = array<i32>} : memref<128x128xf32, #tpu.memory_space<vmem>>, vector<1x16xf32>,
        %get3A_237 = vector.shape_cast %get3A_236 : vector<1x16xf32> to vector<16xf32>
        %mul3A_238 = arith.mulf %get3A_237, %get3A_21 : vector<16xf32>
        %add3A_239 = arith.addf %add3A_233, %mul3A_238 : vector<16xf32>
        %get3A_240 = arith.index_cast %add3A_204 : i32 to index
        %get3A_241 = arith.constant 96 : index
        %get3A_242 = tpu.vector_load %arg8[%get3A_240, %get3A_241] {strides = array<i32>} : memref<128x128xf32, #tpu.memory_space<vmem>>, vector<1x16xf32>,
        %get3A_243 = vector.shape_cast %get3A_242 : vector<1x16xf32> to vector<16xf32>
        %mul3A_244 = arith.mulf %get3A_243, %get3A_24 : vector<16xf32>
        %add3A_245 = arith.addf %add3A_239, %mul3A_244 : vector<16xf32>
        %get3A_246 = arith.index_cast %add3A_204 : i32 to index
        %get3A_247 = arith.constant 112 : index
        %get3A_248 = tpu.vector_load %arg8[%get3A_246, %get3A_247] {strides = array<i32>} : memref<128x128xf32, #tpu.memory_space<vmem>>, vector<1x16xf32>,
        %get3A_249 = vector.shape_cast %get3A_248 : vector<1x16xf32> to vector<16xf32>
        %mul3A_250 = arith.mulf %get3A_249, %get3A_27 : vector<16xf32>
        %add3A_251 = arith.addf %add3A_245, %mul3A_250 : vector<16xf32>
        %eq3A_252 = arith.constant 0 : i32
        %eq3A_253 = vector.broadcast %eq3A_252 : i32 to vector<16xi32>
        %eq3A_254 = arith.cmpi eq, %iota3A, %eq3A_253 : vector<16xi32>
        %iota3A_255 = tpu.iota {dimensions = array<i32: 0>} : vector<16xi32>
        %xor3A_256 = arith.constant 1 : i32
        %xor3A_257 = vector.broadcast %xor3A_256 : i32 to vector<16xi32>
        %xor3A_258 = arith.xori %iota3A_255, %xor3A_257 : vector<16xi32>
        %broadcast_in_dim3A_259 = vector.shape_cast %xor3A_258 : vector<16xi32> to vector<16x1xi32>
        %gather3A_260 = vector.shape_cast %broadcast_in_dim3A_259 : vector<16x1xi32> to vector<16xi32>
        %gather3A_261 = tpu.dynamic_gather %add3A_251[%gather3A_260] in [0] : vector<16xf32>, vector<16xi32> -> vector<16xf32>
        %add3A_262 = arith.addf %add3A_251, %gather3A_261 : vector<16xf32>
        %iota3A_263 = tpu.iota {dimensions = array<i32: 0>} : vector<16xi32>
        %xor3A_264 = arith.constant 2 : i32
        %xor3A_265 = vector.broadcast %xor3A_264 : i32 to vector<16xi32>
        %xor3A_266 = arith.xori %iota3A_263, %xor3A_265 : vector<16xi32>
        %broadcast_in_dim3A_267 = vector.shape_cast %xor3A_266 : vector<16xi32> to vector<16x1xi32>
        %gather3A_268 = vector.shape_cast %broadcast_in_dim3A_267 : vector<16x1xi32> to vector<16xi32>
        %gather3A_269 = tpu.dynamic_gather %add3A_262[%gather3A_268] in [0] : vector<16xf32>, vector<16xi32> -> vector<16xf32>
        %add3A_270 = arith.addf %add3A_262, %gather3A_269 : vector<16xf32>
        %iota3A_271 = tpu.iota {dimensions = array<i32: 0>} : vector<16xi32>
        %xor3A_272 = arith.constant 4 : i32
        %xor3A_273 = vector.broadcast %xor3A_272 : i32 to vector<16xi32>
        %xor3A_274 = arith.xori %iota3A_271, %xor3A_273 : vector<16xi32>
        %broadcast_in_dim3A_275 = vector.shape_cast %xor3A_274 : vector<16xi32> to vector<16x1xi32>
        %gather3A_276 = vector.shape_cast %broadcast_in_dim3A_275 : vector<16x1xi32> to vector<16xi32>
        %gather3A_277 = tpu.dynamic_gather %add3A_270[%gather3A_276] in [0] : vector<16xf32>, vector<16xi32> -> vector<16xf32>
        %add3A_278 = arith.addf %add3A_270, %gather3A_277 : vector<16xf32>
        %iota3A_279 = tpu.iota {dimensions = array<i32: 0>} : vector<16xi32>
        %xor3A_280 = arith.constant 8 : i32
        %xor3A_281 = vector.broadcast %xor3A_280 : i32 to vector<16xi32>
        %xor3A_282 = arith.xori %iota3A_279, %xor3A_281 : vector<16xi32>
        %broadcast_in_dim3A_283 = vector.shape_cast %xor3A_282 : vector<16xi32> to vector<16x1xi32>
        %gather3A_284 = vector.shape_cast %broadcast_in_dim3A_283 : vector<16x1xi32> to vector<16xi32>
        %gather3A_285 = tpu.dynamic_gather %add3A_278[%gather3A_284] in [0] : vector<16xf32>, vector<16xi32> -> vector<16xf32>
        %add3A_286 = arith.addf %add3A_278, %gather3A_285 : vector<16xf32>
        %select_n3A_287 = arith.select %eq3A_254, %add3A_286, %broadcast_in_dim3A_202 : vector<16xi1>, vector<16xf32>
        %add3A_288 = arith.constant 1 : i32
        %add3A_289 = arith.addi %mul3A_200, %add3A_288 : i32
        %get3A_290 = arith.index_cast %add3A_289 : i32 to index
        %get3A_291 = arith.constant 0 : index
        %get3A_292 = tpu.vector_load %arg8[%get3A_290, %get3A_291] {strides = array<i32>} : memref<128x128xf32, #tpu.memory_space<vmem>>, vector<1x16xf32>,
        %get3A_293 = vector.shape_cast %get3A_292 : vector<1x16xf32> to vector<16xf32>
        %mul3A_294 = arith.mulf %get3A_293, %get3A_6 : vector<16xf32>
        %get3A_295 = arith.index_cast %add3A_289 : i32 to index
        %get3A_296 = arith.constant 16 : index
        %get3A_297 = tpu.vector_load %arg8[%get3A_295, %get3A_296] {strides = array<i32>} : memref<128x128xf32, #tpu.memory_space<vmem>>, vector<1x16xf32>,
        %get3A_298 = vector.shape_cast %get3A_297 : vector<1x16xf32> to vector<16xf32>
        %mul3A_299 = arith.mulf %get3A_298, %get3A_9 : vector<16xf32>
        %add3A_300 = arith.addf %mul3A_294, %mul3A_299 : vector<16xf32>
        %get3A_301 = arith.index_cast %add3A_289 : i32 to index
        %get3A_302 = arith.constant 32 : index
        %get3A_303 = tpu.vector_load %arg8[%get3A_301, %get3A_302] {strides = array<i32>} : memref<128x128xf32, #tpu.memory_space<vmem>>, vector<1x16xf32>,
        %get3A_304 = vector.shape_cast %get3A_303 : vector<1x16xf32> to vector<16xf32>
        %mul3A_305 = arith.mulf %get3A_304, %get3A_12 : vector<16xf32>
        %add3A_306 = arith.addf %add3A_300, %mul3A_305 : vector<16xf32>
        %get3A_307 = arith.index_cast %add3A_289 : i32 to index
        %get3A_308 = arith.constant 48 : index
        %get3A_309 = tpu.vector_load %arg8[%get3A_307, %get3A_308] {strides = array<i32>} : memref<128x128xf32, #tpu.memory_space<vmem>>, vector<1x16xf32>,
        %get3A_310 = vector.shape_cast %get3A_309 : vector<1x16xf32> to vector<16xf32>
        %mul3A_311 = arith.mulf %get3A_310, %get3A_15 : vector<16xf32>
        %add3A_312 = arith.addf %add3A_306, %mul3A_311 : vector<16xf32>
        %get3A_313 = arith.index_cast %add3A_289 : i32 to index
        %get3A_314 = arith.constant 64 : index
        %get3A_315 = tpu.vector_load %arg8[%get3A_313, %get3A_314] {strides = array<i32>} : memref<128x128xf32, #tpu.memory_space<vmem>>, vector<1x16xf32>,
        %get3A_316 = vector.shape_cast %get3A_315 : vector<1x16xf32> to vector<16xf32>
        %mul3A_317 = arith.mulf %get3A_316, %get3A_18 : vector<16xf32>
        %add3A_318 = arith.addf %add3A_312, %mul3A_317 : vector<16xf32>
        %get3A_319 = arith.index_cast %add3A_289 : i32 to index
        %get3A_320 = arith.constant 80 : index
        %get3A_321 = tpu.vector_load %arg8[%get3A_319, %get3A_320] {strides = array<i32>} : memref<128x128xf32, #tpu.memory_space<vmem>>, vector<1x16xf32>,
        %get3A_322 = vector.shape_cast %get3A_321 : vector<1x16xf32> to vector<16xf32>
        %mul3A_323 = arith.mulf %get3A_322, %get3A_21 : vector<16xf32>
        %add3A_324 = arith.addf %add3A_318, %mul3A_323 : vector<16xf32>
        %get3A_325 = arith.index_cast %add3A_289 : i32 to index
        %get3A_326 = arith.constant 96 : index
        %get3A_327 = tpu.vector_load %arg8[%get3A_325, %get3A_326] {strides = array<i32>} : memref<128x128xf32, #tpu.memory_space<vmem>>, vector<1x16xf32>,
        %get3A_328 = vector.shape_cast %get3A_327 : vector<1x16xf32> to vector<16xf32>
        %mul3A_329 = arith.mulf %get3A_328, %get3A_24 : vector<16xf32>
        %add3A_330 = arith.addf %add3A_324, %mul3A_329 : vector<16xf32>
        %get3A_331 = arith.index_cast %add3A_289 : i32 to index
        %get3A_332 = arith.constant 112 : index
        %get3A_333 = tpu.vector_load %arg8[%get3A_331, %get3A_332] {strides = array<i32>} : memref<128x128xf32, #tpu.memory_space<vmem>>, vector<1x16xf32>,
        %get3A_334 = vector.shape_cast %get3A_333 : vector<1x16xf32> to vector<16xf32>
        %mul3A_335 = arith.mulf %get3A_334, %get3A_27 : vector<16xf32>
        %add3A_336 = arith.addf %add3A_330, %mul3A_335 : vector<16xf32>
        %eq3A_337 = arith.constant 1 : i32
        %eq3A_338 = vector.broadcast %eq3A_337 : i32 to vector<16xi32>
        %eq3A_339 = arith.cmpi eq, %iota3A, %eq3A_338 : vector<16xi32>
        %iota3A_340 = tpu.iota {dimensions = array<i32: 0>} : vector<16xi32>
        %xor3A_341 = arith.constant 1 : i32
        %xor3A_342 = vector.broadcast %xor3A_341 : i32 to vector<16xi32>
        %xor3A_343 = arith.xori %iota3A_340, %xor3A_342 : vector<16xi32>
        %broadcast_in_dim3A_344 = vector.shape_cast %xor3A_343 : vector<16xi32> to vector<16x1xi32>
        %gather3A_345 = vector.shape_cast %broadcast_in_dim3A_344 : vector<16x1xi32> to vector<16xi32>
        %gather3A_346 = tpu.dynamic_gather %add3A_336[%gather3A_345] in [0] : vector<16xf32>, vector<16xi32> -> vector<16xf32>
        %add3A_347 = arith.addf %add3A_336, %gather3A_346 : vector<16xf32>
        %iota3A_348 = tpu.iota {dimensions = array<i32: 0>} : vector<16xi32>
        %xor3A_349 = arith.constant 2 : i32
        %xor3A_350 = vector.broadcast %xor3A_349 : i32 to vector<16xi32>
        %xor3A_351 = arith.xori %iota3A_348, %xor3A_350 : vector<16xi32>
        %broadcast_in_dim3A_352 = vector.shape_cast %xor3A_351 : vector<16xi32> to vector<16x1xi32>
        %gather3A_353 = vector.shape_cast %broadcast_in_dim3A_352 : vector<16x1xi32> to vector<16xi32>
        %gather3A_354 = tpu.dynamic_gather %add3A_347[%gather3A_353] in [0] : vector<16xf32>, vector<16xi32> -> vector<16xf32>
        %add3A_355 = arith.addf %add3A_347, %gather3A_354 : vector<16xf32>
        %iota3A_356 = tpu.iota {dimensions = array<i32: 0>} : vector<16xi32>
        %xor3A_357 = arith.constant 4 : i32
        %xor3A_358 = vector.broadcast %xor3A_357 : i32 to vector<16xi32>
        %xor3A_359 = arith.xori %iota3A_356, %xor3A_358 : vector<16xi32>
        %broadcast_in_dim3A_360 = vector.shape_cast %xor3A_359 : vector<16xi32> to vector<16x1xi32>
        %gather3A_361 = vector.shape_cast %broadcast_in_dim3A_360 : vector<16x1xi32> to vector<16xi32>
        %gather3A_362 = tpu.dynamic_gather %add3A_355[%gather3A_361] in [0] : vector<16xf32>, vector<16xi32> -> vector<16xf32>
        %add3A_363 = arith.addf %add3A_355, %gather3A_362 : vector<16xf32>
        %iota3A_364 = tpu.iota {dimensions = array<i32: 0>} : vector<16xi32>
        %xor3A_365 = arith.constant 8 : i32
        %xor3A_366 = vector.broadcast %xor3A_365 : i32 to vector<16xi32>
        %xor3A_367 = arith.xori %iota3A_364, %xor3A_366 : vector<16xi32>
        %broadcast_in_dim3A_368 = vector.shape_cast %xor3A_367 : vector<16xi32> to vector<16x1xi32>
        %gather3A_369 = vector.shape_cast %broadcast_in_dim3A_368 : vector<16x1xi32> to vector<16xi32>
        %gather3A_370 = tpu.dynamic_gather %add3A_363[%gather3A_369] in [0] : vector<16xf32>, vector<16xi32> -> vector<16xf32>
        %add3A_371 = arith.addf %add3A_363, %gather3A_370 : vector<16xf32>
        %select_n3A_372 = arith.select %eq3A_339, %add3A_371, %select_n3A_287 : vector<16xi1>, vector<16xf32>
        %add3A_373 = arith.constant 2 : i32
        %add3A_374 = arith.addi %mul3A_200, %add3A_373 : i32
        %get3A_375 = arith.index_cast %add3A_374 : i32 to index
        %get3A_376 = arith.constant 0 : index
        %get3A_377 = tpu.vector_load %arg8[%get3A_375, %get3A_376] {strides = array<i32>} : memref<128x128xf32, #tpu.memory_space<vmem>>, vector<1x16xf32>,
        %get3A_378 = vector.shape_cast %get3A_377 : vector<1x16xf32> to vector<16xf32>
        %mul3A_379 = arith.mulf %get3A_378, %get3A_6 : vector<16xf32>
        %get3A_380 = arith.index_cast %add3A_374 : i32 to index
        %get3A_381 = arith.constant 16 : index
        %get3A_382 = tpu.vector_load %arg8[%get3A_380, %get3A_381] {strides = array<i32>} : memref<128x128xf32, #tpu.memory_space<vmem>>, vector<1x16xf32>,
        %get3A_383 = vector.shape_cast %get3A_382 : vector<1x16xf32> to vector<16xf32>
        %mul3A_384 = arith.mulf %get3A_383, %get3A_9 : vector<16xf32>
        %add3A_385 = arith.addf %mul3A_379, %mul3A_384 : vector<16xf32>
        %get3A_386 = arith.index_cast %add3A_374 : i32 to index
        %get3A_387 = arith.constant 32 : index
        %get3A_388 = tpu.vector_load %arg8[%get3A_386, %get3A_387] {strides = array<i32>} : memref<128x128xf32, #tpu.memory_space<vmem>>, vector<1x16xf32>,
        %get3A_389 = vector.shape_cast %get3A_388 : vector<1x16xf32> to vector<16xf32>
        %mul3A_390 = arith.mulf %get3A_389, %get3A_12 : vector<16xf32>
        %add3A_391 = arith.addf %add3A_385, %mul3A_390 : vector<16xf32>
        %get3A_392 = arith.index_cast %add3A_374 : i32 to index
        %get3A_393 = arith.constant 48 : index
        %get3A_394 = tpu.vector_load %arg8[%get3A_392, %get3A_393] {strides = array<i32>} : memref<128x128xf32, #tpu.memory_space<vmem>>, vector<1x16xf32>,
        %get3A_395 = vector.shape_cast %get3A_394 : vector<1x16xf32> to vector<16xf32>
        %mul3A_396 = arith.mulf %get3A_395, %get3A_15 : vector<16xf32>
        %add3A_397 = arith.addf %add3A_391, %mul3A_396 : vector<16xf32>
        %get3A_398 = arith.index_cast %add3A_374 : i32 to index
        %get3A_399 = arith.constant 64 : index
        %get3A_400 = tpu.vector_load %arg8[%get3A_398, %get3A_399] {strides = array<i32>} : memref<128x128xf32, #tpu.memory_space<vmem>>, vector<1x16xf32>,
        %get3A_401 = vector.shape_cast %get3A_400 : vector<1x16xf32> to vector<16xf32>
        %mul3A_402 = arith.mulf %get3A_401, %get3A_18 : vector<16xf32>
        %add3A_403 = arith.addf %add3A_397, %mul3A_402 : vector<16xf32>
        %get3A_404 = arith.index_cast %add3A_374 : i32 to index
        %get3A_405 = arith.constant 80 : index
        %get3A_406 = tpu.vector_load %arg8[%get3A_404, %get3A_405] {strides = array<i32>} : memref<128x128xf32, #tpu.memory_space<vmem>>, vector<1x16xf32>,
        %get3A_407 = vector.shape_cast %get3A_406 : vector<1x16xf32> to vector<16xf32>
        %mul3A_408 = arith.mulf %get3A_407, %get3A_21 : vector<16xf32>
        %add3A_409 = arith.addf %add3A_403, %mul3A_408 : vector<16xf32>
        %get3A_410 = arith.index_cast %add3A_374 : i32 to index
        %get3A_411 = arith.constant 96 : index
        %get3A_412 = tpu.vector_load %arg8[%get3A_410, %get3A_411] {strides = array<i32>} : memref<128x128xf32, #tpu.memory_space<vmem>>, vector<1x16xf32>,
        %get3A_413 = vector.shape_cast %get3A_412 : vector<1x16xf32> to vector<16xf32>
        %mul3A_414 = arith.mulf %get3A_413, %get3A_24 : vector<16xf32>
        %add3A_415 = arith.addf %add3A_409, %mul3A_414 : vector<16xf32>
        %get3A_416 = arith.index_cast %add3A_374 : i32 to index
        %get3A_417 = arith.constant 112 : index
        %get3A_418 = tpu.vector_load %arg8[%get3A_416, %get3A_417] {strides = array<i32>} : memref<128x128xf32, #tpu.memory_space<vmem>>, vector<1x16xf32>,
        %get3A_419 = vector.shape_cast %get3A_418 : vector<1x16xf32> to vector<16xf32>
        %mul3A_420 = arith.mulf %get3A_419, %get3A_27 : vector<16xf32>
        %add3A_421 = arith.addf %add3A_415, %mul3A_420 : vector<16xf32>
        %eq3A_422 = arith.constant 2 : i32
        %eq3A_423 = vector.broadcast %eq3A_422 : i32 to vector<16xi32>
        %eq3A_424 = arith.cmpi eq, %iota3A, %eq3A_423 : vector<16xi32>
        %iota3A_425 = tpu.iota {dimensions = array<i32: 0>} : vector<16xi32>
        %xor3A_426 = arith.constant 1 : i32
        %xor3A_427 = vector.broadcast %xor3A_426 : i32 to vector<16xi32>
        %xor3A_428 = arith.xori %iota3A_425, %xor3A_427 : vector<16xi32>
        %broadcast_in_dim3A_429 = vector.shape_cast %xor3A_428 : vector<16xi32> to vector<16x1xi32>
        %gather3A_430 = vector.shape_cast %broadcast_in_dim3A_429 : vector<16x1xi32> to vector<16xi32>
        %gather3A_431 = tpu.dynamic_gather %add3A_421[%gather3A_430] in [0] : vector<16xf32>, vector<16xi32> -> vector<16xf32>
        %add3A_432 = arith.addf %add3A_421, %gather3A_431 : vector<16xf32>
        %iota3A_433 = tpu.iota {dimensions = array<i32: 0>} : vector<16xi32>
        %xor3A_434 = arith.constant 2 : i32
        %xor3A_435 = vector.broadcast %xor3A_434 : i32 to vector<16xi32>
        %xor3A_436 = arith.xori %iota3A_433, %xor3A_435 : vector<16xi32>
        %broadcast_in_dim3A_437 = vector.shape_cast %xor3A_436 : vector<16xi32> to vector<16x1xi32>
        %gather3A_438 = vector.shape_cast %broadcast_in_dim3A_437 : vector<16x1xi32> to vector<16xi32>
        %gather3A_439 = tpu.dynamic_gather %add3A_432[%gather3A_438] in [0] : vector<16xf32>, vector<16xi32> -> vector<16xf32>
        %add3A_440 = arith.addf %add3A_432, %gather3A_439 : vector<16xf32>
        %iota3A_441 = tpu.iota {dimensions = array<i32: 0>} : vector<16xi32>
        %xor3A_442 = arith.constant 4 : i32
        %xor3A_443 = vector.broadcast %xor3A_442 : i32 to vector<16xi32>
        %xor3A_444 = arith.xori %iota3A_441, %xor3A_443 : vector<16xi32>
        %broadcast_in_dim3A_445 = vector.shape_cast %xor3A_444 : vector<16xi32> to vector<16x1xi32>
        %gather3A_446 = vector.shape_cast %broadcast_in_dim3A_445 : vector<16x1xi32> to vector<16xi32>
        %gather3A_447 = tpu.dynamic_gather %add3A_440[%gather3A_446] in [0] : vector<16xf32>, vector<16xi32> -> vector<16xf32>
        %add3A_448 = arith.addf %add3A_440, %gather3A_447 : vector<16xf32>
        %iota3A_449 = tpu.iota {dimensions = array<i32: 0>} : vector<16xi32>
        %xor3A_450 = arith.constant 8 : i32
        %xor3A_451 = vector.broadcast %xor3A_450 : i32 to vector<16xi32>
        %xor3A_452 = arith.xori %iota3A_449, %xor3A_451 : vector<16xi32>
        %broadcast_in_dim3A_453 = vector.shape_cast %xor3A_452 : vector<16xi32> to vector<16x1xi32>
        %gather3A_454 = vector.shape_cast %broadcast_in_dim3A_453 : vector<16x1xi32> to vector<16xi32>
        %gather3A_455 = tpu.dynamic_gather %add3A_448[%gather3A_454] in [0] : vector<16xf32>, vector<16xi32> -> vector<16xf32>
        %add3A_456 = arith.addf %add3A_448, %gather3A_455 : vector<16xf32>
        %select_n3A_457 = arith.select %eq3A_424, %add3A_456, %select_n3A_372 : vector<16xi1>, vector<16xf32>
        %add3A_458 = arith.constant 3 : i32
        %add3A_459 = arith.addi %mul3A_200, %add3A_458 : i32
        %get3A_460 = arith.index_cast %add3A_459 : i32 to index
        %get3A_461 = arith.constant 0 : index
        %get3A_462 = tpu.vector_load %arg8[%get3A_460, %get3A_461] {strides = array<i32>} : memref<128x128xf32, #tpu.memory_space<vmem>>, vector<1x16xf32>,
        %get3A_463 = vector.shape_cast %get3A_462 : vector<1x16xf32> to vector<16xf32>
        %mul3A_464 = arith.mulf %get3A_463, %get3A_6 : vector<16xf32>
        %get3A_465 = arith.index_cast %add3A_459 : i32 to index
        %get3A_466 = arith.constant 16 : index
        %get3A_467 = tpu.vector_load %arg8[%get3A_465, %get3A_466] {strides = array<i32>} : memref<128x128xf32, #tpu.memory_space<vmem>>, vector<1x16xf32>,
        %get3A_468 = vector.shape_cast %get3A_467 : vector<1x16xf32> to vector<16xf32>
        %mul3A_469 = arith.mulf %get3A_468, %get3A_9 : vector<16xf32>
        %add3A_470 = arith.addf %mul3A_464, %mul3A_469 : vector<16xf32>
        %get3A_471 = arith.index_cast %add3A_459 : i32 to index
        %get3A_472 = arith.constant 32 : index
        %get3A_473 = tpu.vector_load %arg8[%get3A_471, %get3A_472] {strides = array<i32>} : memref<128x128xf32, #tpu.memory_space<vmem>>, vector<1x16xf32>,
        %get3A_474 = vector.shape_cast %get3A_473 : vector<1x16xf32> to vector<16xf32>
        %mul3A_475 = arith.mulf %get3A_474, %get3A_12 : vector<16xf32>
        %add3A_476 = arith.addf %add3A_470, %mul3A_475 : vector<16xf32>
        %get3A_477 = arith.index_cast %add3A_459 : i32 to index
        %get3A_478 = arith.constant 48 : index
        %get3A_479 = tpu.vector_load %arg8[%get3A_477, %get3A_478] {strides = array<i32>} : memref<128x128xf32, #tpu.memory_space<vmem>>, vector<1x16xf32>,
        %get3A_480 = vector.shape_cast %get3A_479 : vector<1x16xf32> to vector<16xf32>
        %mul3A_481 = arith.mulf %get3A_480, %get3A_15 : vector<16xf32>
        %add3A_482 = arith.addf %add3A_476, %mul3A_481 : vector<16xf32>
        %get3A_483 = arith.index_cast %add3A_459 : i32 to index
        %get3A_484 = arith.constant 64 : index
        %get3A_485 = tpu.vector_load %arg8[%get3A_483, %get3A_484] {strides = array<i32>} : memref<128x128xf32, #tpu.memory_space<vmem>>, vector<1x16xf32>,
        %get3A_486 = vector.shape_cast %get3A_485 : vector<1x16xf32> to vector<16xf32>
        %mul3A_487 = arith.mulf %get3A_486, %get3A_18 : vector<16xf32>
        %add3A_488 = arith.addf %add3A_482, %mul3A_487 : vector<16xf32>
        %get3A_489 = arith.index_cast %add3A_459 : i32 to index
        %get3A_490 = arith.constant 80 : index
        %get3A_491 = tpu.vector_load %arg8[%get3A_489, %get3A_490] {strides = array<i32>} : memref<128x128xf32, #tpu.memory_space<vmem>>, vector<1x16xf32>,
        %get3A_492 = vector.shape_cast %get3A_491 : vector<1x16xf32> to vector<16xf32>
        %mul3A_493 = arith.mulf %get3A_492, %get3A_21 : vector<16xf32>
        %add3A_494 = arith.addf %add3A_488, %mul3A_493 : vector<16xf32>
        %get3A_495 = arith.index_cast %add3A_459 : i32 to index
        %get3A_496 = arith.constant 96 : index
        %get3A_497 = tpu.vector_load %arg8[%get3A_495, %get3A_496] {strides = array<i32>} : memref<128x128xf32, #tpu.memory_space<vmem>>, vector<1x16xf32>,
        %get3A_498 = vector.shape_cast %get3A_497 : vector<1x16xf32> to vector<16xf32>
        %mul3A_499 = arith.mulf %get3A_498, %get3A_24 : vector<16xf32>
        %add3A_500 = arith.addf %add3A_494, %mul3A_499 : vector<16xf32>
        %get3A_501 = arith.index_cast %add3A_459 : i32 to index
        %get3A_502 = arith.constant 112 : index
        %get3A_503 = tpu.vector_load %arg8[%get3A_501, %get3A_502] {strides = array<i32>} : memref<128x128xf32, #tpu.memory_space<vmem>>, vector<1x16xf32>,
        %get3A_504 = vector.shape_cast %get3A_503 : vector<1x16xf32> to vector<16xf32>
        %mul3A_505 = arith.mulf %get3A_504, %get3A_27 : vector<16xf32>
        %add3A_506 = arith.addf %add3A_500, %mul3A_505 : vector<16xf32>
        %eq3A_507 = arith.constant 3 : i32
        %eq3A_508 = vector.broadcast %eq3A_507 : i32 to vector<16xi32>
        %eq3A_509 = arith.cmpi eq, %iota3A, %eq3A_508 : vector<16xi32>
        %iota3A_510 = tpu.iota {dimensions = array<i32: 0>} : vector<16xi32>
        %xor3A_511 = arith.constant 1 : i32
        %xor3A_512 = vector.broadcast %xor3A_511 : i32 to vector<16xi32>
        %xor3A_513 = arith.xori %iota3A_510, %xor3A_512 : vector<16xi32>
        %broadcast_in_dim3A_514 = vector.shape_cast %xor3A_513 : vector<16xi32> to vector<16x1xi32>
        %gather3A_515 = vector.shape_cast %broadcast_in_dim3A_514 : vector<16x1xi32> to vector<16xi32>
        %gather3A_516 = tpu.dynamic_gather %add3A_506[%gather3A_515] in [0] : vector<16xf32>, vector<16xi32> -> vector<16xf32>
        %add3A_517 = arith.addf %add3A_506, %gather3A_516 : vector<16xf32>
        %iota3A_518 = tpu.iota {dimensions = array<i32: 0>} : vector<16xi32>
        %xor3A_519 = arith.constant 2 : i32
        %xor3A_520 = vector.broadcast %xor3A_519 : i32 to vector<16xi32>
        %xor3A_521 = arith.xori %iota3A_518, %xor3A_520 : vector<16xi32>
        %broadcast_in_dim3A_522 = vector.shape_cast %xor3A_521 : vector<16xi32> to vector<16x1xi32>
        %gather3A_523 = vector.shape_cast %broadcast_in_dim3A_522 : vector<16x1xi32> to vector<16xi32>
        %gather3A_524 = tpu.dynamic_gather %add3A_517[%gather3A_523] in [0] : vector<16xf32>, vector<16xi32> -> vector<16xf32>
        %add3A_525 = arith.addf %add3A_517, %gather3A_524 : vector<16xf32>
        %iota3A_526 = tpu.iota {dimensions = array<i32: 0>} : vector<16xi32>
        %xor3A_527 = arith.constant 4 : i32
        %xor3A_528 = vector.broadcast %xor3A_527 : i32 to vector<16xi32>
        %xor3A_529 = arith.xori %iota3A_526, %xor3A_528 : vector<16xi32>
        %broadcast_in_dim3A_530 = vector.shape_cast %xor3A_529 : vector<16xi32> to vector<16x1xi32>
        %gather3A_531 = vector.shape_cast %broadcast_in_dim3A_530 : vector<16x1xi32> to vector<16xi32>
        %gather3A_532 = tpu.dynamic_gather %add3A_525[%gather3A_531] in [0] : vector<16xf32>, vector<16xi32> -> vector<16xf32>
        %add3A_533 = arith.addf %add3A_525, %gather3A_532 : vector<16xf32>
        %iota3A_534 = tpu.iota {dimensions = array<i32: 0>} : vector<16xi32>
        %xor3A_535 = arith.constant 8 : i32
        %xor3A_536 = vector.broadcast %xor3A_535 : i32 to vector<16xi32>
        %xor3A_537 = arith.xori %iota3A_534, %xor3A_536 : vector<16xi32>
        %broadcast_in_dim3A_538 = vector.shape_cast %xor3A_537 : vector<16xi32> to vector<16x1xi32>
        %gather3A_539 = vector.shape_cast %broadcast_in_dim3A_538 : vector<16x1xi32> to vector<16xi32>
        %gather3A_540 = tpu.dynamic_gather %add3A_533[%gather3A_539] in [0] : vector<16xf32>, vector<16xi32> -> vector<16xf32>
        %add3A_541 = arith.addf %add3A_533, %gather3A_540 : vector<16xf32>
        %select_n3A_542 = arith.select %eq3A_509, %add3A_541, %select_n3A_457 : vector<16xi1>, vector<16xf32>
        %add3A_543 = arith.constant 4 : i32
        %add3A_544 = arith.addi %mul3A_200, %add3A_543 : i32
        %get3A_545 = arith.index_cast %add3A_544 : i32 to index
        %get3A_546 = arith.constant 0 : index
        %get3A_547 = tpu.vector_load %arg8[%get3A_545, %get3A_546] {strides = array<i32>} : memref<128x128xf32, #tpu.memory_space<vmem>>, vector<1x16xf32>,
        %get3A_548 = vector.shape_cast %get3A_547 : vector<1x16xf32> to vector<16xf32>
        %mul3A_549 = arith.mulf %get3A_548, %get3A_6 : vector<16xf32>
        %get3A_550 = arith.index_cast %add3A_544 : i32 to index
        %get3A_551 = arith.constant 16 : index
        %get3A_552 = tpu.vector_load %arg8[%get3A_550, %get3A_551] {strides = array<i32>} : memref<128x128xf32, #tpu.memory_space<vmem>>, vector<1x16xf32>,
        %get3A_553 = vector.shape_cast %get3A_552 : vector<1x16xf32> to vector<16xf32>
        %mul3A_554 = arith.mulf %get3A_553, %get3A_9 : vector<16xf32>
        %add3A_555 = arith.addf %mul3A_549, %mul3A_554 : vector<16xf32>
        %get3A_556 = arith.index_cast %add3A_544 : i32 to index
        %get3A_557 = arith.constant 32 : index
        %get3A_558 = tpu.vector_load %arg8[%get3A_556, %get3A_557] {strides = array<i32>} : memref<128x128xf32, #tpu.memory_space<vmem>>, vector<1x16xf32>,
        %get3A_559 = vector.shape_cast %get3A_558 : vector<1x16xf32> to vector<16xf32>
        %mul3A_560 = arith.mulf %get3A_559, %get3A_12 : vector<16xf32>
        %add3A_561 = arith.addf %add3A_555, %mul3A_560 : vector<16xf32>
        %get3A_562 = arith.index_cast %add3A_544 : i32 to index
        %get3A_563 = arith.constant 48 : index
        %get3A_564 = tpu.vector_load %arg8[%get3A_562, %get3A_563] {strides = array<i32>} : memref<128x128xf32, #tpu.memory_space<vmem>>, vector<1x16xf32>,
        %get3A_565 = vector.shape_cast %get3A_564 : vector<1x16xf32> to vector<16xf32>
        %mul3A_566 = arith.mulf %get3A_565, %get3A_15 : vector<16xf32>
        %add3A_567 = arith.addf %add3A_561, %mul3A_566 : vector<16xf32>
        %get3A_568 = arith.index_cast %add3A_544 : i32 to index
        %get3A_569 = arith.constant 64 : index
        %get3A_570 = tpu.vector_load %arg8[%get3A_568, %get3A_569] {strides = array<i32>} : memref<128x128xf32, #tpu.memory_space<vmem>>, vector<1x16xf32>,
        %get3A_571 = vector.shape_cast %get3A_570 : vector<1x16xf32> to vector<16xf32>
        %mul3A_572 = arith.mulf %get3A_571, %get3A_18 : vector<16xf32>
        %add3A_573 = arith.addf %add3A_567, %mul3A_572 : vector<16xf32>
        %get3A_574 = arith.index_cast %add3A_544 : i32 to index
        %get3A_575 = arith.constant 80 : index
        %get3A_576 = tpu.vector_load %arg8[%get3A_574, %get3A_575] {strides = array<i32>} : memref<128x128xf32, #tpu.memory_space<vmem>>, vector<1x16xf32>,
        %get3A_577 = vector.shape_cast %get3A_576 : vector<1x16xf32> to vector<16xf32>
        %mul3A_578 = arith.mulf %get3A_577, %get3A_21 : vector<16xf32>
        %add3A_579 = arith.addf %add3A_573, %mul3A_578 : vector<16xf32>
        %get3A_580 = arith.index_cast %add3A_544 : i32 to index
        %get3A_581 = arith.constant 96 : index
        %get3A_582 = tpu.vector_load %arg8[%get3A_580, %get3A_581] {strides = array<i32>} : memref<128x128xf32, #tpu.memory_space<vmem>>, vector<1x16xf32>,
        %get3A_583 = vector.shape_cast %get3A_582 : vector<1x16xf32> to vector<16xf32>
        %mul3A_584 = arith.mulf %get3A_583, %get3A_24 : vector<16xf32>
        %add3A_585 = arith.addf %add3A_579, %mul3A_584 : vector<16xf32>
        %get3A_586 = arith.index_cast %add3A_544 : i32 to index
        %get3A_587 = arith.constant 112 : index
        %get3A_588 = tpu.vector_load %arg8[%get3A_586, %get3A_587] {strides = array<i32>} : memref<128x128xf32, #tpu.memory_space<vmem>>, vector<1x16xf32>,
        %get3A_589 = vector.shape_cast %get3A_588 : vector<1x16xf32> to vector<16xf32>
        %mul3A_590 = arith.mulf %get3A_589, %get3A_27 : vector<16xf32>
        %add3A_591 = arith.addf %add3A_585, %mul3A_590 : vector<16xf32>
        %eq3A_592 = arith.constant 4 : i32
        %eq3A_593 = vector.broadcast %eq3A_592 : i32 to vector<16xi32>
        %eq3A_594 = arith.cmpi eq, %iota3A, %eq3A_593 : vector<16xi32>
        %iota3A_595 = tpu.iota {dimensions = array<i32: 0>} : vector<16xi32>
        %xor3A_596 = arith.constant 1 : i32
        %xor3A_597 = vector.broadcast %xor3A_596 : i32 to vector<16xi32>
        %xor3A_598 = arith.xori %iota3A_595, %xor3A_597 : vector<16xi32>
        %broadcast_in_dim3A_599 = vector.shape_cast %xor3A_598 : vector<16xi32> to vector<16x1xi32>
        %gather3A_600 = vector.shape_cast %broadcast_in_dim3A_599 : vector<16x1xi32> to vector<16xi32>
        %gather3A_601 = tpu.dynamic_gather %add3A_591[%gather3A_600] in [0] : vector<16xf32>, vector<16xi32> -> vector<16xf32>
        %add3A_602 = arith.addf %add3A_591, %gather3A_601 : vector<16xf32>
        %iota3A_603 = tpu.iota {dimensions = array<i32: 0>} : vector<16xi32>
        %xor3A_604 = arith.constant 2 : i32
        %xor3A_605 = vector.broadcast %xor3A_604 : i32 to vector<16xi32>
        %xor3A_606 = arith.xori %iota3A_603, %xor3A_605 : vector<16xi32>
        %broadcast_in_dim3A_607 = vector.shape_cast %xor3A_606 : vector<16xi32> to vector<16x1xi32>
        %gather3A_608 = vector.shape_cast %broadcast_in_dim3A_607 : vector<16x1xi32> to vector<16xi32>
        %gather3A_609 = tpu.dynamic_gather %add3A_602[%gather3A_608] in [0] : vector<16xf32>, vector<16xi32> -> vector<16xf32>
        %add3A_610 = arith.addf %add3A_602, %gather3A_609 : vector<16xf32>
        %iota3A_611 = tpu.iota {dimensions = array<i32: 0>} : vector<16xi32>
        %xor3A_612 = arith.constant 4 : i32
        %xor3A_613 = vector.broadcast %xor3A_612 : i32 to vector<16xi32>
        %xor3A_614 = arith.xori %iota3A_611, %xor3A_613 : vector<16xi32>
        %broadcast_in_dim3A_615 = vector.shape_cast %xor3A_614 : vector<16xi32> to vector<16x1xi32>
        %gather3A_616 = vector.shape_cast %broadcast_in_dim3A_615 : vector<16x1xi32> to vector<16xi32>
        %gather3A_617 = tpu.dynamic_gather %add3A_610[%gather3A_616] in [0] : vector<16xf32>, vector<16xi32> -> vector<16xf32>
        %add3A_618 = arith.addf %add3A_610, %gather3A_617 : vector<16xf32>
        %iota3A_619 = tpu.iota {dimensions = array<i32: 0>} : vector<16xi32>
        %xor3A_620 = arith.constant 8 : i32
        %xor3A_621 = vector.broadcast %xor3A_620 : i32 to vector<16xi32>
        %xor3A_622 = arith.xori %iota3A_619, %xor3A_621 : vector<16xi32>
        %broadcast_in_dim3A_623 = vector.shape_cast %xor3A_622 : vector<16xi32> to vector<16x1xi32>
        %gather3A_624 = vector.shape_cast %broadcast_in_dim3A_623 : vector<16x1xi32> to vector<16xi32>
        %gather3A_625 = tpu.dynamic_gather %add3A_618[%gather3A_624] in [0] : vector<16xf32>, vector<16xi32> -> vector<16xf32>
        %add3A_626 = arith.addf %add3A_618, %gather3A_625 : vector<16xf32>
        %select_n3A_627 = arith.select %eq3A_594, %add3A_626, %select_n3A_542 : vector<16xi1>, vector<16xf32>
        %add3A_628 = arith.constant 5 : i32
        %add3A_629 = arith.addi %mul3A_200, %add3A_628 : i32
        %get3A_630 = arith.index_cast %add3A_629 : i32 to index
        %get3A_631 = arith.constant 0 : index
        %get3A_632 = tpu.vector_load %arg8[%get3A_630, %get3A_631] {strides = array<i32>} : memref<128x128xf32, #tpu.memory_space<vmem>>, vector<1x16xf32>,
        %get3A_633 = vector.shape_cast %get3A_632 : vector<1x16xf32> to vector<16xf32>
        %mul3A_634 = arith.mulf %get3A_633, %get3A_6 : vector<16xf32>
        %get3A_635 = arith.index_cast %add3A_629 : i32 to index
        %get3A_636 = arith.constant 16 : index
        %get3A_637 = tpu.vector_load %arg8[%get3A_635, %get3A_636] {strides = array<i32>} : memref<128x128xf32, #tpu.memory_space<vmem>>, vector<1x16xf32>,
        %get3A_638 = vector.shape_cast %get3A_637 : vector<1x16xf32> to vector<16xf32>
        %mul3A_639 = arith.mulf %get3A_638, %get3A_9 : vector<16xf32>
        %add3A_640 = arith.addf %mul3A_634, %mul3A_639 : vector<16xf32>
        %get3A_641 = arith.index_cast %add3A_629 : i32 to index
        %get3A_642 = arith.constant 32 : index
        %get3A_643 = tpu.vector_load %arg8[%get3A_641, %get3A_642] {strides = array<i32>} : memref<128x128xf32, #tpu.memory_space<vmem>>, vector<1x16xf32>,
        %get3A_644 = vector.shape_cast %get3A_643 : vector<1x16xf32> to vector<16xf32>
        %mul3A_645 = arith.mulf %get3A_644, %get3A_12 : vector<16xf32>
        %add3A_646 = arith.addf %add3A_640, %mul3A_645 : vector<16xf32>
        %get3A_647 = arith.index_cast %add3A_629 : i32 to index
        %get3A_648 = arith.constant 48 : index
        %get3A_649 = tpu.vector_load %arg8[%get3A_647, %get3A_648] {strides = array<i32>} : memref<128x128xf32, #tpu.memory_space<vmem>>, vector<1x16xf32>,
        %get3A_650 = vector.shape_cast %get3A_649 : vector<1x16xf32> to vector<16xf32>
        %mul3A_651 = arith.mulf %get3A_650, %get3A_15 : vector<16xf32>
        %add3A_652 = arith.addf %add3A_646, %mul3A_651 : vector<16xf32>
        %get3A_653 = arith.index_cast %add3A_629 : i32 to index
        %get3A_654 = arith.constant 64 : index
        %get3A_655 = tpu.vector_load %arg8[%get3A_653, %get3A_654] {strides = array<i32>} : memref<128x128xf32, #tpu.memory_space<vmem>>, vector<1x16xf32>,
        %get3A_656 = vector.shape_cast %get3A_655 : vector<1x16xf32> to vector<16xf32>
        %mul3A_657 = arith.mulf %get3A_656, %get3A_18 : vector<16xf32>
        %add3A_658 = arith.addf %add3A_652, %mul3A_657 : vector<16xf32>
        %get3A_659 = arith.index_cast %add3A_629 : i32 to index
        %get3A_660 = arith.constant 80 : index
        %get3A_661 = tpu.vector_load %arg8[%get3A_659, %get3A_660] {strides = array<i32>} : memref<128x128xf32, #tpu.memory_space<vmem>>, vector<1x16xf32>,
        %get3A_662 = vector.shape_cast %get3A_661 : vector<1x16xf32> to vector<16xf32>
        %mul3A_663 = arith.mulf %get3A_662, %get3A_21 : vector<16xf32>
        %add3A_664 = arith.addf %add3A_658, %mul3A_663 : vector<16xf32>
        %get3A_665 = arith.index_cast %add3A_629 : i32 to index
        %get3A_666 = arith.constant 96 : index
        %get3A_667 = tpu.vector_load %arg8[%get3A_665, %get3A_666] {strides = array<i32>} : memref<128x128xf32, #tpu.memory_space<vmem>>, vector<1x16xf32>,
        %get3A_668 = vector.shape_cast %get3A_667 : vector<1x16xf32> to vector<16xf32>
        %mul3A_669 = arith.mulf %get3A_668, %get3A_24 : vector<16xf32>
        %add3A_670 = arith.addf %add3A_664, %mul3A_669 : vector<16xf32>
        %get3A_671 = arith.index_cast %add3A_629 : i32 to index
        %get3A_672 = arith.constant 112 : index
        %get3A_673 = tpu.vector_load %arg8[%get3A_671, %get3A_672] {strides = array<i32>} : memref<128x128xf32, #tpu.memory_space<vmem>>, vector<1x16xf32>,
        %get3A_674 = vector.shape_cast %get3A_673 : vector<1x16xf32> to vector<16xf32>
        %mul3A_675 = arith.mulf %get3A_674, %get3A_27 : vector<16xf32>
        %add3A_676 = arith.addf %add3A_670, %mul3A_675 : vector<16xf32>
        %eq3A_677 = arith.constant 5 : i32
        %eq3A_678 = vector.broadcast %eq3A_677 : i32 to vector<16xi32>
        %eq3A_679 = arith.cmpi eq, %iota3A, %eq3A_678 : vector<16xi32>
        %iota3A_680 = tpu.iota {dimensions = array<i32: 0>} : vector<16xi32>
        %xor3A_681 = arith.constant 1 : i32
        %xor3A_682 = vector.broadcast %xor3A_681 : i32 to vector<16xi32>
        %xor3A_683 = arith.xori %iota3A_680, %xor3A_682 : vector<16xi32>
        %broadcast_in_dim3A_684 = vector.shape_cast %xor3A_683 : vector<16xi32> to vector<16x1xi32>
        %gather3A_685 = vector.shape_cast %broadcast_in_dim3A_684 : vector<16x1xi32> to vector<16xi32>
        %gather3A_686 = tpu.dynamic_gather %add3A_676[%gather3A_685] in [0] : vector<16xf32>, vector<16xi32> -> vector<16xf32>
        %add3A_687 = arith.addf %add3A_676, %gather3A_686 : vector<16xf32>
        %iota3A_688 = tpu.iota {dimensions = array<i32: 0>} : vector<16xi32>
        %xor3A_689 = arith.constant 2 : i32
        %xor3A_690 = vector.broadcast %xor3A_689 : i32 to vector<16xi32>
        %xor3A_691 = arith.xori %iota3A_688, %xor3A_690 : vector<16xi32>
        %broadcast_in_dim3A_692 = vector.shape_cast %xor3A_691 : vector<16xi32> to vector<16x1xi32>
        %gather3A_693 = vector.shape_cast %broadcast_in_dim3A_692 : vector<16x1xi32> to vector<16xi32>
        %gather3A_694 = tpu.dynamic_gather %add3A_687[%gather3A_693] in [0] : vector<16xf32>, vector<16xi32> -> vector<16xf32>
        %add3A_695 = arith.addf %add3A_687, %gather3A_694 : vector<16xf32>
        %iota3A_696 = tpu.iota {dimensions = array<i32: 0>} : vector<16xi32>
        %xor3A_697 = arith.constant 4 : i32
        %xor3A_698 = vector.broadcast %xor3A_697 : i32 to vector<16xi32>
        %xor3A_699 = arith.xori %iota3A_696, %xor3A_698 : vector<16xi32>
        %broadcast_in_dim3A_700 = vector.shape_cast %xor3A_699 : vector<16xi32> to vector<16x1xi32>
        %gather3A_701 = vector.shape_cast %broadcast_in_dim3A_700 : vector<16x1xi32> to vector<16xi32>
        %gather3A_702 = tpu.dynamic_gather %add3A_695[%gather3A_701] in [0] : vector<16xf32>, vector<16xi32> -> vector<16xf32>
        %add3A_703 = arith.addf %add3A_695, %gather3A_702 : vector<16xf32>
        %iota3A_704 = tpu.iota {dimensions = array<i32: 0>} : vector<16xi32>
        %xor3A_705 = arith.constant 8 : i32
        %xor3A_706 = vector.broadcast %xor3A_705 : i32 to vector<16xi32>
        %xor3A_707 = arith.xori %iota3A_704, %xor3A_706 : vector<16xi32>
        %broadcast_in_dim3A_708 = vector.shape_cast %xor3A_707 : vector<16xi32> to vector<16x1xi32>
        %gather3A_709 = vector.shape_cast %broadcast_in_dim3A_708 : vector<16x1xi32> to vector<16xi32>
        %gather3A_710 = tpu.dynamic_gather %add3A_703[%gather3A_709] in [0] : vector<16xf32>, vector<16xi32> -> vector<16xf32>
        %add3A_711 = arith.addf %add3A_703, %gather3A_710 : vector<16xf32>
        %select_n3A_712 = arith.select %eq3A_679, %add3A_711, %select_n3A_627 : vector<16xi1>, vector<16xf32>
        %add3A_713 = arith.constant 6 : i32
        %add3A_714 = arith.addi %mul3A_200, %add3A_713 : i32
        %get3A_715 = arith.index_cast %add3A_714 : i32 to index
        %get3A_716 = arith.constant 0 : index
        %get3A_717 = tpu.vector_load %arg8[%get3A_715, %get3A_716] {strides = array<i32>} : memref<128x128xf32, #tpu.memory_space<vmem>>, vector<1x16xf32>,
        %get3A_718 = vector.shape_cast %get3A_717 : vector<1x16xf32> to vector<16xf32>
        %mul3A_719 = arith.mulf %get3A_718, %get3A_6 : vector<16xf32>
        %get3A_720 = arith.index_cast %add3A_714 : i32 to index
        %get3A_721 = arith.constant 16 : index
        %get3A_722 = tpu.vector_load %arg8[%get3A_720, %get3A_721] {strides = array<i32>} : memref<128x128xf32, #tpu.memory_space<vmem>>, vector<1x16xf32>,
        %get3A_723 = vector.shape_cast %get3A_722 : vector<1x16xf32> to vector<16xf32>
        %mul3A_724 = arith.mulf %get3A_723, %get3A_9 : vector<16xf32>
        %add3A_725 = arith.addf %mul3A_719, %mul3A_724 : vector<16xf32>
        %get3A_726 = arith.index_cast %add3A_714 : i32 to index
        %get3A_727 = arith.constant 32 : index
        %get3A_728 = tpu.vector_load %arg8[%get3A_726, %get3A_727] {strides = array<i32>} : memref<128x128xf32, #tpu.memory_space<vmem>>, vector<1x16xf32>,
        %get3A_729 = vector.shape_cast %get3A_728 : vector<1x16xf32> to vector<16xf32>
        %mul3A_730 = arith.mulf %get3A_729, %get3A_12 : vector<16xf32>
        %add3A_731 = arith.addf %add3A_725, %mul3A_730 : vector<16xf32>
        %get3A_732 = arith.index_cast %add3A_714 : i32 to index
        %get3A_733 = arith.constant 48 : index
        %get3A_734 = tpu.vector_load %arg8[%get3A_732, %get3A_733] {strides = array<i32>} : memref<128x128xf32, #tpu.memory_space<vmem>>, vector<1x16xf32>,
        %get3A_735 = vector.shape_cast %get3A_734 : vector<1x16xf32> to vector<16xf32>
        %mul3A_736 = arith.mulf %get3A_735, %get3A_15 : vector<16xf32>
        %add3A_737 = arith.addf %add3A_731, %mul3A_736 : vector<16xf32>
        %get3A_738 = arith.index_cast %add3A_714 : i32 to index
        %get3A_739 = arith.constant 64 : index
        %get3A_740 = tpu.vector_load %arg8[%get3A_738, %get3A_739] {strides = array<i32>} : memref<128x128xf32, #tpu.memory_space<vmem>>, vector<1x16xf32>,
        %get3A_741 = vector.shape_cast %get3A_740 : vector<1x16xf32> to vector<16xf32>
        %mul3A_742 = arith.mulf %get3A_741, %get3A_18 : vector<16xf32>
        %add3A_743 = arith.addf %add3A_737, %mul3A_742 : vector<16xf32>
        %get3A_744 = arith.index_cast %add3A_714 : i32 to index
        %get3A_745 = arith.constant 80 : index
        %get3A_746 = tpu.vector_load %arg8[%get3A_744, %get3A_745] {strides = array<i32>} : memref<128x128xf32, #tpu.memory_space<vmem>>, vector<1x16xf32>,
        %get3A_747 = vector.shape_cast %get3A_746 : vector<1x16xf32> to vector<16xf32>
        %mul3A_748 = arith.mulf %get3A_747, %get3A_21 : vector<16xf32>
        %add3A_749 = arith.addf %add3A_743, %mul3A_748 : vector<16xf32>
        %get3A_750 = arith.index_cast %add3A_714 : i32 to index
        %get3A_751 = arith.constant 96 : index
        %get3A_752 = tpu.vector_load %arg8[%get3A_750, %get3A_751] {strides = array<i32>} : memref<128x128xf32, #tpu.memory_space<vmem>>, vector<1x16xf32>,
        %get3A_753 = vector.shape_cast %get3A_752 : vector<1x16xf32> to vector<16xf32>
        %mul3A_754 = arith.mulf %get3A_753, %get3A_24 : vector<16xf32>
        %add3A_755 = arith.addf %add3A_749, %mul3A_754 : vector<16xf32>
        %get3A_756 = arith.index_cast %add3A_714 : i32 to index
        %get3A_757 = arith.constant 112 : index
        %get3A_758 = tpu.vector_load %arg8[%get3A_756, %get3A_757] {strides = array<i32>} : memref<128x128xf32, #tpu.memory_space<vmem>>, vector<1x16xf32>,
        %get3A_759 = vector.shape_cast %get3A_758 : vector<1x16xf32> to vector<16xf32>
        %mul3A_760 = arith.mulf %get3A_759, %get3A_27 : vector<16xf32>
        %add3A_761 = arith.addf %add3A_755, %mul3A_760 : vector<16xf32>
        %eq3A_762 = arith.constant 6 : i32
        %eq3A_763 = vector.broadcast %eq3A_762 : i32 to vector<16xi32>
        %eq3A_764 = arith.cmpi eq, %iota3A, %eq3A_763 : vector<16xi32>
        %iota3A_765 = tpu.iota {dimensions = array<i32: 0>} : vector<16xi32>
        %xor3A_766 = arith.constant 1 : i32
        %xor3A_767 = vector.broadcast %xor3A_766 : i32 to vector<16xi32>
        %xor3A_768 = arith.xori %iota3A_765, %xor3A_767 : vector<16xi32>
        %broadcast_in_dim3A_769 = vector.shape_cast %xor3A_768 : vector<16xi32> to vector<16x1xi32>
        %gather3A_770 = vector.shape_cast %broadcast_in_dim3A_769 : vector<16x1xi32> to vector<16xi32>
        %gather3A_771 = tpu.dynamic_gather %add3A_761[%gather3A_770] in [0] : vector<16xf32>, vector<16xi32> -> vector<16xf32>
        %add3A_772 = arith.addf %add3A_761, %gather3A_771 : vector<16xf32>
        %iota3A_773 = tpu.iota {dimensions = array<i32: 0>} : vector<16xi32>
        %xor3A_774 = arith.constant 2 : i32
        %xor3A_775 = vector.broadcast %xor3A_774 : i32 to vector<16xi32>
        %xor3A_776 = arith.xori %iota3A_773, %xor3A_775 : vector<16xi32>
        %broadcast_in_dim3A_777 = vector.shape_cast %xor3A_776 : vector<16xi32> to vector<16x1xi32>
        %gather3A_778 = vector.shape_cast %broadcast_in_dim3A_777 : vector<16x1xi32> to vector<16xi32>
        %gather3A_779 = tpu.dynamic_gather %add3A_772[%gather3A_778] in [0] : vector<16xf32>, vector<16xi32> -> vector<16xf32>
        %add3A_780 = arith.addf %add3A_772, %gather3A_779 : vector<16xf32>
        %iota3A_781 = tpu.iota {dimensions = array<i32: 0>} : vector<16xi32>
        %xor3A_782 = arith.constant 4 : i32
        %xor3A_783 = vector.broadcast %xor3A_782 : i32 to vector<16xi32>
        %xor3A_784 = arith.xori %iota3A_781, %xor3A_783 : vector<16xi32>
        %broadcast_in_dim3A_785 = vector.shape_cast %xor3A_784 : vector<16xi32> to vector<16x1xi32>
        %gather3A_786 = vector.shape_cast %broadcast_in_dim3A_785 : vector<16x1xi32> to vector<16xi32>
        %gather3A_787 = tpu.dynamic_gather %add3A_780[%gather3A_786] in [0] : vector<16xf32>, vector<16xi32> -> vector<16xf32>
        %add3A_788 = arith.addf %add3A_780, %gather3A_787 : vector<16xf32>
        %iota3A_789 = tpu.iota {dimensions = array<i32: 0>} : vector<16xi32>
        %xor3A_790 = arith.constant 8 : i32
        %xor3A_791 = vector.broadcast %xor3A_790 : i32 to vector<16xi32>
        %xor3A_792 = arith.xori %iota3A_789, %xor3A_791 : vector<16xi32>
        %broadcast_in_dim3A_793 = vector.shape_cast %xor3A_792 : vector<16xi32> to vector<16x1xi32>
        %gather3A_794 = vector.shape_cast %broadcast_in_dim3A_793 : vector<16x1xi32> to vector<16xi32>
        %gather3A_795 = tpu.dynamic_gather %add3A_788[%gather3A_794] in [0] : vector<16xf32>, vector<16xi32> -> vector<16xf32>
        %add3A_796 = arith.addf %add3A_788, %gather3A_795 : vector<16xf32>
        %select_n3A_797 = arith.select %eq3A_764, %add3A_796, %select_n3A_712 : vector<16xi1>, vector<16xf32>
        %add3A_798 = arith.constant 7 : i32
        %add3A_799 = arith.addi %mul3A_200, %add3A_798 : i32
        %get3A_800 = arith.index_cast %add3A_799 : i32 to index
        %get3A_801 = arith.constant 0 : index
        %get3A_802 = tpu.vector_load %arg8[%get3A_800, %get3A_801] {strides = array<i32>} : memref<128x128xf32, #tpu.memory_space<vmem>>, vector<1x16xf32>,
        %get3A_803 = vector.shape_cast %get3A_802 : vector<1x16xf32> to vector<16xf32>
        %mul3A_804 = arith.mulf %get3A_803, %get3A_6 : vector<16xf32>
        %get3A_805 = arith.index_cast %add3A_799 : i32 to index
        %get3A_806 = arith.constant 16 : index
        %get3A_807 = tpu.vector_load %arg8[%get3A_805, %get3A_806] {strides = array<i32>} : memref<128x128xf32, #tpu.memory_space<vmem>>, vector<1x16xf32>,
        %get3A_808 = vector.shape_cast %get3A_807 : vector<1x16xf32> to vector<16xf32>
        %mul3A_809 = arith.mulf %get3A_808, %get3A_9 : vector<16xf32>
        %add3A_810 = arith.addf %mul3A_804, %mul3A_809 : vector<16xf32>
        %get3A_811 = arith.index_cast %add3A_799 : i32 to index
        %get3A_812 = arith.constant 32 : index
        %get3A_813 = tpu.vector_load %arg8[%get3A_811, %get3A_812] {strides = array<i32>} : memref<128x128xf32, #tpu.memory_space<vmem>>, vector<1x16xf32>,
        %get3A_814 = vector.shape_cast %get3A_813 : vector<1x16xf32> to vector<16xf32>
        %mul3A_815 = arith.mulf %get3A_814, %get3A_12 : vector<16xf32>
        %add3A_816 = arith.addf %add3A_810, %mul3A_815 : vector<16xf32>
        %get3A_817 = arith.index_cast %add3A_799 : i32 to index
        %get3A_818 = arith.constant 48 : index
        %get3A_819 = tpu.vector_load %arg8[%get3A_817, %get3A_818] {strides = array<i32>} : memref<128x128xf32, #tpu.memory_space<vmem>>, vector<1x16xf32>,
        %get3A_820 = vector.shape_cast %get3A_819 : vector<1x16xf32> to vector<16xf32>
        %mul3A_821 = arith.mulf %get3A_820, %get3A_15 : vector<16xf32>
        %add3A_822 = arith.addf %add3A_816, %mul3A_821 : vector<16xf32>
        %get3A_823 = arith.index_cast %add3A_799 : i32 to index
        %get3A_824 = arith.constant 64 : index
        %get3A_825 = tpu.vector_load %arg8[%get3A_823, %get3A_824] {strides = array<i32>} : memref<128x128xf32, #tpu.memory_space<vmem>>, vector<1x16xf32>,
        %get3A_826 = vector.shape_cast %get3A_825 : vector<1x16xf32> to vector<16xf32>
        %mul3A_827 = arith.mulf %get3A_826, %get3A_18 : vector<16xf32>
        %add3A_828 = arith.addf %add3A_822, %mul3A_827 : vector<16xf32>
        %get3A_829 = arith.index_cast %add3A_799 : i32 to index
        %get3A_830 = arith.constant 80 : index
        %get3A_831 = tpu.vector_load %arg8[%get3A_829, %get3A_830] {strides = array<i32>} : memref<128x128xf32, #tpu.memory_space<vmem>>, vector<1x16xf32>,
        %get3A_832 = vector.shape_cast %get3A_831 : vector<1x16xf32> to vector<16xf32>
        %mul3A_833 = arith.mulf %get3A_832, %get3A_21 : vector<16xf32>
        %add3A_834 = arith.addf %add3A_828, %mul3A_833 : vector<16xf32>
        %get3A_835 = arith.index_cast %add3A_799 : i32 to index
        %get3A_836 = arith.constant 96 : index
        %get3A_837 = tpu.vector_load %arg8[%get3A_835, %get3A_836] {strides = array<i32>} : memref<128x128xf32, #tpu.memory_space<vmem>>, vector<1x16xf32>,
        %get3A_838 = vector.shape_cast %get3A_837 : vector<1x16xf32> to vector<16xf32>
        %mul3A_839 = arith.mulf %get3A_838, %get3A_24 : vector<16xf32>
        %add3A_840 = arith.addf %add3A_834, %mul3A_839 : vector<16xf32>
        %get3A_841 = arith.index_cast %add3A_799 : i32 to index
        %get3A_842 = arith.constant 112 : index
        %get3A_843 = tpu.vector_load %arg8[%get3A_841, %get3A_842] {strides = array<i32>} : memref<128x128xf32, #tpu.memory_space<vmem>>, vector<1x16xf32>,
        %get3A_844 = vector.shape_cast %get3A_843 : vector<1x16xf32> to vector<16xf32>
        %mul3A_845 = arith.mulf %get3A_844, %get3A_27 : vector<16xf32>
        %add3A_846 = arith.addf %add3A_840, %mul3A_845 : vector<16xf32>
        %eq3A_847 = arith.constant 7 : i32
        %eq3A_848 = vector.broadcast %eq3A_847 : i32 to vector<16xi32>
        %eq3A_849 = arith.cmpi eq, %iota3A, %eq3A_848 : vector<16xi32>
        %iota3A_850 = tpu.iota {dimensions = array<i32: 0>} : vector<16xi32>
        %xor3A_851 = arith.constant 1 : i32
        %xor3A_852 = vector.broadcast %xor3A_851 : i32 to vector<16xi32>
        %xor3A_853 = arith.xori %iota3A_850, %xor3A_852 : vector<16xi32>
        %broadcast_in_dim3A_854 = vector.shape_cast %xor3A_853 : vector<16xi32> to vector<16x1xi32>
        %gather3A_855 = vector.shape_cast %broadcast_in_dim3A_854 : vector<16x1xi32> to vector<16xi32>
        %gather3A_856 = tpu.dynamic_gather %add3A_846[%gather3A_855] in [0] : vector<16xf32>, vector<16xi32> -> vector<16xf32>
        %add3A_857 = arith.addf %add3A_846, %gather3A_856 : vector<16xf32>
        %iota3A_858 = tpu.iota {dimensions = array<i32: 0>} : vector<16xi32>
        %xor3A_859 = arith.constant 2 : i32
        %xor3A_860 = vector.broadcast %xor3A_859 : i32 to vector<16xi32>
        %xor3A_861 = arith.xori %iota3A_858, %xor3A_860 : vector<16xi32>
        %broadcast_in_dim3A_862 = vector.shape_cast %xor3A_861 : vector<16xi32> to vector<16x1xi32>
        %gather3A_863 = vector.shape_cast %broadcast_in_dim3A_862 : vector<16x1xi32> to vector<16xi32>
        %gather3A_864 = tpu.dynamic_gather %add3A_857[%gather3A_863] in [0] : vector<16xf32>, vector<16xi32> -> vector<16xf32>
        %add3A_865 = arith.addf %add3A_857, %gather3A_864 : vector<16xf32>
        %iota3A_866 = tpu.iota {dimensions = array<i32: 0>} : vector<16xi32>
        %xor3A_867 = arith.constant 4 : i32
        %xor3A_868 = vector.broadcast %xor3A_867 : i32 to vector<16xi32>
        %xor3A_869 = arith.xori %iota3A_866, %xor3A_868 : vector<16xi32>
        %broadcast_in_dim3A_870 = vector.shape_cast %xor3A_869 : vector<16xi32> to vector<16x1xi32>
        %gather3A_871 = vector.shape_cast %broadcast_in_dim3A_870 : vector<16x1xi32> to vector<16xi32>
        %gather3A_872 = tpu.dynamic_gather %add3A_865[%gather3A_871] in [0] : vector<16xf32>, vector<16xi32> -> vector<16xf32>
        %add3A_873 = arith.addf %add3A_865, %gather3A_872 : vector<16xf32>
        %iota3A_874 = tpu.iota {dimensions = array<i32: 0>} : vector<16xi32>
        %xor3A_875 = arith.constant 8 : i32
        %xor3A_876 = vector.broadcast %xor3A_875 : i32 to vector<16xi32>
        %xor3A_877 = arith.xori %iota3A_874, %xor3A_876 : vector<16xi32>
        %broadcast_in_dim3A_878 = vector.shape_cast %xor3A_877 : vector<16xi32> to vector<16x1xi32>
        %gather3A_879 = vector.shape_cast %broadcast_in_dim3A_878 : vector<16x1xi32> to vector<16xi32>
        %gather3A_880 = tpu.dynamic_gather %add3A_873[%gather3A_879] in [0] : vector<16xf32>, vector<16xi32> -> vector<16xf32>
        %add3A_881 = arith.addf %add3A_873, %gather3A_880 : vector<16xf32>
        %select_n3A_882 = arith.select %eq3A_849, %add3A_881, %select_n3A_797 : vector<16xi1>, vector<16xf32>
        %add3A_883 = arith.constant 8 : i32
        %add3A_884 = arith.addi %mul3A_200, %add3A_883 : i32
        %get3A_885 = arith.index_cast %add3A_884 : i32 to index
        %get3A_886 = arith.constant 0 : index
        %get3A_887 = tpu.vector_load %arg8[%get3A_885, %get3A_886] {strides = array<i32>} : memref<128x128xf32, #tpu.memory_space<vmem>>, vector<1x16xf32>,
        %get3A_888 = vector.shape_cast %get3A_887 : vector<1x16xf32> to vector<16xf32>
        %mul3A_889 = arith.mulf %get3A_888, %get3A_6 : vector<16xf32>
        %get3A_890 = arith.index_cast %add3A_884 : i32 to index
        %get3A_891 = arith.constant 16 : index
        %get3A_892 = tpu.vector_load %arg8[%get3A_890, %get3A_891] {strides = array<i32>} : memref<128x128xf32, #tpu.memory_space<vmem>>, vector<1x16xf32>,
        %get3A_893 = vector.shape_cast %get3A_892 : vector<1x16xf32> to vector<16xf32>
        %mul3A_894 = arith.mulf %get3A_893, %get3A_9 : vector<16xf32>
        %add3A_895 = arith.addf %mul3A_889, %mul3A_894 : vector<16xf32>
        %get3A_896 = arith.index_cast %add3A_884 : i32 to index
        %get3A_897 = arith.constant 32 : index
        %get3A_898 = tpu.vector_load %arg8[%get3A_896, %get3A_897] {strides = array<i32>} : memref<128x128xf32, #tpu.memory_space<vmem>>, vector<1x16xf32>,
        %get3A_899 = vector.shape_cast %get3A_898 : vector<1x16xf32> to vector<16xf32>
        %mul3A_900 = arith.mulf %get3A_899, %get3A_12 : vector<16xf32>
        %add3A_901 = arith.addf %add3A_895, %mul3A_900 : vector<16xf32>
        %get3A_902 = arith.index_cast %add3A_884 : i32 to index
        %get3A_903 = arith.constant 48 : index
        %get3A_904 = tpu.vector_load %arg8[%get3A_902, %get3A_903] {strides = array<i32>} : memref<128x128xf32, #tpu.memory_space<vmem>>, vector<1x16xf32>,
        %get3A_905 = vector.shape_cast %get3A_904 : vector<1x16xf32> to vector<16xf32>
        %mul3A_906 = arith.mulf %get3A_905, %get3A_15 : vector<16xf32>
        %add3A_907 = arith.addf %add3A_901, %mul3A_906 : vector<16xf32>
        %get3A_908 = arith.index_cast %add3A_884 : i32 to index
        %get3A_909 = arith.constant 64 : index
        %get3A_910 = tpu.vector_load %arg8[%get3A_908, %get3A_909] {strides = array<i32>} : memref<128x128xf32, #tpu.memory_space<vmem>>, vector<1x16xf32>,
        %get3A_911 = vector.shape_cast %get3A_910 : vector<1x16xf32> to vector<16xf32>
        %mul3A_912 = arith.mulf %get3A_911, %get3A_18 : vector<16xf32>
        %add3A_913 = arith.addf %add3A_907, %mul3A_912 : vector<16xf32>
        %get3A_914 = arith.index_cast %add3A_884 : i32 to index
        %get3A_915 = arith.constant 80 : index
        %get3A_916 = tpu.vector_load %arg8[%get3A_914, %get3A_915] {strides = array<i32>} : memref<128x128xf32, #tpu.memory_space<vmem>>, vector<1x16xf32>,
        %get3A_917 = vector.shape_cast %get3A_916 : vector<1x16xf32> to vector<16xf32>
        %mul3A_918 = arith.mulf %get3A_917, %get3A_21 : vector<16xf32>
        %add3A_919 = arith.addf %add3A_913, %mul3A_918 : vector<16xf32>
        %get3A_920 = arith.index_cast %add3A_884 : i32 to index
        %get3A_921 = arith.constant 96 : index
        %get3A_922 = tpu.vector_load %arg8[%get3A_920, %get3A_921] {strides = array<i32>} : memref<128x128xf32, #tpu.memory_space<vmem>>, vector<1x16xf32>,
        %get3A_923 = vector.shape_cast %get3A_922 : vector<1x16xf32> to vector<16xf32>
        %mul3A_924 = arith.mulf %get3A_923, %get3A_24 : vector<16xf32>
        %add3A_925 = arith.addf %add3A_919, %mul3A_924 : vector<16xf32>
        %get3A_926 = arith.index_cast %add3A_884 : i32 to index
        %get3A_927 = arith.constant 112 : index
        %get3A_928 = tpu.vector_load %arg8[%get3A_926, %get3A_927] {strides = array<i32>} : memref<128x128xf32, #tpu.memory_space<vmem>>, vector<1x16xf32>,
        %get3A_929 = vector.shape_cast %get3A_928 : vector<1x16xf32> to vector<16xf32>
        %mul3A_930 = arith.mulf %get3A_929, %get3A_27 : vector<16xf32>
        %add3A_931 = arith.addf %add3A_925, %mul3A_930 : vector<16xf32>
        %eq3A_932 = arith.constant 8 : i32
        %eq3A_933 = vector.broadcast %eq3A_932 : i32 to vector<16xi32>
        %eq3A_934 = arith.cmpi eq, %iota3A, %eq3A_933 : vector<16xi32>
        %iota3A_935 = tpu.iota {dimensions = array<i32: 0>} : vector<16xi32>
        %xor3A_936 = arith.constant 1 : i32
        %xor3A_937 = vector.broadcast %xor3A_936 : i32 to vector<16xi32>
        %xor3A_938 = arith.xori %iota3A_935, %xor3A_937 : vector<16xi32>
        %broadcast_in_dim3A_939 = vector.shape_cast %xor3A_938 : vector<16xi32> to vector<16x1xi32>
        %gather3A_940 = vector.shape_cast %broadcast_in_dim3A_939 : vector<16x1xi32> to vector<16xi32>
        %gather3A_941 = tpu.dynamic_gather %add3A_931[%gather3A_940] in [0] : vector<16xf32>, vector<16xi32> -> vector<16xf32>
        %add3A_942 = arith.addf %add3A_931, %gather3A_941 : vector<16xf32>
        %iota3A_943 = tpu.iota {dimensions = array<i32: 0>} : vector<16xi32>
        %xor3A_944 = arith.constant 2 : i32
        %xor3A_945 = vector.broadcast %xor3A_944 : i32 to vector<16xi32>
        %xor3A_946 = arith.xori %iota3A_943, %xor3A_945 : vector<16xi32>
        %broadcast_in_dim3A_947 = vector.shape_cast %xor3A_946 : vector<16xi32> to vector<16x1xi32>
        %gather3A_948 = vector.shape_cast %broadcast_in_dim3A_947 : vector<16x1xi32> to vector<16xi32>
        %gather3A_949 = tpu.dynamic_gather %add3A_942[%gather3A_948] in [0] : vector<16xf32>, vector<16xi32> -> vector<16xf32>
        %add3A_950 = arith.addf %add3A_942, %gather3A_949 : vector<16xf32>
        %iota3A_951 = tpu.iota {dimensions = array<i32: 0>} : vector<16xi32>
        %xor3A_952 = arith.constant 4 : i32
        %xor3A_953 = vector.broadcast %xor3A_952 : i32 to vector<16xi32>
        %xor3A_954 = arith.xori %iota3A_951, %xor3A_953 : vector<16xi32>
        %broadcast_in_dim3A_955 = vector.shape_cast %xor3A_954 : vector<16xi32> to vector<16x1xi32>
        %gather3A_956 = vector.shape_cast %broadcast_in_dim3A_955 : vector<16x1xi32> to vector<16xi32>
        %gather3A_957 = tpu.dynamic_gather %add3A_950[%gather3A_956] in [0] : vector<16xf32>, vector<16xi32> -> vector<16xf32>
        %add3A_958 = arith.addf %add3A_950, %gather3A_957 : vector<16xf32>
        %iota3A_959 = tpu.iota {dimensions = array<i32: 0>} : vector<16xi32>
        %xor3A_960 = arith.constant 8 : i32
        %xor3A_961 = vector.broadcast %xor3A_960 : i32 to vector<16xi32>
        %xor3A_962 = arith.xori %iota3A_959, %xor3A_961 : vector<16xi32>
        %broadcast_in_dim3A_963 = vector.shape_cast %xor3A_962 : vector<16xi32> to vector<16x1xi32>
        %gather3A_964 = vector.shape_cast %broadcast_in_dim3A_963 : vector<16x1xi32> to vector<16xi32>
        %gather3A_965 = tpu.dynamic_gather %add3A_958[%gather3A_964] in [0] : vector<16xf32>, vector<16xi32> -> vector<16xf32>
        %add3A_966 = arith.addf %add3A_958, %gather3A_965 : vector<16xf32>
        %select_n3A_967 = arith.select %eq3A_934, %add3A_966, %select_n3A_882 : vector<16xi1>, vector<16xf32>
        %add3A_968 = arith.constant 9 : i32
        %add3A_969 = arith.addi %mul3A_200, %add3A_968 : i32
        %get3A_970 = arith.index_cast %add3A_969 : i32 to index
        %get3A_971 = arith.constant 0 : index
        %get3A_972 = tpu.vector_load %arg8[%get3A_970, %get3A_971] {strides = array<i32>} : memref<128x128xf32, #tpu.memory_space<vmem>>, vector<1x16xf32>,
        %get3A_973 = vector.shape_cast %get3A_972 : vector<1x16xf32> to vector<16xf32>
        %mul3A_974 = arith.mulf %get3A_973, %get3A_6 : vector<16xf32>
        %get3A_975 = arith.index_cast %add3A_969 : i32 to index
        %get3A_976 = arith.constant 16 : index
        %get3A_977 = tpu.vector_load %arg8[%get3A_975, %get3A_976] {strides = array<i32>} : memref<128x128xf32, #tpu.memory_space<vmem>>, vector<1x16xf32>,
        %get3A_978 = vector.shape_cast %get3A_977 : vector<1x16xf32> to vector<16xf32>
        %mul3A_979 = arith.mulf %get3A_978, %get3A_9 : vector<16xf32>
        %add3A_980 = arith.addf %mul3A_974, %mul3A_979 : vector<16xf32>
        %get3A_981 = arith.index_cast %add3A_969 : i32 to index
        %get3A_982 = arith.constant 32 : index
        %get3A_983 = tpu.vector_load %arg8[%get3A_981, %get3A_982] {strides = array<i32>} : memref<128x128xf32, #tpu.memory_space<vmem>>, vector<1x16xf32>,
        %get3A_984 = vector.shape_cast %get3A_983 : vector<1x16xf32> to vector<16xf32>
        %mul3A_985 = arith.mulf %get3A_984, %get3A_12 : vector<16xf32>
        %add3A_986 = arith.addf %add3A_980, %mul3A_985 : vector<16xf32>
        %get3A_987 = arith.index_cast %add3A_969 : i32 to index
        %get3A_988 = arith.constant 48 : index
        %get3A_989 = tpu.vector_load %arg8[%get3A_987, %get3A_988] {strides = array<i32>} : memref<128x128xf32, #tpu.memory_space<vmem>>, vector<1x16xf32>,
        %get3A_990 = vector.shape_cast %get3A_989 : vector<1x16xf32> to vector<16xf32>
        %mul3A_991 = arith.mulf %get3A_990, %get3A_15 : vector<16xf32>
        %add3A_992 = arith.addf %add3A_986, %mul3A_991 : vector<16xf32>
        %get3A_993 = arith.index_cast %add3A_969 : i32 to index
        %get3A_994 = arith.constant 64 : index
        %get3A_995 = tpu.vector_load %arg8[%get3A_993, %get3A_994] {strides = array<i32>} : memref<128x128xf32, #tpu.memory_space<vmem>>, vector<1x16xf32>,
        %get3A_996 = vector.shape_cast %get3A_995 : vector<1x16xf32> to vector<16xf32>
        %mul3A_997 = arith.mulf %get3A_996, %get3A_18 : vector<16xf32>
        %add3A_998 = arith.addf %add3A_992, %mul3A_997 : vector<16xf32>
        %get3A_999 = arith.index_cast %add3A_969 : i32 to index
        %get3A_1000 = arith.constant 80 : index
        %get3A_1001 = tpu.vector_load %arg8[%get3A_999, %get3A_1000] {strides = array<i32>} : memref<128x128xf32, #tpu.memory_space<vmem>>, vector<1x16xf32>,
        %get3A_1002 = vector.shape_cast %get3A_1001 : vector<1x16xf32> to vector<16xf32>
        %mul3A_1003 = arith.mulf %get3A_1002, %get3A_21 : vector<16xf32>
        %add3A_1004 = arith.addf %add3A_998, %mul3A_1003 : vector<16xf32>
        %get3A_1005 = arith.index_cast %add3A_969 : i32 to index
        %get3A_1006 = arith.constant 96 : index
        %get3A_1007 = tpu.vector_load %arg8[%get3A_1005, %get3A_1006] {strides = array<i32>} : memref<128x128xf32, #tpu.memory_space<vmem>>, vector<1x16xf32>,
        %get3A_1008 = vector.shape_cast %get3A_1007 : vector<1x16xf32> to vector<16xf32>
        %mul3A_1009 = arith.mulf %get3A_1008, %get3A_24 : vector<16xf32>
        %add3A_1010 = arith.addf %add3A_1004, %mul3A_1009 : vector<16xf32>
        %get3A_1011 = arith.index_cast %add3A_969 : i32 to index
        %get3A_1012 = arith.constant 112 : index
        %get3A_1013 = tpu.vector_load %arg8[%get3A_1011, %get3A_1012] {strides = array<i32>} : memref<128x128xf32, #tpu.memory_space<vmem>>, vector<1x16xf32>,
        %get3A_1014 = vector.shape_cast %get3A_1013 : vector<1x16xf32> to vector<16xf32>
        %mul3A_1015 = arith.mulf %get3A_1014, %get3A_27 : vector<16xf32>
        %add3A_1016 = arith.addf %add3A_1010, %mul3A_1015 : vector<16xf32>
        %eq3A_1017 = arith.constant 9 : i32
        %eq3A_1018 = vector.broadcast %eq3A_1017 : i32 to vector<16xi32>
        %eq3A_1019 = arith.cmpi eq, %iota3A, %eq3A_1018 : vector<16xi32>
        %iota3A_1020 = tpu.iota {dimensions = array<i32: 0>} : vector<16xi32>
        %xor3A_1021 = arith.constant 1 : i32
        %xor3A_1022 = vector.broadcast %xor3A_1021 : i32 to vector<16xi32>
        %xor3A_1023 = arith.xori %iota3A_1020, %xor3A_1022 : vector<16xi32>
        %broadcast_in_dim3A_1024 = vector.shape_cast %xor3A_1023 : vector<16xi32> to vector<16x1xi32>
        %gather3A_1025 = vector.shape_cast %broadcast_in_dim3A_1024 : vector<16x1xi32> to vector<16xi32>
        %gather3A_1026 = tpu.dynamic_gather %add3A_1016[%gather3A_1025] in [0] : vector<16xf32>, vector<16xi32> -> vector<16xf32>
        %add3A_1027 = arith.addf %add3A_1016, %gather3A_1026 : vector<16xf32>
        %iota3A_1028 = tpu.iota {dimensions = array<i32: 0>} : vector<16xi32>
        %xor3A_1029 = arith.constant 2 : i32
        %xor3A_1030 = vector.broadcast %xor3A_1029 : i32 to vector<16xi32>
        %xor3A_1031 = arith.xori %iota3A_1028, %xor3A_1030 : vector<16xi32>
        %broadcast_in_dim3A_1032 = vector.shape_cast %xor3A_1031 : vector<16xi32> to vector<16x1xi32>
        %gather3A_1033 = vector.shape_cast %broadcast_in_dim3A_1032 : vector<16x1xi32> to vector<16xi32>
        %gather3A_1034 = tpu.dynamic_gather %add3A_1027[%gather3A_1033] in [0] : vector<16xf32>, vector<16xi32> -> vector<16xf32>
        %add3A_1035 = arith.addf %add3A_1027, %gather3A_1034 : vector<16xf32>
        %iota3A_1036 = tpu.iota {dimensions = array<i32: 0>} : vector<16xi32>
        %xor3A_1037 = arith.constant 4 : i32
        %xor3A_1038 = vector.broadcast %xor3A_1037 : i32 to vector<16xi32>
        %xor3A_1039 = arith.xori %iota3A_1036, %xor3A_1038 : vector<16xi32>
        %broadcast_in_dim3A_1040 = vector.shape_cast %xor3A_1039 : vector<16xi32> to vector<16x1xi32>
        %gather3A_1041 = vector.shape_cast %broadcast_in_dim3A_1040 : vector<16x1xi32> to vector<16xi32>
        %gather3A_1042 = tpu.dynamic_gather %add3A_1035[%gather3A_1041] in [0] : vector<16xf32>, vector<16xi32> -> vector<16xf32>
        %add3A_1043 = arith.addf %add3A_1035, %gather3A_1042 : vector<16xf32>
        %iota3A_1044 = tpu.iota {dimensions = array<i32: 0>} : vector<16xi32>
        %xor3A_1045 = arith.constant 8 : i32
        %xor3A_1046 = vector.broadcast %xor3A_1045 : i32 to vector<16xi32>
        %xor3A_1047 = arith.xori %iota3A_1044, %xor3A_1046 : vector<16xi32>
        %broadcast_in_dim3A_1048 = vector.shape_cast %xor3A_1047 : vector<16xi32> to vector<16x1xi32>
        %gather3A_1049 = vector.shape_cast %broadcast_in_dim3A_1048 : vector<16x1xi32> to vector<16xi32>
        %gather3A_1050 = tpu.dynamic_gather %add3A_1043[%gather3A_1049] in [0] : vector<16xf32>, vector<16xi32> -> vector<16xf32>
        %add3A_1051 = arith.addf %add3A_1043, %gather3A_1050 : vector<16xf32>
        %select_n3A_1052 = arith.select %eq3A_1019, %add3A_1051, %select_n3A_967 : vector<16xi1>, vector<16xf32>
        %add3A_1053 = arith.constant 10 : i32
        %add3A_1054 = arith.addi %mul3A_200, %add3A_1053 : i32
        %get3A_1055 = arith.index_cast %add3A_1054 : i32 to index
        %get3A_1056 = arith.constant 0 : index
        %get3A_1057 = tpu.vector_load %arg8[%get3A_1055, %get3A_1056] {strides = array<i32>} : memref<128x128xf32, #tpu.memory_space<vmem>>, vector<1x16xf32>,
        %get3A_1058 = vector.shape_cast %get3A_1057 : vector<1x16xf32> to vector<16xf32>
        %mul3A_1059 = arith.mulf %get3A_1058, %get3A_6 : vector<16xf32>
        %get3A_1060 = arith.index_cast %add3A_1054 : i32 to index
        %get3A_1061 = arith.constant 16 : index
        %get3A_1062 = tpu.vector_load %arg8[%get3A_1060, %get3A_1061] {strides = array<i32>} : memref<128x128xf32, #tpu.memory_space<vmem>>, vector<1x16xf32>,
        %get3A_1063 = vector.shape_cast %get3A_1062 : vector<1x16xf32> to vector<16xf32>
        %mul3A_1064 = arith.mulf %get3A_1063, %get3A_9 : vector<16xf32>
        %add3A_1065 = arith.addf %mul3A_1059, %mul3A_1064 : vector<16xf32>
        %get3A_1066 = arith.index_cast %add3A_1054 : i32 to index
        %get3A_1067 = arith.constant 32 : index
        %get3A_1068 = tpu.vector_load %arg8[%get3A_1066, %get3A_1067] {strides = array<i32>} : memref<128x128xf32, #tpu.memory_space<vmem>>, vector<1x16xf32>,
        %get3A_1069 = vector.shape_cast %get3A_1068 : vector<1x16xf32> to vector<16xf32>
        %mul3A_1070 = arith.mulf %get3A_1069, %get3A_12 : vector<16xf32>
        %add3A_1071 = arith.addf %add3A_1065, %mul3A_1070 : vector<16xf32>
        %get3A_1072 = arith.index_cast %add3A_1054 : i32 to index
        %get3A_1073 = arith.constant 48 : index
        %get3A_1074 = tpu.vector_load %arg8[%get3A_1072, %get3A_1073] {strides = array<i32>} : memref<128x128xf32, #tpu.memory_space<vmem>>, vector<1x16xf32>,
        %get3A_1075 = vector.shape_cast %get3A_1074 : vector<1x16xf32> to vector<16xf32>
        %mul3A_1076 = arith.mulf %get3A_1075, %get3A_15 : vector<16xf32>
        %add3A_1077 = arith.addf %add3A_1071, %mul3A_1076 : vector<16xf32>
        %get3A_1078 = arith.index_cast %add3A_1054 : i32 to index
        %get3A_1079 = arith.constant 64 : index
        %get3A_1080 = tpu.vector_load %arg8[%get3A_1078, %get3A_1079] {strides = array<i32>} : memref<128x128xf32, #tpu.memory_space<vmem>>, vector<1x16xf32>,
        %get3A_1081 = vector.shape_cast %get3A_1080 : vector<1x16xf32> to vector<16xf32>
        %mul3A_1082 = arith.mulf %get3A_1081, %get3A_18 : vector<16xf32>
        %add3A_1083 = arith.addf %add3A_1077, %mul3A_1082 : vector<16xf32>
        %get3A_1084 = arith.index_cast %add3A_1054 : i32 to index
        %get3A_1085 = arith.constant 80 : index
        %get3A_1086 = tpu.vector_load %arg8[%get3A_1084, %get3A_1085] {strides = array<i32>} : memref<128x128xf32, #tpu.memory_space<vmem>>, vector<1x16xf32>,
        %get3A_1087 = vector.shape_cast %get3A_1086 : vector<1x16xf32> to vector<16xf32>
        %mul3A_1088 = arith.mulf %get3A_1087, %get3A_21 : vector<16xf32>
        %add3A_1089 = arith.addf %add3A_1083, %mul3A_1088 : vector<16xf32>
        %get3A_1090 = arith.index_cast %add3A_1054 : i32 to index
        %get3A_1091 = arith.constant 96 : index
        %get3A_1092 = tpu.vector_load %arg8[%get3A_1090, %get3A_1091] {strides = array<i32>} : memref<128x128xf32, #tpu.memory_space<vmem>>, vector<1x16xf32>,
        %get3A_1093 = vector.shape_cast %get3A_1092 : vector<1x16xf32> to vector<16xf32>
        %mul3A_1094 = arith.mulf %get3A_1093, %get3A_24 : vector<16xf32>
        %add3A_1095 = arith.addf %add3A_1089, %mul3A_1094 : vector<16xf32>
        %get3A_1096 = arith.index_cast %add3A_1054 : i32 to index
        %get3A_1097 = arith.constant 112 : index
        %get3A_1098 = tpu.vector_load %arg8[%get3A_1096, %get3A_1097] {strides = array<i32>} : memref<128x128xf32, #tpu.memory_space<vmem>>, vector<1x16xf32>,
        %get3A_1099 = vector.shape_cast %get3A_1098 : vector<1x16xf32> to vector<16xf32>
        %mul3A_1100 = arith.mulf %get3A_1099, %get3A_27 : vector<16xf32>
        %add3A_1101 = arith.addf %add3A_1095, %mul3A_1100 : vector<16xf32>
        %eq3A_1102 = arith.constant 10 : i32
        %eq3A_1103 = vector.broadcast %eq3A_1102 : i32 to vector<16xi32>
        %eq3A_1104 = arith.cmpi eq, %iota3A, %eq3A_1103 : vector<16xi32>
        %iota3A_1105 = tpu.iota {dimensions = array<i32: 0>} : vector<16xi32>
        %xor3A_1106 = arith.constant 1 : i32
        %xor3A_1107 = vector.broadcast %xor3A_1106 : i32 to vector<16xi32>
        %xor3A_1108 = arith.xori %iota3A_1105, %xor3A_1107 : vector<16xi32>
        %broadcast_in_dim3A_1109 = vector.shape_cast %xor3A_1108 : vector<16xi32> to vector<16x1xi32>
        %gather3A_1110 = vector.shape_cast %broadcast_in_dim3A_1109 : vector<16x1xi32> to vector<16xi32>
        %gather3A_1111 = tpu.dynamic_gather %add3A_1101[%gather3A_1110] in [0] : vector<16xf32>, vector<16xi32> -> vector<16xf32>
        %add3A_1112 = arith.addf %add3A_1101, %gather3A_1111 : vector<16xf32>
        %iota3A_1113 = tpu.iota {dimensions = array<i32: 0>} : vector<16xi32>
        %xor3A_1114 = arith.constant 2 : i32
        %xor3A_1115 = vector.broadcast %xor3A_1114 : i32 to vector<16xi32>
        %xor3A_1116 = arith.xori %iota3A_1113, %xor3A_1115 : vector<16xi32>
        %broadcast_in_dim3A_1117 = vector.shape_cast %xor3A_1116 : vector<16xi32> to vector<16x1xi32>
        %gather3A_1118 = vector.shape_cast %broadcast_in_dim3A_1117 : vector<16x1xi32> to vector<16xi32>
        %gather3A_1119 = tpu.dynamic_gather %add3A_1112[%gather3A_1118] in [0] : vector<16xf32>, vector<16xi32> -> vector<16xf32>
        %add3A_1120 = arith.addf %add3A_1112, %gather3A_1119 : vector<16xf32>
        %iota3A_1121 = tpu.iota {dimensions = array<i32: 0>} : vector<16xi32>
        %xor3A_1122 = arith.constant 4 : i32
        %xor3A_1123 = vector.broadcast %xor3A_1122 : i32 to vector<16xi32>
        %xor3A_1124 = arith.xori %iota3A_1121, %xor3A_1123 : vector<16xi32>
        %broadcast_in_dim3A_1125 = vector.shape_cast %xor3A_1124 : vector<16xi32> to vector<16x1xi32>
        %gather3A_1126 = vector.shape_cast %broadcast_in_dim3A_1125 : vector<16x1xi32> to vector<16xi32>
        %gather3A_1127 = tpu.dynamic_gather %add3A_1120[%gather3A_1126] in [0] : vector<16xf32>, vector<16xi32> -> vector<16xf32>
        %add3A_1128 = arith.addf %add3A_1120, %gather3A_1127 : vector<16xf32>
        %iota3A_1129 = tpu.iota {dimensions = array<i32: 0>} : vector<16xi32>
        %xor3A_1130 = arith.constant 8 : i32
        %xor3A_1131 = vector.broadcast %xor3A_1130 : i32 to vector<16xi32>
        %xor3A_1132 = arith.xori %iota3A_1129, %xor3A_1131 : vector<16xi32>
        %broadcast_in_dim3A_1133 = vector.shape_cast %xor3A_1132 : vector<16xi32> to vector<16x1xi32>
        %gather3A_1134 = vector.shape_cast %broadcast_in_dim3A_1133 : vector<16x1xi32> to vector<16xi32>
        %gather3A_1135 = tpu.dynamic_gather %add3A_1128[%gather3A_1134] in [0] : vector<16xf32>, vector<16xi32> -> vector<16xf32>
        %add3A_1136 = arith.addf %add3A_1128, %gather3A_1135 : vector<16xf32>
        %select_n3A_1137 = arith.select %eq3A_1104, %add3A_1136, %select_n3A_1052 : vector<16xi1>, vector<16xf32>
        %add3A_1138 = arith.constant 11 : i32
        %add3A_1139 = arith.addi %mul3A_200, %add3A_1138 : i32
        %get3A_1140 = arith.index_cast %add3A_1139 : i32 to index
        %get3A_1141 = arith.constant 0 : index
        %get3A_1142 = tpu.vector_load %arg8[%get3A_1140, %get3A_1141] {strides = array<i32>} : memref<128x128xf32, #tpu.memory_space<vmem>>, vector<1x16xf32>,
        %get3A_1143 = vector.shape_cast %get3A_1142 : vector<1x16xf32> to vector<16xf32>
        %mul3A_1144 = arith.mulf %get3A_1143, %get3A_6 : vector<16xf32>
        %get3A_1145 = arith.index_cast %add3A_1139 : i32 to index
        %get3A_1146 = arith.constant 16 : index
        %get3A_1147 = tpu.vector_load %arg8[%get3A_1145, %get3A_1146] {strides = array<i32>} : memref<128x128xf32, #tpu.memory_space<vmem>>, vector<1x16xf32>,
        %get3A_1148 = vector.shape_cast %get3A_1147 : vector<1x16xf32> to vector<16xf32>
        %mul3A_1149 = arith.mulf %get3A_1148, %get3A_9 : vector<16xf32>
        %add3A_1150 = arith.addf %mul3A_1144, %mul3A_1149 : vector<16xf32>
        %get3A_1151 = arith.index_cast %add3A_1139 : i32 to index
        %get3A_1152 = arith.constant 32 : index
        %get3A_1153 = tpu.vector_load %arg8[%get3A_1151, %get3A_1152] {strides = array<i32>} : memref<128x128xf32, #tpu.memory_space<vmem>>, vector<1x16xf32>,
        %get3A_1154 = vector.shape_cast %get3A_1153 : vector<1x16xf32> to vector<16xf32>
        %mul3A_1155 = arith.mulf %get3A_1154, %get3A_12 : vector<16xf32>
        %add3A_1156 = arith.addf %add3A_1150, %mul3A_1155 : vector<16xf32>
        %get3A_1157 = arith.index_cast %add3A_1139 : i32 to index
        %get3A_1158 = arith.constant 48 : index
        %get3A_1159 = tpu.vector_load %arg8[%get3A_1157, %get3A_1158] {strides = array<i32>} : memref<128x128xf32, #tpu.memory_space<vmem>>, vector<1x16xf32>,
        %get3A_1160 = vector.shape_cast %get3A_1159 : vector<1x16xf32> to vector<16xf32>
        %mul3A_1161 = arith.mulf %get3A_1160, %get3A_15 : vector<16xf32>
        %add3A_1162 = arith.addf %add3A_1156, %mul3A_1161 : vector<16xf32>
        %get3A_1163 = arith.index_cast %add3A_1139 : i32 to index
        %get3A_1164 = arith.constant 64 : index
        %get3A_1165 = tpu.vector_load %arg8[%get3A_1163, %get3A_1164] {strides = array<i32>} : memref<128x128xf32, #tpu.memory_space<vmem>>, vector<1x16xf32>,
        %get3A_1166 = vector.shape_cast %get3A_1165 : vector<1x16xf32> to vector<16xf32>
        %mul3A_1167 = arith.mulf %get3A_1166, %get3A_18 : vector<16xf32>
        %add3A_1168 = arith.addf %add3A_1162, %mul3A_1167 : vector<16xf32>
        %get3A_1169 = arith.index_cast %add3A_1139 : i32 to index
        %get3A_1170 = arith.constant 80 : index
        %get3A_1171 = tpu.vector_load %arg8[%get3A_1169, %get3A_1170] {strides = array<i32>} : memref<128x128xf32, #tpu.memory_space<vmem>>, vector<1x16xf32>,
        %get3A_1172 = vector.shape_cast %get3A_1171 : vector<1x16xf32> to vector<16xf32>
        %mul3A_1173 = arith.mulf %get3A_1172, %get3A_21 : vector<16xf32>
        %add3A_1174 = arith.addf %add3A_1168, %mul3A_1173 : vector<16xf32>
        %get3A_1175 = arith.index_cast %add3A_1139 : i32 to index
        %get3A_1176 = arith.constant 96 : index
        %get3A_1177 = tpu.vector_load %arg8[%get3A_1175, %get3A_1176] {strides = array<i32>} : memref<128x128xf32, #tpu.memory_space<vmem>>, vector<1x16xf32>,
        %get3A_1178 = vector.shape_cast %get3A_1177 : vector<1x16xf32> to vector<16xf32>
        %mul3A_1179 = arith.mulf %get3A_1178, %get3A_24 : vector<16xf32>
        %add3A_1180 = arith.addf %add3A_1174, %mul3A_1179 : vector<16xf32>
        %get3A_1181 = arith.index_cast %add3A_1139 : i32 to index
        %get3A_1182 = arith.constant 112 : index
        %get3A_1183 = tpu.vector_load %arg8[%get3A_1181, %get3A_1182] {strides = array<i32>} : memref<128x128xf32, #tpu.memory_space<vmem>>, vector<1x16xf32>,
        %get3A_1184 = vector.shape_cast %get3A_1183 : vector<1x16xf32> to vector<16xf32>
        %mul3A_1185 = arith.mulf %get3A_1184, %get3A_27 : vector<16xf32>
        %add3A_1186 = arith.addf %add3A_1180, %mul3A_1185 : vector<16xf32>
        %eq3A_1187 = arith.constant 11 : i32
        %eq3A_1188 = vector.broadcast %eq3A_1187 : i32 to vector<16xi32>
        %eq3A_1189 = arith.cmpi eq, %iota3A, %eq3A_1188 : vector<16xi32>
        %iota3A_1190 = tpu.iota {dimensions = array<i32: 0>} : vector<16xi32>
        %xor3A_1191 = arith.constant 1 : i32
        %xor3A_1192 = vector.broadcast %xor3A_1191 : i32 to vector<16xi32>
        %xor3A_1193 = arith.xori %iota3A_1190, %xor3A_1192 : vector<16xi32>
        %broadcast_in_dim3A_1194 = vector.shape_cast %xor3A_1193 : vector<16xi32> to vector<16x1xi32>
        %gather3A_1195 = vector.shape_cast %broadcast_in_dim3A_1194 : vector<16x1xi32> to vector<16xi32>
        %gather3A_1196 = tpu.dynamic_gather %add3A_1186[%gather3A_1195] in [0] : vector<16xf32>, vector<16xi32> -> vector<16xf32>
        %add3A_1197 = arith.addf %add3A_1186, %gather3A_1196 : vector<16xf32>
        %iota3A_1198 = tpu.iota {dimensions = array<i32: 0>} : vector<16xi32>
        %xor3A_1199 = arith.constant 2 : i32
        %xor3A_1200 = vector.broadcast %xor3A_1199 : i32 to vector<16xi32>
        %xor3A_1201 = arith.xori %iota3A_1198, %xor3A_1200 : vector<16xi32>
        %broadcast_in_dim3A_1202 = vector.shape_cast %xor3A_1201 : vector<16xi32> to vector<16x1xi32>
        %gather3A_1203 = vector.shape_cast %broadcast_in_dim3A_1202 : vector<16x1xi32> to vector<16xi32>
        %gather3A_1204 = tpu.dynamic_gather %add3A_1197[%gather3A_1203] in [0] : vector<16xf32>, vector<16xi32> -> vector<16xf32>
        %add3A_1205 = arith.addf %add3A_1197, %gather3A_1204 : vector<16xf32>
        %iota3A_1206 = tpu.iota {dimensions = array<i32: 0>} : vector<16xi32>
        %xor3A_1207 = arith.constant 4 : i32
        %xor3A_1208 = vector.broadcast %xor3A_1207 : i32 to vector<16xi32>
        %xor3A_1209 = arith.xori %iota3A_1206, %xor3A_1208 : vector<16xi32>
        %broadcast_in_dim3A_1210 = vector.shape_cast %xor3A_1209 : vector<16xi32> to vector<16x1xi32>
        %gather3A_1211 = vector.shape_cast %broadcast_in_dim3A_1210 : vector<16x1xi32> to vector<16xi32>
        %gather3A_1212 = tpu.dynamic_gather %add3A_1205[%gather3A_1211] in [0] : vector<16xf32>, vector<16xi32> -> vector<16xf32>
        %add3A_1213 = arith.addf %add3A_1205, %gather3A_1212 : vector<16xf32>
        %iota3A_1214 = tpu.iota {dimensions = array<i32: 0>} : vector<16xi32>
        %xor3A_1215 = arith.constant 8 : i32
        %xor3A_1216 = vector.broadcast %xor3A_1215 : i32 to vector<16xi32>
        %xor3A_1217 = arith.xori %iota3A_1214, %xor3A_1216 : vector<16xi32>
        %broadcast_in_dim3A_1218 = vector.shape_cast %xor3A_1217 : vector<16xi32> to vector<16x1xi32>
        %gather3A_1219 = vector.shape_cast %broadcast_in_dim3A_1218 : vector<16x1xi32> to vector<16xi32>
        %gather3A_1220 = tpu.dynamic_gather %add3A_1213[%gather3A_1219] in [0] : vector<16xf32>, vector<16xi32> -> vector<16xf32>
        %add3A_1221 = arith.addf %add3A_1213, %gather3A_1220 : vector<16xf32>
        %select_n3A_1222 = arith.select %eq3A_1189, %add3A_1221, %select_n3A_1137 : vector<16xi1>, vector<16xf32>
        %add3A_1223 = arith.constant 12 : i32
        %add3A_1224 = arith.addi %mul3A_200, %add3A_1223 : i32
        %get3A_1225 = arith.index_cast %add3A_1224 : i32 to index
        %get3A_1226 = arith.constant 0 : index
        %get3A_1227 = tpu.vector_load %arg8[%get3A_1225, %get3A_1226] {strides = array<i32>} : memref<128x128xf32, #tpu.memory_space<vmem>>, vector<1x16xf32>,
        %get3A_1228 = vector.shape_cast %get3A_1227 : vector<1x16xf32> to vector<16xf32>
        %mul3A_1229 = arith.mulf %get3A_1228, %get3A_6 : vector<16xf32>
        %get3A_1230 = arith.index_cast %add3A_1224 : i32 to index
        %get3A_1231 = arith.constant 16 : index
        %get3A_1232 = tpu.vector_load %arg8[%get3A_1230, %get3A_1231] {strides = array<i32>} : memref<128x128xf32, #tpu.memory_space<vmem>>, vector<1x16xf32>,
        %get3A_1233 = vector.shape_cast %get3A_1232 : vector<1x16xf32> to vector<16xf32>
        %mul3A_1234 = arith.mulf %get3A_1233, %get3A_9 : vector<16xf32>
        %add3A_1235 = arith.addf %mul3A_1229, %mul3A_1234 : vector<16xf32>
        %get3A_1236 = arith.index_cast %add3A_1224 : i32 to index
        %get3A_1237 = arith.constant 32 : index
        %get3A_1238 = tpu.vector_load %arg8[%get3A_1236, %get3A_1237] {strides = array<i32>} : memref<128x128xf32, #tpu.memory_space<vmem>>, vector<1x16xf32>,
        %get3A_1239 = vector.shape_cast %get3A_1238 : vector<1x16xf32> to vector<16xf32>
        %mul3A_1240 = arith.mulf %get3A_1239, %get3A_12 : vector<16xf32>
        %add3A_1241 = arith.addf %add3A_1235, %mul3A_1240 : vector<16xf32>
        %get3A_1242 = arith.index_cast %add3A_1224 : i32 to index
        %get3A_1243 = arith.constant 48 : index
        %get3A_1244 = tpu.vector_load %arg8[%get3A_1242, %get3A_1243] {strides = array<i32>} : memref<128x128xf32, #tpu.memory_space<vmem>>, vector<1x16xf32>,
        %get3A_1245 = vector.shape_cast %get3A_1244 : vector<1x16xf32> to vector<16xf32>
        %mul3A_1246 = arith.mulf %get3A_1245, %get3A_15 : vector<16xf32>
        %add3A_1247 = arith.addf %add3A_1241, %mul3A_1246 : vector<16xf32>
        %get3A_1248 = arith.index_cast %add3A_1224 : i32 to index
        %get3A_1249 = arith.constant 64 : index
        %get3A_1250 = tpu.vector_load %arg8[%get3A_1248, %get3A_1249] {strides = array<i32>} : memref<128x128xf32, #tpu.memory_space<vmem>>, vector<1x16xf32>,
        %get3A_1251 = vector.shape_cast %get3A_1250 : vector<1x16xf32> to vector<16xf32>
        %mul3A_1252 = arith.mulf %get3A_1251, %get3A_18 : vector<16xf32>
        %add3A_1253 = arith.addf %add3A_1247, %mul3A_1252 : vector<16xf32>
        %get3A_1254 = arith.index_cast %add3A_1224 : i32 to index
        %get3A_1255 = arith.constant 80 : index
        %get3A_1256 = tpu.vector_load %arg8[%get3A_1254, %get3A_1255] {strides = array<i32>} : memref<128x128xf32, #tpu.memory_space<vmem>>, vector<1x16xf32>,
        %get3A_1257 = vector.shape_cast %get3A_1256 : vector<1x16xf32> to vector<16xf32>
        %mul3A_1258 = arith.mulf %get3A_1257, %get3A_21 : vector<16xf32>
        %add3A_1259 = arith.addf %add3A_1253, %mul3A_1258 : vector<16xf32>
        %get3A_1260 = arith.index_cast %add3A_1224 : i32 to index
        %get3A_1261 = arith.constant 96 : index
        %get3A_1262 = tpu.vector_load %arg8[%get3A_1260, %get3A_1261] {strides = array<i32>} : memref<128x128xf32, #tpu.memory_space<vmem>>, vector<1x16xf32>,
        %get3A_1263 = vector.shape_cast %get3A_1262 : vector<1x16xf32> to vector<16xf32>
        %mul3A_1264 = arith.mulf %get3A_1263, %get3A_24 : vector<16xf32>
        %add3A_1265 = arith.addf %add3A_1259, %mul3A_1264 : vector<16xf32>
        %get3A_1266 = arith.index_cast %add3A_1224 : i32 to index
        %get3A_1267 = arith.constant 112 : index
        %get3A_1268 = tpu.vector_load %arg8[%get3A_1266, %get3A_1267] {strides = array<i32>} : memref<128x128xf32, #tpu.memory_space<vmem>>, vector<1x16xf32>,
        %get3A_1269 = vector.shape_cast %get3A_1268 : vector<1x16xf32> to vector<16xf32>
        %mul3A_1270 = arith.mulf %get3A_1269, %get3A_27 : vector<16xf32>
        %add3A_1271 = arith.addf %add3A_1265, %mul3A_1270 : vector<16xf32>
        %eq3A_1272 = arith.constant 12 : i32
        %eq3A_1273 = vector.broadcast %eq3A_1272 : i32 to vector<16xi32>
        %eq3A_1274 = arith.cmpi eq, %iota3A, %eq3A_1273 : vector<16xi32>
        %iota3A_1275 = tpu.iota {dimensions = array<i32: 0>} : vector<16xi32>
        %xor3A_1276 = arith.constant 1 : i32
        %xor3A_1277 = vector.broadcast %xor3A_1276 : i32 to vector<16xi32>
        %xor3A_1278 = arith.xori %iota3A_1275, %xor3A_1277 : vector<16xi32>
        %broadcast_in_dim3A_1279 = vector.shape_cast %xor3A_1278 : vector<16xi32> to vector<16x1xi32>
        %gather3A_1280 = vector.shape_cast %broadcast_in_dim3A_1279 : vector<16x1xi32> to vector<16xi32>
        %gather3A_1281 = tpu.dynamic_gather %add3A_1271[%gather3A_1280] in [0] : vector<16xf32>, vector<16xi32> -> vector<16xf32>
        %add3A_1282 = arith.addf %add3A_1271, %gather3A_1281 : vector<16xf32>
        %iota3A_1283 = tpu.iota {dimensions = array<i32: 0>} : vector<16xi32>
        %xor3A_1284 = arith.constant 2 : i32
        %xor3A_1285 = vector.broadcast %xor3A_1284 : i32 to vector<16xi32>
        %xor3A_1286 = arith.xori %iota3A_1283, %xor3A_1285 : vector<16xi32>
        %broadcast_in_dim3A_1287 = vector.shape_cast %xor3A_1286 : vector<16xi32> to vector<16x1xi32>
        %gather3A_1288 = vector.shape_cast %broadcast_in_dim3A_1287 : vector<16x1xi32> to vector<16xi32>
        %gather3A_1289 = tpu.dynamic_gather %add3A_1282[%gather3A_1288] in [0] : vector<16xf32>, vector<16xi32> -> vector<16xf32>
        %add3A_1290 = arith.addf %add3A_1282, %gather3A_1289 : vector<16xf32>
        %iota3A_1291 = tpu.iota {dimensions = array<i32: 0>} : vector<16xi32>
        %xor3A_1292 = arith.constant 4 : i32
        %xor3A_1293 = vector.broadcast %xor3A_1292 : i32 to vector<16xi32>
        %xor3A_1294 = arith.xori %iota3A_1291, %xor3A_1293 : vector<16xi32>
        %broadcast_in_dim3A_1295 = vector.shape_cast %xor3A_1294 : vector<16xi32> to vector<16x1xi32>
        %gather3A_1296 = vector.shape_cast %broadcast_in_dim3A_1295 : vector<16x1xi32> to vector<16xi32>
        %gather3A_1297 = tpu.dynamic_gather %add3A_1290[%gather3A_1296] in [0] : vector<16xf32>, vector<16xi32> -> vector<16xf32>
        %add3A_1298 = arith.addf %add3A_1290, %gather3A_1297 : vector<16xf32>
        %iota3A_1299 = tpu.iota {dimensions = array<i32: 0>} : vector<16xi32>
        %xor3A_1300 = arith.constant 8 : i32
        %xor3A_1301 = vector.broadcast %xor3A_1300 : i32 to vector<16xi32>
        %xor3A_1302 = arith.xori %iota3A_1299, %xor3A_1301 : vector<16xi32>
        %broadcast_in_dim3A_1303 = vector.shape_cast %xor3A_1302 : vector<16xi32> to vector<16x1xi32>
        %gather3A_1304 = vector.shape_cast %broadcast_in_dim3A_1303 : vector<16x1xi32> to vector<16xi32>
        %gather3A_1305 = tpu.dynamic_gather %add3A_1298[%gather3A_1304] in [0] : vector<16xf32>, vector<16xi32> -> vector<16xf32>
        %add3A_1306 = arith.addf %add3A_1298, %gather3A_1305 : vector<16xf32>
        %select_n3A_1307 = arith.select %eq3A_1274, %add3A_1306, %select_n3A_1222 : vector<16xi1>, vector<16xf32>
        %add3A_1308 = arith.constant 13 : i32
        %add3A_1309 = arith.addi %mul3A_200, %add3A_1308 : i32
        %get3A_1310 = arith.index_cast %add3A_1309 : i32 to index
        %get3A_1311 = arith.constant 0 : index
        %get3A_1312 = tpu.vector_load %arg8[%get3A_1310, %get3A_1311] {strides = array<i32>} : memref<128x128xf32, #tpu.memory_space<vmem>>, vector<1x16xf32>,
        %get3A_1313 = vector.shape_cast %get3A_1312 : vector<1x16xf32> to vector<16xf32>
        %mul3A_1314 = arith.mulf %get3A_1313, %get3A_6 : vector<16xf32>
        %get3A_1315 = arith.index_cast %add3A_1309 : i32 to index
        %get3A_1316 = arith.constant 16 : index
        %get3A_1317 = tpu.vector_load %arg8[%get3A_1315, %get3A_1316] {strides = array<i32>} : memref<128x128xf32, #tpu.memory_space<vmem>>, vector<1x16xf32>,
        %get3A_1318 = vector.shape_cast %get3A_1317 : vector<1x16xf32> to vector<16xf32>
        %mul3A_1319 = arith.mulf %get3A_1318, %get3A_9 : vector<16xf32>
        %add3A_1320 = arith.addf %mul3A_1314, %mul3A_1319 : vector<16xf32>
        %get3A_1321 = arith.index_cast %add3A_1309 : i32 to index
        %get3A_1322 = arith.constant 32 : index
        %get3A_1323 = tpu.vector_load %arg8[%get3A_1321, %get3A_1322] {strides = array<i32>} : memref<128x128xf32, #tpu.memory_space<vmem>>, vector<1x16xf32>,
        %get3A_1324 = vector.shape_cast %get3A_1323 : vector<1x16xf32> to vector<16xf32>
        %mul3A_1325 = arith.mulf %get3A_1324, %get3A_12 : vector<16xf32>
        %add3A_1326 = arith.addf %add3A_1320, %mul3A_1325 : vector<16xf32>
        %get3A_1327 = arith.index_cast %add3A_1309 : i32 to index
        %get3A_1328 = arith.constant 48 : index
        %get3A_1329 = tpu.vector_load %arg8[%get3A_1327, %get3A_1328] {strides = array<i32>} : memref<128x128xf32, #tpu.memory_space<vmem>>, vector<1x16xf32>,
        %get3A_1330 = vector.shape_cast %get3A_1329 : vector<1x16xf32> to vector<16xf32>
        %mul3A_1331 = arith.mulf %get3A_1330, %get3A_15 : vector<16xf32>
        %add3A_1332 = arith.addf %add3A_1326, %mul3A_1331 : vector<16xf32>
        %get3A_1333 = arith.index_cast %add3A_1309 : i32 to index
        %get3A_1334 = arith.constant 64 : index
        %get3A_1335 = tpu.vector_load %arg8[%get3A_1333, %get3A_1334] {strides = array<i32>} : memref<128x128xf32, #tpu.memory_space<vmem>>, vector<1x16xf32>,
        %get3A_1336 = vector.shape_cast %get3A_1335 : vector<1x16xf32> to vector<16xf32>
        %mul3A_1337 = arith.mulf %get3A_1336, %get3A_18 : vector<16xf32>
        %add3A_1338 = arith.addf %add3A_1332, %mul3A_1337 : vector<16xf32>
        %get3A_1339 = arith.index_cast %add3A_1309 : i32 to index
        %get3A_1340 = arith.constant 80 : index
        %get3A_1341 = tpu.vector_load %arg8[%get3A_1339, %get3A_1340] {strides = array<i32>} : memref<128x128xf32, #tpu.memory_space<vmem>>, vector<1x16xf32>,
        %get3A_1342 = vector.shape_cast %get3A_1341 : vector<1x16xf32> to vector<16xf32>
        %mul3A_1343 = arith.mulf %get3A_1342, %get3A_21 : vector<16xf32>
        %add3A_1344 = arith.addf %add3A_1338, %mul3A_1343 : vector<16xf32>
        %get3A_1345 = arith.index_cast %add3A_1309 : i32 to index
        %get3A_1346 = arith.constant 96 : index
        %get3A_1347 = tpu.vector_load %arg8[%get3A_1345, %get3A_1346] {strides = array<i32>} : memref<128x128xf32, #tpu.memory_space<vmem>>, vector<1x16xf32>,
        %get3A_1348 = vector.shape_cast %get3A_1347 : vector<1x16xf32> to vector<16xf32>
        %mul3A_1349 = arith.mulf %get3A_1348, %get3A_24 : vector<16xf32>
        %add3A_1350 = arith.addf %add3A_1344, %mul3A_1349 : vector<16xf32>
        %get3A_1351 = arith.index_cast %add3A_1309 : i32 to index
        %get3A_1352 = arith.constant 112 : index
        %get3A_1353 = tpu.vector_load %arg8[%get3A_1351, %get3A_1352] {strides = array<i32>} : memref<128x128xf32, #tpu.memory_space<vmem>>, vector<1x16xf32>,
        %get3A_1354 = vector.shape_cast %get3A_1353 : vector<1x16xf32> to vector<16xf32>
        %mul3A_1355 = arith.mulf %get3A_1354, %get3A_27 : vector<16xf32>
        %add3A_1356 = arith.addf %add3A_1350, %mul3A_1355 : vector<16xf32>
        %eq3A_1357 = arith.constant 13 : i32
        %eq3A_1358 = vector.broadcast %eq3A_1357 : i32 to vector<16xi32>
        %eq3A_1359 = arith.cmpi eq, %iota3A, %eq3A_1358 : vector<16xi32>
        %iota3A_1360 = tpu.iota {dimensions = array<i32: 0>} : vector<16xi32>
        %xor3A_1361 = arith.constant 1 : i32
        %xor3A_1362 = vector.broadcast %xor3A_1361 : i32 to vector<16xi32>
        %xor3A_1363 = arith.xori %iota3A_1360, %xor3A_1362 : vector<16xi32>
        %broadcast_in_dim3A_1364 = vector.shape_cast %xor3A_1363 : vector<16xi32> to vector<16x1xi32>
        %gather3A_1365 = vector.shape_cast %broadcast_in_dim3A_1364 : vector<16x1xi32> to vector<16xi32>
        %gather3A_1366 = tpu.dynamic_gather %add3A_1356[%gather3A_1365] in [0] : vector<16xf32>, vector<16xi32> -> vector<16xf32>
        %add3A_1367 = arith.addf %add3A_1356, %gather3A_1366 : vector<16xf32>
        %iota3A_1368 = tpu.iota {dimensions = array<i32: 0>} : vector<16xi32>
        %xor3A_1369 = arith.constant 2 : i32
        %xor3A_1370 = vector.broadcast %xor3A_1369 : i32 to vector<16xi32>
        %xor3A_1371 = arith.xori %iota3A_1368, %xor3A_1370 : vector<16xi32>
        %broadcast_in_dim3A_1372 = vector.shape_cast %xor3A_1371 : vector<16xi32> to vector<16x1xi32>
        %gather3A_1373 = vector.shape_cast %broadcast_in_dim3A_1372 : vector<16x1xi32> to vector<16xi32>
        %gather3A_1374 = tpu.dynamic_gather %add3A_1367[%gather3A_1373] in [0] : vector<16xf32>, vector<16xi32> -> vector<16xf32>
        %add3A_1375 = arith.addf %add3A_1367, %gather3A_1374 : vector<16xf32>
        %iota3A_1376 = tpu.iota {dimensions = array<i32: 0>} : vector<16xi32>
        %xor3A_1377 = arith.constant 4 : i32
        %xor3A_1378 = vector.broadcast %xor3A_1377 : i32 to vector<16xi32>
        %xor3A_1379 = arith.xori %iota3A_1376, %xor3A_1378 : vector<16xi32>
        %broadcast_in_dim3A_1380 = vector.shape_cast %xor3A_1379 : vector<16xi32> to vector<16x1xi32>
        %gather3A_1381 = vector.shape_cast %broadcast_in_dim3A_1380 : vector<16x1xi32> to vector<16xi32>
        %gather3A_1382 = tpu.dynamic_gather %add3A_1375[%gather3A_1381] in [0] : vector<16xf32>, vector<16xi32> -> vector<16xf32>
        %add3A_1383 = arith.addf %add3A_1375, %gather3A_1382 : vector<16xf32>
        %iota3A_1384 = tpu.iota {dimensions = array<i32: 0>} : vector<16xi32>
        %xor3A_1385 = arith.constant 8 : i32
        %xor3A_1386 = vector.broadcast %xor3A_1385 : i32 to vector<16xi32>
        %xor3A_1387 = arith.xori %iota3A_1384, %xor3A_1386 : vector<16xi32>
        %broadcast_in_dim3A_1388 = vector.shape_cast %xor3A_1387 : vector<16xi32> to vector<16x1xi32>
        %gather3A_1389 = vector.shape_cast %broadcast_in_dim3A_1388 : vector<16x1xi32> to vector<16xi32>
        %gather3A_1390 = tpu.dynamic_gather %add3A_1383[%gather3A_1389] in [0] : vector<16xf32>, vector<16xi32> -> vector<16xf32>
        %add3A_1391 = arith.addf %add3A_1383, %gather3A_1390 : vector<16xf32>
        %select_n3A_1392 = arith.select %eq3A_1359, %add3A_1391, %select_n3A_1307 : vector<16xi1>, vector<16xf32>
        %add3A_1393 = arith.constant 14 : i32
        %add3A_1394 = arith.addi %mul3A_200, %add3A_1393 : i32
        %get3A_1395 = arith.index_cast %add3A_1394 : i32 to index
        %get3A_1396 = arith.constant 0 : index
        %get3A_1397 = tpu.vector_load %arg8[%get3A_1395, %get3A_1396] {strides = array<i32>} : memref<128x128xf32, #tpu.memory_space<vmem>>, vector<1x16xf32>,
        %get3A_1398 = vector.shape_cast %get3A_1397 : vector<1x16xf32> to vector<16xf32>
        %mul3A_1399 = arith.mulf %get3A_1398, %get3A_6 : vector<16xf32>
        %get3A_1400 = arith.index_cast %add3A_1394 : i32 to index
        %get3A_1401 = arith.constant 16 : index
        %get3A_1402 = tpu.vector_load %arg8[%get3A_1400, %get3A_1401] {strides = array<i32>} : memref<128x128xf32, #tpu.memory_space<vmem>>, vector<1x16xf32>,
        %get3A_1403 = vector.shape_cast %get3A_1402 : vector<1x16xf32> to vector<16xf32>
        %mul3A_1404 = arith.mulf %get3A_1403, %get3A_9 : vector<16xf32>
        %add3A_1405 = arith.addf %mul3A_1399, %mul3A_1404 : vector<16xf32>
        %get3A_1406 = arith.index_cast %add3A_1394 : i32 to index
        %get3A_1407 = arith.constant 32 : index
        %get3A_1408 = tpu.vector_load %arg8[%get3A_1406, %get3A_1407] {strides = array<i32>} : memref<128x128xf32, #tpu.memory_space<vmem>>, vector<1x16xf32>,
        %get3A_1409 = vector.shape_cast %get3A_1408 : vector<1x16xf32> to vector<16xf32>
        %mul3A_1410 = arith.mulf %get3A_1409, %get3A_12 : vector<16xf32>
        %add3A_1411 = arith.addf %add3A_1405, %mul3A_1410 : vector<16xf32>
        %get3A_1412 = arith.index_cast %add3A_1394 : i32 to index
        %get3A_1413 = arith.constant 48 : index
        %get3A_1414 = tpu.vector_load %arg8[%get3A_1412, %get3A_1413] {strides = array<i32>} : memref<128x128xf32, #tpu.memory_space<vmem>>, vector<1x16xf32>,
        %get3A_1415 = vector.shape_cast %get3A_1414 : vector<1x16xf32> to vector<16xf32>
        %mul3A_1416 = arith.mulf %get3A_1415, %get3A_15 : vector<16xf32>
        %add3A_1417 = arith.addf %add3A_1411, %mul3A_1416 : vector<16xf32>
        %get3A_1418 = arith.index_cast %add3A_1394 : i32 to index
        %get3A_1419 = arith.constant 64 : index
        %get3A_1420 = tpu.vector_load %arg8[%get3A_1418, %get3A_1419] {strides = array<i32>} : memref<128x128xf32, #tpu.memory_space<vmem>>, vector<1x16xf32>,
        %get3A_1421 = vector.shape_cast %get3A_1420 : vector<1x16xf32> to vector<16xf32>
        %mul3A_1422 = arith.mulf %get3A_1421, %get3A_18 : vector<16xf32>
        %add3A_1423 = arith.addf %add3A_1417, %mul3A_1422 : vector<16xf32>
        %get3A_1424 = arith.index_cast %add3A_1394 : i32 to index
        %get3A_1425 = arith.constant 80 : index
        %get3A_1426 = tpu.vector_load %arg8[%get3A_1424, %get3A_1425] {strides = array<i32>} : memref<128x128xf32, #tpu.memory_space<vmem>>, vector<1x16xf32>,
        %get3A_1427 = vector.shape_cast %get3A_1426 : vector<1x16xf32> to vector<16xf32>
        %mul3A_1428 = arith.mulf %get3A_1427, %get3A_21 : vector<16xf32>
        %add3A_1429 = arith.addf %add3A_1423, %mul3A_1428 : vector<16xf32>
        %get3A_1430 = arith.index_cast %add3A_1394 : i32 to index
        %get3A_1431 = arith.constant 96 : index
        %get3A_1432 = tpu.vector_load %arg8[%get3A_1430, %get3A_1431] {strides = array<i32>} : memref<128x128xf32, #tpu.memory_space<vmem>>, vector<1x16xf32>,
        %get3A_1433 = vector.shape_cast %get3A_1432 : vector<1x16xf32> to vector<16xf32>
        %mul3A_1434 = arith.mulf %get3A_1433, %get3A_24 : vector<16xf32>
        %add3A_1435 = arith.addf %add3A_1429, %mul3A_1434 : vector<16xf32>
        %get3A_1436 = arith.index_cast %add3A_1394 : i32 to index
        %get3A_1437 = arith.constant 112 : index
        %get3A_1438 = tpu.vector_load %arg8[%get3A_1436, %get3A_1437] {strides = array<i32>} : memref<128x128xf32, #tpu.memory_space<vmem>>, vector<1x16xf32>,
        %get3A_1439 = vector.shape_cast %get3A_1438 : vector<1x16xf32> to vector<16xf32>
        %mul3A_1440 = arith.mulf %get3A_1439, %get3A_27 : vector<16xf32>
        %add3A_1441 = arith.addf %add3A_1435, %mul3A_1440 : vector<16xf32>
        %eq3A_1442 = arith.constant 14 : i32
        %eq3A_1443 = vector.broadcast %eq3A_1442 : i32 to vector<16xi32>
        %eq3A_1444 = arith.cmpi eq, %iota3A, %eq3A_1443 : vector<16xi32>
        %iota3A_1445 = tpu.iota {dimensions = array<i32: 0>} : vector<16xi32>
        %xor3A_1446 = arith.constant 1 : i32
        %xor3A_1447 = vector.broadcast %xor3A_1446 : i32 to vector<16xi32>
        %xor3A_1448 = arith.xori %iota3A_1445, %xor3A_1447 : vector<16xi32>
        %broadcast_in_dim3A_1449 = vector.shape_cast %xor3A_1448 : vector<16xi32> to vector<16x1xi32>
        %gather3A_1450 = vector.shape_cast %broadcast_in_dim3A_1449 : vector<16x1xi32> to vector<16xi32>
        %gather3A_1451 = tpu.dynamic_gather %add3A_1441[%gather3A_1450] in [0] : vector<16xf32>, vector<16xi32> -> vector<16xf32>
        %add3A_1452 = arith.addf %add3A_1441, %gather3A_1451 : vector<16xf32>
        %iota3A_1453 = tpu.iota {dimensions = array<i32: 0>} : vector<16xi32>
        %xor3A_1454 = arith.constant 2 : i32
        %xor3A_1455 = vector.broadcast %xor3A_1454 : i32 to vector<16xi32>
        %xor3A_1456 = arith.xori %iota3A_1453, %xor3A_1455 : vector<16xi32>
        %broadcast_in_dim3A_1457 = vector.shape_cast %xor3A_1456 : vector<16xi32> to vector<16x1xi32>
        %gather3A_1458 = vector.shape_cast %broadcast_in_dim3A_1457 : vector<16x1xi32> to vector<16xi32>
        %gather3A_1459 = tpu.dynamic_gather %add3A_1452[%gather3A_1458] in [0] : vector<16xf32>, vector<16xi32> -> vector<16xf32>
        %add3A_1460 = arith.addf %add3A_1452, %gather3A_1459 : vector<16xf32>
        %iota3A_1461 = tpu.iota {dimensions = array<i32: 0>} : vector<16xi32>
        %xor3A_1462 = arith.constant 4 : i32
        %xor3A_1463 = vector.broadcast %xor3A_1462 : i32 to vector<16xi32>
        %xor3A_1464 = arith.xori %iota3A_1461, %xor3A_1463 : vector<16xi32>
        %broadcast_in_dim3A_1465 = vector.shape_cast %xor3A_1464 : vector<16xi32> to vector<16x1xi32>
        %gather3A_1466 = vector.shape_cast %broadcast_in_dim3A_1465 : vector<16x1xi32> to vector<16xi32>
        %gather3A_1467 = tpu.dynamic_gather %add3A_1460[%gather3A_1466] in [0] : vector<16xf32>, vector<16xi32> -> vector<16xf32>
        %add3A_1468 = arith.addf %add3A_1460, %gather3A_1467 : vector<16xf32>
        %iota3A_1469 = tpu.iota {dimensions = array<i32: 0>} : vector<16xi32>
        %xor3A_1470 = arith.constant 8 : i32
        %xor3A_1471 = vector.broadcast %xor3A_1470 : i32 to vector<16xi32>
        %xor3A_1472 = arith.xori %iota3A_1469, %xor3A_1471 : vector<16xi32>
        %broadcast_in_dim3A_1473 = vector.shape_cast %xor3A_1472 : vector<16xi32> to vector<16x1xi32>
        %gather3A_1474 = vector.shape_cast %broadcast_in_dim3A_1473 : vector<16x1xi32> to vector<16xi32>
        %gather3A_1475 = tpu.dynamic_gather %add3A_1468[%gather3A_1474] in [0] : vector<16xf32>, vector<16xi32> -> vector<16xf32>
        %add3A_1476 = arith.addf %add3A_1468, %gather3A_1475 : vector<16xf32>
        %select_n3A_1477 = arith.select %eq3A_1444, %add3A_1476, %select_n3A_1392 : vector<16xi1>, vector<16xf32>
        %add3A_1478 = arith.constant 15 : i32
        %add3A_1479 = arith.addi %mul3A_200, %add3A_1478 : i32
        %get3A_1480 = arith.index_cast %add3A_1479 : i32 to index
        %get3A_1481 = arith.constant 0 : index
        %get3A_1482 = tpu.vector_load %arg8[%get3A_1480, %get3A_1481] {strides = array<i32>} : memref<128x128xf32, #tpu.memory_space<vmem>>, vector<1x16xf32>,
        %get3A_1483 = vector.shape_cast %get3A_1482 : vector<1x16xf32> to vector<16xf32>
        %mul3A_1484 = arith.mulf %get3A_1483, %get3A_6 : vector<16xf32>
        %get3A_1485 = arith.index_cast %add3A_1479 : i32 to index
        %get3A_1486 = arith.constant 16 : index
        %get3A_1487 = tpu.vector_load %arg8[%get3A_1485, %get3A_1486] {strides = array<i32>} : memref<128x128xf32, #tpu.memory_space<vmem>>, vector<1x16xf32>,
        %get3A_1488 = vector.shape_cast %get3A_1487 : vector<1x16xf32> to vector<16xf32>
        %mul3A_1489 = arith.mulf %get3A_1488, %get3A_9 : vector<16xf32>
        %add3A_1490 = arith.addf %mul3A_1484, %mul3A_1489 : vector<16xf32>
        %get3A_1491 = arith.index_cast %add3A_1479 : i32 to index
        %get3A_1492 = arith.constant 32 : index
        %get3A_1493 = tpu.vector_load %arg8[%get3A_1491, %get3A_1492] {strides = array<i32>} : memref<128x128xf32, #tpu.memory_space<vmem>>, vector<1x16xf32>,
        %get3A_1494 = vector.shape_cast %get3A_1493 : vector<1x16xf32> to vector<16xf32>
        %mul3A_1495 = arith.mulf %get3A_1494, %get3A_12 : vector<16xf32>
        %add3A_1496 = arith.addf %add3A_1490, %mul3A_1495 : vector<16xf32>
        %get3A_1497 = arith.index_cast %add3A_1479 : i32 to index
        %get3A_1498 = arith.constant 48 : index
        %get3A_1499 = tpu.vector_load %arg8[%get3A_1497, %get3A_1498] {strides = array<i32>} : memref<128x128xf32, #tpu.memory_space<vmem>>, vector<1x16xf32>,
        %get3A_1500 = vector.shape_cast %get3A_1499 : vector<1x16xf32> to vector<16xf32>
        %mul3A_1501 = arith.mulf %get3A_1500, %get3A_15 : vector<16xf32>
        %add3A_1502 = arith.addf %add3A_1496, %mul3A_1501 : vector<16xf32>
        %get3A_1503 = arith.index_cast %add3A_1479 : i32 to index
        %get3A_1504 = arith.constant 64 : index
        %get3A_1505 = tpu.vector_load %arg8[%get3A_1503, %get3A_1504] {strides = array<i32>} : memref<128x128xf32, #tpu.memory_space<vmem>>, vector<1x16xf32>,
        %get3A_1506 = vector.shape_cast %get3A_1505 : vector<1x16xf32> to vector<16xf32>
        %mul3A_1507 = arith.mulf %get3A_1506, %get3A_18 : vector<16xf32>
        %add3A_1508 = arith.addf %add3A_1502, %mul3A_1507 : vector<16xf32>
        %get3A_1509 = arith.index_cast %add3A_1479 : i32 to index
        %get3A_1510 = arith.constant 80 : index
        %get3A_1511 = tpu.vector_load %arg8[%get3A_1509, %get3A_1510] {strides = array<i32>} : memref<128x128xf32, #tpu.memory_space<vmem>>, vector<1x16xf32>,
        %get3A_1512 = vector.shape_cast %get3A_1511 : vector<1x16xf32> to vector<16xf32>
        %mul3A_1513 = arith.mulf %get3A_1512, %get3A_21 : vector<16xf32>
        %add3A_1514 = arith.addf %add3A_1508, %mul3A_1513 : vector<16xf32>
        %get3A_1515 = arith.index_cast %add3A_1479 : i32 to index
        %get3A_1516 = arith.constant 96 : index
        %get3A_1517 = tpu.vector_load %arg8[%get3A_1515, %get3A_1516] {strides = array<i32>} : memref<128x128xf32, #tpu.memory_space<vmem>>, vector<1x16xf32>,
        %get3A_1518 = vector.shape_cast %get3A_1517 : vector<1x16xf32> to vector<16xf32>
        %mul3A_1519 = arith.mulf %get3A_1518, %get3A_24 : vector<16xf32>
        %add3A_1520 = arith.addf %add3A_1514, %mul3A_1519 : vector<16xf32>
        %get3A_1521 = arith.index_cast %add3A_1479 : i32 to index
        %get3A_1522 = arith.constant 112 : index
        %get3A_1523 = tpu.vector_load %arg8[%get3A_1521, %get3A_1522] {strides = array<i32>} : memref<128x128xf32, #tpu.memory_space<vmem>>, vector<1x16xf32>,
        %get3A_1524 = vector.shape_cast %get3A_1523 : vector<1x16xf32> to vector<16xf32>
        %mul3A_1525 = arith.mulf %get3A_1524, %get3A_27 : vector<16xf32>
        %add3A_1526 = arith.addf %add3A_1520, %mul3A_1525 : vector<16xf32>
        %eq3A_1527 = arith.constant 15 : i32
        %eq3A_1528 = vector.broadcast %eq3A_1527 : i32 to vector<16xi32>
        %eq3A_1529 = arith.cmpi eq, %iota3A, %eq3A_1528 : vector<16xi32>
        %iota3A_1530 = tpu.iota {dimensions = array<i32: 0>} : vector<16xi32>
        %xor3A_1531 = arith.constant 1 : i32
        %xor3A_1532 = vector.broadcast %xor3A_1531 : i32 to vector<16xi32>
        %xor3A_1533 = arith.xori %iota3A_1530, %xor3A_1532 : vector<16xi32>
        %broadcast_in_dim3A_1534 = vector.shape_cast %xor3A_1533 : vector<16xi32> to vector<16x1xi32>
        %gather3A_1535 = vector.shape_cast %broadcast_in_dim3A_1534 : vector<16x1xi32> to vector<16xi32>
        %gather3A_1536 = tpu.dynamic_gather %add3A_1526[%gather3A_1535] in [0] : vector<16xf32>, vector<16xi32> -> vector<16xf32>
        %add3A_1537 = arith.addf %add3A_1526, %gather3A_1536 : vector<16xf32>
        %iota3A_1538 = tpu.iota {dimensions = array<i32: 0>} : vector<16xi32>
        %xor3A_1539 = arith.constant 2 : i32
        %xor3A_1540 = vector.broadcast %xor3A_1539 : i32 to vector<16xi32>
        %xor3A_1541 = arith.xori %iota3A_1538, %xor3A_1540 : vector<16xi32>
        %broadcast_in_dim3A_1542 = vector.shape_cast %xor3A_1541 : vector<16xi32> to vector<16x1xi32>
        %gather3A_1543 = vector.shape_cast %broadcast_in_dim3A_1542 : vector<16x1xi32> to vector<16xi32>
        %gather3A_1544 = tpu.dynamic_gather %add3A_1537[%gather3A_1543] in [0] : vector<16xf32>, vector<16xi32> -> vector<16xf32>
        %add3A_1545 = arith.addf %add3A_1537, %gather3A_1544 : vector<16xf32>
        %iota3A_1546 = tpu.iota {dimensions = array<i32: 0>} : vector<16xi32>
        %xor3A_1547 = arith.constant 4 : i32
        %xor3A_1548 = vector.broadcast %xor3A_1547 : i32 to vector<16xi32>
        %xor3A_1549 = arith.xori %iota3A_1546, %xor3A_1548 : vector<16xi32>
        %broadcast_in_dim3A_1550 = vector.shape_cast %xor3A_1549 : vector<16xi32> to vector<16x1xi32>
        %gather3A_1551 = vector.shape_cast %broadcast_in_dim3A_1550 : vector<16x1xi32> to vector<16xi32>
        %gather3A_1552 = tpu.dynamic_gather %add3A_1545[%gather3A_1551] in [0] : vector<16xf32>, vector<16xi32> -> vector<16xf32>
        %add3A_1553 = arith.addf %add3A_1545, %gather3A_1552 : vector<16xf32>
        %iota3A_1554 = tpu.iota {dimensions = array<i32: 0>} : vector<16xi32>
        %xor3A_1555 = arith.constant 8 : i32
        %xor3A_1556 = vector.broadcast %xor3A_1555 : i32 to vector<16xi32>
        %xor3A_1557 = arith.xori %iota3A_1554, %xor3A_1556 : vector<16xi32>
        %broadcast_in_dim3A_1558 = vector.shape_cast %xor3A_1557 : vector<16xi32> to vector<16x1xi32>
        %gather3A_1559 = vector.shape_cast %broadcast_in_dim3A_1558 : vector<16x1xi32> to vector<16xi32>
        %gather3A_1560 = tpu.dynamic_gather %add3A_1553[%gather3A_1559] in [0] : vector<16xf32>, vector<16xi32> -> vector<16xf32>
        %add3A_1561 = arith.addf %add3A_1553, %gather3A_1560 : vector<16xf32>
        %select_n3A_1562 = arith.select %eq3A_1529, %add3A_1561, %select_n3A_1477 : vector<16xi1>, vector<16xf32>
        %mul3A_1563 = arith.constant 128 : i32
        %mul3A_1564 = arith.muli %add3A_151, %mul3A_1563 : i32
        %add3A_1565 = arith.addi %mul3A_1564, %mul3A_200 : i32
        %get3A_1566 = arith.index_cast %add3A_1565 : i32 to index
        %get3A_1567 = tpu.vector_load %arg11[%get3A_1566] {strides = array<i32>} : memref<768xf32, #tpu.memory_space<vmem>>, vector<16xf32>,
        %get3A_1568 = vector.shape_cast %get3A_1567 : vector<16xf32> to vector<16xf32>
        %add3A_1569 = arith.addf %select_n3A_1562, %get3A_1568 : vector<16xf32>
        %swap3A_1570 = arith.index_cast %add3A_1565 : i32 to index
        %swap3A_1571 = tpu.vector_load %arg10[%swap3A_1570] {strides = array<i32>} : memref<768xf32, #tpu.memory_space<vmem>>, vector<16xf32>,
        %swap3A_1572 = vector.shape_cast %swap3A_1571 : vector<16xf32> to vector<16xf32>
        %swap3A_1573 = vector.shape_cast %add3A_1569 : vector<16xf32> to vector<16xf32>
        tpu.vector_store %arg10[%swap3A_1570], %swap3A_1573 {strides = array<i32>} : memref<768xf32, #tpu.memory_space<vmem>>, vector<16xf32>,
        %scan3A_1574 = arith.constant 0 : i32
        scf.yield %scan3A_1574 : i32
      }
      %scan3A_165 = arith.constant 8 : i32
      %add3A_166 = arith.constant 2 : i32
      %add3A_167 = arith.addi %add3A_151, %add3A_166 : i32
      %lt3A = arith.constant 6 : i32
      %lt3A_168 = arith.cmpi slt, %add3A_167, %lt3A : i32
      %convert_element_type3A = arith.extui %lt3A_168 : i1 to i32
      %cond3A = arith.constant 0 : i32
      %cond3A_169 = arith.cmpi ne, %convert_element_type3A, %cond3A : i32
      scf.if %cond3A_169 {
        %add3A_197 = arith.constant 2 : i32
        %add3A_198 = arith.addi %add3A_151, %add3A_197 : i32
        %mul3A_199 = arith.constant 128 : i32
        %mul3A_200 = arith.muli %add3A_198, %mul3A_199 : i32
        %add3A_201 = arith.addi %add3A_4, %mul3A_200 : i32
        %multiple_of3A_202 = tpu.assume_multiple %add3A_201, 8 : i32
        %dma_start3A_203 = arith.constant 0 : i32
        %dma_start3A_204 = tpu.memref_slice %arg3[%multiple_of3A_202, %dma_start3A_203] : memref<100000x128xf32, #tpu.memory_space<hbm>> -> memref<128x128xf32, #tpu.memory_space<hbm>>
        %dma_start3A_205 = arith.constant 0 : i32
        %dma_start3A_206 = tpu.memref_slice %arg3[%multiple_of3A_202, %dma_start3A_205] : memref<100000x128xf32, #tpu.memory_space<hbm>> -> memref<128x128xf32, #tpu.memory_space<hbm>>
        tpu.enqueue_dma source(%dma_start3A_206 : memref<128x128xf32, #tpu.memory_space<hbm>>) target(%arg8 : memref<128x128xf32, #tpu.memory_space<vmem>>) target_semaphore(%arg13 : memref<!tpu.dma_semaphore, #tpu.memory_space<semaphore_mem>>)
      } else {
      }
      %mul3A_170 = arith.constant 2 : i32
      %mul3A_171 = arith.muli %scan3A_146, %mul3A_170 : i32
      %add3A_172 = arith.constant 1 : i32
      %add3A_173 = arith.addi %mul3A_171, %add3A_172 : i32
      %mul3A_174 = arith.constant 128 : i32
      %mul3A_175 = arith.muli %add3A_173, %mul3A_174 : i32
      %add3A_176 = arith.addi %add3A_4, %mul3A_175 : i32
      %multiple_of3A_177 = tpu.assume_multiple %add3A_176, 8 : i32
      %dma_wait3A_178 = arith.constant 0 : i32
      %dma_wait3A_179 = tpu.memref_slice %arg3[%multiple_of3A_177, %dma_wait3A_178] : memref<100000x128xf32, #tpu.memory_space<hbm>> -> memref<128x128xf32, #tpu.memory_space<hbm>>
      %dma_wait3A_180 = arith.constant 0 : i32
      %dma_wait3A_181 = tpu.memref_slice %arg3[%multiple_of3A_177, %dma_wait3A_180] : memref<100000x128xf32, #tpu.memory_space<hbm>> -> memref<128x128xf32, #tpu.memory_space<hbm>>
      tpu.wait_dma2 semaphore(%arg14 : memref<!tpu.dma_semaphore, #tpu.memory_space<semaphore_mem>>) src(%dma_wait3A_181 : memref<128x128xf32, #tpu.memory_space<hbm>>) dst(%arg9 : memref<128x128xf32, #tpu.memory_space<vmem>>)
      %scan3A_182 = arith.constant 0 : i32
      %scan3A_183 = arith.constant 0 : i32
      %scan3A_184 = arith.constant 8 : i32
      %scan3A_185 = arith.addi %scan3A_183, %scan3A_184 : i32
      %scan3A_186 = arith.constant 1 : i32
      %scan3A_187 = scf.for %scan3A_197 = %scan3A_183 to %scan3A_185 step %scan3A_186 iter_args(%scan3A_198 = %scan3A_182) -> (i32)  : i32 {
        %mul3A_199 = arith.constant 16 : i32
        %mul3A_200 = arith.muli %scan3A_197, %mul3A_199 : i32
        %broadcast_in_dim3A_201 = arith.constant 0.000000e+00 : f32
        %broadcast_in_dim3A_202 = vector.broadcast %broadcast_in_dim3A_201 : f32 to vector<16xf32>
        %add3A_203 = arith.constant 0 : i32
        %add3A_204 = arith.addi %mul3A_200, %add3A_203 : i32
        %get3A_205 = arith.index_cast %add3A_204 : i32 to index
        %get3A_206 = arith.constant 0 : index
        %get3A_207 = tpu.vector_load %arg9[%get3A_205, %get3A_206] {strides = array<i32>} : memref<128x128xf32, #tpu.memory_space<vmem>>, vector<1x16xf32>,
        %get3A_208 = vector.shape_cast %get3A_207 : vector<1x16xf32> to vector<16xf32>
        %mul3A_209 = arith.mulf %get3A_208, %get3A_6 : vector<16xf32>
        %get3A_210 = arith.index_cast %add3A_204 : i32 to index
        %get3A_211 = arith.constant 16 : index
        %get3A_212 = tpu.vector_load %arg9[%get3A_210, %get3A_211] {strides = array<i32>} : memref<128x128xf32, #tpu.memory_space<vmem>>, vector<1x16xf32>,
        %get3A_213 = vector.shape_cast %get3A_212 : vector<1x16xf32> to vector<16xf32>
        %mul3A_214 = arith.mulf %get3A_213, %get3A_9 : vector<16xf32>
        %add3A_215 = arith.addf %mul3A_209, %mul3A_214 : vector<16xf32>
        %get3A_216 = arith.index_cast %add3A_204 : i32 to index
        %get3A_217 = arith.constant 32 : index
        %get3A_218 = tpu.vector_load %arg9[%get3A_216, %get3A_217] {strides = array<i32>} : memref<128x128xf32, #tpu.memory_space<vmem>>, vector<1x16xf32>,
        %get3A_219 = vector.shape_cast %get3A_218 : vector<1x16xf32> to vector<16xf32>
        %mul3A_220 = arith.mulf %get3A_219, %get3A_12 : vector<16xf32>
        %add3A_221 = arith.addf %add3A_215, %mul3A_220 : vector<16xf32>
        %get3A_222 = arith.index_cast %add3A_204 : i32 to index
        %get3A_223 = arith.constant 48 : index
        %get3A_224 = tpu.vector_load %arg9[%get3A_222, %get3A_223] {strides = array<i32>} : memref<128x128xf32, #tpu.memory_space<vmem>>, vector<1x16xf32>,
        %get3A_225 = vector.shape_cast %get3A_224 : vector<1x16xf32> to vector<16xf32>
        %mul3A_226 = arith.mulf %get3A_225, %get3A_15 : vector<16xf32>
        %add3A_227 = arith.addf %add3A_221, %mul3A_226 : vector<16xf32>
        %get3A_228 = arith.index_cast %add3A_204 : i32 to index
        %get3A_229 = arith.constant 64 : index
        %get3A_230 = tpu.vector_load %arg9[%get3A_228, %get3A_229] {strides = array<i32>} : memref<128x128xf32, #tpu.memory_space<vmem>>, vector<1x16xf32>,
        %get3A_231 = vector.shape_cast %get3A_230 : vector<1x16xf32> to vector<16xf32>
        %mul3A_232 = arith.mulf %get3A_231, %get3A_18 : vector<16xf32>
        %add3A_233 = arith.addf %add3A_227, %mul3A_232 : vector<16xf32>
        %get3A_234 = arith.index_cast %add3A_204 : i32 to index
        %get3A_235 = arith.constant 80 : index
        %get3A_236 = tpu.vector_load %arg9[%get3A_234, %get3A_235] {strides = array<i32>} : memref<128x128xf32, #tpu.memory_space<vmem>>, vector<1x16xf32>,
        %get3A_237 = vector.shape_cast %get3A_236 : vector<1x16xf32> to vector<16xf32>
        %mul3A_238 = arith.mulf %get3A_237, %get3A_21 : vector<16xf32>
        %add3A_239 = arith.addf %add3A_233, %mul3A_238 : vector<16xf32>
        %get3A_240 = arith.index_cast %add3A_204 : i32 to index
        %get3A_241 = arith.constant 96 : index
        %get3A_242 = tpu.vector_load %arg9[%get3A_240, %get3A_241] {strides = array<i32>} : memref<128x128xf32, #tpu.memory_space<vmem>>, vector<1x16xf32>,
        %get3A_243 = vector.shape_cast %get3A_242 : vector<1x16xf32> to vector<16xf32>
        %mul3A_244 = arith.mulf %get3A_243, %get3A_24 : vector<16xf32>
        %add3A_245 = arith.addf %add3A_239, %mul3A_244 : vector<16xf32>
        %get3A_246 = arith.index_cast %add3A_204 : i32 to index
        %get3A_247 = arith.constant 112 : index
        %get3A_248 = tpu.vector_load %arg9[%get3A_246, %get3A_247] {strides = array<i32>} : memref<128x128xf32, #tpu.memory_space<vmem>>, vector<1x16xf32>,
        %get3A_249 = vector.shape_cast %get3A_248 : vector<1x16xf32> to vector<16xf32>
        %mul3A_250 = arith.mulf %get3A_249, %get3A_27 : vector<16xf32>
        %add3A_251 = arith.addf %add3A_245, %mul3A_250 : vector<16xf32>
        %eq3A_252 = arith.constant 0 : i32
        %eq3A_253 = vector.broadcast %eq3A_252 : i32 to vector<16xi32>
        %eq3A_254 = arith.cmpi eq, %iota3A, %eq3A_253 : vector<16xi32>
        %iota3A_255 = tpu.iota {dimensions = array<i32: 0>} : vector<16xi32>
        %xor3A_256 = arith.constant 1 : i32
        %xor3A_257 = vector.broadcast %xor3A_256 : i32 to vector<16xi32>
        %xor3A_258 = arith.xori %iota3A_255, %xor3A_257 : vector<16xi32>
        %broadcast_in_dim3A_259 = vector.shape_cast %xor3A_258 : vector<16xi32> to vector<16x1xi32>
        %gather3A_260 = vector.shape_cast %broadcast_in_dim3A_259 : vector<16x1xi32> to vector<16xi32>
        %gather3A_261 = tpu.dynamic_gather %add3A_251[%gather3A_260] in [0] : vector<16xf32>, vector<16xi32> -> vector<16xf32>
        %add3A_262 = arith.addf %add3A_251, %gather3A_261 : vector<16xf32>
        %iota3A_263 = tpu.iota {dimensions = array<i32: 0>} : vector<16xi32>
        %xor3A_264 = arith.constant 2 : i32
        %xor3A_265 = vector.broadcast %xor3A_264 : i32 to vector<16xi32>
        %xor3A_266 = arith.xori %iota3A_263, %xor3A_265 : vector<16xi32>
        %broadcast_in_dim3A_267 = vector.shape_cast %xor3A_266 : vector<16xi32> to vector<16x1xi32>
        %gather3A_268 = vector.shape_cast %broadcast_in_dim3A_267 : vector<16x1xi32> to vector<16xi32>
        %gather3A_269 = tpu.dynamic_gather %add3A_262[%gather3A_268] in [0] : vector<16xf32>, vector<16xi32> -> vector<16xf32>
        %add3A_270 = arith.addf %add3A_262, %gather3A_269 : vector<16xf32>
        %iota3A_271 = tpu.iota {dimensions = array<i32: 0>} : vector<16xi32>
        %xor3A_272 = arith.constant 4 : i32
        %xor3A_273 = vector.broadcast %xor3A_272 : i32 to vector<16xi32>
        %xor3A_274 = arith.xori %iota3A_271, %xor3A_273 : vector<16xi32>
        %broadcast_in_dim3A_275 = vector.shape_cast %xor3A_274 : vector<16xi32> to vector<16x1xi32>
        %gather3A_276 = vector.shape_cast %broadcast_in_dim3A_275 : vector<16x1xi32> to vector<16xi32>
        %gather3A_277 = tpu.dynamic_gather %add3A_270[%gather3A_276] in [0] : vector<16xf32>, vector<16xi32> -> vector<16xf32>
        %add3A_278 = arith.addf %add3A_270, %gather3A_277 : vector<16xf32>
        %iota3A_279 = tpu.iota {dimensions = array<i32: 0>} : vector<16xi32>
        %xor3A_280 = arith.constant 8 : i32
        %xor3A_281 = vector.broadcast %xor3A_280 : i32 to vector<16xi32>
        %xor3A_282 = arith.xori %iota3A_279, %xor3A_281 : vector<16xi32>
        %broadcast_in_dim3A_283 = vector.shape_cast %xor3A_282 : vector<16xi32> to vector<16x1xi32>
        %gather3A_284 = vector.shape_cast %broadcast_in_dim3A_283 : vector<16x1xi32> to vector<16xi32>
        %gather3A_285 = tpu.dynamic_gather %add3A_278[%gather3A_284] in [0] : vector<16xf32>, vector<16xi32> -> vector<16xf32>
        %add3A_286 = arith.addf %add3A_278, %gather3A_285 : vector<16xf32>
        %select_n3A_287 = arith.select %eq3A_254, %add3A_286, %broadcast_in_dim3A_202 : vector<16xi1>, vector<16xf32>
        %add3A_288 = arith.constant 1 : i32
        %add3A_289 = arith.addi %mul3A_200, %add3A_288 : i32
        %get3A_290 = arith.index_cast %add3A_289 : i32 to index
        %get3A_291 = arith.constant 0 : index
        %get3A_292 = tpu.vector_load %arg9[%get3A_290, %get3A_291] {strides = array<i32>} : memref<128x128xf32, #tpu.memory_space<vmem>>, vector<1x16xf32>,
        %get3A_293 = vector.shape_cast %get3A_292 : vector<1x16xf32> to vector<16xf32>
        %mul3A_294 = arith.mulf %get3A_293, %get3A_6 : vector<16xf32>
        %get3A_295 = arith.index_cast %add3A_289 : i32 to index
        %get3A_296 = arith.constant 16 : index
        %get3A_297 = tpu.vector_load %arg9[%get3A_295, %get3A_296] {strides = array<i32>} : memref<128x128xf32, #tpu.memory_space<vmem>>, vector<1x16xf32>,
        %get3A_298 = vector.shape_cast %get3A_297 : vector<1x16xf32> to vector<16xf32>
        %mul3A_299 = arith.mulf %get3A_298, %get3A_9 : vector<16xf32>
        %add3A_300 = arith.addf %mul3A_294, %mul3A_299 : vector<16xf32>
        %get3A_301 = arith.index_cast %add3A_289 : i32 to index
        %get3A_302 = arith.constant 32 : index
        %get3A_303 = tpu.vector_load %arg9[%get3A_301, %get3A_302] {strides = array<i32>} : memref<128x128xf32, #tpu.memory_space<vmem>>, vector<1x16xf32>,
        %get3A_304 = vector.shape_cast %get3A_303 : vector<1x16xf32> to vector<16xf32>
        %mul3A_305 = arith.mulf %get3A_304, %get3A_12 : vector<16xf32>
        %add3A_306 = arith.addf %add3A_300, %mul3A_305 : vector<16xf32>
        %get3A_307 = arith.index_cast %add3A_289 : i32 to index
        %get3A_308 = arith.constant 48 : index
        %get3A_309 = tpu.vector_load %arg9[%get3A_307, %get3A_308] {strides = array<i32>} : memref<128x128xf32, #tpu.memory_space<vmem>>, vector<1x16xf32>,
        %get3A_310 = vector.shape_cast %get3A_309 : vector<1x16xf32> to vector<16xf32>
        %mul3A_311 = arith.mulf %get3A_310, %get3A_15 : vector<16xf32>
        %add3A_312 = arith.addf %add3A_306, %mul3A_311 : vector<16xf32>
        %get3A_313 = arith.index_cast %add3A_289 : i32 to index
        %get3A_314 = arith.constant 64 : index
        %get3A_315 = tpu.vector_load %arg9[%get3A_313, %get3A_314] {strides = array<i32>} : memref<128x128xf32, #tpu.memory_space<vmem>>, vector<1x16xf32>,
        %get3A_316 = vector.shape_cast %get3A_315 : vector<1x16xf32> to vector<16xf32>
        %mul3A_317 = arith.mulf %get3A_316, %get3A_18 : vector<16xf32>
        %add3A_318 = arith.addf %add3A_312, %mul3A_317 : vector<16xf32>
        %get3A_319 = arith.index_cast %add3A_289 : i32 to index
        %get3A_320 = arith.constant 80 : index
        %get3A_321 = tpu.vector_load %arg9[%get3A_319, %get3A_320] {strides = array<i32>} : memref<128x128xf32, #tpu.memory_space<vmem>>, vector<1x16xf32>,
        %get3A_322 = vector.shape_cast %get3A_321 : vector<1x16xf32> to vector<16xf32>
        %mul3A_323 = arith.mulf %get3A_322, %get3A_21 : vector<16xf32>
        %add3A_324 = arith.addf %add3A_318, %mul3A_323 : vector<16xf32>
        %get3A_325 = arith.index_cast %add3A_289 : i32 to index
        %get3A_326 = arith.constant 96 : index
        %get3A_327 = tpu.vector_load %arg9[%get3A_325, %get3A_326] {strides = array<i32>} : memref<128x128xf32, #tpu.memory_space<vmem>>, vector<1x16xf32>,
        %get3A_328 = vector.shape_cast %get3A_327 : vector<1x16xf32> to vector<16xf32>
        %mul3A_329 = arith.mulf %get3A_328, %get3A_24 : vector<16xf32>
        %add3A_330 = arith.addf %add3A_324, %mul3A_329 : vector<16xf32>
        %get3A_331 = arith.index_cast %add3A_289 : i32 to index
        %get3A_332 = arith.constant 112 : index
        %get3A_333 = tpu.vector_load %arg9[%get3A_331, %get3A_332] {strides = array<i32>} : memref<128x128xf32, #tpu.memory_space<vmem>>, vector<1x16xf32>,
        %get3A_334 = vector.shape_cast %get3A_333 : vector<1x16xf32> to vector<16xf32>
        %mul3A_335 = arith.mulf %get3A_334, %get3A_27 : vector<16xf32>
        %add3A_336 = arith.addf %add3A_330, %mul3A_335 : vector<16xf32>
        %eq3A_337 = arith.constant 1 : i32
        %eq3A_338 = vector.broadcast %eq3A_337 : i32 to vector<16xi32>
        %eq3A_339 = arith.cmpi eq, %iota3A, %eq3A_338 : vector<16xi32>
        %iota3A_340 = tpu.iota {dimensions = array<i32: 0>} : vector<16xi32>
        %xor3A_341 = arith.constant 1 : i32
        %xor3A_342 = vector.broadcast %xor3A_341 : i32 to vector<16xi32>
        %xor3A_343 = arith.xori %iota3A_340, %xor3A_342 : vector<16xi32>
        %broadcast_in_dim3A_344 = vector.shape_cast %xor3A_343 : vector<16xi32> to vector<16x1xi32>
        %gather3A_345 = vector.shape_cast %broadcast_in_dim3A_344 : vector<16x1xi32> to vector<16xi32>
        %gather3A_346 = tpu.dynamic_gather %add3A_336[%gather3A_345] in [0] : vector<16xf32>, vector<16xi32> -> vector<16xf32>
        %add3A_347 = arith.addf %add3A_336, %gather3A_346 : vector<16xf32>
        %iota3A_348 = tpu.iota {dimensions = array<i32: 0>} : vector<16xi32>
        %xor3A_349 = arith.constant 2 : i32
        %xor3A_350 = vector.broadcast %xor3A_349 : i32 to vector<16xi32>
        %xor3A_351 = arith.xori %iota3A_348, %xor3A_350 : vector<16xi32>
        %broadcast_in_dim3A_352 = vector.shape_cast %xor3A_351 : vector<16xi32> to vector<16x1xi32>
        %gather3A_353 = vector.shape_cast %broadcast_in_dim3A_352 : vector<16x1xi32> to vector<16xi32>
        %gather3A_354 = tpu.dynamic_gather %add3A_347[%gather3A_353] in [0] : vector<16xf32>, vector<16xi32> -> vector<16xf32>
        %add3A_355 = arith.addf %add3A_347, %gather3A_354 : vector<16xf32>
        %iota3A_356 = tpu.iota {dimensions = array<i32: 0>} : vector<16xi32>
        %xor3A_357 = arith.constant 4 : i32
        %xor3A_358 = vector.broadcast %xor3A_357 : i32 to vector<16xi32>
        %xor3A_359 = arith.xori %iota3A_356, %xor3A_358 : vector<16xi32>
        %broadcast_in_dim3A_360 = vector.shape_cast %xor3A_359 : vector<16xi32> to vector<16x1xi32>
        %gather3A_361 = vector.shape_cast %broadcast_in_dim3A_360 : vector<16x1xi32> to vector<16xi32>
        %gather3A_362 = tpu.dynamic_gather %add3A_355[%gather3A_361] in [0] : vector<16xf32>, vector<16xi32> -> vector<16xf32>
        %add3A_363 = arith.addf %add3A_355, %gather3A_362 : vector<16xf32>
        %iota3A_364 = tpu.iota {dimensions = array<i32: 0>} : vector<16xi32>
        %xor3A_365 = arith.constant 8 : i32
        %xor3A_366 = vector.broadcast %xor3A_365 : i32 to vector<16xi32>
        %xor3A_367 = arith.xori %iota3A_364, %xor3A_366 : vector<16xi32>
        %broadcast_in_dim3A_368 = vector.shape_cast %xor3A_367 : vector<16xi32> to vector<16x1xi32>
        %gather3A_369 = vector.shape_cast %broadcast_in_dim3A_368 : vector<16x1xi32> to vector<16xi32>
        %gather3A_370 = tpu.dynamic_gather %add3A_363[%gather3A_369] in [0] : vector<16xf32>, vector<16xi32> -> vector<16xf32>
        %add3A_371 = arith.addf %add3A_363, %gather3A_370 : vector<16xf32>
        %select_n3A_372 = arith.select %eq3A_339, %add3A_371, %select_n3A_287 : vector<16xi1>, vector<16xf32>
        %add3A_373 = arith.constant 2 : i32
        %add3A_374 = arith.addi %mul3A_200, %add3A_373 : i32
        %get3A_375 = arith.index_cast %add3A_374 : i32 to index
        %get3A_376 = arith.constant 0 : index
        %get3A_377 = tpu.vector_load %arg9[%get3A_375, %get3A_376] {strides = array<i32>} : memref<128x128xf32, #tpu.memory_space<vmem>>, vector<1x16xf32>,
        %get3A_378 = vector.shape_cast %get3A_377 : vector<1x16xf32> to vector<16xf32>
        %mul3A_379 = arith.mulf %get3A_378, %get3A_6 : vector<16xf32>
        %get3A_380 = arith.index_cast %add3A_374 : i32 to index
        %get3A_381 = arith.constant 16 : index
        %get3A_382 = tpu.vector_load %arg9[%get3A_380, %get3A_381] {strides = array<i32>} : memref<128x128xf32, #tpu.memory_space<vmem>>, vector<1x16xf32>,
        %get3A_383 = vector.shape_cast %get3A_382 : vector<1x16xf32> to vector<16xf32>
        %mul3A_384 = arith.mulf %get3A_383, %get3A_9 : vector<16xf32>
        %add3A_385 = arith.addf %mul3A_379, %mul3A_384 : vector<16xf32>
        %get3A_386 = arith.index_cast %add3A_374 : i32 to index
        %get3A_387 = arith.constant 32 : index
        %get3A_388 = tpu.vector_load %arg9[%get3A_386, %get3A_387] {strides = array<i32>} : memref<128x128xf32, #tpu.memory_space<vmem>>, vector<1x16xf32>,
        %get3A_389 = vector.shape_cast %get3A_388 : vector<1x16xf32> to vector<16xf32>
        %mul3A_390 = arith.mulf %get3A_389, %get3A_12 : vector<16xf32>
        %add3A_391 = arith.addf %add3A_385, %mul3A_390 : vector<16xf32>
        %get3A_392 = arith.index_cast %add3A_374 : i32 to index
        %get3A_393 = arith.constant 48 : index
        %get3A_394 = tpu.vector_load %arg9[%get3A_392, %get3A_393] {strides = array<i32>} : memref<128x128xf32, #tpu.memory_space<vmem>>, vector<1x16xf32>,
        %get3A_395 = vector.shape_cast %get3A_394 : vector<1x16xf32> to vector<16xf32>
        %mul3A_396 = arith.mulf %get3A_395, %get3A_15 : vector<16xf32>
        %add3A_397 = arith.addf %add3A_391, %mul3A_396 : vector<16xf32>
        %get3A_398 = arith.index_cast %add3A_374 : i32 to index
        %get3A_399 = arith.constant 64 : index
        %get3A_400 = tpu.vector_load %arg9[%get3A_398, %get3A_399] {strides = array<i32>} : memref<128x128xf32, #tpu.memory_space<vmem>>, vector<1x16xf32>,
        %get3A_401 = vector.shape_cast %get3A_400 : vector<1x16xf32> to vector<16xf32>
        %mul3A_402 = arith.mulf %get3A_401, %get3A_18 : vector<16xf32>
        %add3A_403 = arith.addf %add3A_397, %mul3A_402 : vector<16xf32>
        %get3A_404 = arith.index_cast %add3A_374 : i32 to index
        %get3A_405 = arith.constant 80 : index
        %get3A_406 = tpu.vector_load %arg9[%get3A_404, %get3A_405] {strides = array<i32>} : memref<128x128xf32, #tpu.memory_space<vmem>>, vector<1x16xf32>,
        %get3A_407 = vector.shape_cast %get3A_406 : vector<1x16xf32> to vector<16xf32>
        %mul3A_408 = arith.mulf %get3A_407, %get3A_21 : vector<16xf32>
        %add3A_409 = arith.addf %add3A_403, %mul3A_408 : vector<16xf32>
        %get3A_410 = arith.index_cast %add3A_374 : i32 to index
        %get3A_411 = arith.constant 96 : index
        %get3A_412 = tpu.vector_load %arg9[%get3A_410, %get3A_411] {strides = array<i32>} : memref<128x128xf32, #tpu.memory_space<vmem>>, vector<1x16xf32>,
        %get3A_413 = vector.shape_cast %get3A_412 : vector<1x16xf32> to vector<16xf32>
        %mul3A_414 = arith.mulf %get3A_413, %get3A_24 : vector<16xf32>
        %add3A_415 = arith.addf %add3A_409, %mul3A_414 : vector<16xf32>
        %get3A_416 = arith.index_cast %add3A_374 : i32 to index
        %get3A_417 = arith.constant 112 : index
        %get3A_418 = tpu.vector_load %arg9[%get3A_416, %get3A_417] {strides = array<i32>} : memref<128x128xf32, #tpu.memory_space<vmem>>, vector<1x16xf32>,
        %get3A_419 = vector.shape_cast %get3A_418 : vector<1x16xf32> to vector<16xf32>
        %mul3A_420 = arith.mulf %get3A_419, %get3A_27 : vector<16xf32>
        %add3A_421 = arith.addf %add3A_415, %mul3A_420 : vector<16xf32>
        %eq3A_422 = arith.constant 2 : i32
        %eq3A_423 = vector.broadcast %eq3A_422 : i32 to vector<16xi32>
        %eq3A_424 = arith.cmpi eq, %iota3A, %eq3A_423 : vector<16xi32>
        %iota3A_425 = tpu.iota {dimensions = array<i32: 0>} : vector<16xi32>
        %xor3A_426 = arith.constant 1 : i32
        %xor3A_427 = vector.broadcast %xor3A_426 : i32 to vector<16xi32>
        %xor3A_428 = arith.xori %iota3A_425, %xor3A_427 : vector<16xi32>
        %broadcast_in_dim3A_429 = vector.shape_cast %xor3A_428 : vector<16xi32> to vector<16x1xi32>
        %gather3A_430 = vector.shape_cast %broadcast_in_dim3A_429 : vector<16x1xi32> to vector<16xi32>
        %gather3A_431 = tpu.dynamic_gather %add3A_421[%gather3A_430] in [0] : vector<16xf32>, vector<16xi32> -> vector<16xf32>
        %add3A_432 = arith.addf %add3A_421, %gather3A_431 : vector<16xf32>
        %iota3A_433 = tpu.iota {dimensions = array<i32: 0>} : vector<16xi32>
        %xor3A_434 = arith.constant 2 : i32
        %xor3A_435 = vector.broadcast %xor3A_434 : i32 to vector<16xi32>
        %xor3A_436 = arith.xori %iota3A_433, %xor3A_435 : vector<16xi32>
        %broadcast_in_dim3A_437 = vector.shape_cast %xor3A_436 : vector<16xi32> to vector<16x1xi32>
        %gather3A_438 = vector.shape_cast %broadcast_in_dim3A_437 : vector<16x1xi32> to vector<16xi32>
        %gather3A_439 = tpu.dynamic_gather %add3A_432[%gather3A_438] in [0] : vector<16xf32>, vector<16xi32> -> vector<16xf32>
        %add3A_440 = arith.addf %add3A_432, %gather3A_439 : vector<16xf32>
        %iota3A_441 = tpu.iota {dimensions = array<i32: 0>} : vector<16xi32>
        %xor3A_442 = arith.constant 4 : i32
        %xor3A_443 = vector.broadcast %xor3A_442 : i32 to vector<16xi32>
        %xor3A_444 = arith.xori %iota3A_441, %xor3A_443 : vector<16xi32>
        %broadcast_in_dim3A_445 = vector.shape_cast %xor3A_444 : vector<16xi32> to vector<16x1xi32>
        %gather3A_446 = vector.shape_cast %broadcast_in_dim3A_445 : vector<16x1xi32> to vector<16xi32>
        %gather3A_447 = tpu.dynamic_gather %add3A_440[%gather3A_446] in [0] : vector<16xf32>, vector<16xi32> -> vector<16xf32>
        %add3A_448 = arith.addf %add3A_440, %gather3A_447 : vector<16xf32>
        %iota3A_449 = tpu.iota {dimensions = array<i32: 0>} : vector<16xi32>
        %xor3A_450 = arith.constant 8 : i32
        %xor3A_451 = vector.broadcast %xor3A_450 : i32 to vector<16xi32>
        %xor3A_452 = arith.xori %iota3A_449, %xor3A_451 : vector<16xi32>
        %broadcast_in_dim3A_453 = vector.shape_cast %xor3A_452 : vector<16xi32> to vector<16x1xi32>
        %gather3A_454 = vector.shape_cast %broadcast_in_dim3A_453 : vector<16x1xi32> to vector<16xi32>
        %gather3A_455 = tpu.dynamic_gather %add3A_448[%gather3A_454] in [0] : vector<16xf32>, vector<16xi32> -> vector<16xf32>
        %add3A_456 = arith.addf %add3A_448, %gather3A_455 : vector<16xf32>
        %select_n3A_457 = arith.select %eq3A_424, %add3A_456, %select_n3A_372 : vector<16xi1>, vector<16xf32>
        %add3A_458 = arith.constant 3 : i32
        %add3A_459 = arith.addi %mul3A_200, %add3A_458 : i32
        %get3A_460 = arith.index_cast %add3A_459 : i32 to index
        %get3A_461 = arith.constant 0 : index
        %get3A_462 = tpu.vector_load %arg9[%get3A_460, %get3A_461] {strides = array<i32>} : memref<128x128xf32, #tpu.memory_space<vmem>>, vector<1x16xf32>,
        %get3A_463 = vector.shape_cast %get3A_462 : vector<1x16xf32> to vector<16xf32>
        %mul3A_464 = arith.mulf %get3A_463, %get3A_6 : vector<16xf32>
        %get3A_465 = arith.index_cast %add3A_459 : i32 to index
        %get3A_466 = arith.constant 16 : index
        %get3A_467 = tpu.vector_load %arg9[%get3A_465, %get3A_466] {strides = array<i32>} : memref<128x128xf32, #tpu.memory_space<vmem>>, vector<1x16xf32>,
        %get3A_468 = vector.shape_cast %get3A_467 : vector<1x16xf32> to vector<16xf32>
        %mul3A_469 = arith.mulf %get3A_468, %get3A_9 : vector<16xf32>
        %add3A_470 = arith.addf %mul3A_464, %mul3A_469 : vector<16xf32>
        %get3A_471 = arith.index_cast %add3A_459 : i32 to index
        %get3A_472 = arith.constant 32 : index
        %get3A_473 = tpu.vector_load %arg9[%get3A_471, %get3A_472] {strides = array<i32>} : memref<128x128xf32, #tpu.memory_space<vmem>>, vector<1x16xf32>,
        %get3A_474 = vector.shape_cast %get3A_473 : vector<1x16xf32> to vector<16xf32>
        %mul3A_475 = arith.mulf %get3A_474, %get3A_12 : vector<16xf32>
        %add3A_476 = arith.addf %add3A_470, %mul3A_475 : vector<16xf32>
        %get3A_477 = arith.index_cast %add3A_459 : i32 to index
        %get3A_478 = arith.constant 48 : index
        %get3A_479 = tpu.vector_load %arg9[%get3A_477, %get3A_478] {strides = array<i32>} : memref<128x128xf32, #tpu.memory_space<vmem>>, vector<1x16xf32>,
        %get3A_480 = vector.shape_cast %get3A_479 : vector<1x16xf32> to vector<16xf32>
        %mul3A_481 = arith.mulf %get3A_480, %get3A_15 : vector<16xf32>
        %add3A_482 = arith.addf %add3A_476, %mul3A_481 : vector<16xf32>
        %get3A_483 = arith.index_cast %add3A_459 : i32 to index
        %get3A_484 = arith.constant 64 : index
        %get3A_485 = tpu.vector_load %arg9[%get3A_483, %get3A_484] {strides = array<i32>} : memref<128x128xf32, #tpu.memory_space<vmem>>, vector<1x16xf32>,
        %get3A_486 = vector.shape_cast %get3A_485 : vector<1x16xf32> to vector<16xf32>
        %mul3A_487 = arith.mulf %get3A_486, %get3A_18 : vector<16xf32>
        %add3A_488 = arith.addf %add3A_482, %mul3A_487 : vector<16xf32>
        %get3A_489 = arith.index_cast %add3A_459 : i32 to index
        %get3A_490 = arith.constant 80 : index
        %get3A_491 = tpu.vector_load %arg9[%get3A_489, %get3A_490] {strides = array<i32>} : memref<128x128xf32, #tpu.memory_space<vmem>>, vector<1x16xf32>,
        %get3A_492 = vector.shape_cast %get3A_491 : vector<1x16xf32> to vector<16xf32>
        %mul3A_493 = arith.mulf %get3A_492, %get3A_21 : vector<16xf32>
        %add3A_494 = arith.addf %add3A_488, %mul3A_493 : vector<16xf32>
        %get3A_495 = arith.index_cast %add3A_459 : i32 to index
        %get3A_496 = arith.constant 96 : index
        %get3A_497 = tpu.vector_load %arg9[%get3A_495, %get3A_496] {strides = array<i32>} : memref<128x128xf32, #tpu.memory_space<vmem>>, vector<1x16xf32>,
        %get3A_498 = vector.shape_cast %get3A_497 : vector<1x16xf32> to vector<16xf32>
        %mul3A_499 = arith.mulf %get3A_498, %get3A_24 : vector<16xf32>
        %add3A_500 = arith.addf %add3A_494, %mul3A_499 : vector<16xf32>
        %get3A_501 = arith.index_cast %add3A_459 : i32 to index
        %get3A_502 = arith.constant 112 : index
        %get3A_503 = tpu.vector_load %arg9[%get3A_501, %get3A_502] {strides = array<i32>} : memref<128x128xf32, #tpu.memory_space<vmem>>, vector<1x16xf32>,
        %get3A_504 = vector.shape_cast %get3A_503 : vector<1x16xf32> to vector<16xf32>
        %mul3A_505 = arith.mulf %get3A_504, %get3A_27 : vector<16xf32>
        %add3A_506 = arith.addf %add3A_500, %mul3A_505 : vector<16xf32>
        %eq3A_507 = arith.constant 3 : i32
        %eq3A_508 = vector.broadcast %eq3A_507 : i32 to vector<16xi32>
        %eq3A_509 = arith.cmpi eq, %iota3A, %eq3A_508 : vector<16xi32>
        %iota3A_510 = tpu.iota {dimensions = array<i32: 0>} : vector<16xi32>
        %xor3A_511 = arith.constant 1 : i32
        %xor3A_512 = vector.broadcast %xor3A_511 : i32 to vector<16xi32>
        %xor3A_513 = arith.xori %iota3A_510, %xor3A_512 : vector<16xi32>
        %broadcast_in_dim3A_514 = vector.shape_cast %xor3A_513 : vector<16xi32> to vector<16x1xi32>
        %gather3A_515 = vector.shape_cast %broadcast_in_dim3A_514 : vector<16x1xi32> to vector<16xi32>
        %gather3A_516 = tpu.dynamic_gather %add3A_506[%gather3A_515] in [0] : vector<16xf32>, vector<16xi32> -> vector<16xf32>
        %add3A_517 = arith.addf %add3A_506, %gather3A_516 : vector<16xf32>
        %iota3A_518 = tpu.iota {dimensions = array<i32: 0>} : vector<16xi32>
        %xor3A_519 = arith.constant 2 : i32
        %xor3A_520 = vector.broadcast %xor3A_519 : i32 to vector<16xi32>
        %xor3A_521 = arith.xori %iota3A_518, %xor3A_520 : vector<16xi32>
        %broadcast_in_dim3A_522 = vector.shape_cast %xor3A_521 : vector<16xi32> to vector<16x1xi32>
        %gather3A_523 = vector.shape_cast %broadcast_in_dim3A_522 : vector<16x1xi32> to vector<16xi32>
        %gather3A_524 = tpu.dynamic_gather %add3A_517[%gather3A_523] in [0] : vector<16xf32>, vector<16xi32> -> vector<16xf32>
        %add3A_525 = arith.addf %add3A_517, %gather3A_524 : vector<16xf32>
        %iota3A_526 = tpu.iota {dimensions = array<i32: 0>} : vector<16xi32>
        %xor3A_527 = arith.constant 4 : i32
        %xor3A_528 = vector.broadcast %xor3A_527 : i32 to vector<16xi32>
        %xor3A_529 = arith.xori %iota3A_526, %xor3A_528 : vector<16xi32>
        %broadcast_in_dim3A_530 = vector.shape_cast %xor3A_529 : vector<16xi32> to vector<16x1xi32>
        %gather3A_531 = vector.shape_cast %broadcast_in_dim3A_530 : vector<16x1xi32> to vector<16xi32>
        %gather3A_532 = tpu.dynamic_gather %add3A_525[%gather3A_531] in [0] : vector<16xf32>, vector<16xi32> -> vector<16xf32>
        %add3A_533 = arith.addf %add3A_525, %gather3A_532 : vector<16xf32>
        %iota3A_534 = tpu.iota {dimensions = array<i32: 0>} : vector<16xi32>
        %xor3A_535 = arith.constant 8 : i32
        %xor3A_536 = vector.broadcast %xor3A_535 : i32 to vector<16xi32>
        %xor3A_537 = arith.xori %iota3A_534, %xor3A_536 : vector<16xi32>
        %broadcast_in_dim3A_538 = vector.shape_cast %xor3A_537 : vector<16xi32> to vector<16x1xi32>
        %gather3A_539 = vector.shape_cast %broadcast_in_dim3A_538 : vector<16x1xi32> to vector<16xi32>
        %gather3A_540 = tpu.dynamic_gather %add3A_533[%gather3A_539] in [0] : vector<16xf32>, vector<16xi32> -> vector<16xf32>
        %add3A_541 = arith.addf %add3A_533, %gather3A_540 : vector<16xf32>
        %select_n3A_542 = arith.select %eq3A_509, %add3A_541, %select_n3A_457 : vector<16xi1>, vector<16xf32>
        %add3A_543 = arith.constant 4 : i32
        %add3A_544 = arith.addi %mul3A_200, %add3A_543 : i32
        %get3A_545 = arith.index_cast %add3A_544 : i32 to index
        %get3A_546 = arith.constant 0 : index
        %get3A_547 = tpu.vector_load %arg9[%get3A_545, %get3A_546] {strides = array<i32>} : memref<128x128xf32, #tpu.memory_space<vmem>>, vector<1x16xf32>,
        %get3A_548 = vector.shape_cast %get3A_547 : vector<1x16xf32> to vector<16xf32>
        %mul3A_549 = arith.mulf %get3A_548, %get3A_6 : vector<16xf32>
        %get3A_550 = arith.index_cast %add3A_544 : i32 to index
        %get3A_551 = arith.constant 16 : index
        %get3A_552 = tpu.vector_load %arg9[%get3A_550, %get3A_551] {strides = array<i32>} : memref<128x128xf32, #tpu.memory_space<vmem>>, vector<1x16xf32>,
        %get3A_553 = vector.shape_cast %get3A_552 : vector<1x16xf32> to vector<16xf32>
        %mul3A_554 = arith.mulf %get3A_553, %get3A_9 : vector<16xf32>
        %add3A_555 = arith.addf %mul3A_549, %mul3A_554 : vector<16xf32>
        %get3A_556 = arith.index_cast %add3A_544 : i32 to index
        %get3A_557 = arith.constant 32 : index
        %get3A_558 = tpu.vector_load %arg9[%get3A_556, %get3A_557] {strides = array<i32>} : memref<128x128xf32, #tpu.memory_space<vmem>>, vector<1x16xf32>,
        %get3A_559 = vector.shape_cast %get3A_558 : vector<1x16xf32> to vector<16xf32>
        %mul3A_560 = arith.mulf %get3A_559, %get3A_12 : vector<16xf32>
        %add3A_561 = arith.addf %add3A_555, %mul3A_560 : vector<16xf32>
        %get3A_562 = arith.index_cast %add3A_544 : i32 to index
        %get3A_563 = arith.constant 48 : index
        %get3A_564 = tpu.vector_load %arg9[%get3A_562, %get3A_563] {strides = array<i32>} : memref<128x128xf32, #tpu.memory_space<vmem>>, vector<1x16xf32>,
        %get3A_565 = vector.shape_cast %get3A_564 : vector<1x16xf32> to vector<16xf32>
        %mul3A_566 = arith.mulf %get3A_565, %get3A_15 : vector<16xf32>
        %add3A_567 = arith.addf %add3A_561, %mul3A_566 : vector<16xf32>
        %get3A_568 = arith.index_cast %add3A_544 : i32 to index
        %get3A_569 = arith.constant 64 : index
        %get3A_570 = tpu.vector_load %arg9[%get3A_568, %get3A_569] {strides = array<i32>} : memref<128x128xf32, #tpu.memory_space<vmem>>, vector<1x16xf32>,
        %get3A_571 = vector.shape_cast %get3A_570 : vector<1x16xf32> to vector<16xf32>
        %mul3A_572 = arith.mulf %get3A_571, %get3A_18 : vector<16xf32>
        %add3A_573 = arith.addf %add3A_567, %mul3A_572 : vector<16xf32>
        %get3A_574 = arith.index_cast %add3A_544 : i32 to index
        %get3A_575 = arith.constant 80 : index
        %get3A_576 = tpu.vector_load %arg9[%get3A_574, %get3A_575] {strides = array<i32>} : memref<128x128xf32, #tpu.memory_space<vmem>>, vector<1x16xf32>,
        %get3A_577 = vector.shape_cast %get3A_576 : vector<1x16xf32> to vector<16xf32>
        %mul3A_578 = arith.mulf %get3A_577, %get3A_21 : vector<16xf32>
        %add3A_579 = arith.addf %add3A_573, %mul3A_578 : vector<16xf32>
        %get3A_580 = arith.index_cast %add3A_544 : i32 to index
        %get3A_581 = arith.constant 96 : index
        %get3A_582 = tpu.vector_load %arg9[%get3A_580, %get3A_581] {strides = array<i32>} : memref<128x128xf32, #tpu.memory_space<vmem>>, vector<1x16xf32>,
        %get3A_583 = vector.shape_cast %get3A_582 : vector<1x16xf32> to vector<16xf32>
        %mul3A_584 = arith.mulf %get3A_583, %get3A_24 : vector<16xf32>
        %add3A_585 = arith.addf %add3A_579, %mul3A_584 : vector<16xf32>
        %get3A_586 = arith.index_cast %add3A_544 : i32 to index
        %get3A_587 = arith.constant 112 : index
        %get3A_588 = tpu.vector_load %arg9[%get3A_586, %get3A_587] {strides = array<i32>} : memref<128x128xf32, #tpu.memory_space<vmem>>, vector<1x16xf32>,
        %get3A_589 = vector.shape_cast %get3A_588 : vector<1x16xf32> to vector<16xf32>
        %mul3A_590 = arith.mulf %get3A_589, %get3A_27 : vector<16xf32>
        %add3A_591 = arith.addf %add3A_585, %mul3A_590 : vector<16xf32>
        %eq3A_592 = arith.constant 4 : i32
        %eq3A_593 = vector.broadcast %eq3A_592 : i32 to vector<16xi32>
        %eq3A_594 = arith.cmpi eq, %iota3A, %eq3A_593 : vector<16xi32>
        %iota3A_595 = tpu.iota {dimensions = array<i32: 0>} : vector<16xi32>
        %xor3A_596 = arith.constant 1 : i32
        %xor3A_597 = vector.broadcast %xor3A_596 : i32 to vector<16xi32>
        %xor3A_598 = arith.xori %iota3A_595, %xor3A_597 : vector<16xi32>
        %broadcast_in_dim3A_599 = vector.shape_cast %xor3A_598 : vector<16xi32> to vector<16x1xi32>
        %gather3A_600 = vector.shape_cast %broadcast_in_dim3A_599 : vector<16x1xi32> to vector<16xi32>
        %gather3A_601 = tpu.dynamic_gather %add3A_591[%gather3A_600] in [0] : vector<16xf32>, vector<16xi32> -> vector<16xf32>
        %add3A_602 = arith.addf %add3A_591, %gather3A_601 : vector<16xf32>
        %iota3A_603 = tpu.iota {dimensions = array<i32: 0>} : vector<16xi32>
        %xor3A_604 = arith.constant 2 : i32
        %xor3A_605 = vector.broadcast %xor3A_604 : i32 to vector<16xi32>
        %xor3A_606 = arith.xori %iota3A_603, %xor3A_605 : vector<16xi32>
        %broadcast_in_dim3A_607 = vector.shape_cast %xor3A_606 : vector<16xi32> to vector<16x1xi32>
        %gather3A_608 = vector.shape_cast %broadcast_in_dim3A_607 : vector<16x1xi32> to vector<16xi32>
        %gather3A_609 = tpu.dynamic_gather %add3A_602[%gather3A_608] in [0] : vector<16xf32>, vector<16xi32> -> vector<16xf32>
        %add3A_610 = arith.addf %add3A_602, %gather3A_609 : vector<16xf32>
        %iota3A_611 = tpu.iota {dimensions = array<i32: 0>} : vector<16xi32>
        %xor3A_612 = arith.constant 4 : i32
        %xor3A_613 = vector.broadcast %xor3A_612 : i32 to vector<16xi32>
        %xor3A_614 = arith.xori %iota3A_611, %xor3A_613 : vector<16xi32>
        %broadcast_in_dim3A_615 = vector.shape_cast %xor3A_614 : vector<16xi32> to vector<16x1xi32>
        %gather3A_616 = vector.shape_cast %broadcast_in_dim3A_615 : vector<16x1xi32> to vector<16xi32>
        %gather3A_617 = tpu.dynamic_gather %add3A_610[%gather3A_616] in [0] : vector<16xf32>, vector<16xi32> -> vector<16xf32>
        %add3A_618 = arith.addf %add3A_610, %gather3A_617 : vector<16xf32>
        %iota3A_619 = tpu.iota {dimensions = array<i32: 0>} : vector<16xi32>
        %xor3A_620 = arith.constant 8 : i32
        %xor3A_621 = vector.broadcast %xor3A_620 : i32 to vector<16xi32>
        %xor3A_622 = arith.xori %iota3A_619, %xor3A_621 : vector<16xi32>
        %broadcast_in_dim3A_623 = vector.shape_cast %xor3A_622 : vector<16xi32> to vector<16x1xi32>
        %gather3A_624 = vector.shape_cast %broadcast_in_dim3A_623 : vector<16x1xi32> to vector<16xi32>
        %gather3A_625 = tpu.dynamic_gather %add3A_618[%gather3A_624] in [0] : vector<16xf32>, vector<16xi32> -> vector<16xf32>
        %add3A_626 = arith.addf %add3A_618, %gather3A_625 : vector<16xf32>
        %select_n3A_627 = arith.select %eq3A_594, %add3A_626, %select_n3A_542 : vector<16xi1>, vector<16xf32>
        %add3A_628 = arith.constant 5 : i32
        %add3A_629 = arith.addi %mul3A_200, %add3A_628 : i32
        %get3A_630 = arith.index_cast %add3A_629 : i32 to index
        %get3A_631 = arith.constant 0 : index
        %get3A_632 = tpu.vector_load %arg9[%get3A_630, %get3A_631] {strides = array<i32>} : memref<128x128xf32, #tpu.memory_space<vmem>>, vector<1x16xf32>,
        %get3A_633 = vector.shape_cast %get3A_632 : vector<1x16xf32> to vector<16xf32>
        %mul3A_634 = arith.mulf %get3A_633, %get3A_6 : vector<16xf32>
        %get3A_635 = arith.index_cast %add3A_629 : i32 to index
        %get3A_636 = arith.constant 16 : index
        %get3A_637 = tpu.vector_load %arg9[%get3A_635, %get3A_636] {strides = array<i32>} : memref<128x128xf32, #tpu.memory_space<vmem>>, vector<1x16xf32>,
        %get3A_638 = vector.shape_cast %get3A_637 : vector<1x16xf32> to vector<16xf32>
        %mul3A_639 = arith.mulf %get3A_638, %get3A_9 : vector<16xf32>
        %add3A_640 = arith.addf %mul3A_634, %mul3A_639 : vector<16xf32>
        %get3A_641 = arith.index_cast %add3A_629 : i32 to index
        %get3A_642 = arith.constant 32 : index
        %get3A_643 = tpu.vector_load %arg9[%get3A_641, %get3A_642] {strides = array<i32>} : memref<128x128xf32, #tpu.memory_space<vmem>>, vector<1x16xf32>,
        %get3A_644 = vector.shape_cast %get3A_643 : vector<1x16xf32> to vector<16xf32>
        %mul3A_645 = arith.mulf %get3A_644, %get3A_12 : vector<16xf32>
        %add3A_646 = arith.addf %add3A_640, %mul3A_645 : vector<16xf32>
        %get3A_647 = arith.index_cast %add3A_629 : i32 to index
        %get3A_648 = arith.constant 48 : index
        %get3A_649 = tpu.vector_load %arg9[%get3A_647, %get3A_648] {strides = array<i32>} : memref<128x128xf32, #tpu.memory_space<vmem>>, vector<1x16xf32>,
        %get3A_650 = vector.shape_cast %get3A_649 : vector<1x16xf32> to vector<16xf32>
        %mul3A_651 = arith.mulf %get3A_650, %get3A_15 : vector<16xf32>
        %add3A_652 = arith.addf %add3A_646, %mul3A_651 : vector<16xf32>
        %get3A_653 = arith.index_cast %add3A_629 : i32 to index
        %get3A_654 = arith.constant 64 : index
        %get3A_655 = tpu.vector_load %arg9[%get3A_653, %get3A_654] {strides = array<i32>} : memref<128x128xf32, #tpu.memory_space<vmem>>, vector<1x16xf32>,
        %get3A_656 = vector.shape_cast %get3A_655 : vector<1x16xf32> to vector<16xf32>
        %mul3A_657 = arith.mulf %get3A_656, %get3A_18 : vector<16xf32>
        %add3A_658 = arith.addf %add3A_652, %mul3A_657 : vector<16xf32>
        %get3A_659 = arith.index_cast %add3A_629 : i32 to index
        %get3A_660 = arith.constant 80 : index
        %get3A_661 = tpu.vector_load %arg9[%get3A_659, %get3A_660] {strides = array<i32>} : memref<128x128xf32, #tpu.memory_space<vmem>>, vector<1x16xf32>,
        %get3A_662 = vector.shape_cast %get3A_661 : vector<1x16xf32> to vector<16xf32>
        %mul3A_663 = arith.mulf %get3A_662, %get3A_21 : vector<16xf32>
        %add3A_664 = arith.addf %add3A_658, %mul3A_663 : vector<16xf32>
        %get3A_665 = arith.index_cast %add3A_629 : i32 to index
        %get3A_666 = arith.constant 96 : index
        %get3A_667 = tpu.vector_load %arg9[%get3A_665, %get3A_666] {strides = array<i32>} : memref<128x128xf32, #tpu.memory_space<vmem>>, vector<1x16xf32>,
        %get3A_668 = vector.shape_cast %get3A_667 : vector<1x16xf32> to vector<16xf32>
        %mul3A_669 = arith.mulf %get3A_668, %get3A_24 : vector<16xf32>
        %add3A_670 = arith.addf %add3A_664, %mul3A_669 : vector<16xf32>
        %get3A_671 = arith.index_cast %add3A_629 : i32 to index
        %get3A_672 = arith.constant 112 : index
        %get3A_673 = tpu.vector_load %arg9[%get3A_671, %get3A_672] {strides = array<i32>} : memref<128x128xf32, #tpu.memory_space<vmem>>, vector<1x16xf32>,
        %get3A_674 = vector.shape_cast %get3A_673 : vector<1x16xf32> to vector<16xf32>
        %mul3A_675 = arith.mulf %get3A_674, %get3A_27 : vector<16xf32>
        %add3A_676 = arith.addf %add3A_670, %mul3A_675 : vector<16xf32>
        %eq3A_677 = arith.constant 5 : i32
        %eq3A_678 = vector.broadcast %eq3A_677 : i32 to vector<16xi32>
        %eq3A_679 = arith.cmpi eq, %iota3A, %eq3A_678 : vector<16xi32>
        %iota3A_680 = tpu.iota {dimensions = array<i32: 0>} : vector<16xi32>
        %xor3A_681 = arith.constant 1 : i32
        %xor3A_682 = vector.broadcast %xor3A_681 : i32 to vector<16xi32>
        %xor3A_683 = arith.xori %iota3A_680, %xor3A_682 : vector<16xi32>
        %broadcast_in_dim3A_684 = vector.shape_cast %xor3A_683 : vector<16xi32> to vector<16x1xi32>
        %gather3A_685 = vector.shape_cast %broadcast_in_dim3A_684 : vector<16x1xi32> to vector<16xi32>
        %gather3A_686 = tpu.dynamic_gather %add3A_676[%gather3A_685] in [0] : vector<16xf32>, vector<16xi32> -> vector<16xf32>
        %add3A_687 = arith.addf %add3A_676, %gather3A_686 : vector<16xf32>
        %iota3A_688 = tpu.iota {dimensions = array<i32: 0>} : vector<16xi32>
        %xor3A_689 = arith.constant 2 : i32
        %xor3A_690 = vector.broadcast %xor3A_689 : i32 to vector<16xi32>
        %xor3A_691 = arith.xori %iota3A_688, %xor3A_690 : vector<16xi32>
        %broadcast_in_dim3A_692 = vector.shape_cast %xor3A_691 : vector<16xi32> to vector<16x1xi32>
        %gather3A_693 = vector.shape_cast %broadcast_in_dim3A_692 : vector<16x1xi32> to vector<16xi32>
        %gather3A_694 = tpu.dynamic_gather %add3A_687[%gather3A_693] in [0] : vector<16xf32>, vector<16xi32> -> vector<16xf32>
        %add3A_695 = arith.addf %add3A_687, %gather3A_694 : vector<16xf32>
        %iota3A_696 = tpu.iota {dimensions = array<i32: 0>} : vector<16xi32>
        %xor3A_697 = arith.constant 4 : i32
        %xor3A_698 = vector.broadcast %xor3A_697 : i32 to vector<16xi32>
        %xor3A_699 = arith.xori %iota3A_696, %xor3A_698 : vector<16xi32>
        %broadcast_in_dim3A_700 = vector.shape_cast %xor3A_699 : vector<16xi32> to vector<16x1xi32>
        %gather3A_701 = vector.shape_cast %broadcast_in_dim3A_700 : vector<16x1xi32> to vector<16xi32>
        %gather3A_702 = tpu.dynamic_gather %add3A_695[%gather3A_701] in [0] : vector<16xf32>, vector<16xi32> -> vector<16xf32>
        %add3A_703 = arith.addf %add3A_695, %gather3A_702 : vector<16xf32>
        %iota3A_704 = tpu.iota {dimensions = array<i32: 0>} : vector<16xi32>
        %xor3A_705 = arith.constant 8 : i32
        %xor3A_706 = vector.broadcast %xor3A_705 : i32 to vector<16xi32>
        %xor3A_707 = arith.xori %iota3A_704, %xor3A_706 : vector<16xi32>
        %broadcast_in_dim3A_708 = vector.shape_cast %xor3A_707 : vector<16xi32> to vector<16x1xi32>
        %gather3A_709 = vector.shape_cast %broadcast_in_dim3A_708 : vector<16x1xi32> to vector<16xi32>
        %gather3A_710 = tpu.dynamic_gather %add3A_703[%gather3A_709] in [0] : vector<16xf32>, vector<16xi32> -> vector<16xf32>
        %add3A_711 = arith.addf %add3A_703, %gather3A_710 : vector<16xf32>
        %select_n3A_712 = arith.select %eq3A_679, %add3A_711, %select_n3A_627 : vector<16xi1>, vector<16xf32>
        %add3A_713 = arith.constant 6 : i32
        %add3A_714 = arith.addi %mul3A_200, %add3A_713 : i32
        %get3A_715 = arith.index_cast %add3A_714 : i32 to index
        %get3A_716 = arith.constant 0 : index
        %get3A_717 = tpu.vector_load %arg9[%get3A_715, %get3A_716] {strides = array<i32>} : memref<128x128xf32, #tpu.memory_space<vmem>>, vector<1x16xf32>,
        %get3A_718 = vector.shape_cast %get3A_717 : vector<1x16xf32> to vector<16xf32>
        %mul3A_719 = arith.mulf %get3A_718, %get3A_6 : vector<16xf32>
        %get3A_720 = arith.index_cast %add3A_714 : i32 to index
        %get3A_721 = arith.constant 16 : index
        %get3A_722 = tpu.vector_load %arg9[%get3A_720, %get3A_721] {strides = array<i32>} : memref<128x128xf32, #tpu.memory_space<vmem>>, vector<1x16xf32>,
        %get3A_723 = vector.shape_cast %get3A_722 : vector<1x16xf32> to vector<16xf32>
        %mul3A_724 = arith.mulf %get3A_723, %get3A_9 : vector<16xf32>
        %add3A_725 = arith.addf %mul3A_719, %mul3A_724 : vector<16xf32>
        %get3A_726 = arith.index_cast %add3A_714 : i32 to index
        %get3A_727 = arith.constant 32 : index
        %get3A_728 = tpu.vector_load %arg9[%get3A_726, %get3A_727] {strides = array<i32>} : memref<128x128xf32, #tpu.memory_space<vmem>>, vector<1x16xf32>,
        %get3A_729 = vector.shape_cast %get3A_728 : vector<1x16xf32> to vector<16xf32>
        %mul3A_730 = arith.mulf %get3A_729, %get3A_12 : vector<16xf32>
        %add3A_731 = arith.addf %add3A_725, %mul3A_730 : vector<16xf32>
        %get3A_732 = arith.index_cast %add3A_714 : i32 to index
        %get3A_733 = arith.constant 48 : index
        %get3A_734 = tpu.vector_load %arg9[%get3A_732, %get3A_733] {strides = array<i32>} : memref<128x128xf32, #tpu.memory_space<vmem>>, vector<1x16xf32>,
        %get3A_735 = vector.shape_cast %get3A_734 : vector<1x16xf32> to vector<16xf32>
        %mul3A_736 = arith.mulf %get3A_735, %get3A_15 : vector<16xf32>
        %add3A_737 = arith.addf %add3A_731, %mul3A_736 : vector<16xf32>
        %get3A_738 = arith.index_cast %add3A_714 : i32 to index
        %get3A_739 = arith.constant 64 : index
        %get3A_740 = tpu.vector_load %arg9[%get3A_738, %get3A_739] {strides = array<i32>} : memref<128x128xf32, #tpu.memory_space<vmem>>, vector<1x16xf32>,
        %get3A_741 = vector.shape_cast %get3A_740 : vector<1x16xf32> to vector<16xf32>
        %mul3A_742 = arith.mulf %get3A_741, %get3A_18 : vector<16xf32>
        %add3A_743 = arith.addf %add3A_737, %mul3A_742 : vector<16xf32>
        %get3A_744 = arith.index_cast %add3A_714 : i32 to index
        %get3A_745 = arith.constant 80 : index
        %get3A_746 = tpu.vector_load %arg9[%get3A_744, %get3A_745] {strides = array<i32>} : memref<128x128xf32, #tpu.memory_space<vmem>>, vector<1x16xf32>,
        %get3A_747 = vector.shape_cast %get3A_746 : vector<1x16xf32> to vector<16xf32>
        %mul3A_748 = arith.mulf %get3A_747, %get3A_21 : vector<16xf32>
        %add3A_749 = arith.addf %add3A_743, %mul3A_748 : vector<16xf32>
        %get3A_750 = arith.index_cast %add3A_714 : i32 to index
        %get3A_751 = arith.constant 96 : index
        %get3A_752 = tpu.vector_load %arg9[%get3A_750, %get3A_751] {strides = array<i32>} : memref<128x128xf32, #tpu.memory_space<vmem>>, vector<1x16xf32>,
        %get3A_753 = vector.shape_cast %get3A_752 : vector<1x16xf32> to vector<16xf32>
        %mul3A_754 = arith.mulf %get3A_753, %get3A_24 : vector<16xf32>
        %add3A_755 = arith.addf %add3A_749, %mul3A_754 : vector<16xf32>
        %get3A_756 = arith.index_cast %add3A_714 : i32 to index
        %get3A_757 = arith.constant 112 : index
        %get3A_758 = tpu.vector_load %arg9[%get3A_756, %get3A_757] {strides = array<i32>} : memref<128x128xf32, #tpu.memory_space<vmem>>, vector<1x16xf32>,
        %get3A_759 = vector.shape_cast %get3A_758 : vector<1x16xf32> to vector<16xf32>
        %mul3A_760 = arith.mulf %get3A_759, %get3A_27 : vector<16xf32>
        %add3A_761 = arith.addf %add3A_755, %mul3A_760 : vector<16xf32>
        %eq3A_762 = arith.constant 6 : i32
        %eq3A_763 = vector.broadcast %eq3A_762 : i32 to vector<16xi32>
        %eq3A_764 = arith.cmpi eq, %iota3A, %eq3A_763 : vector<16xi32>
        %iota3A_765 = tpu.iota {dimensions = array<i32: 0>} : vector<16xi32>
        %xor3A_766 = arith.constant 1 : i32
        %xor3A_767 = vector.broadcast %xor3A_766 : i32 to vector<16xi32>
        %xor3A_768 = arith.xori %iota3A_765, %xor3A_767 : vector<16xi32>
        %broadcast_in_dim3A_769 = vector.shape_cast %xor3A_768 : vector<16xi32> to vector<16x1xi32>
        %gather3A_770 = vector.shape_cast %broadcast_in_dim3A_769 : vector<16x1xi32> to vector<16xi32>
        %gather3A_771 = tpu.dynamic_gather %add3A_761[%gather3A_770] in [0] : vector<16xf32>, vector<16xi32> -> vector<16xf32>
        %add3A_772 = arith.addf %add3A_761, %gather3A_771 : vector<16xf32>
        %iota3A_773 = tpu.iota {dimensions = array<i32: 0>} : vector<16xi32>
        %xor3A_774 = arith.constant 2 : i32
        %xor3A_775 = vector.broadcast %xor3A_774 : i32 to vector<16xi32>
        %xor3A_776 = arith.xori %iota3A_773, %xor3A_775 : vector<16xi32>
        %broadcast_in_dim3A_777 = vector.shape_cast %xor3A_776 : vector<16xi32> to vector<16x1xi32>
        %gather3A_778 = vector.shape_cast %broadcast_in_dim3A_777 : vector<16x1xi32> to vector<16xi32>
        %gather3A_779 = tpu.dynamic_gather %add3A_772[%gather3A_778] in [0] : vector<16xf32>, vector<16xi32> -> vector<16xf32>
        %add3A_780 = arith.addf %add3A_772, %gather3A_779 : vector<16xf32>
        %iota3A_781 = tpu.iota {dimensions = array<i32: 0>} : vector<16xi32>
        %xor3A_782 = arith.constant 4 : i32
        %xor3A_783 = vector.broadcast %xor3A_782 : i32 to vector<16xi32>
        %xor3A_784 = arith.xori %iota3A_781, %xor3A_783 : vector<16xi32>
        %broadcast_in_dim3A_785 = vector.shape_cast %xor3A_784 : vector<16xi32> to vector<16x1xi32>
        %gather3A_786 = vector.shape_cast %broadcast_in_dim3A_785 : vector<16x1xi32> to vector<16xi32>
        %gather3A_787 = tpu.dynamic_gather %add3A_780[%gather3A_786] in [0] : vector<16xf32>, vector<16xi32> -> vector<16xf32>
        %add3A_788 = arith.addf %add3A_780, %gather3A_787 : vector<16xf32>
        %iota3A_789 = tpu.iota {dimensions = array<i32: 0>} : vector<16xi32>
        %xor3A_790 = arith.constant 8 : i32
        %xor3A_791 = vector.broadcast %xor3A_790 : i32 to vector<16xi32>
        %xor3A_792 = arith.xori %iota3A_789, %xor3A_791 : vector<16xi32>
        %broadcast_in_dim3A_793 = vector.shape_cast %xor3A_792 : vector<16xi32> to vector<16x1xi32>
        %gather3A_794 = vector.shape_cast %broadcast_in_dim3A_793 : vector<16x1xi32> to vector<16xi32>
        %gather3A_795 = tpu.dynamic_gather %add3A_788[%gather3A_794] in [0] : vector<16xf32>, vector<16xi32> -> vector<16xf32>
        %add3A_796 = arith.addf %add3A_788, %gather3A_795 : vector<16xf32>
        %select_n3A_797 = arith.select %eq3A_764, %add3A_796, %select_n3A_712 : vector<16xi1>, vector<16xf32>
        %add3A_798 = arith.constant 7 : i32
        %add3A_799 = arith.addi %mul3A_200, %add3A_798 : i32
        %get3A_800 = arith.index_cast %add3A_799 : i32 to index
        %get3A_801 = arith.constant 0 : index
        %get3A_802 = tpu.vector_load %arg9[%get3A_800, %get3A_801] {strides = array<i32>} : memref<128x128xf32, #tpu.memory_space<vmem>>, vector<1x16xf32>,
        %get3A_803 = vector.shape_cast %get3A_802 : vector<1x16xf32> to vector<16xf32>
        %mul3A_804 = arith.mulf %get3A_803, %get3A_6 : vector<16xf32>
        %get3A_805 = arith.index_cast %add3A_799 : i32 to index
        %get3A_806 = arith.constant 16 : index
        %get3A_807 = tpu.vector_load %arg9[%get3A_805, %get3A_806] {strides = array<i32>} : memref<128x128xf32, #tpu.memory_space<vmem>>, vector<1x16xf32>,
        %get3A_808 = vector.shape_cast %get3A_807 : vector<1x16xf32> to vector<16xf32>
        %mul3A_809 = arith.mulf %get3A_808, %get3A_9 : vector<16xf32>
        %add3A_810 = arith.addf %mul3A_804, %mul3A_809 : vector<16xf32>
        %get3A_811 = arith.index_cast %add3A_799 : i32 to index
        %get3A_812 = arith.constant 32 : index
        %get3A_813 = tpu.vector_load %arg9[%get3A_811, %get3A_812] {strides = array<i32>} : memref<128x128xf32, #tpu.memory_space<vmem>>, vector<1x16xf32>,
        %get3A_814 = vector.shape_cast %get3A_813 : vector<1x16xf32> to vector<16xf32>
        %mul3A_815 = arith.mulf %get3A_814, %get3A_12 : vector<16xf32>
        %add3A_816 = arith.addf %add3A_810, %mul3A_815 : vector<16xf32>
        %get3A_817 = arith.index_cast %add3A_799 : i32 to index
        %get3A_818 = arith.constant 48 : index
        %get3A_819 = tpu.vector_load %arg9[%get3A_817, %get3A_818] {strides = array<i32>} : memref<128x128xf32, #tpu.memory_space<vmem>>, vector<1x16xf32>,
        %get3A_820 = vector.shape_cast %get3A_819 : vector<1x16xf32> to vector<16xf32>
        %mul3A_821 = arith.mulf %get3A_820, %get3A_15 : vector<16xf32>
        %add3A_822 = arith.addf %add3A_816, %mul3A_821 : vector<16xf32>
        %get3A_823 = arith.index_cast %add3A_799 : i32 to index
        %get3A_824 = arith.constant 64 : index
        %get3A_825 = tpu.vector_load %arg9[%get3A_823, %get3A_824] {strides = array<i32>} : memref<128x128xf32, #tpu.memory_space<vmem>>, vector<1x16xf32>,
        %get3A_826 = vector.shape_cast %get3A_825 : vector<1x16xf32> to vector<16xf32>
        %mul3A_827 = arith.mulf %get3A_826, %get3A_18 : vector<16xf32>
        %add3A_828 = arith.addf %add3A_822, %mul3A_827 : vector<16xf32>
        %get3A_829 = arith.index_cast %add3A_799 : i32 to index
        %get3A_830 = arith.constant 80 : index
        %get3A_831 = tpu.vector_load %arg9[%get3A_829, %get3A_830] {strides = array<i32>} : memref<128x128xf32, #tpu.memory_space<vmem>>, vector<1x16xf32>,
        %get3A_832 = vector.shape_cast %get3A_831 : vector<1x16xf32> to vector<16xf32>
        %mul3A_833 = arith.mulf %get3A_832, %get3A_21 : vector<16xf32>
        %add3A_834 = arith.addf %add3A_828, %mul3A_833 : vector<16xf32>
        %get3A_835 = arith.index_cast %add3A_799 : i32 to index
        %get3A_836 = arith.constant 96 : index
        %get3A_837 = tpu.vector_load %arg9[%get3A_835, %get3A_836] {strides = array<i32>} : memref<128x128xf32, #tpu.memory_space<vmem>>, vector<1x16xf32>,
        %get3A_838 = vector.shape_cast %get3A_837 : vector<1x16xf32> to vector<16xf32>
        %mul3A_839 = arith.mulf %get3A_838, %get3A_24 : vector<16xf32>
        %add3A_840 = arith.addf %add3A_834, %mul3A_839 : vector<16xf32>
        %get3A_841 = arith.index_cast %add3A_799 : i32 to index
        %get3A_842 = arith.constant 112 : index
        %get3A_843 = tpu.vector_load %arg9[%get3A_841, %get3A_842] {strides = array<i32>} : memref<128x128xf32, #tpu.memory_space<vmem>>, vector<1x16xf32>,
        %get3A_844 = vector.shape_cast %get3A_843 : vector<1x16xf32> to vector<16xf32>
        %mul3A_845 = arith.mulf %get3A_844, %get3A_27 : vector<16xf32>
        %add3A_846 = arith.addf %add3A_840, %mul3A_845 : vector<16xf32>
        %eq3A_847 = arith.constant 7 : i32
        %eq3A_848 = vector.broadcast %eq3A_847 : i32 to vector<16xi32>
        %eq3A_849 = arith.cmpi eq, %iota3A, %eq3A_848 : vector<16xi32>
        %iota3A_850 = tpu.iota {dimensions = array<i32: 0>} : vector<16xi32>
        %xor3A_851 = arith.constant 1 : i32
        %xor3A_852 = vector.broadcast %xor3A_851 : i32 to vector<16xi32>
        %xor3A_853 = arith.xori %iota3A_850, %xor3A_852 : vector<16xi32>
        %broadcast_in_dim3A_854 = vector.shape_cast %xor3A_853 : vector<16xi32> to vector<16x1xi32>
        %gather3A_855 = vector.shape_cast %broadcast_in_dim3A_854 : vector<16x1xi32> to vector<16xi32>
        %gather3A_856 = tpu.dynamic_gather %add3A_846[%gather3A_855] in [0] : vector<16xf32>, vector<16xi32> -> vector<16xf32>
        %add3A_857 = arith.addf %add3A_846, %gather3A_856 : vector<16xf32>
        %iota3A_858 = tpu.iota {dimensions = array<i32: 0>} : vector<16xi32>
        %xor3A_859 = arith.constant 2 : i32
        %xor3A_860 = vector.broadcast %xor3A_859 : i32 to vector<16xi32>
        %xor3A_861 = arith.xori %iota3A_858, %xor3A_860 : vector<16xi32>
        %broadcast_in_dim3A_862 = vector.shape_cast %xor3A_861 : vector<16xi32> to vector<16x1xi32>
        %gather3A_863 = vector.shape_cast %broadcast_in_dim3A_862 : vector<16x1xi32> to vector<16xi32>
        %gather3A_864 = tpu.dynamic_gather %add3A_857[%gather3A_863] in [0] : vector<16xf32>, vector<16xi32> -> vector<16xf32>
        %add3A_865 = arith.addf %add3A_857, %gather3A_864 : vector<16xf32>
        %iota3A_866 = tpu.iota {dimensions = array<i32: 0>} : vector<16xi32>
        %xor3A_867 = arith.constant 4 : i32
        %xor3A_868 = vector.broadcast %xor3A_867 : i32 to vector<16xi32>
        %xor3A_869 = arith.xori %iota3A_866, %xor3A_868 : vector<16xi32>
        %broadcast_in_dim3A_870 = vector.shape_cast %xor3A_869 : vector<16xi32> to vector<16x1xi32>
        %gather3A_871 = vector.shape_cast %broadcast_in_dim3A_870 : vector<16x1xi32> to vector<16xi32>
        %gather3A_872 = tpu.dynamic_gather %add3A_865[%gather3A_871] in [0] : vector<16xf32>, vector<16xi32> -> vector<16xf32>
        %add3A_873 = arith.addf %add3A_865, %gather3A_872 : vector<16xf32>
        %iota3A_874 = tpu.iota {dimensions = array<i32: 0>} : vector<16xi32>
        %xor3A_875 = arith.constant 8 : i32
        %xor3A_876 = vector.broadcast %xor3A_875 : i32 to vector<16xi32>
        %xor3A_877 = arith.xori %iota3A_874, %xor3A_876 : vector<16xi32>
        %broadcast_in_dim3A_878 = vector.shape_cast %xor3A_877 : vector<16xi32> to vector<16x1xi32>
        %gather3A_879 = vector.shape_cast %broadcast_in_dim3A_878 : vector<16x1xi32> to vector<16xi32>
        %gather3A_880 = tpu.dynamic_gather %add3A_873[%gather3A_879] in [0] : vector<16xf32>, vector<16xi32> -> vector<16xf32>
        %add3A_881 = arith.addf %add3A_873, %gather3A_880 : vector<16xf32>
        %select_n3A_882 = arith.select %eq3A_849, %add3A_881, %select_n3A_797 : vector<16xi1>, vector<16xf32>
        %add3A_883 = arith.constant 8 : i32
        %add3A_884 = arith.addi %mul3A_200, %add3A_883 : i32
        %get3A_885 = arith.index_cast %add3A_884 : i32 to index
        %get3A_886 = arith.constant 0 : index
        %get3A_887 = tpu.vector_load %arg9[%get3A_885, %get3A_886] {strides = array<i32>} : memref<128x128xf32, #tpu.memory_space<vmem>>, vector<1x16xf32>,
        %get3A_888 = vector.shape_cast %get3A_887 : vector<1x16xf32> to vector<16xf32>
        %mul3A_889 = arith.mulf %get3A_888, %get3A_6 : vector<16xf32>
        %get3A_890 = arith.index_cast %add3A_884 : i32 to index
        %get3A_891 = arith.constant 16 : index
        %get3A_892 = tpu.vector_load %arg9[%get3A_890, %get3A_891] {strides = array<i32>} : memref<128x128xf32, #tpu.memory_space<vmem>>, vector<1x16xf32>,
        %get3A_893 = vector.shape_cast %get3A_892 : vector<1x16xf32> to vector<16xf32>
        %mul3A_894 = arith.mulf %get3A_893, %get3A_9 : vector<16xf32>
        %add3A_895 = arith.addf %mul3A_889, %mul3A_894 : vector<16xf32>
        %get3A_896 = arith.index_cast %add3A_884 : i32 to index
        %get3A_897 = arith.constant 32 : index
        %get3A_898 = tpu.vector_load %arg9[%get3A_896, %get3A_897] {strides = array<i32>} : memref<128x128xf32, #tpu.memory_space<vmem>>, vector<1x16xf32>,
        %get3A_899 = vector.shape_cast %get3A_898 : vector<1x16xf32> to vector<16xf32>
        %mul3A_900 = arith.mulf %get3A_899, %get3A_12 : vector<16xf32>
        %add3A_901 = arith.addf %add3A_895, %mul3A_900 : vector<16xf32>
        %get3A_902 = arith.index_cast %add3A_884 : i32 to index
        %get3A_903 = arith.constant 48 : index
        %get3A_904 = tpu.vector_load %arg9[%get3A_902, %get3A_903] {strides = array<i32>} : memref<128x128xf32, #tpu.memory_space<vmem>>, vector<1x16xf32>,
        %get3A_905 = vector.shape_cast %get3A_904 : vector<1x16xf32> to vector<16xf32>
        %mul3A_906 = arith.mulf %get3A_905, %get3A_15 : vector<16xf32>
        %add3A_907 = arith.addf %add3A_901, %mul3A_906 : vector<16xf32>
        %get3A_908 = arith.index_cast %add3A_884 : i32 to index
        %get3A_909 = arith.constant 64 : index
        %get3A_910 = tpu.vector_load %arg9[%get3A_908, %get3A_909] {strides = array<i32>} : memref<128x128xf32, #tpu.memory_space<vmem>>, vector<1x16xf32>,
        %get3A_911 = vector.shape_cast %get3A_910 : vector<1x16xf32> to vector<16xf32>
        %mul3A_912 = arith.mulf %get3A_911, %get3A_18 : vector<16xf32>
        %add3A_913 = arith.addf %add3A_907, %mul3A_912 : vector<16xf32>
        %get3A_914 = arith.index_cast %add3A_884 : i32 to index
        %get3A_915 = arith.constant 80 : index
        %get3A_916 = tpu.vector_load %arg9[%get3A_914, %get3A_915] {strides = array<i32>} : memref<128x128xf32, #tpu.memory_space<vmem>>, vector<1x16xf32>,
        %get3A_917 = vector.shape_cast %get3A_916 : vector<1x16xf32> to vector<16xf32>
        %mul3A_918 = arith.mulf %get3A_917, %get3A_21 : vector<16xf32>
        %add3A_919 = arith.addf %add3A_913, %mul3A_918 : vector<16xf32>
        %get3A_920 = arith.index_cast %add3A_884 : i32 to index
        %get3A_921 = arith.constant 96 : index
        %get3A_922 = tpu.vector_load %arg9[%get3A_920, %get3A_921] {strides = array<i32>} : memref<128x128xf32, #tpu.memory_space<vmem>>, vector<1x16xf32>,
        %get3A_923 = vector.shape_cast %get3A_922 : vector<1x16xf32> to vector<16xf32>
        %mul3A_924 = arith.mulf %get3A_923, %get3A_24 : vector<16xf32>
        %add3A_925 = arith.addf %add3A_919, %mul3A_924 : vector<16xf32>
        %get3A_926 = arith.index_cast %add3A_884 : i32 to index
        %get3A_927 = arith.constant 112 : index
        %get3A_928 = tpu.vector_load %arg9[%get3A_926, %get3A_927] {strides = array<i32>} : memref<128x128xf32, #tpu.memory_space<vmem>>, vector<1x16xf32>,
        %get3A_929 = vector.shape_cast %get3A_928 : vector<1x16xf32> to vector<16xf32>
        %mul3A_930 = arith.mulf %get3A_929, %get3A_27 : vector<16xf32>
        %add3A_931 = arith.addf %add3A_925, %mul3A_930 : vector<16xf32>
        %eq3A_932 = arith.constant 8 : i32
        %eq3A_933 = vector.broadcast %eq3A_932 : i32 to vector<16xi32>
        %eq3A_934 = arith.cmpi eq, %iota3A, %eq3A_933 : vector<16xi32>
        %iota3A_935 = tpu.iota {dimensions = array<i32: 0>} : vector<16xi32>
        %xor3A_936 = arith.constant 1 : i32
        %xor3A_937 = vector.broadcast %xor3A_936 : i32 to vector<16xi32>
        %xor3A_938 = arith.xori %iota3A_935, %xor3A_937 : vector<16xi32>
        %broadcast_in_dim3A_939 = vector.shape_cast %xor3A_938 : vector<16xi32> to vector<16x1xi32>
        %gather3A_940 = vector.shape_cast %broadcast_in_dim3A_939 : vector<16x1xi32> to vector<16xi32>
        %gather3A_941 = tpu.dynamic_gather %add3A_931[%gather3A_940] in [0] : vector<16xf32>, vector<16xi32> -> vector<16xf32>
        %add3A_942 = arith.addf %add3A_931, %gather3A_941 : vector<16xf32>
        %iota3A_943 = tpu.iota {dimensions = array<i32: 0>} : vector<16xi32>
        %xor3A_944 = arith.constant 2 : i32
        %xor3A_945 = vector.broadcast %xor3A_944 : i32 to vector<16xi32>
        %xor3A_946 = arith.xori %iota3A_943, %xor3A_945 : vector<16xi32>
        %broadcast_in_dim3A_947 = vector.shape_cast %xor3A_946 : vector<16xi32> to vector<16x1xi32>
        %gather3A_948 = vector.shape_cast %broadcast_in_dim3A_947 : vector<16x1xi32> to vector<16xi32>
        %gather3A_949 = tpu.dynamic_gather %add3A_942[%gather3A_948] in [0] : vector<16xf32>, vector<16xi32> -> vector<16xf32>
        %add3A_950 = arith.addf %add3A_942, %gather3A_949 : vector<16xf32>
        %iota3A_951 = tpu.iota {dimensions = array<i32: 0>} : vector<16xi32>
        %xor3A_952 = arith.constant 4 : i32
        %xor3A_953 = vector.broadcast %xor3A_952 : i32 to vector<16xi32>
        %xor3A_954 = arith.xori %iota3A_951, %xor3A_953 : vector<16xi32>
        %broadcast_in_dim3A_955 = vector.shape_cast %xor3A_954 : vector<16xi32> to vector<16x1xi32>
        %gather3A_956 = vector.shape_cast %broadcast_in_dim3A_955 : vector<16x1xi32> to vector<16xi32>
        %gather3A_957 = tpu.dynamic_gather %add3A_950[%gather3A_956] in [0] : vector<16xf32>, vector<16xi32> -> vector<16xf32>
        %add3A_958 = arith.addf %add3A_950, %gather3A_957 : vector<16xf32>
        %iota3A_959 = tpu.iota {dimensions = array<i32: 0>} : vector<16xi32>
        %xor3A_960 = arith.constant 8 : i32
        %xor3A_961 = vector.broadcast %xor3A_960 : i32 to vector<16xi32>
        %xor3A_962 = arith.xori %iota3A_959, %xor3A_961 : vector<16xi32>
        %broadcast_in_dim3A_963 = vector.shape_cast %xor3A_962 : vector<16xi32> to vector<16x1xi32>
        %gather3A_964 = vector.shape_cast %broadcast_in_dim3A_963 : vector<16x1xi32> to vector<16xi32>
        %gather3A_965 = tpu.dynamic_gather %add3A_958[%gather3A_964] in [0] : vector<16xf32>, vector<16xi32> -> vector<16xf32>
        %add3A_966 = arith.addf %add3A_958, %gather3A_965 : vector<16xf32>
        %select_n3A_967 = arith.select %eq3A_934, %add3A_966, %select_n3A_882 : vector<16xi1>, vector<16xf32>
        %add3A_968 = arith.constant 9 : i32
        %add3A_969 = arith.addi %mul3A_200, %add3A_968 : i32
        %get3A_970 = arith.index_cast %add3A_969 : i32 to index
        %get3A_971 = arith.constant 0 : index
        %get3A_972 = tpu.vector_load %arg9[%get3A_970, %get3A_971] {strides = array<i32>} : memref<128x128xf32, #tpu.memory_space<vmem>>, vector<1x16xf32>,
        %get3A_973 = vector.shape_cast %get3A_972 : vector<1x16xf32> to vector<16xf32>
        %mul3A_974 = arith.mulf %get3A_973, %get3A_6 : vector<16xf32>
        %get3A_975 = arith.index_cast %add3A_969 : i32 to index
        %get3A_976 = arith.constant 16 : index
        %get3A_977 = tpu.vector_load %arg9[%get3A_975, %get3A_976] {strides = array<i32>} : memref<128x128xf32, #tpu.memory_space<vmem>>, vector<1x16xf32>,
        %get3A_978 = vector.shape_cast %get3A_977 : vector<1x16xf32> to vector<16xf32>
        %mul3A_979 = arith.mulf %get3A_978, %get3A_9 : vector<16xf32>
        %add3A_980 = arith.addf %mul3A_974, %mul3A_979 : vector<16xf32>
        %get3A_981 = arith.index_cast %add3A_969 : i32 to index
        %get3A_982 = arith.constant 32 : index
        %get3A_983 = tpu.vector_load %arg9[%get3A_981, %get3A_982] {strides = array<i32>} : memref<128x128xf32, #tpu.memory_space<vmem>>, vector<1x16xf32>,
        %get3A_984 = vector.shape_cast %get3A_983 : vector<1x16xf32> to vector<16xf32>
        %mul3A_985 = arith.mulf %get3A_984, %get3A_12 : vector<16xf32>
        %add3A_986 = arith.addf %add3A_980, %mul3A_985 : vector<16xf32>
        %get3A_987 = arith.index_cast %add3A_969 : i32 to index
        %get3A_988 = arith.constant 48 : index
        %get3A_989 = tpu.vector_load %arg9[%get3A_987, %get3A_988] {strides = array<i32>} : memref<128x128xf32, #tpu.memory_space<vmem>>, vector<1x16xf32>,
        %get3A_990 = vector.shape_cast %get3A_989 : vector<1x16xf32> to vector<16xf32>
        %mul3A_991 = arith.mulf %get3A_990, %get3A_15 : vector<16xf32>
        %add3A_992 = arith.addf %add3A_986, %mul3A_991 : vector<16xf32>
        %get3A_993 = arith.index_cast %add3A_969 : i32 to index
        %get3A_994 = arith.constant 64 : index
        %get3A_995 = tpu.vector_load %arg9[%get3A_993, %get3A_994] {strides = array<i32>} : memref<128x128xf32, #tpu.memory_space<vmem>>, vector<1x16xf32>,
        %get3A_996 = vector.shape_cast %get3A_995 : vector<1x16xf32> to vector<16xf32>
        %mul3A_997 = arith.mulf %get3A_996, %get3A_18 : vector<16xf32>
        %add3A_998 = arith.addf %add3A_992, %mul3A_997 : vector<16xf32>
        %get3A_999 = arith.index_cast %add3A_969 : i32 to index
        %get3A_1000 = arith.constant 80 : index
        %get3A_1001 = tpu.vector_load %arg9[%get3A_999, %get3A_1000] {strides = array<i32>} : memref<128x128xf32, #tpu.memory_space<vmem>>, vector<1x16xf32>,
        %get3A_1002 = vector.shape_cast %get3A_1001 : vector<1x16xf32> to vector<16xf32>
        %mul3A_1003 = arith.mulf %get3A_1002, %get3A_21 : vector<16xf32>
        %add3A_1004 = arith.addf %add3A_998, %mul3A_1003 : vector<16xf32>
        %get3A_1005 = arith.index_cast %add3A_969 : i32 to index
        %get3A_1006 = arith.constant 96 : index
        %get3A_1007 = tpu.vector_load %arg9[%get3A_1005, %get3A_1006] {strides = array<i32>} : memref<128x128xf32, #tpu.memory_space<vmem>>, vector<1x16xf32>,
        %get3A_1008 = vector.shape_cast %get3A_1007 : vector<1x16xf32> to vector<16xf32>
        %mul3A_1009 = arith.mulf %get3A_1008, %get3A_24 : vector<16xf32>
        %add3A_1010 = arith.addf %add3A_1004, %mul3A_1009 : vector<16xf32>
        %get3A_1011 = arith.index_cast %add3A_969 : i32 to index
        %get3A_1012 = arith.constant 112 : index
        %get3A_1013 = tpu.vector_load %arg9[%get3A_1011, %get3A_1012] {strides = array<i32>} : memref<128x128xf32, #tpu.memory_space<vmem>>, vector<1x16xf32>,
        %get3A_1014 = vector.shape_cast %get3A_1013 : vector<1x16xf32> to vector<16xf32>
        %mul3A_1015 = arith.mulf %get3A_1014, %get3A_27 : vector<16xf32>
        %add3A_1016 = arith.addf %add3A_1010, %mul3A_1015 : vector<16xf32>
        %eq3A_1017 = arith.constant 9 : i32
        %eq3A_1018 = vector.broadcast %eq3A_1017 : i32 to vector<16xi32>
        %eq3A_1019 = arith.cmpi eq, %iota3A, %eq3A_1018 : vector<16xi32>
        %iota3A_1020 = tpu.iota {dimensions = array<i32: 0>} : vector<16xi32>
        %xor3A_1021 = arith.constant 1 : i32
        %xor3A_1022 = vector.broadcast %xor3A_1021 : i32 to vector<16xi32>
        %xor3A_1023 = arith.xori %iota3A_1020, %xor3A_1022 : vector<16xi32>
        %broadcast_in_dim3A_1024 = vector.shape_cast %xor3A_1023 : vector<16xi32> to vector<16x1xi32>
        %gather3A_1025 = vector.shape_cast %broadcast_in_dim3A_1024 : vector<16x1xi32> to vector<16xi32>
        %gather3A_1026 = tpu.dynamic_gather %add3A_1016[%gather3A_1025] in [0] : vector<16xf32>, vector<16xi32> -> vector<16xf32>
        %add3A_1027 = arith.addf %add3A_1016, %gather3A_1026 : vector<16xf32>
        %iota3A_1028 = tpu.iota {dimensions = array<i32: 0>} : vector<16xi32>
        %xor3A_1029 = arith.constant 2 : i32
        %xor3A_1030 = vector.broadcast %xor3A_1029 : i32 to vector<16xi32>
        %xor3A_1031 = arith.xori %iota3A_1028, %xor3A_1030 : vector<16xi32>
        %broadcast_in_dim3A_1032 = vector.shape_cast %xor3A_1031 : vector<16xi32> to vector<16x1xi32>
        %gather3A_1033 = vector.shape_cast %broadcast_in_dim3A_1032 : vector<16x1xi32> to vector<16xi32>
        %gather3A_1034 = tpu.dynamic_gather %add3A_1027[%gather3A_1033] in [0] : vector<16xf32>, vector<16xi32> -> vector<16xf32>
        %add3A_1035 = arith.addf %add3A_1027, %gather3A_1034 : vector<16xf32>
        %iota3A_1036 = tpu.iota {dimensions = array<i32: 0>} : vector<16xi32>
        %xor3A_1037 = arith.constant 4 : i32
        %xor3A_1038 = vector.broadcast %xor3A_1037 : i32 to vector<16xi32>
        %xor3A_1039 = arith.xori %iota3A_1036, %xor3A_1038 : vector<16xi32>
        %broadcast_in_dim3A_1040 = vector.shape_cast %xor3A_1039 : vector<16xi32> to vector<16x1xi32>
        %gather3A_1041 = vector.shape_cast %broadcast_in_dim3A_1040 : vector<16x1xi32> to vector<16xi32>
        %gather3A_1042 = tpu.dynamic_gather %add3A_1035[%gather3A_1041] in [0] : vector<16xf32>, vector<16xi32> -> vector<16xf32>
        %add3A_1043 = arith.addf %add3A_1035, %gather3A_1042 : vector<16xf32>
        %iota3A_1044 = tpu.iota {dimensions = array<i32: 0>} : vector<16xi32>
        %xor3A_1045 = arith.constant 8 : i32
        %xor3A_1046 = vector.broadcast %xor3A_1045 : i32 to vector<16xi32>
        %xor3A_1047 = arith.xori %iota3A_1044, %xor3A_1046 : vector<16xi32>
        %broadcast_in_dim3A_1048 = vector.shape_cast %xor3A_1047 : vector<16xi32> to vector<16x1xi32>
        %gather3A_1049 = vector.shape_cast %broadcast_in_dim3A_1048 : vector<16x1xi32> to vector<16xi32>
        %gather3A_1050 = tpu.dynamic_gather %add3A_1043[%gather3A_1049] in [0] : vector<16xf32>, vector<16xi32> -> vector<16xf32>
        %add3A_1051 = arith.addf %add3A_1043, %gather3A_1050 : vector<16xf32>
        %select_n3A_1052 = arith.select %eq3A_1019, %add3A_1051, %select_n3A_967 : vector<16xi1>, vector<16xf32>
        %add3A_1053 = arith.constant 10 : i32
        %add3A_1054 = arith.addi %mul3A_200, %add3A_1053 : i32
        %get3A_1055 = arith.index_cast %add3A_1054 : i32 to index
        %get3A_1056 = arith.constant 0 : index
        %get3A_1057 = tpu.vector_load %arg9[%get3A_1055, %get3A_1056] {strides = array<i32>} : memref<128x128xf32, #tpu.memory_space<vmem>>, vector<1x16xf32>,
        %get3A_1058 = vector.shape_cast %get3A_1057 : vector<1x16xf32> to vector<16xf32>
        %mul3A_1059 = arith.mulf %get3A_1058, %get3A_6 : vector<16xf32>
        %get3A_1060 = arith.index_cast %add3A_1054 : i32 to index
        %get3A_1061 = arith.constant 16 : index
        %get3A_1062 = tpu.vector_load %arg9[%get3A_1060, %get3A_1061] {strides = array<i32>} : memref<128x128xf32, #tpu.memory_space<vmem>>, vector<1x16xf32>,
        %get3A_1063 = vector.shape_cast %get3A_1062 : vector<1x16xf32> to vector<16xf32>
        %mul3A_1064 = arith.mulf %get3A_1063, %get3A_9 : vector<16xf32>
        %add3A_1065 = arith.addf %mul3A_1059, %mul3A_1064 : vector<16xf32>
        %get3A_1066 = arith.index_cast %add3A_1054 : i32 to index
        %get3A_1067 = arith.constant 32 : index
        %get3A_1068 = tpu.vector_load %arg9[%get3A_1066, %get3A_1067] {strides = array<i32>} : memref<128x128xf32, #tpu.memory_space<vmem>>, vector<1x16xf32>,
        %get3A_1069 = vector.shape_cast %get3A_1068 : vector<1x16xf32> to vector<16xf32>
        %mul3A_1070 = arith.mulf %get3A_1069, %get3A_12 : vector<16xf32>
        %add3A_1071 = arith.addf %add3A_1065, %mul3A_1070 : vector<16xf32>
        %get3A_1072 = arith.index_cast %add3A_1054 : i32 to index
        %get3A_1073 = arith.constant 48 : index
        %get3A_1074 = tpu.vector_load %arg9[%get3A_1072, %get3A_1073] {strides = array<i32>} : memref<128x128xf32, #tpu.memory_space<vmem>>, vector<1x16xf32>,
        %get3A_1075 = vector.shape_cast %get3A_1074 : vector<1x16xf32> to vector<16xf32>
        %mul3A_1076 = arith.mulf %get3A_1075, %get3A_15 : vector<16xf32>
        %add3A_1077 = arith.addf %add3A_1071, %mul3A_1076 : vector<16xf32>
        %get3A_1078 = arith.index_cast %add3A_1054 : i32 to index
        %get3A_1079 = arith.constant 64 : index
        %get3A_1080 = tpu.vector_load %arg9[%get3A_1078, %get3A_1079] {strides = array<i32>} : memref<128x128xf32, #tpu.memory_space<vmem>>, vector<1x16xf32>,
        %get3A_1081 = vector.shape_cast %get3A_1080 : vector<1x16xf32> to vector<16xf32>
        %mul3A_1082 = arith.mulf %get3A_1081, %get3A_18 : vector<16xf32>
        %add3A_1083 = arith.addf %add3A_1077, %mul3A_1082 : vector<16xf32>
        %get3A_1084 = arith.index_cast %add3A_1054 : i32 to index
        %get3A_1085 = arith.constant 80 : index
        %get3A_1086 = tpu.vector_load %arg9[%get3A_1084, %get3A_1085] {strides = array<i32>} : memref<128x128xf32, #tpu.memory_space<vmem>>, vector<1x16xf32>,
        %get3A_1087 = vector.shape_cast %get3A_1086 : vector<1x16xf32> to vector<16xf32>
        %mul3A_1088 = arith.mulf %get3A_1087, %get3A_21 : vector<16xf32>
        %add3A_1089 = arith.addf %add3A_1083, %mul3A_1088 : vector<16xf32>
        %get3A_1090 = arith.index_cast %add3A_1054 : i32 to index
        %get3A_1091 = arith.constant 96 : index
        %get3A_1092 = tpu.vector_load %arg9[%get3A_1090, %get3A_1091] {strides = array<i32>} : memref<128x128xf32, #tpu.memory_space<vmem>>, vector<1x16xf32>,
        %get3A_1093 = vector.shape_cast %get3A_1092 : vector<1x16xf32> to vector<16xf32>
        %mul3A_1094 = arith.mulf %get3A_1093, %get3A_24 : vector<16xf32>
        %add3A_1095 = arith.addf %add3A_1089, %mul3A_1094 : vector<16xf32>
        %get3A_1096 = arith.index_cast %add3A_1054 : i32 to index
        %get3A_1097 = arith.constant 112 : index
        %get3A_1098 = tpu.vector_load %arg9[%get3A_1096, %get3A_1097] {strides = array<i32>} : memref<128x128xf32, #tpu.memory_space<vmem>>, vector<1x16xf32>,
        %get3A_1099 = vector.shape_cast %get3A_1098 : vector<1x16xf32> to vector<16xf32>
        %mul3A_1100 = arith.mulf %get3A_1099, %get3A_27 : vector<16xf32>
        %add3A_1101 = arith.addf %add3A_1095, %mul3A_1100 : vector<16xf32>
        %eq3A_1102 = arith.constant 10 : i32
        %eq3A_1103 = vector.broadcast %eq3A_1102 : i32 to vector<16xi32>
        %eq3A_1104 = arith.cmpi eq, %iota3A, %eq3A_1103 : vector<16xi32>
        %iota3A_1105 = tpu.iota {dimensions = array<i32: 0>} : vector<16xi32>
        %xor3A_1106 = arith.constant 1 : i32
        %xor3A_1107 = vector.broadcast %xor3A_1106 : i32 to vector<16xi32>
        %xor3A_1108 = arith.xori %iota3A_1105, %xor3A_1107 : vector<16xi32>
        %broadcast_in_dim3A_1109 = vector.shape_cast %xor3A_1108 : vector<16xi32> to vector<16x1xi32>
        %gather3A_1110 = vector.shape_cast %broadcast_in_dim3A_1109 : vector<16x1xi32> to vector<16xi32>
        %gather3A_1111 = tpu.dynamic_gather %add3A_1101[%gather3A_1110] in [0] : vector<16xf32>, vector<16xi32> -> vector<16xf32>
        %add3A_1112 = arith.addf %add3A_1101, %gather3A_1111 : vector<16xf32>
        %iota3A_1113 = tpu.iota {dimensions = array<i32: 0>} : vector<16xi32>
        %xor3A_1114 = arith.constant 2 : i32
        %xor3A_1115 = vector.broadcast %xor3A_1114 : i32 to vector<16xi32>
        %xor3A_1116 = arith.xori %iota3A_1113, %xor3A_1115 : vector<16xi32>
        %broadcast_in_dim3A_1117 = vector.shape_cast %xor3A_1116 : vector<16xi32> to vector<16x1xi32>
        %gather3A_1118 = vector.shape_cast %broadcast_in_dim3A_1117 : vector<16x1xi32> to vector<16xi32>
        %gather3A_1119 = tpu.dynamic_gather %add3A_1112[%gather3A_1118] in [0] : vector<16xf32>, vector<16xi32> -> vector<16xf32>
        %add3A_1120 = arith.addf %add3A_1112, %gather3A_1119 : vector<16xf32>
        %iota3A_1121 = tpu.iota {dimensions = array<i32: 0>} : vector<16xi32>
        %xor3A_1122 = arith.constant 4 : i32
        %xor3A_1123 = vector.broadcast %xor3A_1122 : i32 to vector<16xi32>
        %xor3A_1124 = arith.xori %iota3A_1121, %xor3A_1123 : vector<16xi32>
        %broadcast_in_dim3A_1125 = vector.shape_cast %xor3A_1124 : vector<16xi32> to vector<16x1xi32>
        %gather3A_1126 = vector.shape_cast %broadcast_in_dim3A_1125 : vector<16x1xi32> to vector<16xi32>
        %gather3A_1127 = tpu.dynamic_gather %add3A_1120[%gather3A_1126] in [0] : vector<16xf32>, vector<16xi32> -> vector<16xf32>
        %add3A_1128 = arith.addf %add3A_1120, %gather3A_1127 : vector<16xf32>
        %iota3A_1129 = tpu.iota {dimensions = array<i32: 0>} : vector<16xi32>
        %xor3A_1130 = arith.constant 8 : i32
        %xor3A_1131 = vector.broadcast %xor3A_1130 : i32 to vector<16xi32>
        %xor3A_1132 = arith.xori %iota3A_1129, %xor3A_1131 : vector<16xi32>
        %broadcast_in_dim3A_1133 = vector.shape_cast %xor3A_1132 : vector<16xi32> to vector<16x1xi32>
        %gather3A_1134 = vector.shape_cast %broadcast_in_dim3A_1133 : vector<16x1xi32> to vector<16xi32>
        %gather3A_1135 = tpu.dynamic_gather %add3A_1128[%gather3A_1134] in [0] : vector<16xf32>, vector<16xi32> -> vector<16xf32>
        %add3A_1136 = arith.addf %add3A_1128, %gather3A_1135 : vector<16xf32>
        %select_n3A_1137 = arith.select %eq3A_1104, %add3A_1136, %select_n3A_1052 : vector<16xi1>, vector<16xf32>
        %add3A_1138 = arith.constant 11 : i32
        %add3A_1139 = arith.addi %mul3A_200, %add3A_1138 : i32
        %get3A_1140 = arith.index_cast %add3A_1139 : i32 to index
        %get3A_1141 = arith.constant 0 : index
        %get3A_1142 = tpu.vector_load %arg9[%get3A_1140, %get3A_1141] {strides = array<i32>} : memref<128x128xf32, #tpu.memory_space<vmem>>, vector<1x16xf32>,
        %get3A_1143 = vector.shape_cast %get3A_1142 : vector<1x16xf32> to vector<16xf32>
        %mul3A_1144 = arith.mulf %get3A_1143, %get3A_6 : vector<16xf32>
        %get3A_1145 = arith.index_cast %add3A_1139 : i32 to index
        %get3A_1146 = arith.constant 16 : index
        %get3A_1147 = tpu.vector_load %arg9[%get3A_1145, %get3A_1146] {strides = array<i32>} : memref<128x128xf32, #tpu.memory_space<vmem>>, vector<1x16xf32>,
        %get3A_1148 = vector.shape_cast %get3A_1147 : vector<1x16xf32> to vector<16xf32>
        %mul3A_1149 = arith.mulf %get3A_1148, %get3A_9 : vector<16xf32>
        %add3A_1150 = arith.addf %mul3A_1144, %mul3A_1149 : vector<16xf32>
        %get3A_1151 = arith.index_cast %add3A_1139 : i32 to index
        %get3A_1152 = arith.constant 32 : index
        %get3A_1153 = tpu.vector_load %arg9[%get3A_1151, %get3A_1152] {strides = array<i32>} : memref<128x128xf32, #tpu.memory_space<vmem>>, vector<1x16xf32>,
        %get3A_1154 = vector.shape_cast %get3A_1153 : vector<1x16xf32> to vector<16xf32>
        %mul3A_1155 = arith.mulf %get3A_1154, %get3A_12 : vector<16xf32>
        %add3A_1156 = arith.addf %add3A_1150, %mul3A_1155 : vector<16xf32>
        %get3A_1157 = arith.index_cast %add3A_1139 : i32 to index
        %get3A_1158 = arith.constant 48 : index
        %get3A_1159 = tpu.vector_load %arg9[%get3A_1157, %get3A_1158] {strides = array<i32>} : memref<128x128xf32, #tpu.memory_space<vmem>>, vector<1x16xf32>,
        %get3A_1160 = vector.shape_cast %get3A_1159 : vector<1x16xf32> to vector<16xf32>
        %mul3A_1161 = arith.mulf %get3A_1160, %get3A_15 : vector<16xf32>
        %add3A_1162 = arith.addf %add3A_1156, %mul3A_1161 : vector<16xf32>
        %get3A_1163 = arith.index_cast %add3A_1139 : i32 to index
        %get3A_1164 = arith.constant 64 : index
        %get3A_1165 = tpu.vector_load %arg9[%get3A_1163, %get3A_1164] {strides = array<i32>} : memref<128x128xf32, #tpu.memory_space<vmem>>, vector<1x16xf32>,
        %get3A_1166 = vector.shape_cast %get3A_1165 : vector<1x16xf32> to vector<16xf32>
        %mul3A_1167 = arith.mulf %get3A_1166, %get3A_18 : vector<16xf32>
        %add3A_1168 = arith.addf %add3A_1162, %mul3A_1167 : vector<16xf32>
        %get3A_1169 = arith.index_cast %add3A_1139 : i32 to index
        %get3A_1170 = arith.constant 80 : index
        %get3A_1171 = tpu.vector_load %arg9[%get3A_1169, %get3A_1170] {strides = array<i32>} : memref<128x128xf32, #tpu.memory_space<vmem>>, vector<1x16xf32>,
        %get3A_1172 = vector.shape_cast %get3A_1171 : vector<1x16xf32> to vector<16xf32>
        %mul3A_1173 = arith.mulf %get3A_1172, %get3A_21 : vector<16xf32>
        %add3A_1174 = arith.addf %add3A_1168, %mul3A_1173 : vector<16xf32>
        %get3A_1175 = arith.index_cast %add3A_1139 : i32 to index
        %get3A_1176 = arith.constant 96 : index
        %get3A_1177 = tpu.vector_load %arg9[%get3A_1175, %get3A_1176] {strides = array<i32>} : memref<128x128xf32, #tpu.memory_space<vmem>>, vector<1x16xf32>,
        %get3A_1178 = vector.shape_cast %get3A_1177 : vector<1x16xf32> to vector<16xf32>
        %mul3A_1179 = arith.mulf %get3A_1178, %get3A_24 : vector<16xf32>
        %add3A_1180 = arith.addf %add3A_1174, %mul3A_1179 : vector<16xf32>
        %get3A_1181 = arith.index_cast %add3A_1139 : i32 to index
        %get3A_1182 = arith.constant 112 : index
        %get3A_1183 = tpu.vector_load %arg9[%get3A_1181, %get3A_1182] {strides = array<i32>} : memref<128x128xf32, #tpu.memory_space<vmem>>, vector<1x16xf32>,
        %get3A_1184 = vector.shape_cast %get3A_1183 : vector<1x16xf32> to vector<16xf32>
        %mul3A_1185 = arith.mulf %get3A_1184, %get3A_27 : vector<16xf32>
        %add3A_1186 = arith.addf %add3A_1180, %mul3A_1185 : vector<16xf32>
        %eq3A_1187 = arith.constant 11 : i32
        %eq3A_1188 = vector.broadcast %eq3A_1187 : i32 to vector<16xi32>
        %eq3A_1189 = arith.cmpi eq, %iota3A, %eq3A_1188 : vector<16xi32>
        %iota3A_1190 = tpu.iota {dimensions = array<i32: 0>} : vector<16xi32>
        %xor3A_1191 = arith.constant 1 : i32
        %xor3A_1192 = vector.broadcast %xor3A_1191 : i32 to vector<16xi32>
        %xor3A_1193 = arith.xori %iota3A_1190, %xor3A_1192 : vector<16xi32>
        %broadcast_in_dim3A_1194 = vector.shape_cast %xor3A_1193 : vector<16xi32> to vector<16x1xi32>
        %gather3A_1195 = vector.shape_cast %broadcast_in_dim3A_1194 : vector<16x1xi32> to vector<16xi32>
        %gather3A_1196 = tpu.dynamic_gather %add3A_1186[%gather3A_1195] in [0] : vector<16xf32>, vector<16xi32> -> vector<16xf32>
        %add3A_1197 = arith.addf %add3A_1186, %gather3A_1196 : vector<16xf32>
        %iota3A_1198 = tpu.iota {dimensions = array<i32: 0>} : vector<16xi32>
        %xor3A_1199 = arith.constant 2 : i32
        %xor3A_1200 = vector.broadcast %xor3A_1199 : i32 to vector<16xi32>
        %xor3A_1201 = arith.xori %iota3A_1198, %xor3A_1200 : vector<16xi32>
        %broadcast_in_dim3A_1202 = vector.shape_cast %xor3A_1201 : vector<16xi32> to vector<16x1xi32>
        %gather3A_1203 = vector.shape_cast %broadcast_in_dim3A_1202 : vector<16x1xi32> to vector<16xi32>
        %gather3A_1204 = tpu.dynamic_gather %add3A_1197[%gather3A_1203] in [0] : vector<16xf32>, vector<16xi32> -> vector<16xf32>
        %add3A_1205 = arith.addf %add3A_1197, %gather3A_1204 : vector<16xf32>
        %iota3A_1206 = tpu.iota {dimensions = array<i32: 0>} : vector<16xi32>
        %xor3A_1207 = arith.constant 4 : i32
        %xor3A_1208 = vector.broadcast %xor3A_1207 : i32 to vector<16xi32>
        %xor3A_1209 = arith.xori %iota3A_1206, %xor3A_1208 : vector<16xi32>
        %broadcast_in_dim3A_1210 = vector.shape_cast %xor3A_1209 : vector<16xi32> to vector<16x1xi32>
        %gather3A_1211 = vector.shape_cast %broadcast_in_dim3A_1210 : vector<16x1xi32> to vector<16xi32>
        %gather3A_1212 = tpu.dynamic_gather %add3A_1205[%gather3A_1211] in [0] : vector<16xf32>, vector<16xi32> -> vector<16xf32>
        %add3A_1213 = arith.addf %add3A_1205, %gather3A_1212 : vector<16xf32>
        %iota3A_1214 = tpu.iota {dimensions = array<i32: 0>} : vector<16xi32>
        %xor3A_1215 = arith.constant 8 : i32
        %xor3A_1216 = vector.broadcast %xor3A_1215 : i32 to vector<16xi32>
        %xor3A_1217 = arith.xori %iota3A_1214, %xor3A_1216 : vector<16xi32>
        %broadcast_in_dim3A_1218 = vector.shape_cast %xor3A_1217 : vector<16xi32> to vector<16x1xi32>
        %gather3A_1219 = vector.shape_cast %broadcast_in_dim3A_1218 : vector<16x1xi32> to vector<16xi32>
        %gather3A_1220 = tpu.dynamic_gather %add3A_1213[%gather3A_1219] in [0] : vector<16xf32>, vector<16xi32> -> vector<16xf32>
        %add3A_1221 = arith.addf %add3A_1213, %gather3A_1220 : vector<16xf32>
        %select_n3A_1222 = arith.select %eq3A_1189, %add3A_1221, %select_n3A_1137 : vector<16xi1>, vector<16xf32>
        %add3A_1223 = arith.constant 12 : i32
        %add3A_1224 = arith.addi %mul3A_200, %add3A_1223 : i32
        %get3A_1225 = arith.index_cast %add3A_1224 : i32 to index
        %get3A_1226 = arith.constant 0 : index
        %get3A_1227 = tpu.vector_load %arg9[%get3A_1225, %get3A_1226] {strides = array<i32>} : memref<128x128xf32, #tpu.memory_space<vmem>>, vector<1x16xf32>,
        %get3A_1228 = vector.shape_cast %get3A_1227 : vector<1x16xf32> to vector<16xf32>
        %mul3A_1229 = arith.mulf %get3A_1228, %get3A_6 : vector<16xf32>
        %get3A_1230 = arith.index_cast %add3A_1224 : i32 to index
        %get3A_1231 = arith.constant 16 : index
        %get3A_1232 = tpu.vector_load %arg9[%get3A_1230, %get3A_1231] {strides = array<i32>} : memref<128x128xf32, #tpu.memory_space<vmem>>, vector<1x16xf32>,
        %get3A_1233 = vector.shape_cast %get3A_1232 : vector<1x16xf32> to vector<16xf32>
        %mul3A_1234 = arith.mulf %get3A_1233, %get3A_9 : vector<16xf32>
        %add3A_1235 = arith.addf %mul3A_1229, %mul3A_1234 : vector<16xf32>
        %get3A_1236 = arith.index_cast %add3A_1224 : i32 to index
        %get3A_1237 = arith.constant 32 : index
        %get3A_1238 = tpu.vector_load %arg9[%get3A_1236, %get3A_1237] {strides = array<i32>} : memref<128x128xf32, #tpu.memory_space<vmem>>, vector<1x16xf32>,
        %get3A_1239 = vector.shape_cast %get3A_1238 : vector<1x16xf32> to vector<16xf32>
        %mul3A_1240 = arith.mulf %get3A_1239, %get3A_12 : vector<16xf32>
        %add3A_1241 = arith.addf %add3A_1235, %mul3A_1240 : vector<16xf32>
        %get3A_1242 = arith.index_cast %add3A_1224 : i32 to index
        %get3A_1243 = arith.constant 48 : index
        %get3A_1244 = tpu.vector_load %arg9[%get3A_1242, %get3A_1243] {strides = array<i32>} : memref<128x128xf32, #tpu.memory_space<vmem>>, vector<1x16xf32>,
        %get3A_1245 = vector.shape_cast %get3A_1244 : vector<1x16xf32> to vector<16xf32>
        %mul3A_1246 = arith.mulf %get3A_1245, %get3A_15 : vector<16xf32>
        %add3A_1247 = arith.addf %add3A_1241, %mul3A_1246 : vector<16xf32>
        %get3A_1248 = arith.index_cast %add3A_1224 : i32 to index
        %get3A_1249 = arith.constant 64 : index
        %get3A_1250 = tpu.vector_load %arg9[%get3A_1248, %get3A_1249] {strides = array<i32>} : memref<128x128xf32, #tpu.memory_space<vmem>>, vector<1x16xf32>,
        %get3A_1251 = vector.shape_cast %get3A_1250 : vector<1x16xf32> to vector<16xf32>
        %mul3A_1252 = arith.mulf %get3A_1251, %get3A_18 : vector<16xf32>
        %add3A_1253 = arith.addf %add3A_1247, %mul3A_1252 : vector<16xf32>
        %get3A_1254 = arith.index_cast %add3A_1224 : i32 to index
        %get3A_1255 = arith.constant 80 : index
        %get3A_1256 = tpu.vector_load %arg9[%get3A_1254, %get3A_1255] {strides = array<i32>} : memref<128x128xf32, #tpu.memory_space<vmem>>, vector<1x16xf32>,
        %get3A_1257 = vector.shape_cast %get3A_1256 : vector<1x16xf32> to vector<16xf32>
        %mul3A_1258 = arith.mulf %get3A_1257, %get3A_21 : vector<16xf32>
        %add3A_1259 = arith.addf %add3A_1253, %mul3A_1258 : vector<16xf32>
        %get3A_1260 = arith.index_cast %add3A_1224 : i32 to index
        %get3A_1261 = arith.constant 96 : index
        %get3A_1262 = tpu.vector_load %arg9[%get3A_1260, %get3A_1261] {strides = array<i32>} : memref<128x128xf32, #tpu.memory_space<vmem>>, vector<1x16xf32>,
        %get3A_1263 = vector.shape_cast %get3A_1262 : vector<1x16xf32> to vector<16xf32>
        %mul3A_1264 = arith.mulf %get3A_1263, %get3A_24 : vector<16xf32>
        %add3A_1265 = arith.addf %add3A_1259, %mul3A_1264 : vector<16xf32>
        %get3A_1266 = arith.index_cast %add3A_1224 : i32 to index
        %get3A_1267 = arith.constant 112 : index
        %get3A_1268 = tpu.vector_load %arg9[%get3A_1266, %get3A_1267] {strides = array<i32>} : memref<128x128xf32, #tpu.memory_space<vmem>>, vector<1x16xf32>,
        %get3A_1269 = vector.shape_cast %get3A_1268 : vector<1x16xf32> to vector<16xf32>
        %mul3A_1270 = arith.mulf %get3A_1269, %get3A_27 : vector<16xf32>
        %add3A_1271 = arith.addf %add3A_1265, %mul3A_1270 : vector<16xf32>
        %eq3A_1272 = arith.constant 12 : i32
        %eq3A_1273 = vector.broadcast %eq3A_1272 : i32 to vector<16xi32>
        %eq3A_1274 = arith.cmpi eq, %iota3A, %eq3A_1273 : vector<16xi32>
        %iota3A_1275 = tpu.iota {dimensions = array<i32: 0>} : vector<16xi32>
        %xor3A_1276 = arith.constant 1 : i32
        %xor3A_1277 = vector.broadcast %xor3A_1276 : i32 to vector<16xi32>
        %xor3A_1278 = arith.xori %iota3A_1275, %xor3A_1277 : vector<16xi32>
        %broadcast_in_dim3A_1279 = vector.shape_cast %xor3A_1278 : vector<16xi32> to vector<16x1xi32>
        %gather3A_1280 = vector.shape_cast %broadcast_in_dim3A_1279 : vector<16x1xi32> to vector<16xi32>
        %gather3A_1281 = tpu.dynamic_gather %add3A_1271[%gather3A_1280] in [0] : vector<16xf32>, vector<16xi32> -> vector<16xf32>
        %add3A_1282 = arith.addf %add3A_1271, %gather3A_1281 : vector<16xf32>
        %iota3A_1283 = tpu.iota {dimensions = array<i32: 0>} : vector<16xi32>
        %xor3A_1284 = arith.constant 2 : i32
        %xor3A_1285 = vector.broadcast %xor3A_1284 : i32 to vector<16xi32>
        %xor3A_1286 = arith.xori %iota3A_1283, %xor3A_1285 : vector<16xi32>
        %broadcast_in_dim3A_1287 = vector.shape_cast %xor3A_1286 : vector<16xi32> to vector<16x1xi32>
        %gather3A_1288 = vector.shape_cast %broadcast_in_dim3A_1287 : vector<16x1xi32> to vector<16xi32>
        %gather3A_1289 = tpu.dynamic_gather %add3A_1282[%gather3A_1288] in [0] : vector<16xf32>, vector<16xi32> -> vector<16xf32>
        %add3A_1290 = arith.addf %add3A_1282, %gather3A_1289 : vector<16xf32>
        %iota3A_1291 = tpu.iota {dimensions = array<i32: 0>} : vector<16xi32>
        %xor3A_1292 = arith.constant 4 : i32
        %xor3A_1293 = vector.broadcast %xor3A_1292 : i32 to vector<16xi32>
        %xor3A_1294 = arith.xori %iota3A_1291, %xor3A_1293 : vector<16xi32>
        %broadcast_in_dim3A_1295 = vector.shape_cast %xor3A_1294 : vector<16xi32> to vector<16x1xi32>
        %gather3A_1296 = vector.shape_cast %broadcast_in_dim3A_1295 : vector<16x1xi32> to vector<16xi32>
        %gather3A_1297 = tpu.dynamic_gather %add3A_1290[%gather3A_1296] in [0] : vector<16xf32>, vector<16xi32> -> vector<16xf32>
        %add3A_1298 = arith.addf %add3A_1290, %gather3A_1297 : vector<16xf32>
        %iota3A_1299 = tpu.iota {dimensions = array<i32: 0>} : vector<16xi32>
        %xor3A_1300 = arith.constant 8 : i32
        %xor3A_1301 = vector.broadcast %xor3A_1300 : i32 to vector<16xi32>
        %xor3A_1302 = arith.xori %iota3A_1299, %xor3A_1301 : vector<16xi32>
        %broadcast_in_dim3A_1303 = vector.shape_cast %xor3A_1302 : vector<16xi32> to vector<16x1xi32>
        %gather3A_1304 = vector.shape_cast %broadcast_in_dim3A_1303 : vector<16x1xi32> to vector<16xi32>
        %gather3A_1305 = tpu.dynamic_gather %add3A_1298[%gather3A_1304] in [0] : vector<16xf32>, vector<16xi32> -> vector<16xf32>
        %add3A_1306 = arith.addf %add3A_1298, %gather3A_1305 : vector<16xf32>
        %select_n3A_1307 = arith.select %eq3A_1274, %add3A_1306, %select_n3A_1222 : vector<16xi1>, vector<16xf32>
        %add3A_1308 = arith.constant 13 : i32
        %add3A_1309 = arith.addi %mul3A_200, %add3A_1308 : i32
        %get3A_1310 = arith.index_cast %add3A_1309 : i32 to index
        %get3A_1311 = arith.constant 0 : index
        %get3A_1312 = tpu.vector_load %arg9[%get3A_1310, %get3A_1311] {strides = array<i32>} : memref<128x128xf32, #tpu.memory_space<vmem>>, vector<1x16xf32>,
        %get3A_1313 = vector.shape_cast %get3A_1312 : vector<1x16xf32> to vector<16xf32>
        %mul3A_1314 = arith.mulf %get3A_1313, %get3A_6 : vector<16xf32>
        %get3A_1315 = arith.index_cast %add3A_1309 : i32 to index
        %get3A_1316 = arith.constant 16 : index
        %get3A_1317 = tpu.vector_load %arg9[%get3A_1315, %get3A_1316] {strides = array<i32>} : memref<128x128xf32, #tpu.memory_space<vmem>>, vector<1x16xf32>,
        %get3A_1318 = vector.shape_cast %get3A_1317 : vector<1x16xf32> to vector<16xf32>
        %mul3A_1319 = arith.mulf %get3A_1318, %get3A_9 : vector<16xf32>
        %add3A_1320 = arith.addf %mul3A_1314, %mul3A_1319 : vector<16xf32>
        %get3A_1321 = arith.index_cast %add3A_1309 : i32 to index
        %get3A_1322 = arith.constant 32 : index
        %get3A_1323 = tpu.vector_load %arg9[%get3A_1321, %get3A_1322] {strides = array<i32>} : memref<128x128xf32, #tpu.memory_space<vmem>>, vector<1x16xf32>,
        %get3A_1324 = vector.shape_cast %get3A_1323 : vector<1x16xf32> to vector<16xf32>
        %mul3A_1325 = arith.mulf %get3A_1324, %get3A_12 : vector<16xf32>
        %add3A_1326 = arith.addf %add3A_1320, %mul3A_1325 : vector<16xf32>
        %get3A_1327 = arith.index_cast %add3A_1309 : i32 to index
        %get3A_1328 = arith.constant 48 : index
        %get3A_1329 = tpu.vector_load %arg9[%get3A_1327, %get3A_1328] {strides = array<i32>} : memref<128x128xf32, #tpu.memory_space<vmem>>, vector<1x16xf32>,
        %get3A_1330 = vector.shape_cast %get3A_1329 : vector<1x16xf32> to vector<16xf32>
        %mul3A_1331 = arith.mulf %get3A_1330, %get3A_15 : vector<16xf32>
        %add3A_1332 = arith.addf %add3A_1326, %mul3A_1331 : vector<16xf32>
        %get3A_1333 = arith.index_cast %add3A_1309 : i32 to index
        %get3A_1334 = arith.constant 64 : index
        %get3A_1335 = tpu.vector_load %arg9[%get3A_1333, %get3A_1334] {strides = array<i32>} : memref<128x128xf32, #tpu.memory_space<vmem>>, vector<1x16xf32>,
        %get3A_1336 = vector.shape_cast %get3A_1335 : vector<1x16xf32> to vector<16xf32>
        %mul3A_1337 = arith.mulf %get3A_1336, %get3A_18 : vector<16xf32>
        %add3A_1338 = arith.addf %add3A_1332, %mul3A_1337 : vector<16xf32>
        %get3A_1339 = arith.index_cast %add3A_1309 : i32 to index
        %get3A_1340 = arith.constant 80 : index
        %get3A_1341 = tpu.vector_load %arg9[%get3A_1339, %get3A_1340] {strides = array<i32>} : memref<128x128xf32, #tpu.memory_space<vmem>>, vector<1x16xf32>,
        %get3A_1342 = vector.shape_cast %get3A_1341 : vector<1x16xf32> to vector<16xf32>
        %mul3A_1343 = arith.mulf %get3A_1342, %get3A_21 : vector<16xf32>
        %add3A_1344 = arith.addf %add3A_1338, %mul3A_1343 : vector<16xf32>
        %get3A_1345 = arith.index_cast %add3A_1309 : i32 to index
        %get3A_1346 = arith.constant 96 : index
        %get3A_1347 = tpu.vector_load %arg9[%get3A_1345, %get3A_1346] {strides = array<i32>} : memref<128x128xf32, #tpu.memory_space<vmem>>, vector<1x16xf32>,
        %get3A_1348 = vector.shape_cast %get3A_1347 : vector<1x16xf32> to vector<16xf32>
        %mul3A_1349 = arith.mulf %get3A_1348, %get3A_24 : vector<16xf32>
        %add3A_1350 = arith.addf %add3A_1344, %mul3A_1349 : vector<16xf32>
        %get3A_1351 = arith.index_cast %add3A_1309 : i32 to index
        %get3A_1352 = arith.constant 112 : index
        %get3A_1353 = tpu.vector_load %arg9[%get3A_1351, %get3A_1352] {strides = array<i32>} : memref<128x128xf32, #tpu.memory_space<vmem>>, vector<1x16xf32>,
        %get3A_1354 = vector.shape_cast %get3A_1353 : vector<1x16xf32> to vector<16xf32>
        %mul3A_1355 = arith.mulf %get3A_1354, %get3A_27 : vector<16xf32>
        %add3A_1356 = arith.addf %add3A_1350, %mul3A_1355 : vector<16xf32>
        %eq3A_1357 = arith.constant 13 : i32
        %eq3A_1358 = vector.broadcast %eq3A_1357 : i32 to vector<16xi32>
        %eq3A_1359 = arith.cmpi eq, %iota3A, %eq3A_1358 : vector<16xi32>
        %iota3A_1360 = tpu.iota {dimensions = array<i32: 0>} : vector<16xi32>
        %xor3A_1361 = arith.constant 1 : i32
        %xor3A_1362 = vector.broadcast %xor3A_1361 : i32 to vector<16xi32>
        %xor3A_1363 = arith.xori %iota3A_1360, %xor3A_1362 : vector<16xi32>
        %broadcast_in_dim3A_1364 = vector.shape_cast %xor3A_1363 : vector<16xi32> to vector<16x1xi32>
        %gather3A_1365 = vector.shape_cast %broadcast_in_dim3A_1364 : vector<16x1xi32> to vector<16xi32>
        %gather3A_1366 = tpu.dynamic_gather %add3A_1356[%gather3A_1365] in [0] : vector<16xf32>, vector<16xi32> -> vector<16xf32>
        %add3A_1367 = arith.addf %add3A_1356, %gather3A_1366 : vector<16xf32>
        %iota3A_1368 = tpu.iota {dimensions = array<i32: 0>} : vector<16xi32>
        %xor3A_1369 = arith.constant 2 : i32
        %xor3A_1370 = vector.broadcast %xor3A_1369 : i32 to vector<16xi32>
        %xor3A_1371 = arith.xori %iota3A_1368, %xor3A_1370 : vector<16xi32>
        %broadcast_in_dim3A_1372 = vector.shape_cast %xor3A_1371 : vector<16xi32> to vector<16x1xi32>
        %gather3A_1373 = vector.shape_cast %broadcast_in_dim3A_1372 : vector<16x1xi32> to vector<16xi32>
        %gather3A_1374 = tpu.dynamic_gather %add3A_1367[%gather3A_1373] in [0] : vector<16xf32>, vector<16xi32> -> vector<16xf32>
        %add3A_1375 = arith.addf %add3A_1367, %gather3A_1374 : vector<16xf32>
        %iota3A_1376 = tpu.iota {dimensions = array<i32: 0>} : vector<16xi32>
        %xor3A_1377 = arith.constant 4 : i32
        %xor3A_1378 = vector.broadcast %xor3A_1377 : i32 to vector<16xi32>
        %xor3A_1379 = arith.xori %iota3A_1376, %xor3A_1378 : vector<16xi32>
        %broadcast_in_dim3A_1380 = vector.shape_cast %xor3A_1379 : vector<16xi32> to vector<16x1xi32>
        %gather3A_1381 = vector.shape_cast %broadcast_in_dim3A_1380 : vector<16x1xi32> to vector<16xi32>
        %gather3A_1382 = tpu.dynamic_gather %add3A_1375[%gather3A_1381] in [0] : vector<16xf32>, vector<16xi32> -> vector<16xf32>
        %add3A_1383 = arith.addf %add3A_1375, %gather3A_1382 : vector<16xf32>
        %iota3A_1384 = tpu.iota {dimensions = array<i32: 0>} : vector<16xi32>
        %xor3A_1385 = arith.constant 8 : i32
        %xor3A_1386 = vector.broadcast %xor3A_1385 : i32 to vector<16xi32>
        %xor3A_1387 = arith.xori %iota3A_1384, %xor3A_1386 : vector<16xi32>
        %broadcast_in_dim3A_1388 = vector.shape_cast %xor3A_1387 : vector<16xi32> to vector<16x1xi32>
        %gather3A_1389 = vector.shape_cast %broadcast_in_dim3A_1388 : vector<16x1xi32> to vector<16xi32>
        %gather3A_1390 = tpu.dynamic_gather %add3A_1383[%gather3A_1389] in [0] : vector<16xf32>, vector<16xi32> -> vector<16xf32>
        %add3A_1391 = arith.addf %add3A_1383, %gather3A_1390 : vector<16xf32>
        %select_n3A_1392 = arith.select %eq3A_1359, %add3A_1391, %select_n3A_1307 : vector<16xi1>, vector<16xf32>
        %add3A_1393 = arith.constant 14 : i32
        %add3A_1394 = arith.addi %mul3A_200, %add3A_1393 : i32
        %get3A_1395 = arith.index_cast %add3A_1394 : i32 to index
        %get3A_1396 = arith.constant 0 : index
        %get3A_1397 = tpu.vector_load %arg9[%get3A_1395, %get3A_1396] {strides = array<i32>} : memref<128x128xf32, #tpu.memory_space<vmem>>, vector<1x16xf32>,
        %get3A_1398 = vector.shape_cast %get3A_1397 : vector<1x16xf32> to vector<16xf32>
        %mul3A_1399 = arith.mulf %get3A_1398, %get3A_6 : vector<16xf32>
        %get3A_1400 = arith.index_cast %add3A_1394 : i32 to index
        %get3A_1401 = arith.constant 16 : index
        %get3A_1402 = tpu.vector_load %arg9[%get3A_1400, %get3A_1401] {strides = array<i32>} : memref<128x128xf32, #tpu.memory_space<vmem>>, vector<1x16xf32>,
        %get3A_1403 = vector.shape_cast %get3A_1402 : vector<1x16xf32> to vector<16xf32>
        %mul3A_1404 = arith.mulf %get3A_1403, %get3A_9 : vector<16xf32>
        %add3A_1405 = arith.addf %mul3A_1399, %mul3A_1404 : vector<16xf32>
        %get3A_1406 = arith.index_cast %add3A_1394 : i32 to index
        %get3A_1407 = arith.constant 32 : index
        %get3A_1408 = tpu.vector_load %arg9[%get3A_1406, %get3A_1407] {strides = array<i32>} : memref<128x128xf32, #tpu.memory_space<vmem>>, vector<1x16xf32>,
        %get3A_1409 = vector.shape_cast %get3A_1408 : vector<1x16xf32> to vector<16xf32>
        %mul3A_1410 = arith.mulf %get3A_1409, %get3A_12 : vector<16xf32>
        %add3A_1411 = arith.addf %add3A_1405, %mul3A_1410 : vector<16xf32>
        %get3A_1412 = arith.index_cast %add3A_1394 : i32 to index
        %get3A_1413 = arith.constant 48 : index
        %get3A_1414 = tpu.vector_load %arg9[%get3A_1412, %get3A_1413] {strides = array<i32>} : memref<128x128xf32, #tpu.memory_space<vmem>>, vector<1x16xf32>,
        %get3A_1415 = vector.shape_cast %get3A_1414 : vector<1x16xf32> to vector<16xf32>
        %mul3A_1416 = arith.mulf %get3A_1415, %get3A_15 : vector<16xf32>
        %add3A_1417 = arith.addf %add3A_1411, %mul3A_1416 : vector<16xf32>
        %get3A_1418 = arith.index_cast %add3A_1394 : i32 to index
        %get3A_1419 = arith.constant 64 : index
        %get3A_1420 = tpu.vector_load %arg9[%get3A_1418, %get3A_1419] {strides = array<i32>} : memref<128x128xf32, #tpu.memory_space<vmem>>, vector<1x16xf32>,
        %get3A_1421 = vector.shape_cast %get3A_1420 : vector<1x16xf32> to vector<16xf32>
        %mul3A_1422 = arith.mulf %get3A_1421, %get3A_18 : vector<16xf32>
        %add3A_1423 = arith.addf %add3A_1417, %mul3A_1422 : vector<16xf32>
        %get3A_1424 = arith.index_cast %add3A_1394 : i32 to index
        %get3A_1425 = arith.constant 80 : index
        %get3A_1426 = tpu.vector_load %arg9[%get3A_1424, %get3A_1425] {strides = array<i32>} : memref<128x128xf32, #tpu.memory_space<vmem>>, vector<1x16xf32>,
        %get3A_1427 = vector.shape_cast %get3A_1426 : vector<1x16xf32> to vector<16xf32>
        %mul3A_1428 = arith.mulf %get3A_1427, %get3A_21 : vector<16xf32>
        %add3A_1429 = arith.addf %add3A_1423, %mul3A_1428 : vector<16xf32>
        %get3A_1430 = arith.index_cast %add3A_1394 : i32 to index
        %get3A_1431 = arith.constant 96 : index
        %get3A_1432 = tpu.vector_load %arg9[%get3A_1430, %get3A_1431] {strides = array<i32>} : memref<128x128xf32, #tpu.memory_space<vmem>>, vector<1x16xf32>,
        %get3A_1433 = vector.shape_cast %get3A_1432 : vector<1x16xf32> to vector<16xf32>
        %mul3A_1434 = arith.mulf %get3A_1433, %get3A_24 : vector<16xf32>
        %add3A_1435 = arith.addf %add3A_1429, %mul3A_1434 : vector<16xf32>
        %get3A_1436 = arith.index_cast %add3A_1394 : i32 to index
        %get3A_1437 = arith.constant 112 : index
        %get3A_1438 = tpu.vector_load %arg9[%get3A_1436, %get3A_1437] {strides = array<i32>} : memref<128x128xf32, #tpu.memory_space<vmem>>, vector<1x16xf32>,
        %get3A_1439 = vector.shape_cast %get3A_1438 : vector<1x16xf32> to vector<16xf32>
        %mul3A_1440 = arith.mulf %get3A_1439, %get3A_27 : vector<16xf32>
        %add3A_1441 = arith.addf %add3A_1435, %mul3A_1440 : vector<16xf32>
        %eq3A_1442 = arith.constant 14 : i32
        %eq3A_1443 = vector.broadcast %eq3A_1442 : i32 to vector<16xi32>
        %eq3A_1444 = arith.cmpi eq, %iota3A, %eq3A_1443 : vector<16xi32>
        %iota3A_1445 = tpu.iota {dimensions = array<i32: 0>} : vector<16xi32>
        %xor3A_1446 = arith.constant 1 : i32
        %xor3A_1447 = vector.broadcast %xor3A_1446 : i32 to vector<16xi32>
        %xor3A_1448 = arith.xori %iota3A_1445, %xor3A_1447 : vector<16xi32>
        %broadcast_in_dim3A_1449 = vector.shape_cast %xor3A_1448 : vector<16xi32> to vector<16x1xi32>
        %gather3A_1450 = vector.shape_cast %broadcast_in_dim3A_1449 : vector<16x1xi32> to vector<16xi32>
        %gather3A_1451 = tpu.dynamic_gather %add3A_1441[%gather3A_1450] in [0] : vector<16xf32>, vector<16xi32> -> vector<16xf32>
        %add3A_1452 = arith.addf %add3A_1441, %gather3A_1451 : vector<16xf32>
        %iota3A_1453 = tpu.iota {dimensions = array<i32: 0>} : vector<16xi32>
        %xor3A_1454 = arith.constant 2 : i32
        %xor3A_1455 = vector.broadcast %xor3A_1454 : i32 to vector<16xi32>
        %xor3A_1456 = arith.xori %iota3A_1453, %xor3A_1455 : vector<16xi32>
        %broadcast_in_dim3A_1457 = vector.shape_cast %xor3A_1456 : vector<16xi32> to vector<16x1xi32>
        %gather3A_1458 = vector.shape_cast %broadcast_in_dim3A_1457 : vector<16x1xi32> to vector<16xi32>
        %gather3A_1459 = tpu.dynamic_gather %add3A_1452[%gather3A_1458] in [0] : vector<16xf32>, vector<16xi32> -> vector<16xf32>
        %add3A_1460 = arith.addf %add3A_1452, %gather3A_1459 : vector<16xf32>
        %iota3A_1461 = tpu.iota {dimensions = array<i32: 0>} : vector<16xi32>
        %xor3A_1462 = arith.constant 4 : i32
        %xor3A_1463 = vector.broadcast %xor3A_1462 : i32 to vector<16xi32>
        %xor3A_1464 = arith.xori %iota3A_1461, %xor3A_1463 : vector<16xi32>
        %broadcast_in_dim3A_1465 = vector.shape_cast %xor3A_1464 : vector<16xi32> to vector<16x1xi32>
        %gather3A_1466 = vector.shape_cast %broadcast_in_dim3A_1465 : vector<16x1xi32> to vector<16xi32>
        %gather3A_1467 = tpu.dynamic_gather %add3A_1460[%gather3A_1466] in [0] : vector<16xf32>, vector<16xi32> -> vector<16xf32>
        %add3A_1468 = arith.addf %add3A_1460, %gather3A_1467 : vector<16xf32>
        %iota3A_1469 = tpu.iota {dimensions = array<i32: 0>} : vector<16xi32>
        %xor3A_1470 = arith.constant 8 : i32
        %xor3A_1471 = vector.broadcast %xor3A_1470 : i32 to vector<16xi32>
        %xor3A_1472 = arith.xori %iota3A_1469, %xor3A_1471 : vector<16xi32>
        %broadcast_in_dim3A_1473 = vector.shape_cast %xor3A_1472 : vector<16xi32> to vector<16x1xi32>
        %gather3A_1474 = vector.shape_cast %broadcast_in_dim3A_1473 : vector<16x1xi32> to vector<16xi32>
        %gather3A_1475 = tpu.dynamic_gather %add3A_1468[%gather3A_1474] in [0] : vector<16xf32>, vector<16xi32> -> vector<16xf32>
        %add3A_1476 = arith.addf %add3A_1468, %gather3A_1475 : vector<16xf32>
        %select_n3A_1477 = arith.select %eq3A_1444, %add3A_1476, %select_n3A_1392 : vector<16xi1>, vector<16xf32>
        %add3A_1478 = arith.constant 15 : i32
        %add3A_1479 = arith.addi %mul3A_200, %add3A_1478 : i32
        %get3A_1480 = arith.index_cast %add3A_1479 : i32 to index
        %get3A_1481 = arith.constant 0 : index
        %get3A_1482 = tpu.vector_load %arg9[%get3A_1480, %get3A_1481] {strides = array<i32>} : memref<128x128xf32, #tpu.memory_space<vmem>>, vector<1x16xf32>,
        %get3A_1483 = vector.shape_cast %get3A_1482 : vector<1x16xf32> to vector<16xf32>
        %mul3A_1484 = arith.mulf %get3A_1483, %get3A_6 : vector<16xf32>
        %get3A_1485 = arith.index_cast %add3A_1479 : i32 to index
        %get3A_1486 = arith.constant 16 : index
        %get3A_1487 = tpu.vector_load %arg9[%get3A_1485, %get3A_1486] {strides = array<i32>} : memref<128x128xf32, #tpu.memory_space<vmem>>, vector<1x16xf32>,
        %get3A_1488 = vector.shape_cast %get3A_1487 : vector<1x16xf32> to vector<16xf32>
        %mul3A_1489 = arith.mulf %get3A_1488, %get3A_9 : vector<16xf32>
        %add3A_1490 = arith.addf %mul3A_1484, %mul3A_1489 : vector<16xf32>
        %get3A_1491 = arith.index_cast %add3A_1479 : i32 to index
        %get3A_1492 = arith.constant 32 : index
        %get3A_1493 = tpu.vector_load %arg9[%get3A_1491, %get3A_1492] {strides = array<i32>} : memref<128x128xf32, #tpu.memory_space<vmem>>, vector<1x16xf32>,
        %get3A_1494 = vector.shape_cast %get3A_1493 : vector<1x16xf32> to vector<16xf32>
        %mul3A_1495 = arith.mulf %get3A_1494, %get3A_12 : vector<16xf32>
        %add3A_1496 = arith.addf %add3A_1490, %mul3A_1495 : vector<16xf32>
        %get3A_1497 = arith.index_cast %add3A_1479 : i32 to index
        %get3A_1498 = arith.constant 48 : index
        %get3A_1499 = tpu.vector_load %arg9[%get3A_1497, %get3A_1498] {strides = array<i32>} : memref<128x128xf32, #tpu.memory_space<vmem>>, vector<1x16xf32>,
        %get3A_1500 = vector.shape_cast %get3A_1499 : vector<1x16xf32> to vector<16xf32>
        %mul3A_1501 = arith.mulf %get3A_1500, %get3A_15 : vector<16xf32>
        %add3A_1502 = arith.addf %add3A_1496, %mul3A_1501 : vector<16xf32>
        %get3A_1503 = arith.index_cast %add3A_1479 : i32 to index
        %get3A_1504 = arith.constant 64 : index
        %get3A_1505 = tpu.vector_load %arg9[%get3A_1503, %get3A_1504] {strides = array<i32>} : memref<128x128xf32, #tpu.memory_space<vmem>>, vector<1x16xf32>,
        %get3A_1506 = vector.shape_cast %get3A_1505 : vector<1x16xf32> to vector<16xf32>
        %mul3A_1507 = arith.mulf %get3A_1506, %get3A_18 : vector<16xf32>
        %add3A_1508 = arith.addf %add3A_1502, %mul3A_1507 : vector<16xf32>
        %get3A_1509 = arith.index_cast %add3A_1479 : i32 to index
        %get3A_1510 = arith.constant 80 : index
        %get3A_1511 = tpu.vector_load %arg9[%get3A_1509, %get3A_1510] {strides = array<i32>} : memref<128x128xf32, #tpu.memory_space<vmem>>, vector<1x16xf32>,
        %get3A_1512 = vector.shape_cast %get3A_1511 : vector<1x16xf32> to vector<16xf32>
        %mul3A_1513 = arith.mulf %get3A_1512, %get3A_21 : vector<16xf32>
        %add3A_1514 = arith.addf %add3A_1508, %mul3A_1513 : vector<16xf32>
        %get3A_1515 = arith.index_cast %add3A_1479 : i32 to index
        %get3A_1516 = arith.constant 96 : index
        %get3A_1517 = tpu.vector_load %arg9[%get3A_1515, %get3A_1516] {strides = array<i32>} : memref<128x128xf32, #tpu.memory_space<vmem>>, vector<1x16xf32>,
        %get3A_1518 = vector.shape_cast %get3A_1517 : vector<1x16xf32> to vector<16xf32>
        %mul3A_1519 = arith.mulf %get3A_1518, %get3A_24 : vector<16xf32>
        %add3A_1520 = arith.addf %add3A_1514, %mul3A_1519 : vector<16xf32>
        %get3A_1521 = arith.index_cast %add3A_1479 : i32 to index
        %get3A_1522 = arith.constant 112 : index
        %get3A_1523 = tpu.vector_load %arg9[%get3A_1521, %get3A_1522] {strides = array<i32>} : memref<128x128xf32, #tpu.memory_space<vmem>>, vector<1x16xf32>,
        %get3A_1524 = vector.shape_cast %get3A_1523 : vector<1x16xf32> to vector<16xf32>
        %mul3A_1525 = arith.mulf %get3A_1524, %get3A_27 : vector<16xf32>
        %add3A_1526 = arith.addf %add3A_1520, %mul3A_1525 : vector<16xf32>
        %eq3A_1527 = arith.constant 15 : i32
        %eq3A_1528 = vector.broadcast %eq3A_1527 : i32 to vector<16xi32>
        %eq3A_1529 = arith.cmpi eq, %iota3A, %eq3A_1528 : vector<16xi32>
        %iota3A_1530 = tpu.iota {dimensions = array<i32: 0>} : vector<16xi32>
        %xor3A_1531 = arith.constant 1 : i32
        %xor3A_1532 = vector.broadcast %xor3A_1531 : i32 to vector<16xi32>
        %xor3A_1533 = arith.xori %iota3A_1530, %xor3A_1532 : vector<16xi32>
        %broadcast_in_dim3A_1534 = vector.shape_cast %xor3A_1533 : vector<16xi32> to vector<16x1xi32>
        %gather3A_1535 = vector.shape_cast %broadcast_in_dim3A_1534 : vector<16x1xi32> to vector<16xi32>
        %gather3A_1536 = tpu.dynamic_gather %add3A_1526[%gather3A_1535] in [0] : vector<16xf32>, vector<16xi32> -> vector<16xf32>
        %add3A_1537 = arith.addf %add3A_1526, %gather3A_1536 : vector<16xf32>
        %iota3A_1538 = tpu.iota {dimensions = array<i32: 0>} : vector<16xi32>
        %xor3A_1539 = arith.constant 2 : i32
        %xor3A_1540 = vector.broadcast %xor3A_1539 : i32 to vector<16xi32>
        %xor3A_1541 = arith.xori %iota3A_1538, %xor3A_1540 : vector<16xi32>
        %broadcast_in_dim3A_1542 = vector.shape_cast %xor3A_1541 : vector<16xi32> to vector<16x1xi32>
        %gather3A_1543 = vector.shape_cast %broadcast_in_dim3A_1542 : vector<16x1xi32> to vector<16xi32>
        %gather3A_1544 = tpu.dynamic_gather %add3A_1537[%gather3A_1543] in [0] : vector<16xf32>, vector<16xi32> -> vector<16xf32>
        %add3A_1545 = arith.addf %add3A_1537, %gather3A_1544 : vector<16xf32>
        %iota3A_1546 = tpu.iota {dimensions = array<i32: 0>} : vector<16xi32>
        %xor3A_1547 = arith.constant 4 : i32
        %xor3A_1548 = vector.broadcast %xor3A_1547 : i32 to vector<16xi32>
        %xor3A_1549 = arith.xori %iota3A_1546, %xor3A_1548 : vector<16xi32>
        %broadcast_in_dim3A_1550 = vector.shape_cast %xor3A_1549 : vector<16xi32> to vector<16x1xi32>
        %gather3A_1551 = vector.shape_cast %broadcast_in_dim3A_1550 : vector<16x1xi32> to vector<16xi32>
        %gather3A_1552 = tpu.dynamic_gather %add3A_1545[%gather3A_1551] in [0] : vector<16xf32>, vector<16xi32> -> vector<16xf32>
        %add3A_1553 = arith.addf %add3A_1545, %gather3A_1552 : vector<16xf32>
        %iota3A_1554 = tpu.iota {dimensions = array<i32: 0>} : vector<16xi32>
        %xor3A_1555 = arith.constant 8 : i32
        %xor3A_1556 = vector.broadcast %xor3A_1555 : i32 to vector<16xi32>
        %xor3A_1557 = arith.xori %iota3A_1554, %xor3A_1556 : vector<16xi32>
        %broadcast_in_dim3A_1558 = vector.shape_cast %xor3A_1557 : vector<16xi32> to vector<16x1xi32>
        %gather3A_1559 = vector.shape_cast %broadcast_in_dim3A_1558 : vector<16x1xi32> to vector<16xi32>
        %gather3A_1560 = tpu.dynamic_gather %add3A_1553[%gather3A_1559] in [0] : vector<16xf32>, vector<16xi32> -> vector<16xf32>
        %add3A_1561 = arith.addf %add3A_1553, %gather3A_1560 : vector<16xf32>
        %select_n3A_1562 = arith.select %eq3A_1529, %add3A_1561, %select_n3A_1477 : vector<16xi1>, vector<16xf32>
        %mul3A_1563 = arith.constant 128 : i32
        %mul3A_1564 = arith.muli %add3A_173, %mul3A_1563 : i32
        %add3A_1565 = arith.addi %mul3A_1564, %mul3A_200 : i32
        %get3A_1566 = arith.index_cast %add3A_1565 : i32 to index
        %get3A_1567 = tpu.vector_load %arg11[%get3A_1566] {strides = array<i32>} : memref<768xf32, #tpu.memory_space<vmem>>, vector<16xf32>,
        %get3A_1568 = vector.shape_cast %get3A_1567 : vector<16xf32> to vector<16xf32>
        %add3A_1569 = arith.addf %select_n3A_1562, %get3A_1568 : vector<16xf32>
        %swap3A_1570 = arith.index_cast %add3A_1565 : i32 to index
        %swap3A_1571 = tpu.vector_load %arg10[%swap3A_1570] {strides = array<i32>} : memref<768xf32, #tpu.memory_space<vmem>>, vector<16xf32>,
        %swap3A_1572 = vector.shape_cast %swap3A_1571 : vector<16xf32> to vector<16xf32>
        %swap3A_1573 = vector.shape_cast %add3A_1569 : vector<16xf32> to vector<16xf32>
        tpu.vector_store %arg10[%swap3A_1570], %swap3A_1573 {strides = array<i32>} : memref<768xf32, #tpu.memory_space<vmem>>, vector<16xf32>,
        %scan3A_1574 = arith.constant 0 : i32
        scf.yield %scan3A_1574 : i32
      }
      %scan3A_188 = arith.constant 8 : i32
      %add3A_189 = arith.constant 2 : i32
      %add3A_190 = arith.addi %add3A_173, %add3A_189 : i32
      %lt3A_191 = arith.constant 6 : i32
      %lt3A_192 = arith.cmpi slt, %add3A_190, %lt3A_191 : i32
      %convert_element_type3A_193 = arith.extui %lt3A_192 : i1 to i32
      %cond3A_194 = arith.constant 0 : i32
      %cond3A_195 = arith.cmpi ne, %convert_element_type3A_193, %cond3A_194 : i32
      scf.if %cond3A_195 {
        %add3A_197 = arith.constant 2 : i32
        %add3A_198 = arith.addi %add3A_173, %add3A_197 : i32
        %mul3A_199 = arith.constant 128 : i32
        %mul3A_200 = arith.muli %add3A_198, %mul3A_199 : i32
        %add3A_201 = arith.addi %add3A_4, %mul3A_200 : i32
        %multiple_of3A_202 = tpu.assume_multiple %add3A_201, 8 : i32
        %dma_start3A_203 = arith.constant 0 : i32
        %dma_start3A_204 = tpu.memref_slice %arg3[%multiple_of3A_202, %dma_start3A_203] : memref<100000x128xf32, #tpu.memory_space<hbm>> -> memref<128x128xf32, #tpu.memory_space<hbm>>
        %dma_start3A_205 = arith.constant 0 : i32
        %dma_start3A_206 = tpu.memref_slice %arg3[%multiple_of3A_202, %dma_start3A_205] : memref<100000x128xf32, #tpu.memory_space<hbm>> -> memref<128x128xf32, #tpu.memory_space<hbm>>
        tpu.enqueue_dma source(%dma_start3A_206 : memref<128x128xf32, #tpu.memory_space<hbm>>) target(%arg9 : memref<128x128xf32, #tpu.memory_space<vmem>>) target_semaphore(%arg14 : memref<!tpu.dma_semaphore, #tpu.memory_space<semaphore_mem>>)
      } else {
      }
      %scan3A_196 = arith.constant 0 : i32
      scf.yield %scan3A_196 : i32
    }
    %scan3A_44 = arith.constant 3 : i32
    %get3A_45 = arith.constant 0 : index
    %get3A_46 = tpu.vector_load %arg10[%get3A_45] {strides = array<i32>} : memref<768xf32, #tpu.memory_space<vmem>>, vector<16xf32>,
    %get3A_47 = vector.shape_cast %get3A_46 : vector<16xf32> to vector<16xf32>
    %scan3A_48 = arith.constant 1 : i32
    %scan3A_49 = arith.constant 47 : i32
    %scan3A_50 = arith.addi %scan3A_48, %scan3A_49 : i32
    %scan3A_51 = arith.constant 1 : i32
    %scan3A_52 = scf.for %scan3A_146 = %scan3A_48 to %scan3A_50 step %scan3A_51 iter_args(%scan3A_147 = %get3A_47) -> (vector<16xf32>)  : i32 {
      %mul3A_148 = arith.constant 16 : i32
      %mul3A_149 = arith.muli %scan3A_146, %mul3A_148 : i32
      %get3A_150 = arith.index_cast %mul3A_149 : i32 to index
      %get3A_151 = tpu.vector_load %arg10[%get3A_150] {strides = array<i32>} : memref<768xf32, #tpu.memory_space<vmem>>, vector<16xf32>,
      %get3A_152 = vector.shape_cast %get3A_151 : vector<16xf32> to vector<16xf32>
      %max3A_153 = arith.maximumf %scan3A_147, %get3A_152 : vector<16xf32>
      scf.yield %max3A_153 : vector<16xf32>
    }
    %scan3A_53 = arith.constant 47 : i32
    %iota3A_54 = tpu.iota {dimensions = array<i32: 0>} : vector<16xi32>
    %xor3A = arith.constant 1 : i32
    %xor3A_55 = vector.broadcast %xor3A : i32 to vector<16xi32>
    %xor3A_56 = arith.xori %iota3A_54, %xor3A_55 : vector<16xi32>
    %broadcast_in_dim3A = vector.shape_cast %xor3A_56 : vector<16xi32> to vector<16x1xi32>
    %gather3A = vector.shape_cast %broadcast_in_dim3A : vector<16x1xi32> to vector<16xi32>
    %gather3A_57 = tpu.dynamic_gather %scan3A_52[%gather3A] in [0] : vector<16xf32>, vector<16xi32> -> vector<16xf32>
    %max3A = arith.maximumf %scan3A_52, %gather3A_57 : vector<16xf32>
    %iota3A_58 = tpu.iota {dimensions = array<i32: 0>} : vector<16xi32>
    %xor3A_59 = arith.constant 2 : i32
    %xor3A_60 = vector.broadcast %xor3A_59 : i32 to vector<16xi32>
    %xor3A_61 = arith.xori %iota3A_58, %xor3A_60 : vector<16xi32>
    %broadcast_in_dim3A_62 = vector.shape_cast %xor3A_61 : vector<16xi32> to vector<16x1xi32>
    %gather3A_63 = vector.shape_cast %broadcast_in_dim3A_62 : vector<16x1xi32> to vector<16xi32>
    %gather3A_64 = tpu.dynamic_gather %max3A[%gather3A_63] in [0] : vector<16xf32>, vector<16xi32> -> vector<16xf32>
    %max3A_65 = arith.maximumf %max3A, %gather3A_64 : vector<16xf32>
    %iota3A_66 = tpu.iota {dimensions = array<i32: 0>} : vector<16xi32>
    %xor3A_67 = arith.constant 4 : i32
    %xor3A_68 = vector.broadcast %xor3A_67 : i32 to vector<16xi32>
    %xor3A_69 = arith.xori %iota3A_66, %xor3A_68 : vector<16xi32>
    %broadcast_in_dim3A_70 = vector.shape_cast %xor3A_69 : vector<16xi32> to vector<16x1xi32>
    %gather3A_71 = vector.shape_cast %broadcast_in_dim3A_70 : vector<16x1xi32> to vector<16xi32>
    %gather3A_72 = tpu.dynamic_gather %max3A_65[%gather3A_71] in [0] : vector<16xf32>, vector<16xi32> -> vector<16xf32>
    %max3A_73 = arith.maximumf %max3A_65, %gather3A_72 : vector<16xf32>
    %iota3A_74 = tpu.iota {dimensions = array<i32: 0>} : vector<16xi32>
    %xor3A_75 = arith.constant 8 : i32
    %xor3A_76 = vector.broadcast %xor3A_75 : i32 to vector<16xi32>
    %xor3A_77 = arith.xori %iota3A_74, %xor3A_76 : vector<16xi32>
    %broadcast_in_dim3A_78 = vector.shape_cast %xor3A_77 : vector<16xi32> to vector<16x1xi32>
    %gather3A_79 = vector.shape_cast %broadcast_in_dim3A_78 : vector<16x1xi32> to vector<16xi32>
    %gather3A_80 = tpu.dynamic_gather %max3A_73[%gather3A_79] in [0] : vector<16xf32>, vector<16xi32> -> vector<16xf32>
    %max3A_81 = arith.maximumf %max3A_73, %gather3A_80 : vector<16xf32>
    %broadcast_in_dim3A_82 = arith.constant 0.000000e+00 : f32
    %broadcast_in_dim3A_83 = vector.broadcast %broadcast_in_dim3A_82 : f32 to vector<16xf32>
    %scan3A_84 = arith.constant 0 : i32
    %scan3A_85 = arith.constant 48 : i32
    %scan3A_86 = arith.addi %scan3A_84, %scan3A_85 : i32
    %scan3A_87 = arith.constant 1 : i32
    %scan3A_88 = scf.for %scan3A_146 = %scan3A_84 to %scan3A_86 step %scan3A_87 iter_args(%scan3A_147 = %broadcast_in_dim3A_83) -> (vector<16xf32>)  : i32 {
      %mul3A_148 = arith.constant 16 : i32
      %mul3A_149 = arith.muli %scan3A_146, %mul3A_148 : i32
      %get3A_150 = arith.index_cast %mul3A_149 : i32 to index
      %get3A_151 = tpu.vector_load %arg10[%get3A_150] {strides = array<i32>} : memref<768xf32, #tpu.memory_space<vmem>>, vector<16xf32>,
      %get3A_152 = vector.shape_cast %get3A_151 : vector<16xf32> to vector<16xf32>
      %sub3A = arith.subf %get3A_152, %max3A_81 : vector<16xf32>
      %exp3A = math.exp %sub3A : vector<16xf32>
      %add3A_153 = arith.addf %scan3A_147, %exp3A : vector<16xf32>
      scf.yield %add3A_153 : vector<16xf32>
    }
    %scan3A_89 = arith.constant 48 : i32
    %iota3A_90 = tpu.iota {dimensions = array<i32: 0>} : vector<16xi32>
    %xor3A_91 = arith.constant 1 : i32
    %xor3A_92 = vector.broadcast %xor3A_91 : i32 to vector<16xi32>
    %xor3A_93 = arith.xori %iota3A_90, %xor3A_92 : vector<16xi32>
    %broadcast_in_dim3A_94 = vector.shape_cast %xor3A_93 : vector<16xi32> to vector<16x1xi32>
    %gather3A_95 = vector.shape_cast %broadcast_in_dim3A_94 : vector<16x1xi32> to vector<16xi32>
    %gather3A_96 = tpu.dynamic_gather %scan3A_88[%gather3A_95] in [0] : vector<16xf32>, vector<16xi32> -> vector<16xf32>
    %add3A_97 = arith.addf %scan3A_88, %gather3A_96 : vector<16xf32>
    %iota3A_98 = tpu.iota {dimensions = array<i32: 0>} : vector<16xi32>
    %xor3A_99 = arith.constant 2 : i32
    %xor3A_100 = vector.broadcast %xor3A_99 : i32 to vector<16xi32>
    %xor3A_101 = arith.xori %iota3A_98, %xor3A_100 : vector<16xi32>
    %broadcast_in_dim3A_102 = vector.shape_cast %xor3A_101 : vector<16xi32> to vector<16x1xi32>
    %gather3A_103 = vector.shape_cast %broadcast_in_dim3A_102 : vector<16x1xi32> to vector<16xi32>
    %gather3A_104 = tpu.dynamic_gather %add3A_97[%gather3A_103] in [0] : vector<16xf32>, vector<16xi32> -> vector<16xf32>
    %add3A_105 = arith.addf %add3A_97, %gather3A_104 : vector<16xf32>
    %iota3A_106 = tpu.iota {dimensions = array<i32: 0>} : vector<16xi32>
    %xor3A_107 = arith.constant 4 : i32
    %xor3A_108 = vector.broadcast %xor3A_107 : i32 to vector<16xi32>
    %xor3A_109 = arith.xori %iota3A_106, %xor3A_108 : vector<16xi32>
    %broadcast_in_dim3A_110 = vector.shape_cast %xor3A_109 : vector<16xi32> to vector<16x1xi32>
    %gather3A_111 = vector.shape_cast %broadcast_in_dim3A_110 : vector<16x1xi32> to vector<16xi32>
    %gather3A_112 = tpu.dynamic_gather %add3A_105[%gather3A_111] in [0] : vector<16xf32>, vector<16xi32> -> vector<16xf32>
    %add3A_113 = arith.addf %add3A_105, %gather3A_112 : vector<16xf32>
    %iota3A_114 = tpu.iota {dimensions = array<i32: 0>} : vector<16xi32>
    %xor3A_115 = arith.constant 8 : i32
    %xor3A_116 = vector.broadcast %xor3A_115 : i32 to vector<16xi32>
    %xor3A_117 = arith.xori %iota3A_114, %xor3A_116 : vector<16xi32>
    %broadcast_in_dim3A_118 = vector.shape_cast %xor3A_117 : vector<16xi32> to vector<16x1xi32>
    %gather3A_119 = vector.shape_cast %broadcast_in_dim3A_118 : vector<16x1xi32> to vector<16xi32>
    %gather3A_120 = tpu.dynamic_gather %add3A_113[%gather3A_119] in [0] : vector<16xf32>, vector<16xi32> -> vector<16xf32>
    %add3A_121 = arith.addf %add3A_113, %gather3A_120 : vector<16xf32>
    %iota3A_122 = tpu.iota {dimensions = array<i32: 0>} : vector<16xi32>
    %eq3A = arith.constant 0 : i32
    %eq3A_123 = vector.broadcast %eq3A : i32 to vector<16xi32>
    %eq3A_124 = arith.cmpi eq, %iota3A_122, %eq3A_123 : vector<16xi32>
    %eq3A_125 = arith.constant 1 : i32
    %eq3A_126 = vector.broadcast %eq3A_125 : i32 to vector<16xi32>
    %eq3A_127 = arith.cmpi eq, %iota3A_122, %eq3A_126 : vector<16xi32>
    %jit3A = arith.constant 0.000000e+00 : f32
    %broadcast_in_dim3A_128 = vector.broadcast %jit3A : f32 to vector<16xf32>
    %select_n3A = arith.select %eq3A_127, %add3A_121, %broadcast_in_dim3A_128 : vector<16xi1>, vector<16xf32>
    %select_n3A_129 = arith.select %eq3A_124, %max3A_81, %select_n3A : vector<16xi1>, vector<16xf32>
    %swap3A = arith.constant 0 : index
    %swap3A_130 = tpu.vector_load %arg12[%swap3A] {strides = array<i32>} : memref<16xf32, #tpu.memory_space<vmem>>, vector<16xf32>,
    %swap3A_131 = vector.shape_cast %swap3A_130 : vector<16xf32> to vector<16xf32>
    %swap3A_132 = vector.shape_cast %select_n3A_129 : vector<16xf32> to vector<16xf32>
    tpu.vector_store %arg12[%swap3A], %swap3A_132 {strides = array<i32>} : memref<16xf32, #tpu.memory_space<vmem>>, vector<16xf32>,
    %mul3A_133 = arith.constant 768 : i32
    %mul3A_134 = arith.muli %add3A, %mul3A_133 : i32
    "tpu.region"() ({
      %run_scoped3A = tpu.sem_alloc : memref<!tpu.dma_semaphore, #tpu.memory_space<semaphore_mem>>
      %dma_start3A_146 = tpu.memref_slice %arg5[%mul3A_134] : memref<24576xf32, #tpu.memory_space<hbm>> -> memref<768xf32, #tpu.memory_space<hbm>>
      %dma_start3A_147 = tpu.memref_slice %arg5[%mul3A_134] : memref<24576xf32, #tpu.memory_space<hbm>> -> memref<768xf32, #tpu.memory_space<hbm>>
      tpu.enqueue_dma source(%arg10 : memref<768xf32, #tpu.memory_space<vmem>>) target(%dma_start3A_147 : memref<768xf32, #tpu.memory_space<hbm>>) target_semaphore(%run_scoped3A : memref<!tpu.dma_semaphore, #tpu.memory_space<semaphore_mem>>)
      %dma_wait3A_148 = tpu.memref_slice %arg5[%mul3A_134] : memref<24576xf32, #tpu.memory_space<hbm>> -> memref<768xf32, #tpu.memory_space<hbm>>
      %dma_wait3A_149 = tpu.memref_slice %arg5[%mul3A_134] : memref<24576xf32, #tpu.memory_space<hbm>> -> memref<768xf32, #tpu.memory_space<hbm>>
      tpu.wait_dma2 semaphore(%run_scoped3A : memref<!tpu.dma_semaphore, #tpu.memory_space<semaphore_mem>>) src(%arg10 : memref<768xf32, #tpu.memory_space<vmem>>) dst(%dma_wait3A_149 : memref<768xf32, #tpu.memory_space<hbm>>)
      tpu.yield
    }) : () -> ()
    %dma_start3A_135 = arith.constant 0 : i32
    %dma_start3A_136 = tpu.memref_slice %arg6[%add3A, %dma_start3A_135] : memref<32x16xf32, #tpu.memory_space<hbm>> -> memref<1x16xf32, #tpu.memory_space<hbm>>
    %dma_start3A_137 = tpu.memref_squeeze %dma_start3A_136 : memref<1x16xf32, #tpu.memory_space<hbm>> -> memref<16xf32, #tpu.memory_space<hbm>>
    %dma_start3A_138 = arith.constant 0 : i32
    %dma_start3A_139 = tpu.memref_slice %arg6[%add3A, %dma_start3A_138] : memref<32x16xf32, #tpu.memory_space<hbm>> -> memref<1x16xf32, #tpu.memory_space<hbm>>
    %dma_start3A_140 = tpu.memref_squeeze %dma_start3A_139 : memref<1x16xf32, #tpu.memory_space<hbm>> -> memref<16xf32, #tpu.memory_space<hbm>>
    tpu.enqueue_dma source(%arg12 : memref<16xf32, #tpu.memory_space<vmem>>) target(%dma_start3A_140 : memref<16xf32, #tpu.memory_space<hbm>>) target_semaphore(%arg15 : memref<!tpu.dma_semaphore, #tpu.memory_space<semaphore_mem>>)
    %dma_wait3A = arith.constant 0 : i32
    %dma_wait3A_141 = tpu.memref_slice %arg6[%add3A, %dma_wait3A] : memref<32x16xf32, #tpu.memory_space<hbm>> -> memref<1x16xf32, #tpu.memory_space<hbm>>
    %dma_wait3A_142 = tpu.memref_squeeze %dma_wait3A_141 : memref<1x16xf32, #tpu.memory_space<hbm>> -> memref<16xf32, #tpu.memory_space<hbm>>
    %dma_wait3A_143 = arith.constant 0 : i32
    %dma_wait3A_144 = tpu.memref_slice %arg6[%add3A, %dma_wait3A_143] : memref<32x16xf32, #tpu.memory_space<hbm>> -> memref<1x16xf32, #tpu.memory_space<hbm>>
    %dma_wait3A_145 = tpu.memref_squeeze %dma_wait3A_144 : memref<1x16xf32, #tpu.memory_space<hbm>> -> memref<16xf32, #tpu.memory_space<hbm>>
    tpu.wait_dma2 semaphore(%arg15 : memref<!tpu.dma_semaphore, #tpu.memory_space<semaphore_mem>>) src(%arg12 : memref<16xf32, #tpu.memory_space<vmem>>) dst(%dma_wait3A_145 : memref<16xf32, #tpu.memory_space<hbm>>)
    return
  }
}

module attributes {stable_mosaic.version = 14 : i64} {
  func.func @_tc_body(%arg0: i32, %arg1: memref<1x128xf32, #tpu.memory_space<vmem>>, %arg2: memref<18856x128xf32, #tpu.memory_space<vmem>>, %arg3: memref<1x1x18856xf32, #tpu.memory_space<vmem>>, %arg4: memref<4x18856xf32, #tpu.memory_space<vmem>>, %arg5: memref<1x1xf32, #tpu.memory_space<vmem>>, %arg6: memref<1x1xf32, #tpu.memory_space<vmem>>, %arg7: memref<1x1xf32, #tpu.memory_space<vmem>>) attributes {dimension_semantics = [#tpu.dimension_semantics<arbitrary>], iteration_bounds = array<i64: 4>, scalar_prefetch = 0 : i64, scratch_operands = 1 : i64, tpu.core_type = #tpu.core_type<tc>, window_params = [{pipeline_mode = #tpu.pipeline_mode<synchronous>, transform_indices = @transform_0, window_bounds = array<i64: 1, 128>}, {transform_indices = @transform_1, window_bounds = array<i64: 18856, 128>}, {transform_indices = @transform_2, window_bounds = array<i64: 1, 1, 18856>}, {pipeline_mode = #tpu.pipeline_mode<synchronous>, transform_indices = @transform_3, window_bounds = array<i64: 4, 18856>}, {pipeline_mode = #tpu.pipeline_mode<synchronous>, transform_indices = @transform_4, window_bounds = array<i64: 1, 1>}, {pipeline_mode = #tpu.pipeline_mode<synchronous>, transform_indices = @transform_5, window_bounds = array<i64: 1, 1>}]} {
    %get3A = arith.constant 0 : index
    %get3A_0 = arith.constant 0 : index
    %get3A_1 = vector.load %arg1[%get3A, %get3A_0] : memref<1x128xf32, #tpu.memory_space<vmem>>, vector<1x128xf32>
    %get3A_2 = arith.constant 0 : index
    %get3A_3 = arith.constant 0 : index
    %get3A_4 = vector.load %arg2[%get3A_2, %get3A_3] : memref<18856x128xf32, #tpu.memory_space<vmem>>, vector<18856x128xf32>
    %dot_general3A = arith.constant dense<0.000000e+00> : vector<1x18856xf32>
    %dot_general3A_5 = tpu.matmul %get3A_1, %get3A_4, %dot_general3A {dimension_numbers = #tpu.dot_dimension_numbers<[1], [1], [0], [0], [0, 0, 1, 0], [], []>, transpose_lhs_hint = false} : vector<1x128xf32>, vector<18856x128xf32>, vector<1x18856xf32> -> vector<1x18856xf32>
    %get3A_6 = arith.constant 0 : index
    %get3A_7 = arith.constant 0 : index
    %get3A_8 = arith.constant 0 : index
    %get3A_9 = vector.load %arg3[%get3A_6, %get3A_7, %get3A_8] : memref<1x1x18856xf32, #tpu.memory_space<vmem>>, vector<1x1x18856xf32>
    %get3A_10 = vector.shape_cast %get3A_9 : vector<1x1x18856xf32> to vector<1x18856xf32>
    %add3A = arith.addf %dot_general3A_5, %get3A_10 : vector<1x18856xf32>
    %swap3A = arith.index_cast %arg0 : i32 to index
    %swap3A_11 = arith.constant 0 : index
    %swap3A_12 = vector.load %arg4[%swap3A, %swap3A_11] : memref<4x18856xf32, #tpu.memory_space<vmem>>, vector<1x18856xf32>
    tpu.vector_store %arg4[%swap3A, %swap3A_11], %add3A {strides = array<i32>} : memref<4x18856xf32, #tpu.memory_space<vmem>>, vector<1x18856xf32>,
    %reduce_max3A = arith.constant dense<0xFF800000> : vector<1xf32>
    %reduce_max3A_13 = vector.multi_reduction <maximumf>, %add3A, %reduce_max3A [1] : vector<1x18856xf32> to vector<1xf32>
    %broadcast_in_dim3A = vector.shape_cast %reduce_max3A_13 : vector<1xf32> to vector<1x1xf32>
    %eq3A = arith.constant 0 : i32
    %eq3A_14 = arith.cmpi eq, %arg0, %eq3A : i32
    %convert_element_type3A = arith.extui %eq3A_14 : i1 to i32
    %cond3A = arith.constant 0 : i32
    %cond3A_15 = arith.cmpi ne, %convert_element_type3A, %cond3A : i32
    scf.if %cond3A_15 {
      %swap3A_25 = arith.constant 0 : index
      %swap3A_26 = arith.constant 0 : index
      %swap3A_27 = vector.load %arg7[%swap3A_25, %swap3A_26] : memref<1x1xf32, #tpu.memory_space<vmem>>, vector<1x1xf32>
      tpu.vector_store %arg7[%swap3A_25, %swap3A_26], %broadcast_in_dim3A {strides = array<i32>} : memref<1x1xf32, #tpu.memory_space<vmem>>, vector<1x1xf32>,
    } else {
    }
    %gt3A = arith.constant 0 : i32
    %gt3A_16 = arith.cmpi sgt, %arg0, %gt3A : i32
    %convert_element_type3A_17 = arith.extui %gt3A_16 : i1 to i32
    %cond3A_18 = arith.constant 0 : i32
    %cond3A_19 = arith.cmpi ne, %convert_element_type3A_17, %cond3A_18 : i32
    scf.if %cond3A_19 {
      %get3A_25 = arith.constant 0 : index
      %get3A_26 = arith.constant 0 : index
      %get3A_27 = vector.load %arg7[%get3A_25, %get3A_26] : memref<1x1xf32, #tpu.memory_space<vmem>>, vector<1x1xf32>
      %max3A = arith.maximumf %get3A_27, %broadcast_in_dim3A : vector<1x1xf32>
      %swap3A_28 = arith.constant 0 : index
      %swap3A_29 = arith.constant 0 : index
      %swap3A_30 = vector.load %arg7[%swap3A_28, %swap3A_29] : memref<1x1xf32, #tpu.memory_space<vmem>>, vector<1x1xf32>
      tpu.vector_store %arg7[%swap3A_28, %swap3A_29], %max3A {strides = array<i32>} : memref<1x1xf32, #tpu.memory_space<vmem>>, vector<1x1xf32>,
    } else {
    }
    %eq3A_20 = arith.constant 3 : i32
    %eq3A_21 = arith.cmpi eq, %arg0, %eq3A_20 : i32
    %convert_element_type3A_22 = arith.extui %eq3A_21 : i1 to i32
    %cond3A_23 = arith.constant 0 : i32
    %cond3A_24 = arith.cmpi ne, %convert_element_type3A_22, %cond3A_23 : i32
    scf.if %cond3A_24 {
      %get3A_25 = arith.constant 0 : index
      %get3A_26 = arith.constant 0 : index
      %get3A_27 = vector.load %arg4[%get3A_25, %get3A_26] : memref<4x18856xf32, #tpu.memory_space<vmem>>, vector<4x18856xf32>
      %get3A_28 = arith.constant 0 : index
      %get3A_29 = arith.constant 0 : index
      %get3A_30 = vector.load %arg7[%get3A_28, %get3A_29] : memref<1x1xf32, #tpu.memory_space<vmem>>, vector<1x1xf32>
      %sub3A = vector.broadcast %get3A_30 : vector<1x1xf32> to vector<4x18856xf32>
      %sub3A_31 = arith.subf %get3A_27, %sub3A : vector<4x18856xf32>
      %exp3A = math.exp %sub3A_31 : vector<4x18856xf32>
      %reduce_sum3A = arith.constant dense<0.000000e+00> : vector<4xf32>
      %reduce_sum3A_32 = vector.multi_reduction <add>, %exp3A, %reduce_sum3A [1] : vector<4x18856xf32> to vector<4xf32>
      %broadcast_in_dim3A_33 = vector.shape_cast %reduce_sum3A_32 : vector<4xf32> to vector<4x1xf32>
      %reduce_sum3A_34 = arith.constant dense<0.000000e+00> : vector<1xf32>
      %reduce_sum3A_35 = vector.multi_reduction <add>, %broadcast_in_dim3A_33, %reduce_sum3A_34 [0] : vector<4x1xf32> to vector<1xf32>
      %broadcast_in_dim3A_36 = vector.shape_cast %reduce_sum3A_35 : vector<1xf32> to vector<1x1xf32>
      %swap3A_37 = arith.constant 0 : index
      %swap3A_38 = arith.constant 0 : index
      %swap3A_39 = vector.load %arg5[%swap3A_37, %swap3A_38] : memref<1x1xf32, #tpu.memory_space<vmem>>, vector<1x1xf32>
      tpu.vector_store %arg5[%swap3A_37, %swap3A_38], %get3A_30 {strides = array<i32>} : memref<1x1xf32, #tpu.memory_space<vmem>>, vector<1x1xf32>,
      %swap3A_40 = arith.constant 0 : index
      %swap3A_41 = arith.constant 0 : index
      %swap3A_42 = vector.load %arg6[%swap3A_40, %swap3A_41] : memref<1x1xf32, #tpu.memory_space<vmem>>, vector<1x1xf32>
      tpu.vector_store %arg6[%swap3A_40, %swap3A_41], %broadcast_in_dim3A_36 {strides = array<i32>} : memref<1x1xf32, #tpu.memory_space<vmem>>, vector<1x1xf32>,
    } else {
    }
    return
  }
  func.func @transform_0(%arg0: i32) -> (i32, i32) {
    %c0_i32 = arith.constant 0 : i32
    %c0_i32_0 = arith.constant 0 : i32
    %c0_i32_1 = arith.constant 0 : i32
    return %c0_i32, %c0_i32_0 : i32, i32
  }
  func.func @transform_1(%arg0: i32) -> (i32, i32) {
    %c0_i32 = arith.constant 0 : i32
    %c0_i32_0 = arith.constant 0 : i32
    return %arg0, %c0_i32 : i32, i32
  }
  func.func @transform_2(%arg0: i32) -> (i32, i32, i32) {
    %c0_i32 = arith.constant 0 : i32
    %c0_i32_0 = arith.constant 0 : i32
    %c0_i32_1 = arith.constant 0 : i32
    return %arg0, %c0_i32, %c0_i32_0 : i32, i32, i32
  }
  func.func @transform_3(%arg0: i32) -> (i32, i32) {
    %c0_i32 = arith.constant 0 : i32
    %c0_i32_0 = arith.constant 0 : i32
    %c0_i32_1 = arith.constant 0 : i32
    return %c0_i32, %c0_i32_0 : i32, i32
  }
  func.func @transform_4(%arg0: i32) -> (i32, i32) {
    %c0_i32 = arith.constant 0 : i32
    %c0_i32_0 = arith.constant 0 : i32
    %c0_i32_1 = arith.constant 0 : i32
    return %c0_i32, %c0_i32_0 : i32, i32
  }
  func.func @transform_5(%arg0: i32) -> (i32, i32) {
    %c0_i32 = arith.constant 0 : i32
    %c0_i32_0 = arith.constant 0 : i32
    %c0_i32_1 = arith.constant 0 : i32
    return %c0_i32, %c0_i32_0 : i32, i32
  }
}

module attributes {stable_mosaic.version = 14 : i64} {
  func.func @_head_body(%arg0: memref<20xi32, #tpu.memory_space<smem>>, %arg1: memref<64x100000xf32, #tpu.memory_space<any>>, %arg2: memref<128x1280xf32, #tpu.memory_space<vmem>>, %arg3: memref<1x128xf32, #tpu.memory_space<vmem>>, %arg4: memref<1x128xf32, #tpu.memory_space<vmem>>, %arg5: memref<64x2560xf32, #tpu.memory_space<vmem>>, %arg6: memref<!tpu.dma_semaphore, #tpu.memory_space<semaphore_mem>>) attributes {dimension_semantics = [], scalar_prefetch = 0 : i64, scratch_operands = 2 : i64, tpu.core_type = #tpu.core_type<tc>} {
    %get3A = arith.constant 0 : index
    %get3A_0 = memref.load %arg0[%get3A] : memref<20xi32, #tpu.memory_space<smem>>
    %jit3A = arith.constant 128 : i32
    %div3A = arith.divsi %get3A_0, %jit3A : i32
    %sign3A = arith.constant 0 : i32
    %sign3A_1 = arith.cmpi sgt, %get3A_0, %sign3A : i32
    %sign3A_2 = arith.extui %sign3A_1 : i1 to i32
    %sign3A_3 = arith.constant 0 : i32
    %sign3A_4 = arith.cmpi slt, %get3A_0, %sign3A_3 : i32
    %sign3A_5 = arith.extui %sign3A_4 : i1 to i32
    %sign3A_6 = arith.subi %sign3A_2, %sign3A_5 : i32
    %sign3A_7 = arith.constant 0 : i32
    %sign3A_8 = arith.cmpi sgt, %jit3A, %sign3A_7 : i32
    %sign3A_9 = arith.extui %sign3A_8 : i1 to i32
    %sign3A_10 = arith.constant 0 : i32
    %sign3A_11 = arith.cmpi slt, %jit3A, %sign3A_10 : i32
    %sign3A_12 = arith.extui %sign3A_11 : i1 to i32
    %sign3A_13 = arith.subi %sign3A_9, %sign3A_12 : i32
    %ne3A = arith.cmpi ne, %sign3A_6, %sign3A_13 : i32
    %rem3A = arith.remsi %get3A_0, %jit3A : i32
    %ne3A_14 = arith.constant 0 : i32
    %ne3A_15 = arith.cmpi ne, %rem3A, %ne3A_14 : i32
    %and3A = arith.andi %ne3A, %ne3A_15 : i1
    %sub3A = arith.constant 1 : i32
    %sub3A_16 = arith.subi %div3A, %sub3A : i32
    %select_n3A = arith.select %and3A, %sub3A_16, %div3A : i32
    %mul3A = arith.constant 128 : i32
    %mul3A_17 = arith.muli %select_n3A, %mul3A : i32
    %multiple_of3A = tpu.assume_multiple %mul3A_17, 128 : i32
    %get3A_18 = arith.constant 1 : index
    %get3A_19 = memref.load %arg0[%get3A_18] : memref<20xi32, #tpu.memory_space<smem>>
    %jit3A_20 = arith.constant 128 : i32
    %div3A_21 = arith.divsi %get3A_19, %jit3A_20 : i32
    %sign3A_22 = arith.constant 0 : i32
    %sign3A_23 = arith.cmpi sgt, %get3A_19, %sign3A_22 : i32
    %sign3A_24 = arith.extui %sign3A_23 : i1 to i32
    %sign3A_25 = arith.constant 0 : i32
    %sign3A_26 = arith.cmpi slt, %get3A_19, %sign3A_25 : i32
    %sign3A_27 = arith.extui %sign3A_26 : i1 to i32
    %sign3A_28 = arith.subi %sign3A_24, %sign3A_27 : i32
    %sign3A_29 = arith.constant 0 : i32
    %sign3A_30 = arith.cmpi sgt, %jit3A_20, %sign3A_29 : i32
    %sign3A_31 = arith.extui %sign3A_30 : i1 to i32
    %sign3A_32 = arith.constant 0 : i32
    %sign3A_33 = arith.cmpi slt, %jit3A_20, %sign3A_32 : i32
    %sign3A_34 = arith.extui %sign3A_33 : i1 to i32
    %sign3A_35 = arith.subi %sign3A_31, %sign3A_34 : i32
    %ne3A_36 = arith.cmpi ne, %sign3A_28, %sign3A_35 : i32
    %rem3A_37 = arith.remsi %get3A_19, %jit3A_20 : i32
    %ne3A_38 = arith.constant 0 : i32
    %ne3A_39 = arith.cmpi ne, %rem3A_37, %ne3A_38 : i32
    %and3A_40 = arith.andi %ne3A_36, %ne3A_39 : i1
    %sub3A_41 = arith.constant 1 : i32
    %sub3A_42 = arith.subi %div3A_21, %sub3A_41 : i32
    %select_n3A_43 = arith.select %and3A_40, %sub3A_42, %div3A_21 : i32
    %mul3A_44 = arith.constant 128 : i32
    %mul3A_45 = arith.muli %select_n3A_43, %mul3A_44 : i32
    %multiple_of3A_46 = tpu.assume_multiple %mul3A_45, 128 : i32
    %get3A_47 = arith.constant 2 : index
    %get3A_48 = memref.load %arg0[%get3A_47] : memref<20xi32, #tpu.memory_space<smem>>
    %jit3A_49 = arith.constant 128 : i32
    %div3A_50 = arith.divsi %get3A_48, %jit3A_49 : i32
    %sign3A_51 = arith.constant 0 : i32
    %sign3A_52 = arith.cmpi sgt, %get3A_48, %sign3A_51 : i32
    %sign3A_53 = arith.extui %sign3A_52 : i1 to i32
    %sign3A_54 = arith.constant 0 : i32
    %sign3A_55 = arith.cmpi slt, %get3A_48, %sign3A_54 : i32
    %sign3A_56 = arith.extui %sign3A_55 : i1 to i32
    %sign3A_57 = arith.subi %sign3A_53, %sign3A_56 : i32
    %sign3A_58 = arith.constant 0 : i32
    %sign3A_59 = arith.cmpi sgt, %jit3A_49, %sign3A_58 : i32
    %sign3A_60 = arith.extui %sign3A_59 : i1 to i32
    %sign3A_61 = arith.constant 0 : i32
    %sign3A_62 = arith.cmpi slt, %jit3A_49, %sign3A_61 : i32
    %sign3A_63 = arith.extui %sign3A_62 : i1 to i32
    %sign3A_64 = arith.subi %sign3A_60, %sign3A_63 : i32
    %ne3A_65 = arith.cmpi ne, %sign3A_57, %sign3A_64 : i32
    %rem3A_66 = arith.remsi %get3A_48, %jit3A_49 : i32
    %ne3A_67 = arith.constant 0 : i32
    %ne3A_68 = arith.cmpi ne, %rem3A_66, %ne3A_67 : i32
    %and3A_69 = arith.andi %ne3A_65, %ne3A_68 : i1
    %sub3A_70 = arith.constant 1 : i32
    %sub3A_71 = arith.subi %div3A_50, %sub3A_70 : i32
    %select_n3A_72 = arith.select %and3A_69, %sub3A_71, %div3A_50 : i32
    %mul3A_73 = arith.constant 128 : i32
    %mul3A_74 = arith.muli %select_n3A_72, %mul3A_73 : i32
    %multiple_of3A_75 = tpu.assume_multiple %mul3A_74, 128 : i32
    %get3A_76 = arith.constant 3 : index
    %get3A_77 = memref.load %arg0[%get3A_76] : memref<20xi32, #tpu.memory_space<smem>>
    %jit3A_78 = arith.constant 128 : i32
    %div3A_79 = arith.divsi %get3A_77, %jit3A_78 : i32
    %sign3A_80 = arith.constant 0 : i32
    %sign3A_81 = arith.cmpi sgt, %get3A_77, %sign3A_80 : i32
    %sign3A_82 = arith.extui %sign3A_81 : i1 to i32
    %sign3A_83 = arith.constant 0 : i32
    %sign3A_84 = arith.cmpi slt, %get3A_77, %sign3A_83 : i32
    %sign3A_85 = arith.extui %sign3A_84 : i1 to i32
    %sign3A_86 = arith.subi %sign3A_82, %sign3A_85 : i32
    %sign3A_87 = arith.constant 0 : i32
    %sign3A_88 = arith.cmpi sgt, %jit3A_78, %sign3A_87 : i32
    %sign3A_89 = arith.extui %sign3A_88 : i1 to i32
    %sign3A_90 = arith.constant 0 : i32
    %sign3A_91 = arith.cmpi slt, %jit3A_78, %sign3A_90 : i32
    %sign3A_92 = arith.extui %sign3A_91 : i1 to i32
    %sign3A_93 = arith.subi %sign3A_89, %sign3A_92 : i32
    %ne3A_94 = arith.cmpi ne, %sign3A_86, %sign3A_93 : i32
    %rem3A_95 = arith.remsi %get3A_77, %jit3A_78 : i32
    %ne3A_96 = arith.constant 0 : i32
    %ne3A_97 = arith.cmpi ne, %rem3A_95, %ne3A_96 : i32
    %and3A_98 = arith.andi %ne3A_94, %ne3A_97 : i1
    %sub3A_99 = arith.constant 1 : i32
    %sub3A_100 = arith.subi %div3A_79, %sub3A_99 : i32
    %select_n3A_101 = arith.select %and3A_98, %sub3A_100, %div3A_79 : i32
    %mul3A_102 = arith.constant 128 : i32
    %mul3A_103 = arith.muli %select_n3A_101, %mul3A_102 : i32
    %multiple_of3A_104 = tpu.assume_multiple %mul3A_103, 128 : i32
    %get3A_105 = arith.constant 4 : index
    %get3A_106 = memref.load %arg0[%get3A_105] : memref<20xi32, #tpu.memory_space<smem>>
    %jit3A_107 = arith.constant 128 : i32
    %div3A_108 = arith.divsi %get3A_106, %jit3A_107 : i32
    %sign3A_109 = arith.constant 0 : i32
    %sign3A_110 = arith.cmpi sgt, %get3A_106, %sign3A_109 : i32
    %sign3A_111 = arith.extui %sign3A_110 : i1 to i32
    %sign3A_112 = arith.constant 0 : i32
    %sign3A_113 = arith.cmpi slt, %get3A_106, %sign3A_112 : i32
    %sign3A_114 = arith.extui %sign3A_113 : i1 to i32
    %sign3A_115 = arith.subi %sign3A_111, %sign3A_114 : i32
    %sign3A_116 = arith.constant 0 : i32
    %sign3A_117 = arith.cmpi sgt, %jit3A_107, %sign3A_116 : i32
    %sign3A_118 = arith.extui %sign3A_117 : i1 to i32
    %sign3A_119 = arith.constant 0 : i32
    %sign3A_120 = arith.cmpi slt, %jit3A_107, %sign3A_119 : i32
    %sign3A_121 = arith.extui %sign3A_120 : i1 to i32
    %sign3A_122 = arith.subi %sign3A_118, %sign3A_121 : i32
    %ne3A_123 = arith.cmpi ne, %sign3A_115, %sign3A_122 : i32
    %rem3A_124 = arith.remsi %get3A_106, %jit3A_107 : i32
    %ne3A_125 = arith.constant 0 : i32
    %ne3A_126 = arith.cmpi ne, %rem3A_124, %ne3A_125 : i32
    %and3A_127 = arith.andi %ne3A_123, %ne3A_126 : i1
    %sub3A_128 = arith.constant 1 : i32
    %sub3A_129 = arith.subi %div3A_108, %sub3A_128 : i32
    %select_n3A_130 = arith.select %and3A_127, %sub3A_129, %div3A_108 : i32
    %mul3A_131 = arith.constant 128 : i32
    %mul3A_132 = arith.muli %select_n3A_130, %mul3A_131 : i32
    %multiple_of3A_133 = tpu.assume_multiple %mul3A_132, 128 : i32
    %get3A_134 = arith.constant 5 : index
    %get3A_135 = memref.load %arg0[%get3A_134] : memref<20xi32, #tpu.memory_space<smem>>
    %jit3A_136 = arith.constant 128 : i32
    %div3A_137 = arith.divsi %get3A_135, %jit3A_136 : i32
    %sign3A_138 = arith.constant 0 : i32
    %sign3A_139 = arith.cmpi sgt, %get3A_135, %sign3A_138 : i32
    %sign3A_140 = arith.extui %sign3A_139 : i1 to i32
    %sign3A_141 = arith.constant 0 : i32
    %sign3A_142 = arith.cmpi slt, %get3A_135, %sign3A_141 : i32
    %sign3A_143 = arith.extui %sign3A_142 : i1 to i32
    %sign3A_144 = arith.subi %sign3A_140, %sign3A_143 : i32
    %sign3A_145 = arith.constant 0 : i32
    %sign3A_146 = arith.cmpi sgt, %jit3A_136, %sign3A_145 : i32
    %sign3A_147 = arith.extui %sign3A_146 : i1 to i32
    %sign3A_148 = arith.constant 0 : i32
    %sign3A_149 = arith.cmpi slt, %jit3A_136, %sign3A_148 : i32
    %sign3A_150 = arith.extui %sign3A_149 : i1 to i32
    %sign3A_151 = arith.subi %sign3A_147, %sign3A_150 : i32
    %ne3A_152 = arith.cmpi ne, %sign3A_144, %sign3A_151 : i32
    %rem3A_153 = arith.remsi %get3A_135, %jit3A_136 : i32
    %ne3A_154 = arith.constant 0 : i32
    %ne3A_155 = arith.cmpi ne, %rem3A_153, %ne3A_154 : i32
    %and3A_156 = arith.andi %ne3A_152, %ne3A_155 : i1
    %sub3A_157 = arith.constant 1 : i32
    %sub3A_158 = arith.subi %div3A_137, %sub3A_157 : i32
    %select_n3A_159 = arith.select %and3A_156, %sub3A_158, %div3A_137 : i32
    %mul3A_160 = arith.constant 128 : i32
    %mul3A_161 = arith.muli %select_n3A_159, %mul3A_160 : i32
    %multiple_of3A_162 = tpu.assume_multiple %mul3A_161, 128 : i32
    %get3A_163 = arith.constant 6 : index
    %get3A_164 = memref.load %arg0[%get3A_163] : memref<20xi32, #tpu.memory_space<smem>>
    %jit3A_165 = arith.constant 128 : i32
    %div3A_166 = arith.divsi %get3A_164, %jit3A_165 : i32
    %sign3A_167 = arith.constant 0 : i32
    %sign3A_168 = arith.cmpi sgt, %get3A_164, %sign3A_167 : i32
    %sign3A_169 = arith.extui %sign3A_168 : i1 to i32
    %sign3A_170 = arith.constant 0 : i32
    %sign3A_171 = arith.cmpi slt, %get3A_164, %sign3A_170 : i32
    %sign3A_172 = arith.extui %sign3A_171 : i1 to i32
    %sign3A_173 = arith.subi %sign3A_169, %sign3A_172 : i32
    %sign3A_174 = arith.constant 0 : i32
    %sign3A_175 = arith.cmpi sgt, %jit3A_165, %sign3A_174 : i32
    %sign3A_176 = arith.extui %sign3A_175 : i1 to i32
    %sign3A_177 = arith.constant 0 : i32
    %sign3A_178 = arith.cmpi slt, %jit3A_165, %sign3A_177 : i32
    %sign3A_179 = arith.extui %sign3A_178 : i1 to i32
    %sign3A_180 = arith.subi %sign3A_176, %sign3A_179 : i32
    %ne3A_181 = arith.cmpi ne, %sign3A_173, %sign3A_180 : i32
    %rem3A_182 = arith.remsi %get3A_164, %jit3A_165 : i32
    %ne3A_183 = arith.constant 0 : i32
    %ne3A_184 = arith.cmpi ne, %rem3A_182, %ne3A_183 : i32
    %and3A_185 = arith.andi %ne3A_181, %ne3A_184 : i1
    %sub3A_186 = arith.constant 1 : i32
    %sub3A_187 = arith.subi %div3A_166, %sub3A_186 : i32
    %select_n3A_188 = arith.select %and3A_185, %sub3A_187, %div3A_166 : i32
    %mul3A_189 = arith.constant 128 : i32
    %mul3A_190 = arith.muli %select_n3A_188, %mul3A_189 : i32
    %multiple_of3A_191 = tpu.assume_multiple %mul3A_190, 128 : i32
    %get3A_192 = arith.constant 7 : index
    %get3A_193 = memref.load %arg0[%get3A_192] : memref<20xi32, #tpu.memory_space<smem>>
    %jit3A_194 = arith.constant 128 : i32
    %div3A_195 = arith.divsi %get3A_193, %jit3A_194 : i32
    %sign3A_196 = arith.constant 0 : i32
    %sign3A_197 = arith.cmpi sgt, %get3A_193, %sign3A_196 : i32
    %sign3A_198 = arith.extui %sign3A_197 : i1 to i32
    %sign3A_199 = arith.constant 0 : i32
    %sign3A_200 = arith.cmpi slt, %get3A_193, %sign3A_199 : i32
    %sign3A_201 = arith.extui %sign3A_200 : i1 to i32
    %sign3A_202 = arith.subi %sign3A_198, %sign3A_201 : i32
    %sign3A_203 = arith.constant 0 : i32
    %sign3A_204 = arith.cmpi sgt, %jit3A_194, %sign3A_203 : i32
    %sign3A_205 = arith.extui %sign3A_204 : i1 to i32
    %sign3A_206 = arith.constant 0 : i32
    %sign3A_207 = arith.cmpi slt, %jit3A_194, %sign3A_206 : i32
    %sign3A_208 = arith.extui %sign3A_207 : i1 to i32
    %sign3A_209 = arith.subi %sign3A_205, %sign3A_208 : i32
    %ne3A_210 = arith.cmpi ne, %sign3A_202, %sign3A_209 : i32
    %rem3A_211 = arith.remsi %get3A_193, %jit3A_194 : i32
    %ne3A_212 = arith.constant 0 : i32
    %ne3A_213 = arith.cmpi ne, %rem3A_211, %ne3A_212 : i32
    %and3A_214 = arith.andi %ne3A_210, %ne3A_213 : i1
    %sub3A_215 = arith.constant 1 : i32
    %sub3A_216 = arith.subi %div3A_195, %sub3A_215 : i32
    %select_n3A_217 = arith.select %and3A_214, %sub3A_216, %div3A_195 : i32
    %mul3A_218 = arith.constant 128 : i32
    %mul3A_219 = arith.muli %select_n3A_217, %mul3A_218 : i32
    %multiple_of3A_220 = tpu.assume_multiple %mul3A_219, 128 : i32
    %get3A_221 = arith.constant 8 : index
    %get3A_222 = memref.load %arg0[%get3A_221] : memref<20xi32, #tpu.memory_space<smem>>
    %jit3A_223 = arith.constant 128 : i32
    %div3A_224 = arith.divsi %get3A_222, %jit3A_223 : i32
    %sign3A_225 = arith.constant 0 : i32
    %sign3A_226 = arith.cmpi sgt, %get3A_222, %sign3A_225 : i32
    %sign3A_227 = arith.extui %sign3A_226 : i1 to i32
    %sign3A_228 = arith.constant 0 : i32
    %sign3A_229 = arith.cmpi slt, %get3A_222, %sign3A_228 : i32
    %sign3A_230 = arith.extui %sign3A_229 : i1 to i32
    %sign3A_231 = arith.subi %sign3A_227, %sign3A_230 : i32
    %sign3A_232 = arith.constant 0 : i32
    %sign3A_233 = arith.cmpi sgt, %jit3A_223, %sign3A_232 : i32
    %sign3A_234 = arith.extui %sign3A_233 : i1 to i32
    %sign3A_235 = arith.constant 0 : i32
    %sign3A_236 = arith.cmpi slt, %jit3A_223, %sign3A_235 : i32
    %sign3A_237 = arith.extui %sign3A_236 : i1 to i32
    %sign3A_238 = arith.subi %sign3A_234, %sign3A_237 : i32
    %ne3A_239 = arith.cmpi ne, %sign3A_231, %sign3A_238 : i32
    %rem3A_240 = arith.remsi %get3A_222, %jit3A_223 : i32
    %ne3A_241 = arith.constant 0 : i32
    %ne3A_242 = arith.cmpi ne, %rem3A_240, %ne3A_241 : i32
    %and3A_243 = arith.andi %ne3A_239, %ne3A_242 : i1
    %sub3A_244 = arith.constant 1 : i32
    %sub3A_245 = arith.subi %div3A_224, %sub3A_244 : i32
    %select_n3A_246 = arith.select %and3A_243, %sub3A_245, %div3A_224 : i32
    %mul3A_247 = arith.constant 128 : i32
    %mul3A_248 = arith.muli %select_n3A_246, %mul3A_247 : i32
    %multiple_of3A_249 = tpu.assume_multiple %mul3A_248, 128 : i32
    %get3A_250 = arith.constant 9 : index
    %get3A_251 = memref.load %arg0[%get3A_250] : memref<20xi32, #tpu.memory_space<smem>>
    %jit3A_252 = arith.constant 128 : i32
    %div3A_253 = arith.divsi %get3A_251, %jit3A_252 : i32
    %sign3A_254 = arith.constant 0 : i32
    %sign3A_255 = arith.cmpi sgt, %get3A_251, %sign3A_254 : i32
    %sign3A_256 = arith.extui %sign3A_255 : i1 to i32
    %sign3A_257 = arith.constant 0 : i32
    %sign3A_258 = arith.cmpi slt, %get3A_251, %sign3A_257 : i32
    %sign3A_259 = arith.extui %sign3A_258 : i1 to i32
    %sign3A_260 = arith.subi %sign3A_256, %sign3A_259 : i32
    %sign3A_261 = arith.constant 0 : i32
    %sign3A_262 = arith.cmpi sgt, %jit3A_252, %sign3A_261 : i32
    %sign3A_263 = arith.extui %sign3A_262 : i1 to i32
    %sign3A_264 = arith.constant 0 : i32
    %sign3A_265 = arith.cmpi slt, %jit3A_252, %sign3A_264 : i32
    %sign3A_266 = arith.extui %sign3A_265 : i1 to i32
    %sign3A_267 = arith.subi %sign3A_263, %sign3A_266 : i32
    %ne3A_268 = arith.cmpi ne, %sign3A_260, %sign3A_267 : i32
    %rem3A_269 = arith.remsi %get3A_251, %jit3A_252 : i32
    %ne3A_270 = arith.constant 0 : i32
    %ne3A_271 = arith.cmpi ne, %rem3A_269, %ne3A_270 : i32
    %and3A_272 = arith.andi %ne3A_268, %ne3A_271 : i1
    %sub3A_273 = arith.constant 1 : i32
    %sub3A_274 = arith.subi %div3A_253, %sub3A_273 : i32
    %select_n3A_275 = arith.select %and3A_272, %sub3A_274, %div3A_253 : i32
    %mul3A_276 = arith.constant 128 : i32
    %mul3A_277 = arith.muli %select_n3A_275, %mul3A_276 : i32
    %multiple_of3A_278 = tpu.assume_multiple %mul3A_277, 128 : i32
    %get3A_279 = arith.constant 10 : index
    %get3A_280 = memref.load %arg0[%get3A_279] : memref<20xi32, #tpu.memory_space<smem>>
    %jit3A_281 = arith.constant 128 : i32
    %div3A_282 = arith.divsi %get3A_280, %jit3A_281 : i32
    %sign3A_283 = arith.constant 0 : i32
    %sign3A_284 = arith.cmpi sgt, %get3A_280, %sign3A_283 : i32
    %sign3A_285 = arith.extui %sign3A_284 : i1 to i32
    %sign3A_286 = arith.constant 0 : i32
    %sign3A_287 = arith.cmpi slt, %get3A_280, %sign3A_286 : i32
    %sign3A_288 = arith.extui %sign3A_287 : i1 to i32
    %sign3A_289 = arith.subi %sign3A_285, %sign3A_288 : i32
    %sign3A_290 = arith.constant 0 : i32
    %sign3A_291 = arith.cmpi sgt, %jit3A_281, %sign3A_290 : i32
    %sign3A_292 = arith.extui %sign3A_291 : i1 to i32
    %sign3A_293 = arith.constant 0 : i32
    %sign3A_294 = arith.cmpi slt, %jit3A_281, %sign3A_293 : i32
    %sign3A_295 = arith.extui %sign3A_294 : i1 to i32
    %sign3A_296 = arith.subi %sign3A_292, %sign3A_295 : i32
    %ne3A_297 = arith.cmpi ne, %sign3A_289, %sign3A_296 : i32
    %rem3A_298 = arith.remsi %get3A_280, %jit3A_281 : i32
    %ne3A_299 = arith.constant 0 : i32
    %ne3A_300 = arith.cmpi ne, %rem3A_298, %ne3A_299 : i32
    %and3A_301 = arith.andi %ne3A_297, %ne3A_300 : i1
    %sub3A_302 = arith.constant 1 : i32
    %sub3A_303 = arith.subi %div3A_282, %sub3A_302 : i32
    %select_n3A_304 = arith.select %and3A_301, %sub3A_303, %div3A_282 : i32
    %mul3A_305 = arith.constant 128 : i32
    %mul3A_306 = arith.muli %select_n3A_304, %mul3A_305 : i32
    %multiple_of3A_307 = tpu.assume_multiple %mul3A_306, 128 : i32
    %get3A_308 = arith.constant 11 : index
    %get3A_309 = memref.load %arg0[%get3A_308] : memref<20xi32, #tpu.memory_space<smem>>
    %jit3A_310 = arith.constant 128 : i32
    %div3A_311 = arith.divsi %get3A_309, %jit3A_310 : i32
    %sign3A_312 = arith.constant 0 : i32
    %sign3A_313 = arith.cmpi sgt, %get3A_309, %sign3A_312 : i32
    %sign3A_314 = arith.extui %sign3A_313 : i1 to i32
    %sign3A_315 = arith.constant 0 : i32
    %sign3A_316 = arith.cmpi slt, %get3A_309, %sign3A_315 : i32
    %sign3A_317 = arith.extui %sign3A_316 : i1 to i32
    %sign3A_318 = arith.subi %sign3A_314, %sign3A_317 : i32
    %sign3A_319 = arith.constant 0 : i32
    %sign3A_320 = arith.cmpi sgt, %jit3A_310, %sign3A_319 : i32
    %sign3A_321 = arith.extui %sign3A_320 : i1 to i32
    %sign3A_322 = arith.constant 0 : i32
    %sign3A_323 = arith.cmpi slt, %jit3A_310, %sign3A_322 : i32
    %sign3A_324 = arith.extui %sign3A_323 : i1 to i32
    %sign3A_325 = arith.subi %sign3A_321, %sign3A_324 : i32
    %ne3A_326 = arith.cmpi ne, %sign3A_318, %sign3A_325 : i32
    %rem3A_327 = arith.remsi %get3A_309, %jit3A_310 : i32
    %ne3A_328 = arith.constant 0 : i32
    %ne3A_329 = arith.cmpi ne, %rem3A_327, %ne3A_328 : i32
    %and3A_330 = arith.andi %ne3A_326, %ne3A_329 : i1
    %sub3A_331 = arith.constant 1 : i32
    %sub3A_332 = arith.subi %div3A_311, %sub3A_331 : i32
    %select_n3A_333 = arith.select %and3A_330, %sub3A_332, %div3A_311 : i32
    %mul3A_334 = arith.constant 128 : i32
    %mul3A_335 = arith.muli %select_n3A_333, %mul3A_334 : i32
    %multiple_of3A_336 = tpu.assume_multiple %mul3A_335, 128 : i32
    %get3A_337 = arith.constant 12 : index
    %get3A_338 = memref.load %arg0[%get3A_337] : memref<20xi32, #tpu.memory_space<smem>>
    %jit3A_339 = arith.constant 128 : i32
    %div3A_340 = arith.divsi %get3A_338, %jit3A_339 : i32
    %sign3A_341 = arith.constant 0 : i32
    %sign3A_342 = arith.cmpi sgt, %get3A_338, %sign3A_341 : i32
    %sign3A_343 = arith.extui %sign3A_342 : i1 to i32
    %sign3A_344 = arith.constant 0 : i32
    %sign3A_345 = arith.cmpi slt, %get3A_338, %sign3A_344 : i32
    %sign3A_346 = arith.extui %sign3A_345 : i1 to i32
    %sign3A_347 = arith.subi %sign3A_343, %sign3A_346 : i32
    %sign3A_348 = arith.constant 0 : i32
    %sign3A_349 = arith.cmpi sgt, %jit3A_339, %sign3A_348 : i32
    %sign3A_350 = arith.extui %sign3A_349 : i1 to i32
    %sign3A_351 = arith.constant 0 : i32
    %sign3A_352 = arith.cmpi slt, %jit3A_339, %sign3A_351 : i32
    %sign3A_353 = arith.extui %sign3A_352 : i1 to i32
    %sign3A_354 = arith.subi %sign3A_350, %sign3A_353 : i32
    %ne3A_355 = arith.cmpi ne, %sign3A_347, %sign3A_354 : i32
    %rem3A_356 = arith.remsi %get3A_338, %jit3A_339 : i32
    %ne3A_357 = arith.constant 0 : i32
    %ne3A_358 = arith.cmpi ne, %rem3A_356, %ne3A_357 : i32
    %and3A_359 = arith.andi %ne3A_355, %ne3A_358 : i1
    %sub3A_360 = arith.constant 1 : i32
    %sub3A_361 = arith.subi %div3A_340, %sub3A_360 : i32
    %select_n3A_362 = arith.select %and3A_359, %sub3A_361, %div3A_340 : i32
    %mul3A_363 = arith.constant 128 : i32
    %mul3A_364 = arith.muli %select_n3A_362, %mul3A_363 : i32
    %multiple_of3A_365 = tpu.assume_multiple %mul3A_364, 128 : i32
    %get3A_366 = arith.constant 13 : index
    %get3A_367 = memref.load %arg0[%get3A_366] : memref<20xi32, #tpu.memory_space<smem>>
    %jit3A_368 = arith.constant 128 : i32
    %div3A_369 = arith.divsi %get3A_367, %jit3A_368 : i32
    %sign3A_370 = arith.constant 0 : i32
    %sign3A_371 = arith.cmpi sgt, %get3A_367, %sign3A_370 : i32
    %sign3A_372 = arith.extui %sign3A_371 : i1 to i32
    %sign3A_373 = arith.constant 0 : i32
    %sign3A_374 = arith.cmpi slt, %get3A_367, %sign3A_373 : i32
    %sign3A_375 = arith.extui %sign3A_374 : i1 to i32
    %sign3A_376 = arith.subi %sign3A_372, %sign3A_375 : i32
    %sign3A_377 = arith.constant 0 : i32
    %sign3A_378 = arith.cmpi sgt, %jit3A_368, %sign3A_377 : i32
    %sign3A_379 = arith.extui %sign3A_378 : i1 to i32
    %sign3A_380 = arith.constant 0 : i32
    %sign3A_381 = arith.cmpi slt, %jit3A_368, %sign3A_380 : i32
    %sign3A_382 = arith.extui %sign3A_381 : i1 to i32
    %sign3A_383 = arith.subi %sign3A_379, %sign3A_382 : i32
    %ne3A_384 = arith.cmpi ne, %sign3A_376, %sign3A_383 : i32
    %rem3A_385 = arith.remsi %get3A_367, %jit3A_368 : i32
    %ne3A_386 = arith.constant 0 : i32
    %ne3A_387 = arith.cmpi ne, %rem3A_385, %ne3A_386 : i32
    %and3A_388 = arith.andi %ne3A_384, %ne3A_387 : i1
    %sub3A_389 = arith.constant 1 : i32
    %sub3A_390 = arith.subi %div3A_369, %sub3A_389 : i32
    %select_n3A_391 = arith.select %and3A_388, %sub3A_390, %div3A_369 : i32
    %mul3A_392 = arith.constant 128 : i32
    %mul3A_393 = arith.muli %select_n3A_391, %mul3A_392 : i32
    %multiple_of3A_394 = tpu.assume_multiple %mul3A_393, 128 : i32
    %get3A_395 = arith.constant 14 : index
    %get3A_396 = memref.load %arg0[%get3A_395] : memref<20xi32, #tpu.memory_space<smem>>
    %jit3A_397 = arith.constant 128 : i32
    %div3A_398 = arith.divsi %get3A_396, %jit3A_397 : i32
    %sign3A_399 = arith.constant 0 : i32
    %sign3A_400 = arith.cmpi sgt, %get3A_396, %sign3A_399 : i32
    %sign3A_401 = arith.extui %sign3A_400 : i1 to i32
    %sign3A_402 = arith.constant 0 : i32
    %sign3A_403 = arith.cmpi slt, %get3A_396, %sign3A_402 : i32
    %sign3A_404 = arith.extui %sign3A_403 : i1 to i32
    %sign3A_405 = arith.subi %sign3A_401, %sign3A_404 : i32
    %sign3A_406 = arith.constant 0 : i32
    %sign3A_407 = arith.cmpi sgt, %jit3A_397, %sign3A_406 : i32
    %sign3A_408 = arith.extui %sign3A_407 : i1 to i32
    %sign3A_409 = arith.constant 0 : i32
    %sign3A_410 = arith.cmpi slt, %jit3A_397, %sign3A_409 : i32
    %sign3A_411 = arith.extui %sign3A_410 : i1 to i32
    %sign3A_412 = arith.subi %sign3A_408, %sign3A_411 : i32
    %ne3A_413 = arith.cmpi ne, %sign3A_405, %sign3A_412 : i32
    %rem3A_414 = arith.remsi %get3A_396, %jit3A_397 : i32
    %ne3A_415 = arith.constant 0 : i32
    %ne3A_416 = arith.cmpi ne, %rem3A_414, %ne3A_415 : i32
    %and3A_417 = arith.andi %ne3A_413, %ne3A_416 : i1
    %sub3A_418 = arith.constant 1 : i32
    %sub3A_419 = arith.subi %div3A_398, %sub3A_418 : i32
    %select_n3A_420 = arith.select %and3A_417, %sub3A_419, %div3A_398 : i32
    %mul3A_421 = arith.constant 128 : i32
    %mul3A_422 = arith.muli %select_n3A_420, %mul3A_421 : i32
    %multiple_of3A_423 = tpu.assume_multiple %mul3A_422, 128 : i32
    %get3A_424 = arith.constant 15 : index
    %get3A_425 = memref.load %arg0[%get3A_424] : memref<20xi32, #tpu.memory_space<smem>>
    %jit3A_426 = arith.constant 128 : i32
    %div3A_427 = arith.divsi %get3A_425, %jit3A_426 : i32
    %sign3A_428 = arith.constant 0 : i32
    %sign3A_429 = arith.cmpi sgt, %get3A_425, %sign3A_428 : i32
    %sign3A_430 = arith.extui %sign3A_429 : i1 to i32
    %sign3A_431 = arith.constant 0 : i32
    %sign3A_432 = arith.cmpi slt, %get3A_425, %sign3A_431 : i32
    %sign3A_433 = arith.extui %sign3A_432 : i1 to i32
    %sign3A_434 = arith.subi %sign3A_430, %sign3A_433 : i32
    %sign3A_435 = arith.constant 0 : i32
    %sign3A_436 = arith.cmpi sgt, %jit3A_426, %sign3A_435 : i32
    %sign3A_437 = arith.extui %sign3A_436 : i1 to i32
    %sign3A_438 = arith.constant 0 : i32
    %sign3A_439 = arith.cmpi slt, %jit3A_426, %sign3A_438 : i32
    %sign3A_440 = arith.extui %sign3A_439 : i1 to i32
    %sign3A_441 = arith.subi %sign3A_437, %sign3A_440 : i32
    %ne3A_442 = arith.cmpi ne, %sign3A_434, %sign3A_441 : i32
    %rem3A_443 = arith.remsi %get3A_425, %jit3A_426 : i32
    %ne3A_444 = arith.constant 0 : i32
    %ne3A_445 = arith.cmpi ne, %rem3A_443, %ne3A_444 : i32
    %and3A_446 = arith.andi %ne3A_442, %ne3A_445 : i1
    %sub3A_447 = arith.constant 1 : i32
    %sub3A_448 = arith.subi %div3A_427, %sub3A_447 : i32
    %select_n3A_449 = arith.select %and3A_446, %sub3A_448, %div3A_427 : i32
    %mul3A_450 = arith.constant 128 : i32
    %mul3A_451 = arith.muli %select_n3A_449, %mul3A_450 : i32
    %multiple_of3A_452 = tpu.assume_multiple %mul3A_451, 128 : i32
    %get3A_453 = arith.constant 16 : index
    %get3A_454 = memref.load %arg0[%get3A_453] : memref<20xi32, #tpu.memory_space<smem>>
    %jit3A_455 = arith.constant 128 : i32
    %div3A_456 = arith.divsi %get3A_454, %jit3A_455 : i32
    %sign3A_457 = arith.constant 0 : i32
    %sign3A_458 = arith.cmpi sgt, %get3A_454, %sign3A_457 : i32
    %sign3A_459 = arith.extui %sign3A_458 : i1 to i32
    %sign3A_460 = arith.constant 0 : i32
    %sign3A_461 = arith.cmpi slt, %get3A_454, %sign3A_460 : i32
    %sign3A_462 = arith.extui %sign3A_461 : i1 to i32
    %sign3A_463 = arith.subi %sign3A_459, %sign3A_462 : i32
    %sign3A_464 = arith.constant 0 : i32
    %sign3A_465 = arith.cmpi sgt, %jit3A_455, %sign3A_464 : i32
    %sign3A_466 = arith.extui %sign3A_465 : i1 to i32
    %sign3A_467 = arith.constant 0 : i32
    %sign3A_468 = arith.cmpi slt, %jit3A_455, %sign3A_467 : i32
    %sign3A_469 = arith.extui %sign3A_468 : i1 to i32
    %sign3A_470 = arith.subi %sign3A_466, %sign3A_469 : i32
    %ne3A_471 = arith.cmpi ne, %sign3A_463, %sign3A_470 : i32
    %rem3A_472 = arith.remsi %get3A_454, %jit3A_455 : i32
    %ne3A_473 = arith.constant 0 : i32
    %ne3A_474 = arith.cmpi ne, %rem3A_472, %ne3A_473 : i32
    %and3A_475 = arith.andi %ne3A_471, %ne3A_474 : i1
    %sub3A_476 = arith.constant 1 : i32
    %sub3A_477 = arith.subi %div3A_456, %sub3A_476 : i32
    %select_n3A_478 = arith.select %and3A_475, %sub3A_477, %div3A_456 : i32
    %mul3A_479 = arith.constant 128 : i32
    %mul3A_480 = arith.muli %select_n3A_478, %mul3A_479 : i32
    %multiple_of3A_481 = tpu.assume_multiple %mul3A_480, 128 : i32
    %get3A_482 = arith.constant 17 : index
    %get3A_483 = memref.load %arg0[%get3A_482] : memref<20xi32, #tpu.memory_space<smem>>
    %jit3A_484 = arith.constant 128 : i32
    %div3A_485 = arith.divsi %get3A_483, %jit3A_484 : i32
    %sign3A_486 = arith.constant 0 : i32
    %sign3A_487 = arith.cmpi sgt, %get3A_483, %sign3A_486 : i32
    %sign3A_488 = arith.extui %sign3A_487 : i1 to i32
    %sign3A_489 = arith.constant 0 : i32
    %sign3A_490 = arith.cmpi slt, %get3A_483, %sign3A_489 : i32
    %sign3A_491 = arith.extui %sign3A_490 : i1 to i32
    %sign3A_492 = arith.subi %sign3A_488, %sign3A_491 : i32
    %sign3A_493 = arith.constant 0 : i32
    %sign3A_494 = arith.cmpi sgt, %jit3A_484, %sign3A_493 : i32
    %sign3A_495 = arith.extui %sign3A_494 : i1 to i32
    %sign3A_496 = arith.constant 0 : i32
    %sign3A_497 = arith.cmpi slt, %jit3A_484, %sign3A_496 : i32
    %sign3A_498 = arith.extui %sign3A_497 : i1 to i32
    %sign3A_499 = arith.subi %sign3A_495, %sign3A_498 : i32
    %ne3A_500 = arith.cmpi ne, %sign3A_492, %sign3A_499 : i32
    %rem3A_501 = arith.remsi %get3A_483, %jit3A_484 : i32
    %ne3A_502 = arith.constant 0 : i32
    %ne3A_503 = arith.cmpi ne, %rem3A_501, %ne3A_502 : i32
    %and3A_504 = arith.andi %ne3A_500, %ne3A_503 : i1
    %sub3A_505 = arith.constant 1 : i32
    %sub3A_506 = arith.subi %div3A_485, %sub3A_505 : i32
    %select_n3A_507 = arith.select %and3A_504, %sub3A_506, %div3A_485 : i32
    %mul3A_508 = arith.constant 128 : i32
    %mul3A_509 = arith.muli %select_n3A_507, %mul3A_508 : i32
    %multiple_of3A_510 = tpu.assume_multiple %mul3A_509, 128 : i32
    %get3A_511 = arith.constant 18 : index
    %get3A_512 = memref.load %arg0[%get3A_511] : memref<20xi32, #tpu.memory_space<smem>>
    %jit3A_513 = arith.constant 128 : i32
    %div3A_514 = arith.divsi %get3A_512, %jit3A_513 : i32
    %sign3A_515 = arith.constant 0 : i32
    %sign3A_516 = arith.cmpi sgt, %get3A_512, %sign3A_515 : i32
    %sign3A_517 = arith.extui %sign3A_516 : i1 to i32
    %sign3A_518 = arith.constant 0 : i32
    %sign3A_519 = arith.cmpi slt, %get3A_512, %sign3A_518 : i32
    %sign3A_520 = arith.extui %sign3A_519 : i1 to i32
    %sign3A_521 = arith.subi %sign3A_517, %sign3A_520 : i32
    %sign3A_522 = arith.constant 0 : i32
    %sign3A_523 = arith.cmpi sgt, %jit3A_513, %sign3A_522 : i32
    %sign3A_524 = arith.extui %sign3A_523 : i1 to i32
    %sign3A_525 = arith.constant 0 : i32
    %sign3A_526 = arith.cmpi slt, %jit3A_513, %sign3A_525 : i32
    %sign3A_527 = arith.extui %sign3A_526 : i1 to i32
    %sign3A_528 = arith.subi %sign3A_524, %sign3A_527 : i32
    %ne3A_529 = arith.cmpi ne, %sign3A_521, %sign3A_528 : i32
    %rem3A_530 = arith.remsi %get3A_512, %jit3A_513 : i32
    %ne3A_531 = arith.constant 0 : i32
    %ne3A_532 = arith.cmpi ne, %rem3A_530, %ne3A_531 : i32
    %and3A_533 = arith.andi %ne3A_529, %ne3A_532 : i1
    %sub3A_534 = arith.constant 1 : i32
    %sub3A_535 = arith.subi %div3A_514, %sub3A_534 : i32
    %select_n3A_536 = arith.select %and3A_533, %sub3A_535, %div3A_514 : i32
    %mul3A_537 = arith.constant 128 : i32
    %mul3A_538 = arith.muli %select_n3A_536, %mul3A_537 : i32
    %multiple_of3A_539 = tpu.assume_multiple %mul3A_538, 128 : i32
    %get3A_540 = arith.constant 19 : index
    %get3A_541 = memref.load %arg0[%get3A_540] : memref<20xi32, #tpu.memory_space<smem>>
    %jit3A_542 = arith.constant 128 : i32
    %div3A_543 = arith.divsi %get3A_541, %jit3A_542 : i32
    %sign3A_544 = arith.constant 0 : i32
    %sign3A_545 = arith.cmpi sgt, %get3A_541, %sign3A_544 : i32
    %sign3A_546 = arith.extui %sign3A_545 : i1 to i32
    %sign3A_547 = arith.constant 0 : i32
    %sign3A_548 = arith.cmpi slt, %get3A_541, %sign3A_547 : i32
    %sign3A_549 = arith.extui %sign3A_548 : i1 to i32
    %sign3A_550 = arith.subi %sign3A_546, %sign3A_549 : i32
    %sign3A_551 = arith.constant 0 : i32
    %sign3A_552 = arith.cmpi sgt, %jit3A_542, %sign3A_551 : i32
    %sign3A_553 = arith.extui %sign3A_552 : i1 to i32
    %sign3A_554 = arith.constant 0 : i32
    %sign3A_555 = arith.cmpi slt, %jit3A_542, %sign3A_554 : i32
    %sign3A_556 = arith.extui %sign3A_555 : i1 to i32
    %sign3A_557 = arith.subi %sign3A_553, %sign3A_556 : i32
    %ne3A_558 = arith.cmpi ne, %sign3A_550, %sign3A_557 : i32
    %rem3A_559 = arith.remsi %get3A_541, %jit3A_542 : i32
    %ne3A_560 = arith.constant 0 : i32
    %ne3A_561 = arith.cmpi ne, %rem3A_559, %ne3A_560 : i32
    %and3A_562 = arith.andi %ne3A_558, %ne3A_561 : i1
    %sub3A_563 = arith.constant 1 : i32
    %sub3A_564 = arith.subi %div3A_543, %sub3A_563 : i32
    %select_n3A_565 = arith.select %and3A_562, %sub3A_564, %div3A_543 : i32
    %mul3A_566 = arith.constant 128 : i32
    %mul3A_567 = arith.muli %select_n3A_565, %mul3A_566 : i32
    %multiple_of3A_568 = tpu.assume_multiple %mul3A_567, 128 : i32
    %dma_start3A = arith.constant 0 : i32
    %dma_start3A_569 = arith.constant 0 : i32
    %dma_start3A_570 = tpu.memref_slice %arg5[%dma_start3A, %dma_start3A_569] : memref<64x2560xf32, #tpu.memory_space<vmem>> -> memref<64x128xf32, #tpu.memory_space<vmem>>
    %dma_start3A_571 = arith.constant 0 : i32
    %dma_start3A_572 = tpu.memref_slice %arg1[%dma_start3A_571, %multiple_of3A] : memref<64x100000xf32, #tpu.memory_space<any>> -> memref<64x128xf32, #tpu.memory_space<any>>
    tpu.enqueue_dma source(%dma_start3A_572 : memref<64x128xf32, #tpu.memory_space<any>>) target(%dma_start3A_570 : memref<64x128xf32, #tpu.memory_space<vmem>>) target_semaphore(%arg6 : memref<!tpu.dma_semaphore, #tpu.memory_space<semaphore_mem>>)
    %dma_start3A_573 = arith.constant 0 : i32
    %dma_start3A_574 = arith.constant 128 : i32
    %dma_start3A_575 = tpu.memref_slice %arg5[%dma_start3A_573, %dma_start3A_574] : memref<64x2560xf32, #tpu.memory_space<vmem>> -> memref<64x128xf32, #tpu.memory_space<vmem>>
    %dma_start3A_576 = arith.constant 0 : i32
    %dma_start3A_577 = tpu.memref_slice %arg1[%dma_start3A_576, %multiple_of3A_46] : memref<64x100000xf32, #tpu.memory_space<any>> -> memref<64x128xf32, #tpu.memory_space<any>>
    tpu.enqueue_dma source(%dma_start3A_577 : memref<64x128xf32, #tpu.memory_space<any>>) target(%dma_start3A_575 : memref<64x128xf32, #tpu.memory_space<vmem>>) target_semaphore(%arg6 : memref<!tpu.dma_semaphore, #tpu.memory_space<semaphore_mem>>)
    %dma_start3A_578 = arith.constant 0 : i32
    %dma_start3A_579 = arith.constant 256 : i32
    %dma_start3A_580 = tpu.memref_slice %arg5[%dma_start3A_578, %dma_start3A_579] : memref<64x2560xf32, #tpu.memory_space<vmem>> -> memref<64x128xf32, #tpu.memory_space<vmem>>
    %dma_start3A_581 = arith.constant 0 : i32
    %dma_start3A_582 = tpu.memref_slice %arg1[%dma_start3A_581, %multiple_of3A_75] : memref<64x100000xf32, #tpu.memory_space<any>> -> memref<64x128xf32, #tpu.memory_space<any>>
    tpu.enqueue_dma source(%dma_start3A_582 : memref<64x128xf32, #tpu.memory_space<any>>) target(%dma_start3A_580 : memref<64x128xf32, #tpu.memory_space<vmem>>) target_semaphore(%arg6 : memref<!tpu.dma_semaphore, #tpu.memory_space<semaphore_mem>>)
    %dma_start3A_583 = arith.constant 0 : i32
    %dma_start3A_584 = arith.constant 384 : i32
    %dma_start3A_585 = tpu.memref_slice %arg5[%dma_start3A_583, %dma_start3A_584] : memref<64x2560xf32, #tpu.memory_space<vmem>> -> memref<64x128xf32, #tpu.memory_space<vmem>>
    %dma_start3A_586 = arith.constant 0 : i32
    %dma_start3A_587 = tpu.memref_slice %arg1[%dma_start3A_586, %multiple_of3A_104] : memref<64x100000xf32, #tpu.memory_space<any>> -> memref<64x128xf32, #tpu.memory_space<any>>
    tpu.enqueue_dma source(%dma_start3A_587 : memref<64x128xf32, #tpu.memory_space<any>>) target(%dma_start3A_585 : memref<64x128xf32, #tpu.memory_space<vmem>>) target_semaphore(%arg6 : memref<!tpu.dma_semaphore, #tpu.memory_space<semaphore_mem>>)
    %dma_start3A_588 = arith.constant 0 : i32
    %dma_start3A_589 = arith.constant 512 : i32
    %dma_start3A_590 = tpu.memref_slice %arg5[%dma_start3A_588, %dma_start3A_589] : memref<64x2560xf32, #tpu.memory_space<vmem>> -> memref<64x128xf32, #tpu.memory_space<vmem>>
    %dma_start3A_591 = arith.constant 0 : i32
    %dma_start3A_592 = tpu.memref_slice %arg1[%dma_start3A_591, %multiple_of3A_133] : memref<64x100000xf32, #tpu.memory_space<any>> -> memref<64x128xf32, #tpu.memory_space<any>>
    tpu.enqueue_dma source(%dma_start3A_592 : memref<64x128xf32, #tpu.memory_space<any>>) target(%dma_start3A_590 : memref<64x128xf32, #tpu.memory_space<vmem>>) target_semaphore(%arg6 : memref<!tpu.dma_semaphore, #tpu.memory_space<semaphore_mem>>)
    %dma_start3A_593 = arith.constant 0 : i32
    %dma_start3A_594 = arith.constant 640 : i32
    %dma_start3A_595 = tpu.memref_slice %arg5[%dma_start3A_593, %dma_start3A_594] : memref<64x2560xf32, #tpu.memory_space<vmem>> -> memref<64x128xf32, #tpu.memory_space<vmem>>
    %dma_start3A_596 = arith.constant 0 : i32
    %dma_start3A_597 = tpu.memref_slice %arg1[%dma_start3A_596, %multiple_of3A_162] : memref<64x100000xf32, #tpu.memory_space<any>> -> memref<64x128xf32, #tpu.memory_space<any>>
    tpu.enqueue_dma source(%dma_start3A_597 : memref<64x128xf32, #tpu.memory_space<any>>) target(%dma_start3A_595 : memref<64x128xf32, #tpu.memory_space<vmem>>) target_semaphore(%arg6 : memref<!tpu.dma_semaphore, #tpu.memory_space<semaphore_mem>>)
    %dma_start3A_598 = arith.constant 0 : i32
    %dma_start3A_599 = arith.constant 768 : i32
    %dma_start3A_600 = tpu.memref_slice %arg5[%dma_start3A_598, %dma_start3A_599] : memref<64x2560xf32, #tpu.memory_space<vmem>> -> memref<64x128xf32, #tpu.memory_space<vmem>>
    %dma_start3A_601 = arith.constant 0 : i32
    %dma_start3A_602 = tpu.memref_slice %arg1[%dma_start3A_601, %multiple_of3A_191] : memref<64x100000xf32, #tpu.memory_space<any>> -> memref<64x128xf32, #tpu.memory_space<any>>
    tpu.enqueue_dma source(%dma_start3A_602 : memref<64x128xf32, #tpu.memory_space<any>>) target(%dma_start3A_600 : memref<64x128xf32, #tpu.memory_space<vmem>>) target_semaphore(%arg6 : memref<!tpu.dma_semaphore, #tpu.memory_space<semaphore_mem>>)
    %dma_start3A_603 = arith.constant 0 : i32
    %dma_start3A_604 = arith.constant 896 : i32
    %dma_start3A_605 = tpu.memref_slice %arg5[%dma_start3A_603, %dma_start3A_604] : memref<64x2560xf32, #tpu.memory_space<vmem>> -> memref<64x128xf32, #tpu.memory_space<vmem>>
    %dma_start3A_606 = arith.constant 0 : i32
    %dma_start3A_607 = tpu.memref_slice %arg1[%dma_start3A_606, %multiple_of3A_220] : memref<64x100000xf32, #tpu.memory_space<any>> -> memref<64x128xf32, #tpu.memory_space<any>>
    tpu.enqueue_dma source(%dma_start3A_607 : memref<64x128xf32, #tpu.memory_space<any>>) target(%dma_start3A_605 : memref<64x128xf32, #tpu.memory_space<vmem>>) target_semaphore(%arg6 : memref<!tpu.dma_semaphore, #tpu.memory_space<semaphore_mem>>)
    %dma_start3A_608 = arith.constant 0 : i32
    %dma_start3A_609 = arith.constant 1024 : i32
    %dma_start3A_610 = tpu.memref_slice %arg5[%dma_start3A_608, %dma_start3A_609] : memref<64x2560xf32, #tpu.memory_space<vmem>> -> memref<64x128xf32, #tpu.memory_space<vmem>>
    %dma_start3A_611 = arith.constant 0 : i32
    %dma_start3A_612 = tpu.memref_slice %arg1[%dma_start3A_611, %multiple_of3A_249] : memref<64x100000xf32, #tpu.memory_space<any>> -> memref<64x128xf32, #tpu.memory_space<any>>
    tpu.enqueue_dma source(%dma_start3A_612 : memref<64x128xf32, #tpu.memory_space<any>>) target(%dma_start3A_610 : memref<64x128xf32, #tpu.memory_space<vmem>>) target_semaphore(%arg6 : memref<!tpu.dma_semaphore, #tpu.memory_space<semaphore_mem>>)
    %dma_start3A_613 = arith.constant 0 : i32
    %dma_start3A_614 = arith.constant 1152 : i32
    %dma_start3A_615 = tpu.memref_slice %arg5[%dma_start3A_613, %dma_start3A_614] : memref<64x2560xf32, #tpu.memory_space<vmem>> -> memref<64x128xf32, #tpu.memory_space<vmem>>
    %dma_start3A_616 = arith.constant 0 : i32
    %dma_start3A_617 = tpu.memref_slice %arg1[%dma_start3A_616, %multiple_of3A_278] : memref<64x100000xf32, #tpu.memory_space<any>> -> memref<64x128xf32, #tpu.memory_space<any>>
    tpu.enqueue_dma source(%dma_start3A_617 : memref<64x128xf32, #tpu.memory_space<any>>) target(%dma_start3A_615 : memref<64x128xf32, #tpu.memory_space<vmem>>) target_semaphore(%arg6 : memref<!tpu.dma_semaphore, #tpu.memory_space<semaphore_mem>>)
    %dma_start3A_618 = arith.constant 0 : i32
    %dma_start3A_619 = arith.constant 1280 : i32
    %dma_start3A_620 = tpu.memref_slice %arg5[%dma_start3A_618, %dma_start3A_619] : memref<64x2560xf32, #tpu.memory_space<vmem>> -> memref<64x128xf32, #tpu.memory_space<vmem>>
    %dma_start3A_621 = arith.constant 0 : i32
    %dma_start3A_622 = tpu.memref_slice %arg1[%dma_start3A_621, %multiple_of3A_307] : memref<64x100000xf32, #tpu.memory_space<any>> -> memref<64x128xf32, #tpu.memory_space<any>>
    tpu.enqueue_dma source(%dma_start3A_622 : memref<64x128xf32, #tpu.memory_space<any>>) target(%dma_start3A_620 : memref<64x128xf32, #tpu.memory_space<vmem>>) target_semaphore(%arg6 : memref<!tpu.dma_semaphore, #tpu.memory_space<semaphore_mem>>)
    %dma_start3A_623 = arith.constant 0 : i32
    %dma_start3A_624 = arith.constant 1408 : i32
    %dma_start3A_625 = tpu.memref_slice %arg5[%dma_start3A_623, %dma_start3A_624] : memref<64x2560xf32, #tpu.memory_space<vmem>> -> memref<64x128xf32, #tpu.memory_space<vmem>>
    %dma_start3A_626 = arith.constant 0 : i32
    %dma_start3A_627 = tpu.memref_slice %arg1[%dma_start3A_626, %multiple_of3A_336] : memref<64x100000xf32, #tpu.memory_space<any>> -> memref<64x128xf32, #tpu.memory_space<any>>
    tpu.enqueue_dma source(%dma_start3A_627 : memref<64x128xf32, #tpu.memory_space<any>>) target(%dma_start3A_625 : memref<64x128xf32, #tpu.memory_space<vmem>>) target_semaphore(%arg6 : memref<!tpu.dma_semaphore, #tpu.memory_space<semaphore_mem>>)
    %dma_start3A_628 = arith.constant 0 : i32
    %dma_start3A_629 = arith.constant 1536 : i32
    %dma_start3A_630 = tpu.memref_slice %arg5[%dma_start3A_628, %dma_start3A_629] : memref<64x2560xf32, #tpu.memory_space<vmem>> -> memref<64x128xf32, #tpu.memory_space<vmem>>
    %dma_start3A_631 = arith.constant 0 : i32
    %dma_start3A_632 = tpu.memref_slice %arg1[%dma_start3A_631, %multiple_of3A_365] : memref<64x100000xf32, #tpu.memory_space<any>> -> memref<64x128xf32, #tpu.memory_space<any>>
    tpu.enqueue_dma source(%dma_start3A_632 : memref<64x128xf32, #tpu.memory_space<any>>) target(%dma_start3A_630 : memref<64x128xf32, #tpu.memory_space<vmem>>) target_semaphore(%arg6 : memref<!tpu.dma_semaphore, #tpu.memory_space<semaphore_mem>>)
    %dma_start3A_633 = arith.constant 0 : i32
    %dma_start3A_634 = arith.constant 1664 : i32
    %dma_start3A_635 = tpu.memref_slice %arg5[%dma_start3A_633, %dma_start3A_634] : memref<64x2560xf32, #tpu.memory_space<vmem>> -> memref<64x128xf32, #tpu.memory_space<vmem>>
    %dma_start3A_636 = arith.constant 0 : i32
    %dma_start3A_637 = tpu.memref_slice %arg1[%dma_start3A_636, %multiple_of3A_394] : memref<64x100000xf32, #tpu.memory_space<any>> -> memref<64x128xf32, #tpu.memory_space<any>>
    tpu.enqueue_dma source(%dma_start3A_637 : memref<64x128xf32, #tpu.memory_space<any>>) target(%dma_start3A_635 : memref<64x128xf32, #tpu.memory_space<vmem>>) target_semaphore(%arg6 : memref<!tpu.dma_semaphore, #tpu.memory_space<semaphore_mem>>)
    %dma_start3A_638 = arith.constant 0 : i32
    %dma_start3A_639 = arith.constant 1792 : i32
    %dma_start3A_640 = tpu.memref_slice %arg5[%dma_start3A_638, %dma_start3A_639] : memref<64x2560xf32, #tpu.memory_space<vmem>> -> memref<64x128xf32, #tpu.memory_space<vmem>>
    %dma_start3A_641 = arith.constant 0 : i32
    %dma_start3A_642 = tpu.memref_slice %arg1[%dma_start3A_641, %multiple_of3A_423] : memref<64x100000xf32, #tpu.memory_space<any>> -> memref<64x128xf32, #tpu.memory_space<any>>
    tpu.enqueue_dma source(%dma_start3A_642 : memref<64x128xf32, #tpu.memory_space<any>>) target(%dma_start3A_640 : memref<64x128xf32, #tpu.memory_space<vmem>>) target_semaphore(%arg6 : memref<!tpu.dma_semaphore, #tpu.memory_space<semaphore_mem>>)
    %dma_start3A_643 = arith.constant 0 : i32
    %dma_start3A_644 = arith.constant 1920 : i32
    %dma_start3A_645 = tpu.memref_slice %arg5[%dma_start3A_643, %dma_start3A_644] : memref<64x2560xf32, #tpu.memory_space<vmem>> -> memref<64x128xf32, #tpu.memory_space<vmem>>
    %dma_start3A_646 = arith.constant 0 : i32
    %dma_start3A_647 = tpu.memref_slice %arg1[%dma_start3A_646, %multiple_of3A_452] : memref<64x100000xf32, #tpu.memory_space<any>> -> memref<64x128xf32, #tpu.memory_space<any>>
    tpu.enqueue_dma source(%dma_start3A_647 : memref<64x128xf32, #tpu.memory_space<any>>) target(%dma_start3A_645 : memref<64x128xf32, #tpu.memory_space<vmem>>) target_semaphore(%arg6 : memref<!tpu.dma_semaphore, #tpu.memory_space<semaphore_mem>>)
    %dma_start3A_648 = arith.constant 0 : i32
    %dma_start3A_649 = arith.constant 2048 : i32
    %dma_start3A_650 = tpu.memref_slice %arg5[%dma_start3A_648, %dma_start3A_649] : memref<64x2560xf32, #tpu.memory_space<vmem>> -> memref<64x128xf32, #tpu.memory_space<vmem>>
    %dma_start3A_651 = arith.constant 0 : i32
    %dma_start3A_652 = tpu.memref_slice %arg1[%dma_start3A_651, %multiple_of3A_481] : memref<64x100000xf32, #tpu.memory_space<any>> -> memref<64x128xf32, #tpu.memory_space<any>>
    tpu.enqueue_dma source(%dma_start3A_652 : memref<64x128xf32, #tpu.memory_space<any>>) target(%dma_start3A_650 : memref<64x128xf32, #tpu.memory_space<vmem>>) target_semaphore(%arg6 : memref<!tpu.dma_semaphore, #tpu.memory_space<semaphore_mem>>)
    %dma_start3A_653 = arith.constant 0 : i32
    %dma_start3A_654 = arith.constant 2176 : i32
    %dma_start3A_655 = tpu.memref_slice %arg5[%dma_start3A_653, %dma_start3A_654] : memref<64x2560xf32, #tpu.memory_space<vmem>> -> memref<64x128xf32, #tpu.memory_space<vmem>>
    %dma_start3A_656 = arith.constant 0 : i32
    %dma_start3A_657 = tpu.memref_slice %arg1[%dma_start3A_656, %multiple_of3A_510] : memref<64x100000xf32, #tpu.memory_space<any>> -> memref<64x128xf32, #tpu.memory_space<any>>
    tpu.enqueue_dma source(%dma_start3A_657 : memref<64x128xf32, #tpu.memory_space<any>>) target(%dma_start3A_655 : memref<64x128xf32, #tpu.memory_space<vmem>>) target_semaphore(%arg6 : memref<!tpu.dma_semaphore, #tpu.memory_space<semaphore_mem>>)
    %dma_start3A_658 = arith.constant 0 : i32
    %dma_start3A_659 = arith.constant 2304 : i32
    %dma_start3A_660 = tpu.memref_slice %arg5[%dma_start3A_658, %dma_start3A_659] : memref<64x2560xf32, #tpu.memory_space<vmem>> -> memref<64x128xf32, #tpu.memory_space<vmem>>
    %dma_start3A_661 = arith.constant 0 : i32
    %dma_start3A_662 = tpu.memref_slice %arg1[%dma_start3A_661, %multiple_of3A_539] : memref<64x100000xf32, #tpu.memory_space<any>> -> memref<64x128xf32, #tpu.memory_space<any>>
    tpu.enqueue_dma source(%dma_start3A_662 : memref<64x128xf32, #tpu.memory_space<any>>) target(%dma_start3A_660 : memref<64x128xf32, #tpu.memory_space<vmem>>) target_semaphore(%arg6 : memref<!tpu.dma_semaphore, #tpu.memory_space<semaphore_mem>>)
    %dma_start3A_663 = arith.constant 0 : i32
    %dma_start3A_664 = arith.constant 2432 : i32
    %dma_start3A_665 = tpu.memref_slice %arg5[%dma_start3A_663, %dma_start3A_664] : memref<64x2560xf32, #tpu.memory_space<vmem>> -> memref<64x128xf32, #tpu.memory_space<vmem>>
    %dma_start3A_666 = arith.constant 0 : i32
    %dma_start3A_667 = tpu.memref_slice %arg1[%dma_start3A_666, %multiple_of3A_568] : memref<64x100000xf32, #tpu.memory_space<any>> -> memref<64x128xf32, #tpu.memory_space<any>>
    tpu.enqueue_dma source(%dma_start3A_667 : memref<64x128xf32, #tpu.memory_space<any>>) target(%dma_start3A_665 : memref<64x128xf32, #tpu.memory_space<vmem>>) target_semaphore(%arg6 : memref<!tpu.dma_semaphore, #tpu.memory_space<semaphore_mem>>)
    %dma_wait3A = arith.constant 0 : i32
    %dma_wait3A_668 = arith.constant 0 : i32
    %dma_wait3A_669 = tpu.memref_slice %arg5[%dma_wait3A, %dma_wait3A_668] : memref<64x2560xf32, #tpu.memory_space<vmem>> -> memref<64x128xf32, #tpu.memory_space<vmem>>
    %dma_wait3A_670 = arith.constant 0 : i32
    %dma_wait3A_671 = tpu.memref_slice %arg1[%dma_wait3A_670, %multiple_of3A] : memref<64x100000xf32, #tpu.memory_space<any>> -> memref<64x128xf32, #tpu.memory_space<any>>
    tpu.wait_dma2 semaphore(%arg6 : memref<!tpu.dma_semaphore, #tpu.memory_space<semaphore_mem>>) src(%dma_wait3A_671 : memref<64x128xf32, #tpu.memory_space<any>>) dst(%dma_wait3A_669 : memref<64x128xf32, #tpu.memory_space<vmem>>)
    %dma_wait3A_672 = arith.constant 0 : i32
    %dma_wait3A_673 = arith.constant 128 : i32
    %dma_wait3A_674 = tpu.memref_slice %arg5[%dma_wait3A_672, %dma_wait3A_673] : memref<64x2560xf32, #tpu.memory_space<vmem>> -> memref<64x128xf32, #tpu.memory_space<vmem>>
    %dma_wait3A_675 = arith.constant 0 : i32
    %dma_wait3A_676 = tpu.memref_slice %arg1[%dma_wait3A_675, %multiple_of3A_46] : memref<64x100000xf32, #tpu.memory_space<any>> -> memref<64x128xf32, #tpu.memory_space<any>>
    tpu.wait_dma2 semaphore(%arg6 : memref<!tpu.dma_semaphore, #tpu.memory_space<semaphore_mem>>) src(%dma_wait3A_676 : memref<64x128xf32, #tpu.memory_space<any>>) dst(%dma_wait3A_674 : memref<64x128xf32, #tpu.memory_space<vmem>>)
    %dma_wait3A_677 = arith.constant 0 : i32
    %dma_wait3A_678 = arith.constant 256 : i32
    %dma_wait3A_679 = tpu.memref_slice %arg5[%dma_wait3A_677, %dma_wait3A_678] : memref<64x2560xf32, #tpu.memory_space<vmem>> -> memref<64x128xf32, #tpu.memory_space<vmem>>
    %dma_wait3A_680 = arith.constant 0 : i32
    %dma_wait3A_681 = tpu.memref_slice %arg1[%dma_wait3A_680, %multiple_of3A_75] : memref<64x100000xf32, #tpu.memory_space<any>> -> memref<64x128xf32, #tpu.memory_space<any>>
    tpu.wait_dma2 semaphore(%arg6 : memref<!tpu.dma_semaphore, #tpu.memory_space<semaphore_mem>>) src(%dma_wait3A_681 : memref<64x128xf32, #tpu.memory_space<any>>) dst(%dma_wait3A_679 : memref<64x128xf32, #tpu.memory_space<vmem>>)
    %dma_wait3A_682 = arith.constant 0 : i32
    %dma_wait3A_683 = arith.constant 384 : i32
    %dma_wait3A_684 = tpu.memref_slice %arg5[%dma_wait3A_682, %dma_wait3A_683] : memref<64x2560xf32, #tpu.memory_space<vmem>> -> memref<64x128xf32, #tpu.memory_space<vmem>>
    %dma_wait3A_685 = arith.constant 0 : i32
    %dma_wait3A_686 = tpu.memref_slice %arg1[%dma_wait3A_685, %multiple_of3A_104] : memref<64x100000xf32, #tpu.memory_space<any>> -> memref<64x128xf32, #tpu.memory_space<any>>
    tpu.wait_dma2 semaphore(%arg6 : memref<!tpu.dma_semaphore, #tpu.memory_space<semaphore_mem>>) src(%dma_wait3A_686 : memref<64x128xf32, #tpu.memory_space<any>>) dst(%dma_wait3A_684 : memref<64x128xf32, #tpu.memory_space<vmem>>)
    %dma_wait3A_687 = arith.constant 0 : i32
    %dma_wait3A_688 = arith.constant 512 : i32
    %dma_wait3A_689 = tpu.memref_slice %arg5[%dma_wait3A_687, %dma_wait3A_688] : memref<64x2560xf32, #tpu.memory_space<vmem>> -> memref<64x128xf32, #tpu.memory_space<vmem>>
    %dma_wait3A_690 = arith.constant 0 : i32
    %dma_wait3A_691 = tpu.memref_slice %arg1[%dma_wait3A_690, %multiple_of3A_133] : memref<64x100000xf32, #tpu.memory_space<any>> -> memref<64x128xf32, #tpu.memory_space<any>>
    tpu.wait_dma2 semaphore(%arg6 : memref<!tpu.dma_semaphore, #tpu.memory_space<semaphore_mem>>) src(%dma_wait3A_691 : memref<64x128xf32, #tpu.memory_space<any>>) dst(%dma_wait3A_689 : memref<64x128xf32, #tpu.memory_space<vmem>>)
    %dma_wait3A_692 = arith.constant 0 : i32
    %dma_wait3A_693 = arith.constant 640 : i32
    %dma_wait3A_694 = tpu.memref_slice %arg5[%dma_wait3A_692, %dma_wait3A_693] : memref<64x2560xf32, #tpu.memory_space<vmem>> -> memref<64x128xf32, #tpu.memory_space<vmem>>
    %dma_wait3A_695 = arith.constant 0 : i32
    %dma_wait3A_696 = tpu.memref_slice %arg1[%dma_wait3A_695, %multiple_of3A_162] : memref<64x100000xf32, #tpu.memory_space<any>> -> memref<64x128xf32, #tpu.memory_space<any>>
    tpu.wait_dma2 semaphore(%arg6 : memref<!tpu.dma_semaphore, #tpu.memory_space<semaphore_mem>>) src(%dma_wait3A_696 : memref<64x128xf32, #tpu.memory_space<any>>) dst(%dma_wait3A_694 : memref<64x128xf32, #tpu.memory_space<vmem>>)
    %dma_wait3A_697 = arith.constant 0 : i32
    %dma_wait3A_698 = arith.constant 768 : i32
    %dma_wait3A_699 = tpu.memref_slice %arg5[%dma_wait3A_697, %dma_wait3A_698] : memref<64x2560xf32, #tpu.memory_space<vmem>> -> memref<64x128xf32, #tpu.memory_space<vmem>>
    %dma_wait3A_700 = arith.constant 0 : i32
    %dma_wait3A_701 = tpu.memref_slice %arg1[%dma_wait3A_700, %multiple_of3A_191] : memref<64x100000xf32, #tpu.memory_space<any>> -> memref<64x128xf32, #tpu.memory_space<any>>
    tpu.wait_dma2 semaphore(%arg6 : memref<!tpu.dma_semaphore, #tpu.memory_space<semaphore_mem>>) src(%dma_wait3A_701 : memref<64x128xf32, #tpu.memory_space<any>>) dst(%dma_wait3A_699 : memref<64x128xf32, #tpu.memory_space<vmem>>)
    %dma_wait3A_702 = arith.constant 0 : i32
    %dma_wait3A_703 = arith.constant 896 : i32
    %dma_wait3A_704 = tpu.memref_slice %arg5[%dma_wait3A_702, %dma_wait3A_703] : memref<64x2560xf32, #tpu.memory_space<vmem>> -> memref<64x128xf32, #tpu.memory_space<vmem>>
    %dma_wait3A_705 = arith.constant 0 : i32
    %dma_wait3A_706 = tpu.memref_slice %arg1[%dma_wait3A_705, %multiple_of3A_220] : memref<64x100000xf32, #tpu.memory_space<any>> -> memref<64x128xf32, #tpu.memory_space<any>>
    tpu.wait_dma2 semaphore(%arg6 : memref<!tpu.dma_semaphore, #tpu.memory_space<semaphore_mem>>) src(%dma_wait3A_706 : memref<64x128xf32, #tpu.memory_space<any>>) dst(%dma_wait3A_704 : memref<64x128xf32, #tpu.memory_space<vmem>>)
    %dma_wait3A_707 = arith.constant 0 : i32
    %dma_wait3A_708 = arith.constant 1024 : i32
    %dma_wait3A_709 = tpu.memref_slice %arg5[%dma_wait3A_707, %dma_wait3A_708] : memref<64x2560xf32, #tpu.memory_space<vmem>> -> memref<64x128xf32, #tpu.memory_space<vmem>>
    %dma_wait3A_710 = arith.constant 0 : i32
    %dma_wait3A_711 = tpu.memref_slice %arg1[%dma_wait3A_710, %multiple_of3A_249] : memref<64x100000xf32, #tpu.memory_space<any>> -> memref<64x128xf32, #tpu.memory_space<any>>
    tpu.wait_dma2 semaphore(%arg6 : memref<!tpu.dma_semaphore, #tpu.memory_space<semaphore_mem>>) src(%dma_wait3A_711 : memref<64x128xf32, #tpu.memory_space<any>>) dst(%dma_wait3A_709 : memref<64x128xf32, #tpu.memory_space<vmem>>)
    %dma_wait3A_712 = arith.constant 0 : i32
    %dma_wait3A_713 = arith.constant 1152 : i32
    %dma_wait3A_714 = tpu.memref_slice %arg5[%dma_wait3A_712, %dma_wait3A_713] : memref<64x2560xf32, #tpu.memory_space<vmem>> -> memref<64x128xf32, #tpu.memory_space<vmem>>
    %dma_wait3A_715 = arith.constant 0 : i32
    %dma_wait3A_716 = tpu.memref_slice %arg1[%dma_wait3A_715, %multiple_of3A_278] : memref<64x100000xf32, #tpu.memory_space<any>> -> memref<64x128xf32, #tpu.memory_space<any>>
    tpu.wait_dma2 semaphore(%arg6 : memref<!tpu.dma_semaphore, #tpu.memory_space<semaphore_mem>>) src(%dma_wait3A_716 : memref<64x128xf32, #tpu.memory_space<any>>) dst(%dma_wait3A_714 : memref<64x128xf32, #tpu.memory_space<vmem>>)
    %dma_wait3A_717 = arith.constant 0 : i32
    %dma_wait3A_718 = arith.constant 1280 : i32
    %dma_wait3A_719 = tpu.memref_slice %arg5[%dma_wait3A_717, %dma_wait3A_718] : memref<64x2560xf32, #tpu.memory_space<vmem>> -> memref<64x128xf32, #tpu.memory_space<vmem>>
    %dma_wait3A_720 = arith.constant 0 : i32
    %dma_wait3A_721 = tpu.memref_slice %arg1[%dma_wait3A_720, %multiple_of3A_307] : memref<64x100000xf32, #tpu.memory_space<any>> -> memref<64x128xf32, #tpu.memory_space<any>>
    tpu.wait_dma2 semaphore(%arg6 : memref<!tpu.dma_semaphore, #tpu.memory_space<semaphore_mem>>) src(%dma_wait3A_721 : memref<64x128xf32, #tpu.memory_space<any>>) dst(%dma_wait3A_719 : memref<64x128xf32, #tpu.memory_space<vmem>>)
    %dma_wait3A_722 = arith.constant 0 : i32
    %dma_wait3A_723 = arith.constant 1408 : i32
    %dma_wait3A_724 = tpu.memref_slice %arg5[%dma_wait3A_722, %dma_wait3A_723] : memref<64x2560xf32, #tpu.memory_space<vmem>> -> memref<64x128xf32, #tpu.memory_space<vmem>>
    %dma_wait3A_725 = arith.constant 0 : i32
    %dma_wait3A_726 = tpu.memref_slice %arg1[%dma_wait3A_725, %multiple_of3A_336] : memref<64x100000xf32, #tpu.memory_space<any>> -> memref<64x128xf32, #tpu.memory_space<any>>
    tpu.wait_dma2 semaphore(%arg6 : memref<!tpu.dma_semaphore, #tpu.memory_space<semaphore_mem>>) src(%dma_wait3A_726 : memref<64x128xf32, #tpu.memory_space<any>>) dst(%dma_wait3A_724 : memref<64x128xf32, #tpu.memory_space<vmem>>)
    %dma_wait3A_727 = arith.constant 0 : i32
    %dma_wait3A_728 = arith.constant 1536 : i32
    %dma_wait3A_729 = tpu.memref_slice %arg5[%dma_wait3A_727, %dma_wait3A_728] : memref<64x2560xf32, #tpu.memory_space<vmem>> -> memref<64x128xf32, #tpu.memory_space<vmem>>
    %dma_wait3A_730 = arith.constant 0 : i32
    %dma_wait3A_731 = tpu.memref_slice %arg1[%dma_wait3A_730, %multiple_of3A_365] : memref<64x100000xf32, #tpu.memory_space<any>> -> memref<64x128xf32, #tpu.memory_space<any>>
    tpu.wait_dma2 semaphore(%arg6 : memref<!tpu.dma_semaphore, #tpu.memory_space<semaphore_mem>>) src(%dma_wait3A_731 : memref<64x128xf32, #tpu.memory_space<any>>) dst(%dma_wait3A_729 : memref<64x128xf32, #tpu.memory_space<vmem>>)
    %dma_wait3A_732 = arith.constant 0 : i32
    %dma_wait3A_733 = arith.constant 1664 : i32
    %dma_wait3A_734 = tpu.memref_slice %arg5[%dma_wait3A_732, %dma_wait3A_733] : memref<64x2560xf32, #tpu.memory_space<vmem>> -> memref<64x128xf32, #tpu.memory_space<vmem>>
    %dma_wait3A_735 = arith.constant 0 : i32
    %dma_wait3A_736 = tpu.memref_slice %arg1[%dma_wait3A_735, %multiple_of3A_394] : memref<64x100000xf32, #tpu.memory_space<any>> -> memref<64x128xf32, #tpu.memory_space<any>>
    tpu.wait_dma2 semaphore(%arg6 : memref<!tpu.dma_semaphore, #tpu.memory_space<semaphore_mem>>) src(%dma_wait3A_736 : memref<64x128xf32, #tpu.memory_space<any>>) dst(%dma_wait3A_734 : memref<64x128xf32, #tpu.memory_space<vmem>>)
    %dma_wait3A_737 = arith.constant 0 : i32
    %dma_wait3A_738 = arith.constant 1792 : i32
    %dma_wait3A_739 = tpu.memref_slice %arg5[%dma_wait3A_737, %dma_wait3A_738] : memref<64x2560xf32, #tpu.memory_space<vmem>> -> memref<64x128xf32, #tpu.memory_space<vmem>>
    %dma_wait3A_740 = arith.constant 0 : i32
    %dma_wait3A_741 = tpu.memref_slice %arg1[%dma_wait3A_740, %multiple_of3A_423] : memref<64x100000xf32, #tpu.memory_space<any>> -> memref<64x128xf32, #tpu.memory_space<any>>
    tpu.wait_dma2 semaphore(%arg6 : memref<!tpu.dma_semaphore, #tpu.memory_space<semaphore_mem>>) src(%dma_wait3A_741 : memref<64x128xf32, #tpu.memory_space<any>>) dst(%dma_wait3A_739 : memref<64x128xf32, #tpu.memory_space<vmem>>)
    %dma_wait3A_742 = arith.constant 0 : i32
    %dma_wait3A_743 = arith.constant 1920 : i32
    %dma_wait3A_744 = tpu.memref_slice %arg5[%dma_wait3A_742, %dma_wait3A_743] : memref<64x2560xf32, #tpu.memory_space<vmem>> -> memref<64x128xf32, #tpu.memory_space<vmem>>
    %dma_wait3A_745 = arith.constant 0 : i32
    %dma_wait3A_746 = tpu.memref_slice %arg1[%dma_wait3A_745, %multiple_of3A_452] : memref<64x100000xf32, #tpu.memory_space<any>> -> memref<64x128xf32, #tpu.memory_space<any>>
    tpu.wait_dma2 semaphore(%arg6 : memref<!tpu.dma_semaphore, #tpu.memory_space<semaphore_mem>>) src(%dma_wait3A_746 : memref<64x128xf32, #tpu.memory_space<any>>) dst(%dma_wait3A_744 : memref<64x128xf32, #tpu.memory_space<vmem>>)
    %dma_wait3A_747 = arith.constant 0 : i32
    %dma_wait3A_748 = arith.constant 2048 : i32
    %dma_wait3A_749 = tpu.memref_slice %arg5[%dma_wait3A_747, %dma_wait3A_748] : memref<64x2560xf32, #tpu.memory_space<vmem>> -> memref<64x128xf32, #tpu.memory_space<vmem>>
    %dma_wait3A_750 = arith.constant 0 : i32
    %dma_wait3A_751 = tpu.memref_slice %arg1[%dma_wait3A_750, %multiple_of3A_481] : memref<64x100000xf32, #tpu.memory_space<any>> -> memref<64x128xf32, #tpu.memory_space<any>>
    tpu.wait_dma2 semaphore(%arg6 : memref<!tpu.dma_semaphore, #tpu.memory_space<semaphore_mem>>) src(%dma_wait3A_751 : memref<64x128xf32, #tpu.memory_space<any>>) dst(%dma_wait3A_749 : memref<64x128xf32, #tpu.memory_space<vmem>>)
    %dma_wait3A_752 = arith.constant 0 : i32
    %dma_wait3A_753 = arith.constant 2176 : i32
    %dma_wait3A_754 = tpu.memref_slice %arg5[%dma_wait3A_752, %dma_wait3A_753] : memref<64x2560xf32, #tpu.memory_space<vmem>> -> memref<64x128xf32, #tpu.memory_space<vmem>>
    %dma_wait3A_755 = arith.constant 0 : i32
    %dma_wait3A_756 = tpu.memref_slice %arg1[%dma_wait3A_755, %multiple_of3A_510] : memref<64x100000xf32, #tpu.memory_space<any>> -> memref<64x128xf32, #tpu.memory_space<any>>
    tpu.wait_dma2 semaphore(%arg6 : memref<!tpu.dma_semaphore, #tpu.memory_space<semaphore_mem>>) src(%dma_wait3A_756 : memref<64x128xf32, #tpu.memory_space<any>>) dst(%dma_wait3A_754 : memref<64x128xf32, #tpu.memory_space<vmem>>)
    %dma_wait3A_757 = arith.constant 0 : i32
    %dma_wait3A_758 = arith.constant 2304 : i32
    %dma_wait3A_759 = tpu.memref_slice %arg5[%dma_wait3A_757, %dma_wait3A_758] : memref<64x2560xf32, #tpu.memory_space<vmem>> -> memref<64x128xf32, #tpu.memory_space<vmem>>
    %dma_wait3A_760 = arith.constant 0 : i32
    %dma_wait3A_761 = tpu.memref_slice %arg1[%dma_wait3A_760, %multiple_of3A_539] : memref<64x100000xf32, #tpu.memory_space<any>> -> memref<64x128xf32, #tpu.memory_space<any>>
    tpu.wait_dma2 semaphore(%arg6 : memref<!tpu.dma_semaphore, #tpu.memory_space<semaphore_mem>>) src(%dma_wait3A_761 : memref<64x128xf32, #tpu.memory_space<any>>) dst(%dma_wait3A_759 : memref<64x128xf32, #tpu.memory_space<vmem>>)
    %dma_wait3A_762 = arith.constant 0 : i32
    %dma_wait3A_763 = arith.constant 2432 : i32
    %dma_wait3A_764 = tpu.memref_slice %arg5[%dma_wait3A_762, %dma_wait3A_763] : memref<64x2560xf32, #tpu.memory_space<vmem>> -> memref<64x128xf32, #tpu.memory_space<vmem>>
    %dma_wait3A_765 = arith.constant 0 : i32
    %dma_wait3A_766 = tpu.memref_slice %arg1[%dma_wait3A_765, %multiple_of3A_568] : memref<64x100000xf32, #tpu.memory_space<any>> -> memref<64x128xf32, #tpu.memory_space<any>>
    tpu.wait_dma2 semaphore(%arg6 : memref<!tpu.dma_semaphore, #tpu.memory_space<semaphore_mem>>) src(%dma_wait3A_766 : memref<64x128xf32, #tpu.memory_space<any>>) dst(%dma_wait3A_764 : memref<64x128xf32, #tpu.memory_space<vmem>>)
    %get3A_767 = arith.constant 0 : index
    %get3A_768 = arith.constant 0 : index
    %get3A_769 = vector.load %arg3[%get3A_767, %get3A_768] : memref<1x128xf32, #tpu.memory_space<vmem>>, vector<1x128xf32>
    %iota3A = tpu.iota {dimensions = array<i32: 1>} : vector<1x128xi32>
    %get3A_770 = arith.constant 0 : index
    %get3A_771 = memref.load %arg0[%get3A_770] : memref<20xi32, #tpu.memory_space<smem>>
    %jit3A_772 = arith.constant 128 : i32
    %eq3A = arith.constant 0 : i32
    %eq3A_773 = arith.cmpi eq, %jit3A_772, %eq3A : i32
    %jit3A_774 = arith.constant 1 : i32
    %select_n3A_775 = arith.select %eq3A_773, %jit3A_774, %jit3A_772 : i32
    %rem3A_776 = arith.remsi %get3A_771, %select_n3A_775 : i32
    %ne3A_777 = arith.constant 0 : i32
    %ne3A_778 = arith.cmpi ne, %rem3A_776, %ne3A_777 : i32
    %lt3A = arith.constant 0 : i32
    %lt3A_779 = arith.cmpi slt, %rem3A_776, %lt3A : i32
    %lt3A_780 = arith.constant 0 : i32
    %lt3A_781 = arith.cmpi slt, %select_n3A_775, %lt3A_780 : i32
    %ne3A_782 = arith.xori %lt3A_779, %lt3A_781 : i1
    %and3A_783 = arith.andi %ne3A_782, %ne3A_778 : i1
    %add3A = arith.addi %rem3A_776, %select_n3A_775 : i32
    %select_n3A_784 = arith.select %and3A_783, %add3A, %rem3A_776 : i32
    %eq3A_785 = vector.broadcast %select_n3A_784 : i32 to vector<1x128xi32>
    %eq3A_786 = arith.cmpi eq, %iota3A, %eq3A_785 : vector<1x128xi32>
    %convert_element_type3A = arith.extui %eq3A_786 : vector<1x128xi1> to vector<1x128xi32>
    %convert_element_type3A_787 = arith.sitofp %convert_element_type3A : vector<1x128xi32> to vector<1x128xf32>
    %get3A_788 = arith.constant 0 : index
    %get3A_789 = arith.constant 0 : index
    %get3A_790 = vector.load %arg5[%get3A_788, %get3A_789] : memref<64x2560xf32, #tpu.memory_space<vmem>>, vector<64x128xf32>
    %dot_general3A = arith.constant dense<0.000000e+00> : vector<1x64xf32>
    %dot_general3A_791 = tpu.matmul %convert_element_type3A_787, %get3A_790, %dot_general3A {dimension_numbers = #tpu.dot_dimension_numbers<[1], [1], [0], [0], [0, 0, 1, 0], [], []>, transpose_lhs_hint = false} : vector<1x128xf32>, vector<64x128xf32>, vector<1x64xf32> -> vector<1x64xf32>
    %get3A_792 = arith.constant 0 : index
    %get3A_793 = arith.constant 0 : index
    %get3A_794 = vector.load %arg2[%get3A_792, %get3A_793] : memref<128x1280xf32, #tpu.memory_space<vmem>>, vector<128x64xf32>
    %dot_general3A_795 = arith.constant dense<0.000000e+00> : vector<1x128xf32>
    %dot_general3A_796 = tpu.matmul %dot_general3A_791, %get3A_794, %dot_general3A_795 {dimension_numbers = #tpu.dot_dimension_numbers<[1], [1], [0], [0], [0, 0, 1, 0], [], []>, transpose_lhs_hint = false} : vector<1x64xf32>, vector<128x64xf32>, vector<1x128xf32> -> vector<1x128xf32>
    %add3A_797 = arith.addf %get3A_769, %dot_general3A_796 : vector<1x128xf32>
    %iota3A_798 = tpu.iota {dimensions = array<i32: 1>} : vector<1x128xi32>
    %get3A_799 = arith.constant 1 : index
    %get3A_800 = memref.load %arg0[%get3A_799] : memref<20xi32, #tpu.memory_space<smem>>
    %jit3A_801 = arith.constant 128 : i32
    %eq3A_802 = arith.constant 0 : i32
    %eq3A_803 = arith.cmpi eq, %jit3A_801, %eq3A_802 : i32
    %jit3A_804 = arith.constant 1 : i32
    %select_n3A_805 = arith.select %eq3A_803, %jit3A_804, %jit3A_801 : i32
    %rem3A_806 = arith.remsi %get3A_800, %select_n3A_805 : i32
    %ne3A_807 = arith.constant 0 : i32
    %ne3A_808 = arith.cmpi ne, %rem3A_806, %ne3A_807 : i32
    %lt3A_809 = arith.constant 0 : i32
    %lt3A_810 = arith.cmpi slt, %rem3A_806, %lt3A_809 : i32
    %lt3A_811 = arith.constant 0 : i32
    %lt3A_812 = arith.cmpi slt, %select_n3A_805, %lt3A_811 : i32
    %ne3A_813 = arith.xori %lt3A_810, %lt3A_812 : i1
    %and3A_814 = arith.andi %ne3A_813, %ne3A_808 : i1
    %add3A_815 = arith.addi %rem3A_806, %select_n3A_805 : i32
    %select_n3A_816 = arith.select %and3A_814, %add3A_815, %rem3A_806 : i32
    %eq3A_817 = vector.broadcast %select_n3A_816 : i32 to vector<1x128xi32>
    %eq3A_818 = arith.cmpi eq, %iota3A_798, %eq3A_817 : vector<1x128xi32>
    %convert_element_type3A_819 = arith.extui %eq3A_818 : vector<1x128xi1> to vector<1x128xi32>
    %convert_element_type3A_820 = arith.sitofp %convert_element_type3A_819 : vector<1x128xi32> to vector<1x128xf32>
    %get3A_821 = arith.constant 0 : index
    %get3A_822 = arith.constant 128 : index
    %get3A_823 = vector.load %arg5[%get3A_821, %get3A_822] : memref<64x2560xf32, #tpu.memory_space<vmem>>, vector<64x128xf32>
    %dot_general3A_824 = arith.constant dense<0.000000e+00> : vector<1x64xf32>
    %dot_general3A_825 = tpu.matmul %convert_element_type3A_820, %get3A_823, %dot_general3A_824 {dimension_numbers = #tpu.dot_dimension_numbers<[1], [1], [0], [0], [0, 0, 1, 0], [], []>, transpose_lhs_hint = false} : vector<1x128xf32>, vector<64x128xf32>, vector<1x64xf32> -> vector<1x64xf32>
    %get3A_826 = arith.constant 0 : index
    %get3A_827 = arith.constant 64 : index
    %get3A_828 = vector.load %arg2[%get3A_826, %get3A_827] : memref<128x1280xf32, #tpu.memory_space<vmem>>, vector<128x64xf32>
    %dot_general3A_829 = arith.constant dense<0.000000e+00> : vector<1x128xf32>
    %dot_general3A_830 = tpu.matmul %dot_general3A_825, %get3A_828, %dot_general3A_829 {dimension_numbers = #tpu.dot_dimension_numbers<[1], [1], [0], [0], [0, 0, 1, 0], [], []>, transpose_lhs_hint = false} : vector<1x64xf32>, vector<128x64xf32>, vector<1x128xf32> -> vector<1x128xf32>
    %add3A_831 = arith.addf %add3A_797, %dot_general3A_830 : vector<1x128xf32>
    %iota3A_832 = tpu.iota {dimensions = array<i32: 1>} : vector<1x128xi32>
    %get3A_833 = arith.constant 2 : index
    %get3A_834 = memref.load %arg0[%get3A_833] : memref<20xi32, #tpu.memory_space<smem>>
    %jit3A_835 = arith.constant 128 : i32
    %eq3A_836 = arith.constant 0 : i32
    %eq3A_837 = arith.cmpi eq, %jit3A_835, %eq3A_836 : i32
    %jit3A_838 = arith.constant 1 : i32
    %select_n3A_839 = arith.select %eq3A_837, %jit3A_838, %jit3A_835 : i32
    %rem3A_840 = arith.remsi %get3A_834, %select_n3A_839 : i32
    %ne3A_841 = arith.constant 0 : i32
    %ne3A_842 = arith.cmpi ne, %rem3A_840, %ne3A_841 : i32
    %lt3A_843 = arith.constant 0 : i32
    %lt3A_844 = arith.cmpi slt, %rem3A_840, %lt3A_843 : i32
    %lt3A_845 = arith.constant 0 : i32
    %lt3A_846 = arith.cmpi slt, %select_n3A_839, %lt3A_845 : i32
    %ne3A_847 = arith.xori %lt3A_844, %lt3A_846 : i1
    %and3A_848 = arith.andi %ne3A_847, %ne3A_842 : i1
    %add3A_849 = arith.addi %rem3A_840, %select_n3A_839 : i32
    %select_n3A_850 = arith.select %and3A_848, %add3A_849, %rem3A_840 : i32
    %eq3A_851 = vector.broadcast %select_n3A_850 : i32 to vector<1x128xi32>
    %eq3A_852 = arith.cmpi eq, %iota3A_832, %eq3A_851 : vector<1x128xi32>
    %convert_element_type3A_853 = arith.extui %eq3A_852 : vector<1x128xi1> to vector<1x128xi32>
    %convert_element_type3A_854 = arith.sitofp %convert_element_type3A_853 : vector<1x128xi32> to vector<1x128xf32>
    %get3A_855 = arith.constant 0 : index
    %get3A_856 = arith.constant 256 : index
    %get3A_857 = vector.load %arg5[%get3A_855, %get3A_856] : memref<64x2560xf32, #tpu.memory_space<vmem>>, vector<64x128xf32>
    %dot_general3A_858 = arith.constant dense<0.000000e+00> : vector<1x64xf32>
    %dot_general3A_859 = tpu.matmul %convert_element_type3A_854, %get3A_857, %dot_general3A_858 {dimension_numbers = #tpu.dot_dimension_numbers<[1], [1], [0], [0], [0, 0, 1, 0], [], []>, transpose_lhs_hint = false} : vector<1x128xf32>, vector<64x128xf32>, vector<1x64xf32> -> vector<1x64xf32>
    %get3A_860 = arith.constant 0 : index
    %get3A_861 = arith.constant 128 : index
    %get3A_862 = vector.load %arg2[%get3A_860, %get3A_861] : memref<128x1280xf32, #tpu.memory_space<vmem>>, vector<128x64xf32>
    %dot_general3A_863 = arith.constant dense<0.000000e+00> : vector<1x128xf32>
    %dot_general3A_864 = tpu.matmul %dot_general3A_859, %get3A_862, %dot_general3A_863 {dimension_numbers = #tpu.dot_dimension_numbers<[1], [1], [0], [0], [0, 0, 1, 0], [], []>, transpose_lhs_hint = false} : vector<1x64xf32>, vector<128x64xf32>, vector<1x128xf32> -> vector<1x128xf32>
    %add3A_865 = arith.addf %add3A_831, %dot_general3A_864 : vector<1x128xf32>
    %iota3A_866 = tpu.iota {dimensions = array<i32: 1>} : vector<1x128xi32>
    %get3A_867 = arith.constant 3 : index
    %get3A_868 = memref.load %arg0[%get3A_867] : memref<20xi32, #tpu.memory_space<smem>>
    %jit3A_869 = arith.constant 128 : i32
    %eq3A_870 = arith.constant 0 : i32
    %eq3A_871 = arith.cmpi eq, %jit3A_869, %eq3A_870 : i32
    %jit3A_872 = arith.constant 1 : i32
    %select_n3A_873 = arith.select %eq3A_871, %jit3A_872, %jit3A_869 : i32
    %rem3A_874 = arith.remsi %get3A_868, %select_n3A_873 : i32
    %ne3A_875 = arith.constant 0 : i32
    %ne3A_876 = arith.cmpi ne, %rem3A_874, %ne3A_875 : i32
    %lt3A_877 = arith.constant 0 : i32
    %lt3A_878 = arith.cmpi slt, %rem3A_874, %lt3A_877 : i32
    %lt3A_879 = arith.constant 0 : i32
    %lt3A_880 = arith.cmpi slt, %select_n3A_873, %lt3A_879 : i32
    %ne3A_881 = arith.xori %lt3A_878, %lt3A_880 : i1
    %and3A_882 = arith.andi %ne3A_881, %ne3A_876 : i1
    %add3A_883 = arith.addi %rem3A_874, %select_n3A_873 : i32
    %select_n3A_884 = arith.select %and3A_882, %add3A_883, %rem3A_874 : i32
    %eq3A_885 = vector.broadcast %select_n3A_884 : i32 to vector<1x128xi32>
    %eq3A_886 = arith.cmpi eq, %iota3A_866, %eq3A_885 : vector<1x128xi32>
    %convert_element_type3A_887 = arith.extui %eq3A_886 : vector<1x128xi1> to vector<1x128xi32>
    %convert_element_type3A_888 = arith.sitofp %convert_element_type3A_887 : vector<1x128xi32> to vector<1x128xf32>
    %get3A_889 = arith.constant 0 : index
    %get3A_890 = arith.constant 384 : index
    %get3A_891 = vector.load %arg5[%get3A_889, %get3A_890] : memref<64x2560xf32, #tpu.memory_space<vmem>>, vector<64x128xf32>
    %dot_general3A_892 = arith.constant dense<0.000000e+00> : vector<1x64xf32>
    %dot_general3A_893 = tpu.matmul %convert_element_type3A_888, %get3A_891, %dot_general3A_892 {dimension_numbers = #tpu.dot_dimension_numbers<[1], [1], [0], [0], [0, 0, 1, 0], [], []>, transpose_lhs_hint = false} : vector<1x128xf32>, vector<64x128xf32>, vector<1x64xf32> -> vector<1x64xf32>
    %get3A_894 = arith.constant 0 : index
    %get3A_895 = arith.constant 192 : index
    %get3A_896 = vector.load %arg2[%get3A_894, %get3A_895] : memref<128x1280xf32, #tpu.memory_space<vmem>>, vector<128x64xf32>
    %dot_general3A_897 = arith.constant dense<0.000000e+00> : vector<1x128xf32>
    %dot_general3A_898 = tpu.matmul %dot_general3A_893, %get3A_896, %dot_general3A_897 {dimension_numbers = #tpu.dot_dimension_numbers<[1], [1], [0], [0], [0, 0, 1, 0], [], []>, transpose_lhs_hint = false} : vector<1x64xf32>, vector<128x64xf32>, vector<1x128xf32> -> vector<1x128xf32>
    %add3A_899 = arith.addf %add3A_865, %dot_general3A_898 : vector<1x128xf32>
    %iota3A_900 = tpu.iota {dimensions = array<i32: 1>} : vector<1x128xi32>
    %get3A_901 = arith.constant 4 : index
    %get3A_902 = memref.load %arg0[%get3A_901] : memref<20xi32, #tpu.memory_space<smem>>
    %jit3A_903 = arith.constant 128 : i32
    %eq3A_904 = arith.constant 0 : i32
    %eq3A_905 = arith.cmpi eq, %jit3A_903, %eq3A_904 : i32
    %jit3A_906 = arith.constant 1 : i32
    %select_n3A_907 = arith.select %eq3A_905, %jit3A_906, %jit3A_903 : i32
    %rem3A_908 = arith.remsi %get3A_902, %select_n3A_907 : i32
    %ne3A_909 = arith.constant 0 : i32
    %ne3A_910 = arith.cmpi ne, %rem3A_908, %ne3A_909 : i32
    %lt3A_911 = arith.constant 0 : i32
    %lt3A_912 = arith.cmpi slt, %rem3A_908, %lt3A_911 : i32
    %lt3A_913 = arith.constant 0 : i32
    %lt3A_914 = arith.cmpi slt, %select_n3A_907, %lt3A_913 : i32
    %ne3A_915 = arith.xori %lt3A_912, %lt3A_914 : i1
    %and3A_916 = arith.andi %ne3A_915, %ne3A_910 : i1
    %add3A_917 = arith.addi %rem3A_908, %select_n3A_907 : i32
    %select_n3A_918 = arith.select %and3A_916, %add3A_917, %rem3A_908 : i32
    %eq3A_919 = vector.broadcast %select_n3A_918 : i32 to vector<1x128xi32>
    %eq3A_920 = arith.cmpi eq, %iota3A_900, %eq3A_919 : vector<1x128xi32>
    %convert_element_type3A_921 = arith.extui %eq3A_920 : vector<1x128xi1> to vector<1x128xi32>
    %convert_element_type3A_922 = arith.sitofp %convert_element_type3A_921 : vector<1x128xi32> to vector<1x128xf32>
    %get3A_923 = arith.constant 0 : index
    %get3A_924 = arith.constant 512 : index
    %get3A_925 = vector.load %arg5[%get3A_923, %get3A_924] : memref<64x2560xf32, #tpu.memory_space<vmem>>, vector<64x128xf32>
    %dot_general3A_926 = arith.constant dense<0.000000e+00> : vector<1x64xf32>
    %dot_general3A_927 = tpu.matmul %convert_element_type3A_922, %get3A_925, %dot_general3A_926 {dimension_numbers = #tpu.dot_dimension_numbers<[1], [1], [0], [0], [0, 0, 1, 0], [], []>, transpose_lhs_hint = false} : vector<1x128xf32>, vector<64x128xf32>, vector<1x64xf32> -> vector<1x64xf32>
    %get3A_928 = arith.constant 0 : index
    %get3A_929 = arith.constant 256 : index
    %get3A_930 = vector.load %arg2[%get3A_928, %get3A_929] : memref<128x1280xf32, #tpu.memory_space<vmem>>, vector<128x64xf32>
    %dot_general3A_931 = arith.constant dense<0.000000e+00> : vector<1x128xf32>
    %dot_general3A_932 = tpu.matmul %dot_general3A_927, %get3A_930, %dot_general3A_931 {dimension_numbers = #tpu.dot_dimension_numbers<[1], [1], [0], [0], [0, 0, 1, 0], [], []>, transpose_lhs_hint = false} : vector<1x64xf32>, vector<128x64xf32>, vector<1x128xf32> -> vector<1x128xf32>
    %add3A_933 = arith.addf %add3A_899, %dot_general3A_932 : vector<1x128xf32>
    %iota3A_934 = tpu.iota {dimensions = array<i32: 1>} : vector<1x128xi32>
    %get3A_935 = arith.constant 5 : index
    %get3A_936 = memref.load %arg0[%get3A_935] : memref<20xi32, #tpu.memory_space<smem>>
    %jit3A_937 = arith.constant 128 : i32
    %eq3A_938 = arith.constant 0 : i32
    %eq3A_939 = arith.cmpi eq, %jit3A_937, %eq3A_938 : i32
    %jit3A_940 = arith.constant 1 : i32
    %select_n3A_941 = arith.select %eq3A_939, %jit3A_940, %jit3A_937 : i32
    %rem3A_942 = arith.remsi %get3A_936, %select_n3A_941 : i32
    %ne3A_943 = arith.constant 0 : i32
    %ne3A_944 = arith.cmpi ne, %rem3A_942, %ne3A_943 : i32
    %lt3A_945 = arith.constant 0 : i32
    %lt3A_946 = arith.cmpi slt, %rem3A_942, %lt3A_945 : i32
    %lt3A_947 = arith.constant 0 : i32
    %lt3A_948 = arith.cmpi slt, %select_n3A_941, %lt3A_947 : i32
    %ne3A_949 = arith.xori %lt3A_946, %lt3A_948 : i1
    %and3A_950 = arith.andi %ne3A_949, %ne3A_944 : i1
    %add3A_951 = arith.addi %rem3A_942, %select_n3A_941 : i32
    %select_n3A_952 = arith.select %and3A_950, %add3A_951, %rem3A_942 : i32
    %eq3A_953 = vector.broadcast %select_n3A_952 : i32 to vector<1x128xi32>
    %eq3A_954 = arith.cmpi eq, %iota3A_934, %eq3A_953 : vector<1x128xi32>
    %convert_element_type3A_955 = arith.extui %eq3A_954 : vector<1x128xi1> to vector<1x128xi32>
    %convert_element_type3A_956 = arith.sitofp %convert_element_type3A_955 : vector<1x128xi32> to vector<1x128xf32>
    %get3A_957 = arith.constant 0 : index
    %get3A_958 = arith.constant 640 : index
    %get3A_959 = vector.load %arg5[%get3A_957, %get3A_958] : memref<64x2560xf32, #tpu.memory_space<vmem>>, vector<64x128xf32>
    %dot_general3A_960 = arith.constant dense<0.000000e+00> : vector<1x64xf32>
    %dot_general3A_961 = tpu.matmul %convert_element_type3A_956, %get3A_959, %dot_general3A_960 {dimension_numbers = #tpu.dot_dimension_numbers<[1], [1], [0], [0], [0, 0, 1, 0], [], []>, transpose_lhs_hint = false} : vector<1x128xf32>, vector<64x128xf32>, vector<1x64xf32> -> vector<1x64xf32>
    %get3A_962 = arith.constant 0 : index
    %get3A_963 = arith.constant 320 : index
    %get3A_964 = vector.load %arg2[%get3A_962, %get3A_963] : memref<128x1280xf32, #tpu.memory_space<vmem>>, vector<128x64xf32>
    %dot_general3A_965 = arith.constant dense<0.000000e+00> : vector<1x128xf32>
    %dot_general3A_966 = tpu.matmul %dot_general3A_961, %get3A_964, %dot_general3A_965 {dimension_numbers = #tpu.dot_dimension_numbers<[1], [1], [0], [0], [0, 0, 1, 0], [], []>, transpose_lhs_hint = false} : vector<1x64xf32>, vector<128x64xf32>, vector<1x128xf32> -> vector<1x128xf32>
    %add3A_967 = arith.addf %add3A_933, %dot_general3A_966 : vector<1x128xf32>
    %iota3A_968 = tpu.iota {dimensions = array<i32: 1>} : vector<1x128xi32>
    %get3A_969 = arith.constant 6 : index
    %get3A_970 = memref.load %arg0[%get3A_969] : memref<20xi32, #tpu.memory_space<smem>>
    %jit3A_971 = arith.constant 128 : i32
    %eq3A_972 = arith.constant 0 : i32
    %eq3A_973 = arith.cmpi eq, %jit3A_971, %eq3A_972 : i32
    %jit3A_974 = arith.constant 1 : i32
    %select_n3A_975 = arith.select %eq3A_973, %jit3A_974, %jit3A_971 : i32
    %rem3A_976 = arith.remsi %get3A_970, %select_n3A_975 : i32
    %ne3A_977 = arith.constant 0 : i32
    %ne3A_978 = arith.cmpi ne, %rem3A_976, %ne3A_977 : i32
    %lt3A_979 = arith.constant 0 : i32
    %lt3A_980 = arith.cmpi slt, %rem3A_976, %lt3A_979 : i32
    %lt3A_981 = arith.constant 0 : i32
    %lt3A_982 = arith.cmpi slt, %select_n3A_975, %lt3A_981 : i32
    %ne3A_983 = arith.xori %lt3A_980, %lt3A_982 : i1
    %and3A_984 = arith.andi %ne3A_983, %ne3A_978 : i1
    %add3A_985 = arith.addi %rem3A_976, %select_n3A_975 : i32
    %select_n3A_986 = arith.select %and3A_984, %add3A_985, %rem3A_976 : i32
    %eq3A_987 = vector.broadcast %select_n3A_986 : i32 to vector<1x128xi32>
    %eq3A_988 = arith.cmpi eq, %iota3A_968, %eq3A_987 : vector<1x128xi32>
    %convert_element_type3A_989 = arith.extui %eq3A_988 : vector<1x128xi1> to vector<1x128xi32>
    %convert_element_type3A_990 = arith.sitofp %convert_element_type3A_989 : vector<1x128xi32> to vector<1x128xf32>
    %get3A_991 = arith.constant 0 : index
    %get3A_992 = arith.constant 768 : index
    %get3A_993 = vector.load %arg5[%get3A_991, %get3A_992] : memref<64x2560xf32, #tpu.memory_space<vmem>>, vector<64x128xf32>
    %dot_general3A_994 = arith.constant dense<0.000000e+00> : vector<1x64xf32>
    %dot_general3A_995 = tpu.matmul %convert_element_type3A_990, %get3A_993, %dot_general3A_994 {dimension_numbers = #tpu.dot_dimension_numbers<[1], [1], [0], [0], [0, 0, 1, 0], [], []>, transpose_lhs_hint = false} : vector<1x128xf32>, vector<64x128xf32>, vector<1x64xf32> -> vector<1x64xf32>
    %get3A_996 = arith.constant 0 : index
    %get3A_997 = arith.constant 384 : index
    %get3A_998 = vector.load %arg2[%get3A_996, %get3A_997] : memref<128x1280xf32, #tpu.memory_space<vmem>>, vector<128x64xf32>
    %dot_general3A_999 = arith.constant dense<0.000000e+00> : vector<1x128xf32>
    %dot_general3A_1000 = tpu.matmul %dot_general3A_995, %get3A_998, %dot_general3A_999 {dimension_numbers = #tpu.dot_dimension_numbers<[1], [1], [0], [0], [0, 0, 1, 0], [], []>, transpose_lhs_hint = false} : vector<1x64xf32>, vector<128x64xf32>, vector<1x128xf32> -> vector<1x128xf32>
    %add3A_1001 = arith.addf %add3A_967, %dot_general3A_1000 : vector<1x128xf32>
    %iota3A_1002 = tpu.iota {dimensions = array<i32: 1>} : vector<1x128xi32>
    %get3A_1003 = arith.constant 7 : index
    %get3A_1004 = memref.load %arg0[%get3A_1003] : memref<20xi32, #tpu.memory_space<smem>>
    %jit3A_1005 = arith.constant 128 : i32
    %eq3A_1006 = arith.constant 0 : i32
    %eq3A_1007 = arith.cmpi eq, %jit3A_1005, %eq3A_1006 : i32
    %jit3A_1008 = arith.constant 1 : i32
    %select_n3A_1009 = arith.select %eq3A_1007, %jit3A_1008, %jit3A_1005 : i32
    %rem3A_1010 = arith.remsi %get3A_1004, %select_n3A_1009 : i32
    %ne3A_1011 = arith.constant 0 : i32
    %ne3A_1012 = arith.cmpi ne, %rem3A_1010, %ne3A_1011 : i32
    %lt3A_1013 = arith.constant 0 : i32
    %lt3A_1014 = arith.cmpi slt, %rem3A_1010, %lt3A_1013 : i32
    %lt3A_1015 = arith.constant 0 : i32
    %lt3A_1016 = arith.cmpi slt, %select_n3A_1009, %lt3A_1015 : i32
    %ne3A_1017 = arith.xori %lt3A_1014, %lt3A_1016 : i1
    %and3A_1018 = arith.andi %ne3A_1017, %ne3A_1012 : i1
    %add3A_1019 = arith.addi %rem3A_1010, %select_n3A_1009 : i32
    %select_n3A_1020 = arith.select %and3A_1018, %add3A_1019, %rem3A_1010 : i32
    %eq3A_1021 = vector.broadcast %select_n3A_1020 : i32 to vector<1x128xi32>
    %eq3A_1022 = arith.cmpi eq, %iota3A_1002, %eq3A_1021 : vector<1x128xi32>
    %convert_element_type3A_1023 = arith.extui %eq3A_1022 : vector<1x128xi1> to vector<1x128xi32>
    %convert_element_type3A_1024 = arith.sitofp %convert_element_type3A_1023 : vector<1x128xi32> to vector<1x128xf32>
    %get3A_1025 = arith.constant 0 : index
    %get3A_1026 = arith.constant 896 : index
    %get3A_1027 = vector.load %arg5[%get3A_1025, %get3A_1026] : memref<64x2560xf32, #tpu.memory_space<vmem>>, vector<64x128xf32>
    %dot_general3A_1028 = arith.constant dense<0.000000e+00> : vector<1x64xf32>
    %dot_general3A_1029 = tpu.matmul %convert_element_type3A_1024, %get3A_1027, %dot_general3A_1028 {dimension_numbers = #tpu.dot_dimension_numbers<[1], [1], [0], [0], [0, 0, 1, 0], [], []>, transpose_lhs_hint = false} : vector<1x128xf32>, vector<64x128xf32>, vector<1x64xf32> -> vector<1x64xf32>
    %get3A_1030 = arith.constant 0 : index
    %get3A_1031 = arith.constant 448 : index
    %get3A_1032 = vector.load %arg2[%get3A_1030, %get3A_1031] : memref<128x1280xf32, #tpu.memory_space<vmem>>, vector<128x64xf32>
    %dot_general3A_1033 = arith.constant dense<0.000000e+00> : vector<1x128xf32>
    %dot_general3A_1034 = tpu.matmul %dot_general3A_1029, %get3A_1032, %dot_general3A_1033 {dimension_numbers = #tpu.dot_dimension_numbers<[1], [1], [0], [0], [0, 0, 1, 0], [], []>, transpose_lhs_hint = false} : vector<1x64xf32>, vector<128x64xf32>, vector<1x128xf32> -> vector<1x128xf32>
    %add3A_1035 = arith.addf %add3A_1001, %dot_general3A_1034 : vector<1x128xf32>
    %iota3A_1036 = tpu.iota {dimensions = array<i32: 1>} : vector<1x128xi32>
    %get3A_1037 = arith.constant 8 : index
    %get3A_1038 = memref.load %arg0[%get3A_1037] : memref<20xi32, #tpu.memory_space<smem>>
    %jit3A_1039 = arith.constant 128 : i32
    %eq3A_1040 = arith.constant 0 : i32
    %eq3A_1041 = arith.cmpi eq, %jit3A_1039, %eq3A_1040 : i32
    %jit3A_1042 = arith.constant 1 : i32
    %select_n3A_1043 = arith.select %eq3A_1041, %jit3A_1042, %jit3A_1039 : i32
    %rem3A_1044 = arith.remsi %get3A_1038, %select_n3A_1043 : i32
    %ne3A_1045 = arith.constant 0 : i32
    %ne3A_1046 = arith.cmpi ne, %rem3A_1044, %ne3A_1045 : i32
    %lt3A_1047 = arith.constant 0 : i32
    %lt3A_1048 = arith.cmpi slt, %rem3A_1044, %lt3A_1047 : i32
    %lt3A_1049 = arith.constant 0 : i32
    %lt3A_1050 = arith.cmpi slt, %select_n3A_1043, %lt3A_1049 : i32
    %ne3A_1051 = arith.xori %lt3A_1048, %lt3A_1050 : i1
    %and3A_1052 = arith.andi %ne3A_1051, %ne3A_1046 : i1
    %add3A_1053 = arith.addi %rem3A_1044, %select_n3A_1043 : i32
    %select_n3A_1054 = arith.select %and3A_1052, %add3A_1053, %rem3A_1044 : i32
    %eq3A_1055 = vector.broadcast %select_n3A_1054 : i32 to vector<1x128xi32>
    %eq3A_1056 = arith.cmpi eq, %iota3A_1036, %eq3A_1055 : vector<1x128xi32>
    %convert_element_type3A_1057 = arith.extui %eq3A_1056 : vector<1x128xi1> to vector<1x128xi32>
    %convert_element_type3A_1058 = arith.sitofp %convert_element_type3A_1057 : vector<1x128xi32> to vector<1x128xf32>
    %get3A_1059 = arith.constant 0 : index
    %get3A_1060 = arith.constant 1024 : index
    %get3A_1061 = vector.load %arg5[%get3A_1059, %get3A_1060] : memref<64x2560xf32, #tpu.memory_space<vmem>>, vector<64x128xf32>
    %dot_general3A_1062 = arith.constant dense<0.000000e+00> : vector<1x64xf32>
    %dot_general3A_1063 = tpu.matmul %convert_element_type3A_1058, %get3A_1061, %dot_general3A_1062 {dimension_numbers = #tpu.dot_dimension_numbers<[1], [1], [0], [0], [0, 0, 1, 0], [], []>, transpose_lhs_hint = false} : vector<1x128xf32>, vector<64x128xf32>, vector<1x64xf32> -> vector<1x64xf32>
    %get3A_1064 = arith.constant 0 : index
    %get3A_1065 = arith.constant 512 : index
    %get3A_1066 = vector.load %arg2[%get3A_1064, %get3A_1065] : memref<128x1280xf32, #tpu.memory_space<vmem>>, vector<128x64xf32>
    %dot_general3A_1067 = arith.constant dense<0.000000e+00> : vector<1x128xf32>
    %dot_general3A_1068 = tpu.matmul %dot_general3A_1063, %get3A_1066, %dot_general3A_1067 {dimension_numbers = #tpu.dot_dimension_numbers<[1], [1], [0], [0], [0, 0, 1, 0], [], []>, transpose_lhs_hint = false} : vector<1x64xf32>, vector<128x64xf32>, vector<1x128xf32> -> vector<1x128xf32>
    %add3A_1069 = arith.addf %add3A_1035, %dot_general3A_1068 : vector<1x128xf32>
    %iota3A_1070 = tpu.iota {dimensions = array<i32: 1>} : vector<1x128xi32>
    %get3A_1071 = arith.constant 9 : index
    %get3A_1072 = memref.load %arg0[%get3A_1071] : memref<20xi32, #tpu.memory_space<smem>>
    %jit3A_1073 = arith.constant 128 : i32
    %eq3A_1074 = arith.constant 0 : i32
    %eq3A_1075 = arith.cmpi eq, %jit3A_1073, %eq3A_1074 : i32
    %jit3A_1076 = arith.constant 1 : i32
    %select_n3A_1077 = arith.select %eq3A_1075, %jit3A_1076, %jit3A_1073 : i32
    %rem3A_1078 = arith.remsi %get3A_1072, %select_n3A_1077 : i32
    %ne3A_1079 = arith.constant 0 : i32
    %ne3A_1080 = arith.cmpi ne, %rem3A_1078, %ne3A_1079 : i32
    %lt3A_1081 = arith.constant 0 : i32
    %lt3A_1082 = arith.cmpi slt, %rem3A_1078, %lt3A_1081 : i32
    %lt3A_1083 = arith.constant 0 : i32
    %lt3A_1084 = arith.cmpi slt, %select_n3A_1077, %lt3A_1083 : i32
    %ne3A_1085 = arith.xori %lt3A_1082, %lt3A_1084 : i1
    %and3A_1086 = arith.andi %ne3A_1085, %ne3A_1080 : i1
    %add3A_1087 = arith.addi %rem3A_1078, %select_n3A_1077 : i32
    %select_n3A_1088 = arith.select %and3A_1086, %add3A_1087, %rem3A_1078 : i32
    %eq3A_1089 = vector.broadcast %select_n3A_1088 : i32 to vector<1x128xi32>
    %eq3A_1090 = arith.cmpi eq, %iota3A_1070, %eq3A_1089 : vector<1x128xi32>
    %convert_element_type3A_1091 = arith.extui %eq3A_1090 : vector<1x128xi1> to vector<1x128xi32>
    %convert_element_type3A_1092 = arith.sitofp %convert_element_type3A_1091 : vector<1x128xi32> to vector<1x128xf32>
    %get3A_1093 = arith.constant 0 : index
    %get3A_1094 = arith.constant 1152 : index
    %get3A_1095 = vector.load %arg5[%get3A_1093, %get3A_1094] : memref<64x2560xf32, #tpu.memory_space<vmem>>, vector<64x128xf32>
    %dot_general3A_1096 = arith.constant dense<0.000000e+00> : vector<1x64xf32>
    %dot_general3A_1097 = tpu.matmul %convert_element_type3A_1092, %get3A_1095, %dot_general3A_1096 {dimension_numbers = #tpu.dot_dimension_numbers<[1], [1], [0], [0], [0, 0, 1, 0], [], []>, transpose_lhs_hint = false} : vector<1x128xf32>, vector<64x128xf32>, vector<1x64xf32> -> vector<1x64xf32>
    %get3A_1098 = arith.constant 0 : index
    %get3A_1099 = arith.constant 576 : index
    %get3A_1100 = vector.load %arg2[%get3A_1098, %get3A_1099] : memref<128x1280xf32, #tpu.memory_space<vmem>>, vector<128x64xf32>
    %dot_general3A_1101 = arith.constant dense<0.000000e+00> : vector<1x128xf32>
    %dot_general3A_1102 = tpu.matmul %dot_general3A_1097, %get3A_1100, %dot_general3A_1101 {dimension_numbers = #tpu.dot_dimension_numbers<[1], [1], [0], [0], [0, 0, 1, 0], [], []>, transpose_lhs_hint = false} : vector<1x64xf32>, vector<128x64xf32>, vector<1x128xf32> -> vector<1x128xf32>
    %add3A_1103 = arith.addf %add3A_1069, %dot_general3A_1102 : vector<1x128xf32>
    %iota3A_1104 = tpu.iota {dimensions = array<i32: 1>} : vector<1x128xi32>
    %get3A_1105 = arith.constant 10 : index
    %get3A_1106 = memref.load %arg0[%get3A_1105] : memref<20xi32, #tpu.memory_space<smem>>
    %jit3A_1107 = arith.constant 128 : i32
    %eq3A_1108 = arith.constant 0 : i32
    %eq3A_1109 = arith.cmpi eq, %jit3A_1107, %eq3A_1108 : i32
    %jit3A_1110 = arith.constant 1 : i32
    %select_n3A_1111 = arith.select %eq3A_1109, %jit3A_1110, %jit3A_1107 : i32
    %rem3A_1112 = arith.remsi %get3A_1106, %select_n3A_1111 : i32
    %ne3A_1113 = arith.constant 0 : i32
    %ne3A_1114 = arith.cmpi ne, %rem3A_1112, %ne3A_1113 : i32
    %lt3A_1115 = arith.constant 0 : i32
    %lt3A_1116 = arith.cmpi slt, %rem3A_1112, %lt3A_1115 : i32
    %lt3A_1117 = arith.constant 0 : i32
    %lt3A_1118 = arith.cmpi slt, %select_n3A_1111, %lt3A_1117 : i32
    %ne3A_1119 = arith.xori %lt3A_1116, %lt3A_1118 : i1
    %and3A_1120 = arith.andi %ne3A_1119, %ne3A_1114 : i1
    %add3A_1121 = arith.addi %rem3A_1112, %select_n3A_1111 : i32
    %select_n3A_1122 = arith.select %and3A_1120, %add3A_1121, %rem3A_1112 : i32
    %eq3A_1123 = vector.broadcast %select_n3A_1122 : i32 to vector<1x128xi32>
    %eq3A_1124 = arith.cmpi eq, %iota3A_1104, %eq3A_1123 : vector<1x128xi32>
    %convert_element_type3A_1125 = arith.extui %eq3A_1124 : vector<1x128xi1> to vector<1x128xi32>
    %convert_element_type3A_1126 = arith.sitofp %convert_element_type3A_1125 : vector<1x128xi32> to vector<1x128xf32>
    %get3A_1127 = arith.constant 0 : index
    %get3A_1128 = arith.constant 1280 : index
    %get3A_1129 = vector.load %arg5[%get3A_1127, %get3A_1128] : memref<64x2560xf32, #tpu.memory_space<vmem>>, vector<64x128xf32>
    %dot_general3A_1130 = arith.constant dense<0.000000e+00> : vector<1x64xf32>
    %dot_general3A_1131 = tpu.matmul %convert_element_type3A_1126, %get3A_1129, %dot_general3A_1130 {dimension_numbers = #tpu.dot_dimension_numbers<[1], [1], [0], [0], [0, 0, 1, 0], [], []>, transpose_lhs_hint = false} : vector<1x128xf32>, vector<64x128xf32>, vector<1x64xf32> -> vector<1x64xf32>
    %get3A_1132 = arith.constant 0 : index
    %get3A_1133 = arith.constant 640 : index
    %get3A_1134 = vector.load %arg2[%get3A_1132, %get3A_1133] : memref<128x1280xf32, #tpu.memory_space<vmem>>, vector<128x64xf32>
    %dot_general3A_1135 = arith.constant dense<0.000000e+00> : vector<1x128xf32>
    %dot_general3A_1136 = tpu.matmul %dot_general3A_1131, %get3A_1134, %dot_general3A_1135 {dimension_numbers = #tpu.dot_dimension_numbers<[1], [1], [0], [0], [0, 0, 1, 0], [], []>, transpose_lhs_hint = false} : vector<1x64xf32>, vector<128x64xf32>, vector<1x128xf32> -> vector<1x128xf32>
    %add3A_1137 = arith.addf %add3A_1103, %dot_general3A_1136 : vector<1x128xf32>
    %iota3A_1138 = tpu.iota {dimensions = array<i32: 1>} : vector<1x128xi32>
    %get3A_1139 = arith.constant 11 : index
    %get3A_1140 = memref.load %arg0[%get3A_1139] : memref<20xi32, #tpu.memory_space<smem>>
    %jit3A_1141 = arith.constant 128 : i32
    %eq3A_1142 = arith.constant 0 : i32
    %eq3A_1143 = arith.cmpi eq, %jit3A_1141, %eq3A_1142 : i32
    %jit3A_1144 = arith.constant 1 : i32
    %select_n3A_1145 = arith.select %eq3A_1143, %jit3A_1144, %jit3A_1141 : i32
    %rem3A_1146 = arith.remsi %get3A_1140, %select_n3A_1145 : i32
    %ne3A_1147 = arith.constant 0 : i32
    %ne3A_1148 = arith.cmpi ne, %rem3A_1146, %ne3A_1147 : i32
    %lt3A_1149 = arith.constant 0 : i32
    %lt3A_1150 = arith.cmpi slt, %rem3A_1146, %lt3A_1149 : i32
    %lt3A_1151 = arith.constant 0 : i32
    %lt3A_1152 = arith.cmpi slt, %select_n3A_1145, %lt3A_1151 : i32
    %ne3A_1153 = arith.xori %lt3A_1150, %lt3A_1152 : i1
    %and3A_1154 = arith.andi %ne3A_1153, %ne3A_1148 : i1
    %add3A_1155 = arith.addi %rem3A_1146, %select_n3A_1145 : i32
    %select_n3A_1156 = arith.select %and3A_1154, %add3A_1155, %rem3A_1146 : i32
    %eq3A_1157 = vector.broadcast %select_n3A_1156 : i32 to vector<1x128xi32>
    %eq3A_1158 = arith.cmpi eq, %iota3A_1138, %eq3A_1157 : vector<1x128xi32>
    %convert_element_type3A_1159 = arith.extui %eq3A_1158 : vector<1x128xi1> to vector<1x128xi32>
    %convert_element_type3A_1160 = arith.sitofp %convert_element_type3A_1159 : vector<1x128xi32> to vector<1x128xf32>
    %get3A_1161 = arith.constant 0 : index
    %get3A_1162 = arith.constant 1408 : index
    %get3A_1163 = vector.load %arg5[%get3A_1161, %get3A_1162] : memref<64x2560xf32, #tpu.memory_space<vmem>>, vector<64x128xf32>
    %dot_general3A_1164 = arith.constant dense<0.000000e+00> : vector<1x64xf32>
    %dot_general3A_1165 = tpu.matmul %convert_element_type3A_1160, %get3A_1163, %dot_general3A_1164 {dimension_numbers = #tpu.dot_dimension_numbers<[1], [1], [0], [0], [0, 0, 1, 0], [], []>, transpose_lhs_hint = false} : vector<1x128xf32>, vector<64x128xf32>, vector<1x64xf32> -> vector<1x64xf32>
    %get3A_1166 = arith.constant 0 : index
    %get3A_1167 = arith.constant 704 : index
    %get3A_1168 = vector.load %arg2[%get3A_1166, %get3A_1167] : memref<128x1280xf32, #tpu.memory_space<vmem>>, vector<128x64xf32>
    %dot_general3A_1169 = arith.constant dense<0.000000e+00> : vector<1x128xf32>
    %dot_general3A_1170 = tpu.matmul %dot_general3A_1165, %get3A_1168, %dot_general3A_1169 {dimension_numbers = #tpu.dot_dimension_numbers<[1], [1], [0], [0], [0, 0, 1, 0], [], []>, transpose_lhs_hint = false} : vector<1x64xf32>, vector<128x64xf32>, vector<1x128xf32> -> vector<1x128xf32>
    %add3A_1171 = arith.addf %add3A_1137, %dot_general3A_1170 : vector<1x128xf32>
    %iota3A_1172 = tpu.iota {dimensions = array<i32: 1>} : vector<1x128xi32>
    %get3A_1173 = arith.constant 12 : index
    %get3A_1174 = memref.load %arg0[%get3A_1173] : memref<20xi32, #tpu.memory_space<smem>>
    %jit3A_1175 = arith.constant 128 : i32
    %eq3A_1176 = arith.constant 0 : i32
    %eq3A_1177 = arith.cmpi eq, %jit3A_1175, %eq3A_1176 : i32
    %jit3A_1178 = arith.constant 1 : i32
    %select_n3A_1179 = arith.select %eq3A_1177, %jit3A_1178, %jit3A_1175 : i32
    %rem3A_1180 = arith.remsi %get3A_1174, %select_n3A_1179 : i32
    %ne3A_1181 = arith.constant 0 : i32
    %ne3A_1182 = arith.cmpi ne, %rem3A_1180, %ne3A_1181 : i32
    %lt3A_1183 = arith.constant 0 : i32
    %lt3A_1184 = arith.cmpi slt, %rem3A_1180, %lt3A_1183 : i32
    %lt3A_1185 = arith.constant 0 : i32
    %lt3A_1186 = arith.cmpi slt, %select_n3A_1179, %lt3A_1185 : i32
    %ne3A_1187 = arith.xori %lt3A_1184, %lt3A_1186 : i1
    %and3A_1188 = arith.andi %ne3A_1187, %ne3A_1182 : i1
    %add3A_1189 = arith.addi %rem3A_1180, %select_n3A_1179 : i32
    %select_n3A_1190 = arith.select %and3A_1188, %add3A_1189, %rem3A_1180 : i32
    %eq3A_1191 = vector.broadcast %select_n3A_1190 : i32 to vector<1x128xi32>
    %eq3A_1192 = arith.cmpi eq, %iota3A_1172, %eq3A_1191 : vector<1x128xi32>
    %convert_element_type3A_1193 = arith.extui %eq3A_1192 : vector<1x128xi1> to vector<1x128xi32>
    %convert_element_type3A_1194 = arith.sitofp %convert_element_type3A_1193 : vector<1x128xi32> to vector<1x128xf32>
    %get3A_1195 = arith.constant 0 : index
    %get3A_1196 = arith.constant 1536 : index
    %get3A_1197 = vector.load %arg5[%get3A_1195, %get3A_1196] : memref<64x2560xf32, #tpu.memory_space<vmem>>, vector<64x128xf32>
    %dot_general3A_1198 = arith.constant dense<0.000000e+00> : vector<1x64xf32>
    %dot_general3A_1199 = tpu.matmul %convert_element_type3A_1194, %get3A_1197, %dot_general3A_1198 {dimension_numbers = #tpu.dot_dimension_numbers<[1], [1], [0], [0], [0, 0, 1, 0], [], []>, transpose_lhs_hint = false} : vector<1x128xf32>, vector<64x128xf32>, vector<1x64xf32> -> vector<1x64xf32>
    %get3A_1200 = arith.constant 0 : index
    %get3A_1201 = arith.constant 768 : index
    %get3A_1202 = vector.load %arg2[%get3A_1200, %get3A_1201] : memref<128x1280xf32, #tpu.memory_space<vmem>>, vector<128x64xf32>
    %dot_general3A_1203 = arith.constant dense<0.000000e+00> : vector<1x128xf32>
    %dot_general3A_1204 = tpu.matmul %dot_general3A_1199, %get3A_1202, %dot_general3A_1203 {dimension_numbers = #tpu.dot_dimension_numbers<[1], [1], [0], [0], [0, 0, 1, 0], [], []>, transpose_lhs_hint = false} : vector<1x64xf32>, vector<128x64xf32>, vector<1x128xf32> -> vector<1x128xf32>
    %add3A_1205 = arith.addf %add3A_1171, %dot_general3A_1204 : vector<1x128xf32>
    %iota3A_1206 = tpu.iota {dimensions = array<i32: 1>} : vector<1x128xi32>
    %get3A_1207 = arith.constant 13 : index
    %get3A_1208 = memref.load %arg0[%get3A_1207] : memref<20xi32, #tpu.memory_space<smem>>
    %jit3A_1209 = arith.constant 128 : i32
    %eq3A_1210 = arith.constant 0 : i32
    %eq3A_1211 = arith.cmpi eq, %jit3A_1209, %eq3A_1210 : i32
    %jit3A_1212 = arith.constant 1 : i32
    %select_n3A_1213 = arith.select %eq3A_1211, %jit3A_1212, %jit3A_1209 : i32
    %rem3A_1214 = arith.remsi %get3A_1208, %select_n3A_1213 : i32
    %ne3A_1215 = arith.constant 0 : i32
    %ne3A_1216 = arith.cmpi ne, %rem3A_1214, %ne3A_1215 : i32
    %lt3A_1217 = arith.constant 0 : i32
    %lt3A_1218 = arith.cmpi slt, %rem3A_1214, %lt3A_1217 : i32
    %lt3A_1219 = arith.constant 0 : i32
    %lt3A_1220 = arith.cmpi slt, %select_n3A_1213, %lt3A_1219 : i32
    %ne3A_1221 = arith.xori %lt3A_1218, %lt3A_1220 : i1
    %and3A_1222 = arith.andi %ne3A_1221, %ne3A_1216 : i1
    %add3A_1223 = arith.addi %rem3A_1214, %select_n3A_1213 : i32
    %select_n3A_1224 = arith.select %and3A_1222, %add3A_1223, %rem3A_1214 : i32
    %eq3A_1225 = vector.broadcast %select_n3A_1224 : i32 to vector<1x128xi32>
    %eq3A_1226 = arith.cmpi eq, %iota3A_1206, %eq3A_1225 : vector<1x128xi32>
    %convert_element_type3A_1227 = arith.extui %eq3A_1226 : vector<1x128xi1> to vector<1x128xi32>
    %convert_element_type3A_1228 = arith.sitofp %convert_element_type3A_1227 : vector<1x128xi32> to vector<1x128xf32>
    %get3A_1229 = arith.constant 0 : index
    %get3A_1230 = arith.constant 1664 : index
    %get3A_1231 = vector.load %arg5[%get3A_1229, %get3A_1230] : memref<64x2560xf32, #tpu.memory_space<vmem>>, vector<64x128xf32>
    %dot_general3A_1232 = arith.constant dense<0.000000e+00> : vector<1x64xf32>
    %dot_general3A_1233 = tpu.matmul %convert_element_type3A_1228, %get3A_1231, %dot_general3A_1232 {dimension_numbers = #tpu.dot_dimension_numbers<[1], [1], [0], [0], [0, 0, 1, 0], [], []>, transpose_lhs_hint = false} : vector<1x128xf32>, vector<64x128xf32>, vector<1x64xf32> -> vector<1x64xf32>
    %get3A_1234 = arith.constant 0 : index
    %get3A_1235 = arith.constant 832 : index
    %get3A_1236 = vector.load %arg2[%get3A_1234, %get3A_1235] : memref<128x1280xf32, #tpu.memory_space<vmem>>, vector<128x64xf32>
    %dot_general3A_1237 = arith.constant dense<0.000000e+00> : vector<1x128xf32>
    %dot_general3A_1238 = tpu.matmul %dot_general3A_1233, %get3A_1236, %dot_general3A_1237 {dimension_numbers = #tpu.dot_dimension_numbers<[1], [1], [0], [0], [0, 0, 1, 0], [], []>, transpose_lhs_hint = false} : vector<1x64xf32>, vector<128x64xf32>, vector<1x128xf32> -> vector<1x128xf32>
    %add3A_1239 = arith.addf %add3A_1205, %dot_general3A_1238 : vector<1x128xf32>
    %iota3A_1240 = tpu.iota {dimensions = array<i32: 1>} : vector<1x128xi32>
    %get3A_1241 = arith.constant 14 : index
    %get3A_1242 = memref.load %arg0[%get3A_1241] : memref<20xi32, #tpu.memory_space<smem>>
    %jit3A_1243 = arith.constant 128 : i32
    %eq3A_1244 = arith.constant 0 : i32
    %eq3A_1245 = arith.cmpi eq, %jit3A_1243, %eq3A_1244 : i32
    %jit3A_1246 = arith.constant 1 : i32
    %select_n3A_1247 = arith.select %eq3A_1245, %jit3A_1246, %jit3A_1243 : i32
    %rem3A_1248 = arith.remsi %get3A_1242, %select_n3A_1247 : i32
    %ne3A_1249 = arith.constant 0 : i32
    %ne3A_1250 = arith.cmpi ne, %rem3A_1248, %ne3A_1249 : i32
    %lt3A_1251 = arith.constant 0 : i32
    %lt3A_1252 = arith.cmpi slt, %rem3A_1248, %lt3A_1251 : i32
    %lt3A_1253 = arith.constant 0 : i32
    %lt3A_1254 = arith.cmpi slt, %select_n3A_1247, %lt3A_1253 : i32
    %ne3A_1255 = arith.xori %lt3A_1252, %lt3A_1254 : i1
    %and3A_1256 = arith.andi %ne3A_1255, %ne3A_1250 : i1
    %add3A_1257 = arith.addi %rem3A_1248, %select_n3A_1247 : i32
    %select_n3A_1258 = arith.select %and3A_1256, %add3A_1257, %rem3A_1248 : i32
    %eq3A_1259 = vector.broadcast %select_n3A_1258 : i32 to vector<1x128xi32>
    %eq3A_1260 = arith.cmpi eq, %iota3A_1240, %eq3A_1259 : vector<1x128xi32>
    %convert_element_type3A_1261 = arith.extui %eq3A_1260 : vector<1x128xi1> to vector<1x128xi32>
    %convert_element_type3A_1262 = arith.sitofp %convert_element_type3A_1261 : vector<1x128xi32> to vector<1x128xf32>
    %get3A_1263 = arith.constant 0 : index
    %get3A_1264 = arith.constant 1792 : index
    %get3A_1265 = vector.load %arg5[%get3A_1263, %get3A_1264] : memref<64x2560xf32, #tpu.memory_space<vmem>>, vector<64x128xf32>
    %dot_general3A_1266 = arith.constant dense<0.000000e+00> : vector<1x64xf32>
    %dot_general3A_1267 = tpu.matmul %convert_element_type3A_1262, %get3A_1265, %dot_general3A_1266 {dimension_numbers = #tpu.dot_dimension_numbers<[1], [1], [0], [0], [0, 0, 1, 0], [], []>, transpose_lhs_hint = false} : vector<1x128xf32>, vector<64x128xf32>, vector<1x64xf32> -> vector<1x64xf32>
    %get3A_1268 = arith.constant 0 : index
    %get3A_1269 = arith.constant 896 : index
    %get3A_1270 = vector.load %arg2[%get3A_1268, %get3A_1269] : memref<128x1280xf32, #tpu.memory_space<vmem>>, vector<128x64xf32>
    %dot_general3A_1271 = arith.constant dense<0.000000e+00> : vector<1x128xf32>
    %dot_general3A_1272 = tpu.matmul %dot_general3A_1267, %get3A_1270, %dot_general3A_1271 {dimension_numbers = #tpu.dot_dimension_numbers<[1], [1], [0], [0], [0, 0, 1, 0], [], []>, transpose_lhs_hint = false} : vector<1x64xf32>, vector<128x64xf32>, vector<1x128xf32> -> vector<1x128xf32>
    %add3A_1273 = arith.addf %add3A_1239, %dot_general3A_1272 : vector<1x128xf32>
    %iota3A_1274 = tpu.iota {dimensions = array<i32: 1>} : vector<1x128xi32>
    %get3A_1275 = arith.constant 15 : index
    %get3A_1276 = memref.load %arg0[%get3A_1275] : memref<20xi32, #tpu.memory_space<smem>>
    %jit3A_1277 = arith.constant 128 : i32
    %eq3A_1278 = arith.constant 0 : i32
    %eq3A_1279 = arith.cmpi eq, %jit3A_1277, %eq3A_1278 : i32
    %jit3A_1280 = arith.constant 1 : i32
    %select_n3A_1281 = arith.select %eq3A_1279, %jit3A_1280, %jit3A_1277 : i32
    %rem3A_1282 = arith.remsi %get3A_1276, %select_n3A_1281 : i32
    %ne3A_1283 = arith.constant 0 : i32
    %ne3A_1284 = arith.cmpi ne, %rem3A_1282, %ne3A_1283 : i32
    %lt3A_1285 = arith.constant 0 : i32
    %lt3A_1286 = arith.cmpi slt, %rem3A_1282, %lt3A_1285 : i32
    %lt3A_1287 = arith.constant 0 : i32
    %lt3A_1288 = arith.cmpi slt, %select_n3A_1281, %lt3A_1287 : i32
    %ne3A_1289 = arith.xori %lt3A_1286, %lt3A_1288 : i1
    %and3A_1290 = arith.andi %ne3A_1289, %ne3A_1284 : i1
    %add3A_1291 = arith.addi %rem3A_1282, %select_n3A_1281 : i32
    %select_n3A_1292 = arith.select %and3A_1290, %add3A_1291, %rem3A_1282 : i32
    %eq3A_1293 = vector.broadcast %select_n3A_1292 : i32 to vector<1x128xi32>
    %eq3A_1294 = arith.cmpi eq, %iota3A_1274, %eq3A_1293 : vector<1x128xi32>
    %convert_element_type3A_1295 = arith.extui %eq3A_1294 : vector<1x128xi1> to vector<1x128xi32>
    %convert_element_type3A_1296 = arith.sitofp %convert_element_type3A_1295 : vector<1x128xi32> to vector<1x128xf32>
    %get3A_1297 = arith.constant 0 : index
    %get3A_1298 = arith.constant 1920 : index
    %get3A_1299 = vector.load %arg5[%get3A_1297, %get3A_1298] : memref<64x2560xf32, #tpu.memory_space<vmem>>, vector<64x128xf32>
    %dot_general3A_1300 = arith.constant dense<0.000000e+00> : vector<1x64xf32>
    %dot_general3A_1301 = tpu.matmul %convert_element_type3A_1296, %get3A_1299, %dot_general3A_1300 {dimension_numbers = #tpu.dot_dimension_numbers<[1], [1], [0], [0], [0, 0, 1, 0], [], []>, transpose_lhs_hint = false} : vector<1x128xf32>, vector<64x128xf32>, vector<1x64xf32> -> vector<1x64xf32>
    %get3A_1302 = arith.constant 0 : index
    %get3A_1303 = arith.constant 960 : index
    %get3A_1304 = vector.load %arg2[%get3A_1302, %get3A_1303] : memref<128x1280xf32, #tpu.memory_space<vmem>>, vector<128x64xf32>
    %dot_general3A_1305 = arith.constant dense<0.000000e+00> : vector<1x128xf32>
    %dot_general3A_1306 = tpu.matmul %dot_general3A_1301, %get3A_1304, %dot_general3A_1305 {dimension_numbers = #tpu.dot_dimension_numbers<[1], [1], [0], [0], [0, 0, 1, 0], [], []>, transpose_lhs_hint = false} : vector<1x64xf32>, vector<128x64xf32>, vector<1x128xf32> -> vector<1x128xf32>
    %add3A_1307 = arith.addf %add3A_1273, %dot_general3A_1306 : vector<1x128xf32>
    %iota3A_1308 = tpu.iota {dimensions = array<i32: 1>} : vector<1x128xi32>
    %get3A_1309 = arith.constant 16 : index
    %get3A_1310 = memref.load %arg0[%get3A_1309] : memref<20xi32, #tpu.memory_space<smem>>
    %jit3A_1311 = arith.constant 128 : i32
    %eq3A_1312 = arith.constant 0 : i32
    %eq3A_1313 = arith.cmpi eq, %jit3A_1311, %eq3A_1312 : i32
    %jit3A_1314 = arith.constant 1 : i32
    %select_n3A_1315 = arith.select %eq3A_1313, %jit3A_1314, %jit3A_1311 : i32
    %rem3A_1316 = arith.remsi %get3A_1310, %select_n3A_1315 : i32
    %ne3A_1317 = arith.constant 0 : i32
    %ne3A_1318 = arith.cmpi ne, %rem3A_1316, %ne3A_1317 : i32
    %lt3A_1319 = arith.constant 0 : i32
    %lt3A_1320 = arith.cmpi slt, %rem3A_1316, %lt3A_1319 : i32
    %lt3A_1321 = arith.constant 0 : i32
    %lt3A_1322 = arith.cmpi slt, %select_n3A_1315, %lt3A_1321 : i32
    %ne3A_1323 = arith.xori %lt3A_1320, %lt3A_1322 : i1
    %and3A_1324 = arith.andi %ne3A_1323, %ne3A_1318 : i1
    %add3A_1325 = arith.addi %rem3A_1316, %select_n3A_1315 : i32
    %select_n3A_1326 = arith.select %and3A_1324, %add3A_1325, %rem3A_1316 : i32
    %eq3A_1327 = vector.broadcast %select_n3A_1326 : i32 to vector<1x128xi32>
    %eq3A_1328 = arith.cmpi eq, %iota3A_1308, %eq3A_1327 : vector<1x128xi32>
    %convert_element_type3A_1329 = arith.extui %eq3A_1328 : vector<1x128xi1> to vector<1x128xi32>
    %convert_element_type3A_1330 = arith.sitofp %convert_element_type3A_1329 : vector<1x128xi32> to vector<1x128xf32>
    %get3A_1331 = arith.constant 0 : index
    %get3A_1332 = arith.constant 2048 : index
    %get3A_1333 = vector.load %arg5[%get3A_1331, %get3A_1332] : memref<64x2560xf32, #tpu.memory_space<vmem>>, vector<64x128xf32>
    %dot_general3A_1334 = arith.constant dense<0.000000e+00> : vector<1x64xf32>
    %dot_general3A_1335 = tpu.matmul %convert_element_type3A_1330, %get3A_1333, %dot_general3A_1334 {dimension_numbers = #tpu.dot_dimension_numbers<[1], [1], [0], [0], [0, 0, 1, 0], [], []>, transpose_lhs_hint = false} : vector<1x128xf32>, vector<64x128xf32>, vector<1x64xf32> -> vector<1x64xf32>
    %get3A_1336 = arith.constant 0 : index
    %get3A_1337 = arith.constant 1024 : index
    %get3A_1338 = vector.load %arg2[%get3A_1336, %get3A_1337] : memref<128x1280xf32, #tpu.memory_space<vmem>>, vector<128x64xf32>
    %dot_general3A_1339 = arith.constant dense<0.000000e+00> : vector<1x128xf32>
    %dot_general3A_1340 = tpu.matmul %dot_general3A_1335, %get3A_1338, %dot_general3A_1339 {dimension_numbers = #tpu.dot_dimension_numbers<[1], [1], [0], [0], [0, 0, 1, 0], [], []>, transpose_lhs_hint = false} : vector<1x64xf32>, vector<128x64xf32>, vector<1x128xf32> -> vector<1x128xf32>
    %add3A_1341 = arith.addf %add3A_1307, %dot_general3A_1340 : vector<1x128xf32>
    %iota3A_1342 = tpu.iota {dimensions = array<i32: 1>} : vector<1x128xi32>
    %get3A_1343 = arith.constant 17 : index
    %get3A_1344 = memref.load %arg0[%get3A_1343] : memref<20xi32, #tpu.memory_space<smem>>
    %jit3A_1345 = arith.constant 128 : i32
    %eq3A_1346 = arith.constant 0 : i32
    %eq3A_1347 = arith.cmpi eq, %jit3A_1345, %eq3A_1346 : i32
    %jit3A_1348 = arith.constant 1 : i32
    %select_n3A_1349 = arith.select %eq3A_1347, %jit3A_1348, %jit3A_1345 : i32
    %rem3A_1350 = arith.remsi %get3A_1344, %select_n3A_1349 : i32
    %ne3A_1351 = arith.constant 0 : i32
    %ne3A_1352 = arith.cmpi ne, %rem3A_1350, %ne3A_1351 : i32
    %lt3A_1353 = arith.constant 0 : i32
    %lt3A_1354 = arith.cmpi slt, %rem3A_1350, %lt3A_1353 : i32
    %lt3A_1355 = arith.constant 0 : i32
    %lt3A_1356 = arith.cmpi slt, %select_n3A_1349, %lt3A_1355 : i32
    %ne3A_1357 = arith.xori %lt3A_1354, %lt3A_1356 : i1
    %and3A_1358 = arith.andi %ne3A_1357, %ne3A_1352 : i1
    %add3A_1359 = arith.addi %rem3A_1350, %select_n3A_1349 : i32
    %select_n3A_1360 = arith.select %and3A_1358, %add3A_1359, %rem3A_1350 : i32
    %eq3A_1361 = vector.broadcast %select_n3A_1360 : i32 to vector<1x128xi32>
    %eq3A_1362 = arith.cmpi eq, %iota3A_1342, %eq3A_1361 : vector<1x128xi32>
    %convert_element_type3A_1363 = arith.extui %eq3A_1362 : vector<1x128xi1> to vector<1x128xi32>
    %convert_element_type3A_1364 = arith.sitofp %convert_element_type3A_1363 : vector<1x128xi32> to vector<1x128xf32>
    %get3A_1365 = arith.constant 0 : index
    %get3A_1366 = arith.constant 2176 : index
    %get3A_1367 = vector.load %arg5[%get3A_1365, %get3A_1366] : memref<64x2560xf32, #tpu.memory_space<vmem>>, vector<64x128xf32>
    %dot_general3A_1368 = arith.constant dense<0.000000e+00> : vector<1x64xf32>
    %dot_general3A_1369 = tpu.matmul %convert_element_type3A_1364, %get3A_1367, %dot_general3A_1368 {dimension_numbers = #tpu.dot_dimension_numbers<[1], [1], [0], [0], [0, 0, 1, 0], [], []>, transpose_lhs_hint = false} : vector<1x128xf32>, vector<64x128xf32>, vector<1x64xf32> -> vector<1x64xf32>
    %get3A_1370 = arith.constant 0 : index
    %get3A_1371 = arith.constant 1088 : index
    %get3A_1372 = vector.load %arg2[%get3A_1370, %get3A_1371] : memref<128x1280xf32, #tpu.memory_space<vmem>>, vector<128x64xf32>
    %dot_general3A_1373 = arith.constant dense<0.000000e+00> : vector<1x128xf32>
    %dot_general3A_1374 = tpu.matmul %dot_general3A_1369, %get3A_1372, %dot_general3A_1373 {dimension_numbers = #tpu.dot_dimension_numbers<[1], [1], [0], [0], [0, 0, 1, 0], [], []>, transpose_lhs_hint = false} : vector<1x64xf32>, vector<128x64xf32>, vector<1x128xf32> -> vector<1x128xf32>
    %add3A_1375 = arith.addf %add3A_1341, %dot_general3A_1374 : vector<1x128xf32>
    %iota3A_1376 = tpu.iota {dimensions = array<i32: 1>} : vector<1x128xi32>
    %get3A_1377 = arith.constant 18 : index
    %get3A_1378 = memref.load %arg0[%get3A_1377] : memref<20xi32, #tpu.memory_space<smem>>
    %jit3A_1379 = arith.constant 128 : i32
    %eq3A_1380 = arith.constant 0 : i32
    %eq3A_1381 = arith.cmpi eq, %jit3A_1379, %eq3A_1380 : i32
    %jit3A_1382 = arith.constant 1 : i32
    %select_n3A_1383 = arith.select %eq3A_1381, %jit3A_1382, %jit3A_1379 : i32
    %rem3A_1384 = arith.remsi %get3A_1378, %select_n3A_1383 : i32
    %ne3A_1385 = arith.constant 0 : i32
    %ne3A_1386 = arith.cmpi ne, %rem3A_1384, %ne3A_1385 : i32
    %lt3A_1387 = arith.constant 0 : i32
    %lt3A_1388 = arith.cmpi slt, %rem3A_1384, %lt3A_1387 : i32
    %lt3A_1389 = arith.constant 0 : i32
    %lt3A_1390 = arith.cmpi slt, %select_n3A_1383, %lt3A_1389 : i32
    %ne3A_1391 = arith.xori %lt3A_1388, %lt3A_1390 : i1
    %and3A_1392 = arith.andi %ne3A_1391, %ne3A_1386 : i1
    %add3A_1393 = arith.addi %rem3A_1384, %select_n3A_1383 : i32
    %select_n3A_1394 = arith.select %and3A_1392, %add3A_1393, %rem3A_1384 : i32
    %eq3A_1395 = vector.broadcast %select_n3A_1394 : i32 to vector<1x128xi32>
    %eq3A_1396 = arith.cmpi eq, %iota3A_1376, %eq3A_1395 : vector<1x128xi32>
    %convert_element_type3A_1397 = arith.extui %eq3A_1396 : vector<1x128xi1> to vector<1x128xi32>
    %convert_element_type3A_1398 = arith.sitofp %convert_element_type3A_1397 : vector<1x128xi32> to vector<1x128xf32>
    %get3A_1399 = arith.constant 0 : index
    %get3A_1400 = arith.constant 2304 : index
    %get3A_1401 = vector.load %arg5[%get3A_1399, %get3A_1400] : memref<64x2560xf32, #tpu.memory_space<vmem>>, vector<64x128xf32>
    %dot_general3A_1402 = arith.constant dense<0.000000e+00> : vector<1x64xf32>
    %dot_general3A_1403 = tpu.matmul %convert_element_type3A_1398, %get3A_1401, %dot_general3A_1402 {dimension_numbers = #tpu.dot_dimension_numbers<[1], [1], [0], [0], [0, 0, 1, 0], [], []>, transpose_lhs_hint = false} : vector<1x128xf32>, vector<64x128xf32>, vector<1x64xf32> -> vector<1x64xf32>
    %get3A_1404 = arith.constant 0 : index
    %get3A_1405 = arith.constant 1152 : index
    %get3A_1406 = vector.load %arg2[%get3A_1404, %get3A_1405] : memref<128x1280xf32, #tpu.memory_space<vmem>>, vector<128x64xf32>
    %dot_general3A_1407 = arith.constant dense<0.000000e+00> : vector<1x128xf32>
    %dot_general3A_1408 = tpu.matmul %dot_general3A_1403, %get3A_1406, %dot_general3A_1407 {dimension_numbers = #tpu.dot_dimension_numbers<[1], [1], [0], [0], [0, 0, 1, 0], [], []>, transpose_lhs_hint = false} : vector<1x64xf32>, vector<128x64xf32>, vector<1x128xf32> -> vector<1x128xf32>
    %add3A_1409 = arith.addf %add3A_1375, %dot_general3A_1408 : vector<1x128xf32>
    %iota3A_1410 = tpu.iota {dimensions = array<i32: 1>} : vector<1x128xi32>
    %get3A_1411 = arith.constant 19 : index
    %get3A_1412 = memref.load %arg0[%get3A_1411] : memref<20xi32, #tpu.memory_space<smem>>
    %jit3A_1413 = arith.constant 128 : i32
    %eq3A_1414 = arith.constant 0 : i32
    %eq3A_1415 = arith.cmpi eq, %jit3A_1413, %eq3A_1414 : i32
    %jit3A_1416 = arith.constant 1 : i32
    %select_n3A_1417 = arith.select %eq3A_1415, %jit3A_1416, %jit3A_1413 : i32
    %rem3A_1418 = arith.remsi %get3A_1412, %select_n3A_1417 : i32
    %ne3A_1419 = arith.constant 0 : i32
    %ne3A_1420 = arith.cmpi ne, %rem3A_1418, %ne3A_1419 : i32
    %lt3A_1421 = arith.constant 0 : i32
    %lt3A_1422 = arith.cmpi slt, %rem3A_1418, %lt3A_1421 : i32
    %lt3A_1423 = arith.constant 0 : i32
    %lt3A_1424 = arith.cmpi slt, %select_n3A_1417, %lt3A_1423 : i32
    %ne3A_1425 = arith.xori %lt3A_1422, %lt3A_1424 : i1
    %and3A_1426 = arith.andi %ne3A_1425, %ne3A_1420 : i1
    %add3A_1427 = arith.addi %rem3A_1418, %select_n3A_1417 : i32
    %select_n3A_1428 = arith.select %and3A_1426, %add3A_1427, %rem3A_1418 : i32
    %eq3A_1429 = vector.broadcast %select_n3A_1428 : i32 to vector<1x128xi32>
    %eq3A_1430 = arith.cmpi eq, %iota3A_1410, %eq3A_1429 : vector<1x128xi32>
    %convert_element_type3A_1431 = arith.extui %eq3A_1430 : vector<1x128xi1> to vector<1x128xi32>
    %convert_element_type3A_1432 = arith.sitofp %convert_element_type3A_1431 : vector<1x128xi32> to vector<1x128xf32>
    %get3A_1433 = arith.constant 0 : index
    %get3A_1434 = arith.constant 2432 : index
    %get3A_1435 = vector.load %arg5[%get3A_1433, %get3A_1434] : memref<64x2560xf32, #tpu.memory_space<vmem>>, vector<64x128xf32>
    %dot_general3A_1436 = arith.constant dense<0.000000e+00> : vector<1x64xf32>
    %dot_general3A_1437 = tpu.matmul %convert_element_type3A_1432, %get3A_1435, %dot_general3A_1436 {dimension_numbers = #tpu.dot_dimension_numbers<[1], [1], [0], [0], [0, 0, 1, 0], [], []>, transpose_lhs_hint = false} : vector<1x128xf32>, vector<64x128xf32>, vector<1x64xf32> -> vector<1x64xf32>
    %get3A_1438 = arith.constant 0 : index
    %get3A_1439 = arith.constant 1216 : index
    %get3A_1440 = vector.load %arg2[%get3A_1438, %get3A_1439] : memref<128x1280xf32, #tpu.memory_space<vmem>>, vector<128x64xf32>
    %dot_general3A_1441 = arith.constant dense<0.000000e+00> : vector<1x128xf32>
    %dot_general3A_1442 = tpu.matmul %dot_general3A_1437, %get3A_1440, %dot_general3A_1441 {dimension_numbers = #tpu.dot_dimension_numbers<[1], [1], [0], [0], [0, 0, 1, 0], [], []>, transpose_lhs_hint = false} : vector<1x64xf32>, vector<128x64xf32>, vector<1x128xf32> -> vector<1x128xf32>
    %add3A_1443 = arith.addf %add3A_1409, %dot_general3A_1442 : vector<1x128xf32>
    %max3A = arith.constant 0.000000e+00 : f32
    %max3A_1444 = vector.broadcast %max3A : f32 to vector<1x128xf32>
    %max3A_1445 = arith.maximumf %add3A_1443, %max3A_1444 : vector<1x128xf32>
    %swap3A = arith.constant 0 : index
    %swap3A_1446 = arith.constant 0 : index
    %swap3A_1447 = vector.load %arg4[%swap3A, %swap3A_1446] : memref<1x128xf32, #tpu.memory_space<vmem>>, vector<1x128xf32>
    tpu.vector_store %arg4[%swap3A, %swap3A_1446], %max3A_1445 {strides = array<i32>} : memref<1x128xf32, #tpu.memory_space<vmem>>, vector<1x128xf32>,
    return
  }
}

module attributes {stable_mosaic.version = 14 : i64} {
  func.func @_tail_body(%arg0: memref<4x18856xf32, #tpu.memory_space<vmem>>, %arg1: memref<24576xf32, #tpu.memory_space<vmem>>, %arg2: memref<1x1xf32, #tpu.memory_space<vmem>>, %arg3: memref<1x1xf32, #tpu.memory_space<vmem>>, %arg4: memref<32x16xf32, #tpu.memory_space<vmem>>, %arg5: memref<1x100000xf32, #tpu.memory_space<vmem>>, %arg6: memref<1x100000xf32, #tpu.memory_space<vmem>>) attributes {dimension_semantics = [], scalar_prefetch = 0 : i64, scratch_operands = 0 : i64, tpu.core_type = #tpu.core_type<tc>} {
    %get3A = arith.constant 0 : index
    %get3A_0 = arith.constant 0 : index
    %get3A_1 = vector.load %arg4[%get3A, %get3A_0] : memref<32x16xf32, #tpu.memory_space<vmem>>, vector<32x1xf32>
    %get3A_2 = arith.constant 0 : index
    %get3A_3 = arith.constant 1 : index
    %get3A_4 = vector.load %arg4[%get3A_2, %get3A_3] : memref<32x16xf32, #tpu.memory_space<vmem>>, vector<32x1xf32>
    %reduce_max3A = arith.constant dense<0xFF800000> : vector<1xf32>
    %reduce_max3A_5 = vector.multi_reduction <maximumf>, %get3A_1, %reduce_max3A [0] : vector<32x1xf32> to vector<1xf32>
    %broadcast_in_dim3A = vector.shape_cast %reduce_max3A_5 : vector<1xf32> to vector<1x1xf32>
    %get3A_6 = arith.constant 0 : index
    %get3A_7 = arith.constant 0 : index
    %get3A_8 = vector.load %arg2[%get3A_6, %get3A_7] : memref<1x1xf32, #tpu.memory_space<vmem>>, vector<1x1xf32>
    %max3A = arith.maximumf %get3A_8, %broadcast_in_dim3A : vector<1x1xf32>
    %sub3A = vector.broadcast %max3A : vector<1x1xf32> to vector<32x1xf32>
    %sub3A_9 = arith.subf %get3A_1, %sub3A : vector<32x1xf32>
    %exp3A = math.exp %sub3A_9 : vector<32x1xf32>
    %mul3A = arith.mulf %get3A_4, %exp3A : vector<32x1xf32>
    %reduce_sum3A = arith.constant dense<0.000000e+00> : vector<1xf32>
    %reduce_sum3A_10 = vector.multi_reduction <add>, %mul3A, %reduce_sum3A [0] : vector<32x1xf32> to vector<1xf32>
    %broadcast_in_dim3A_11 = vector.shape_cast %reduce_sum3A_10 : vector<1xf32> to vector<1x1xf32>
    %get3A_12 = arith.constant 0 : index
    %get3A_13 = arith.constant 0 : index
    %get3A_14 = vector.load %arg3[%get3A_12, %get3A_13] : memref<1x1xf32, #tpu.memory_space<vmem>>, vector<1x1xf32>
    %get3A_15 = arith.constant 0 : index
    %get3A_16 = arith.constant 0 : index
    %get3A_17 = vector.load %arg2[%get3A_15, %get3A_16] : memref<1x1xf32, #tpu.memory_space<vmem>>, vector<1x1xf32>
    %sub3A_18 = arith.subf %get3A_17, %max3A : vector<1x1xf32>
    %exp3A_19 = math.exp %sub3A_18 : vector<1x1xf32>
    %mul3A_20 = arith.mulf %get3A_14, %exp3A_19 : vector<1x1xf32>
    %add3A = arith.addf %broadcast_in_dim3A_11, %mul3A_20 : vector<1x1xf32>
    %log3A = math.log %add3A : vector<1x1xf32>
    %add3A_21 = arith.addf %max3A, %log3A : vector<1x1xf32>
    %get3A_22 = arith.constant 0 : index
    %get3A_23 = arith.constant 0 : index
    %get3A_24 = vector.load %arg0[%get3A_22, %get3A_23] : memref<4x18856xf32, #tpu.memory_space<vmem>>, vector<1x18856xf32>
    %swap3A = arith.constant 0 : index
    %swap3A_25 = arith.constant 0 : index
    %swap3A_26 = vector.load %arg5[%swap3A, %swap3A_25] : memref<1x100000xf32, #tpu.memory_space<vmem>>, vector<1x18856xf32>
    tpu.vector_store %arg5[%swap3A, %swap3A_25], %get3A_24 {strides = array<i32>} : memref<1x100000xf32, #tpu.memory_space<vmem>>, vector<1x18856xf32>,
    %sub3A_27 = vector.broadcast %add3A_21 : vector<1x1xf32> to vector<1x18856xf32>
    %sub3A_28 = arith.subf %get3A_24, %sub3A_27 : vector<1x18856xf32>
    %swap3A_29 = arith.constant 0 : index
    %swap3A_30 = arith.constant 0 : index
    %swap3A_31 = vector.load %arg6[%swap3A_29, %swap3A_30] : memref<1x100000xf32, #tpu.memory_space<vmem>>, vector<1x18856xf32>
    tpu.vector_store %arg6[%swap3A_29, %swap3A_30], %sub3A_28 {strides = array<i32>} : memref<1x100000xf32, #tpu.memory_space<vmem>>, vector<1x18856xf32>,
    %get3A_32 = arith.constant 1 : index
    %get3A_33 = arith.constant 0 : index
    %get3A_34 = vector.load %arg0[%get3A_32, %get3A_33] : memref<4x18856xf32, #tpu.memory_space<vmem>>, vector<1x18856xf32>
    %swap3A_35 = arith.constant 0 : index
    %swap3A_36 = arith.constant 18856 : index
    %swap3A_37 = vector.load %arg5[%swap3A_35, %swap3A_36] : memref<1x100000xf32, #tpu.memory_space<vmem>>, vector<1x18856xf32>
    tpu.vector_store %arg5[%swap3A_35, %swap3A_36], %get3A_34 {strides = array<i32>} : memref<1x100000xf32, #tpu.memory_space<vmem>>, vector<1x18856xf32>,
    %sub3A_38 = vector.broadcast %add3A_21 : vector<1x1xf32> to vector<1x18856xf32>
    %sub3A_39 = arith.subf %get3A_34, %sub3A_38 : vector<1x18856xf32>
    %swap3A_40 = arith.constant 0 : index
    %swap3A_41 = arith.constant 18856 : index
    %swap3A_42 = vector.load %arg6[%swap3A_40, %swap3A_41] : memref<1x100000xf32, #tpu.memory_space<vmem>>, vector<1x18856xf32>
    tpu.vector_store %arg6[%swap3A_40, %swap3A_41], %sub3A_39 {strides = array<i32>} : memref<1x100000xf32, #tpu.memory_space<vmem>>, vector<1x18856xf32>,
    %get3A_43 = arith.constant 2 : index
    %get3A_44 = arith.constant 0 : index
    %get3A_45 = vector.load %arg0[%get3A_43, %get3A_44] : memref<4x18856xf32, #tpu.memory_space<vmem>>, vector<1x18856xf32>
    %swap3A_46 = arith.constant 0 : index
    %swap3A_47 = arith.constant 37712 : index
    %swap3A_48 = vector.load %arg5[%swap3A_46, %swap3A_47] : memref<1x100000xf32, #tpu.memory_space<vmem>>, vector<1x18856xf32>
    tpu.vector_store %arg5[%swap3A_46, %swap3A_47], %get3A_45 {strides = array<i32>} : memref<1x100000xf32, #tpu.memory_space<vmem>>, vector<1x18856xf32>,
    %sub3A_49 = vector.broadcast %add3A_21 : vector<1x1xf32> to vector<1x18856xf32>
    %sub3A_50 = arith.subf %get3A_45, %sub3A_49 : vector<1x18856xf32>
    %swap3A_51 = arith.constant 0 : index
    %swap3A_52 = arith.constant 37712 : index
    %swap3A_53 = vector.load %arg6[%swap3A_51, %swap3A_52] : memref<1x100000xf32, #tpu.memory_space<vmem>>, vector<1x18856xf32>
    tpu.vector_store %arg6[%swap3A_51, %swap3A_52], %sub3A_50 {strides = array<i32>} : memref<1x100000xf32, #tpu.memory_space<vmem>>, vector<1x18856xf32>,
    %get3A_54 = arith.constant 3 : index
    %get3A_55 = arith.constant 0 : index
    %get3A_56 = vector.load %arg0[%get3A_54, %get3A_55] : memref<4x18856xf32, #tpu.memory_space<vmem>>, vector<1x18856xf32>
    %swap3A_57 = arith.constant 0 : index
    %swap3A_58 = arith.constant 56568 : index
    %swap3A_59 = vector.load %arg5[%swap3A_57, %swap3A_58] : memref<1x100000xf32, #tpu.memory_space<vmem>>, vector<1x18856xf32>
    tpu.vector_store %arg5[%swap3A_57, %swap3A_58], %get3A_56 {strides = array<i32>} : memref<1x100000xf32, #tpu.memory_space<vmem>>, vector<1x18856xf32>,
    %sub3A_60 = vector.broadcast %add3A_21 : vector<1x1xf32> to vector<1x18856xf32>
    %sub3A_61 = arith.subf %get3A_56, %sub3A_60 : vector<1x18856xf32>
    %swap3A_62 = arith.constant 0 : index
    %swap3A_63 = arith.constant 56568 : index
    %swap3A_64 = vector.load %arg6[%swap3A_62, %swap3A_63] : memref<1x100000xf32, #tpu.memory_space<vmem>>, vector<1x18856xf32>
    tpu.vector_store %arg6[%swap3A_62, %swap3A_63], %sub3A_61 {strides = array<i32>} : memref<1x100000xf32, #tpu.memory_space<vmem>>, vector<1x18856xf32>,
    %get3A_65 = arith.constant 0 : index
    %get3A_66 = vector.load %arg1[%get3A_65] : memref<24576xf32, #tpu.memory_space<vmem>>, vector<24576xf32>
    %reshape3A = vector.shape_cast %get3A_66 : vector<24576xf32> to vector<1x24576xf32>
    %swap3A_67 = arith.constant 0 : index
    %swap3A_68 = arith.constant 75424 : index
    %swap3A_69 = vector.load %arg5[%swap3A_67, %swap3A_68] : memref<1x100000xf32, #tpu.memory_space<vmem>>, vector<1x24576xf32>
    tpu.vector_store %arg5[%swap3A_67, %swap3A_68], %reshape3A {strides = array<i32>} : memref<1x100000xf32, #tpu.memory_space<vmem>>, vector<1x24576xf32>,
    %sub3A_70 = vector.broadcast %add3A_21 : vector<1x1xf32> to vector<1x24576xf32>
    %sub3A_71 = arith.subf %reshape3A, %sub3A_70 : vector<1x24576xf32>
    %swap3A_72 = arith.constant 0 : index
    %swap3A_73 = arith.constant 75424 : index
    %swap3A_74 = vector.load %arg6[%swap3A_72, %swap3A_73] : memref<1x100000xf32, #tpu.memory_space<vmem>>, vector<1x24576xf32>
    tpu.vector_store %arg6[%swap3A_72, %swap3A_73], %sub3A_71 {strides = array<i32>} : memref<1x100000xf32, #tpu.memory_space<vmem>>, vector<1x24576xf32>,
    return
  }
}

</mosaic_0001>

<sc_bundles>
// kernel: kernel.6.cloned.1.call-start
scs
__scs_entry_jumppad:
0x0: {  	(pc) =	sbr.rel $0x88, $3  }
0x1: {  	(tag) =	ssettag $0x0;
	lr =	simm.s32 $0x1  }
0x2: {  	[smem:$0x3F9B] =	sst lr;
	_ =	strace $0xD0000000  }
0x3: {  	_ = 	snop  }
0x4: {  	_ = 	snop  }
0x5: {  	_ = 	snop  }
0x6: {  	_ = 	snop  }
0x7: {  	_ = 	snop  }
__scs_overlays_trampoline_lowered:
0x8: {  	[smem:$0x3FAA] =	sst s0  }
0x9: {  	[smem:$0x3FAB] =	sst s1  }
0xa: {  	[smem:$0x3FAC] =	sst s2  }
0xb: {  	[smem:$0x3FAD] =	sst s3  }
0xc: {  	[smem:$0x3FAE] =	sst s4  }
0xd: {  	[smem:$0x3FAF] =	sst s5  }
0xe: {  	[smem:$0x3FB0] =	sst s6  }
0xf: {  	[smem:$0x3FB1] =	sst s7  }
0x10: {  	[smem:$0x3FB2] =	sst s8  }
0x11: {  	[smem:$0x3FB3] =	sst s9;
	s0 =	simm.s32 @!p0 $0x0  }
0x12: {  	s1 =	sld [smem:$0x3F99];
	s0 =	simm.s32 @p0 $0x1  }
0x13: {  	[smem:$0x3FB4] =	sst s0;
	s0 =	simm.s32 @!p1 $0x0  }
0x14: {  	s2 =	sld [smem:$0x3F98];
	s0 =	simm.s32 @p1 $0x1  }
0x15: {  	[smem:$0x3FB5] =	sst s0;
	s0 =	simm.s32 @!p2 $0x0  }
0x16: {  	s3 =	sld [smem:$0x3FDB];
	s0 =	simm.s32 @p2 $0x1  }
0x17: {  	s4 =	simm.s32 $0x1BF5;
	[smem:$0x3FB7] =	sst s0  }
0x18: {  	s0 =	sld [smem:$0x3F9A];
	_ =	swait.ge [sflag:s4], $0x0  }
0x19: {  	s7 =	sld [smem:$0x3F9B]  }
0x1a: {  	s8 =	sadd.s32 $0xFFFFE003, lr  }
0x1b: {  	s9 =	sadd.s32 $0xFFFFFEF7, lr;
	s5 =	simm.s32 $0xFFFFFFFF;
	p2 =	slt.u32 s8, $0xFFFFF086  }
0x1c: {  	p1 =	slt.u32 s9, $0xF7A;
	s5 =	simm.s32 @!p2 $0x0  }
0x1d: {  	s5 =	simm.s32 @p1 $0x1;
	p0 =	seq.s32 s7, s2  }
0x1e: {  	s7 =	smul.u32 @!p0 $0xF7A, s2;
	p2 =	seq.s32 @!p0 s5, $0x0  }
0x1f: {  	s9 =	smul.u32 $0xF7A, s1;
	s8 =	simm.s32 @!p0 $0x1BF5;
	p2 =	por !p2, p0  }
0x20: {  	[sflag:s8] =	ssyncset.s32 @!p0 $0xFFFFF086;
	s6 =	sadd.s32 @!p0 s3, s7;
	s7 =	simm.s32 @!p0 $0x108  }
0x21: {  	s3 =	sadd.s32 s3, s9;
	s6 =	sadd.s32 @!p0 $0x88, s6;
	s7 =	simm.s32 @p2 $0x1082  }
0x22: {  	[simem:s7], [sflag:s8] =	dma.local @!p0 [hbm:s6], $0xF7A  }
0x23: {  	s9 =	sor.u32 $0xD0000000, s2;
	s6 =	simm.s32 $0x108;
	_ =	swait.ge @!p0 [sflag:s8], $0x0  }
0x24: {  	s3 =	sadd.s32 $0x88, s3;
	s6 =	simm.s32 @!p1 $0x1082;
	[sflag:s4] =	ssyncset.s32 $0xFFFFF086  }
0x25: {  	[simem:s6], [sflag:s4] =	dma.local [hbm:s3], $0xF7A  }
0x26: {  	[smem:$0x3F9B] =	sst s1;
	(tag) =	ssettag s2;
	_ =	strace s9  }
0x27: {  	s1 =	sld [smem:$0x3FAB]  }
0x28: {  	s2 =	sld [smem:$0x3FAC]  }
0x29: {  	s4 =	sld [smem:$0x3FAE]  }
0x2a: {  	p0 =	seq.s32 s5, $0x0;
	s5 =	sld [smem:$0x3FAF]  }
0x2b: {  	s6 =	sld [smem:$0x3FB0]  }
0x2c: {  	s7 =	sld [smem:$0x3FB1]  }
0x2d: {  	s3 =	simm.s32 $0x108;
	s8 =	sld [smem:$0x3FB2]  }
0x2e: {  	s3 =	simm.s32 @!p0 $0x1082;
	s9 =	sld [smem:$0x3FB3]  }
0x2f: {  	lr =	sadd.s32 s0, s3;
	s0 =	sld [smem:$0x3FAA]  }
0x30: {  	s3 =	sld [smem:$0x3FAD]  }
0x31: {  	[smem:$0x3FB6] =	sst s10  }
0x32: {  	s10 =	sld [smem:$0x3FB4];
	_ =	sdelay $0x3  }
0x33: {  	p0 =	seq.s32 s10, $0x1;
	s10 =	sld [smem:$0x3FB6];
	_ =	sdelay $0x3  }
0x34: {  	[smem:$0x3FB6] =	sst s10  }
0x35: {  	s10 =	sld [smem:$0x3FB5];
	_ =	sdelay $0x3  }
0x36: {  	p1 =	seq.s32 s10, $0x1;
	s10 =	sld [smem:$0x3FB6];
	_ =	sdelay $0x3  }
0x37: {  	[smem:$0x3FB6] =	sst s10  }
0x38: {  	s10 =	sld [smem:$0x3FB7]  }
0x39: {  	_ = 	snop;
	(pc) =	sbr.ind lr, $3  }
0x3a: {  	_ = 	snop  }
0x3b: {  	_ = 	snop  }
0x3c: {  	p2 =	seq.s32 s10, $0x1;
	s10 =	sld [smem:$0x3FB6]  }
0x3d: {  	_ =	shalt  }
0x3e: {  	_ =	shalt  }
0x3f: {  	_ =	shalt  }
0x40: {  	_ =	shalt  }
0x41: {  	_ =	shalt  }
0x42: {  	_ =	shalt  }
0x43: {  	_ =	shalt  }
0x44: {  	_ =	shalt  }
0x45: {  	_ =	shalt  }
0x46: {  	_ =	shalt  }
0x47: {  	_ =	shalt  }
0x48: {  	_ =	shalt  }
0x49: {  	_ =	shalt  }
0x4a: {  	_ =	shalt  }
0x4b: {  	_ =	shalt  }
0x4c: {  	_ =	shalt  }
0x4d: {  	_ =	shalt  }
0x4e: {  	_ =	shalt  }
0x4f: {  	_ =	shalt  }
0x50: {  	_ =	shalt  }
0x51: {  	_ =	shalt  }
0x52: {  	_ =	shalt  }
0x53: {  	_ =	shalt  }
0x54: {  	_ =	shalt  }
0x55: {  	_ =	shalt  }
0x56: {  	_ =	shalt  }
0x57: {  	_ =	shalt  }
0x58: {  	_ =	shalt  }
0x59: {  	_ =	shalt  }
0x5a: {  	_ =	shalt  }
0x5b: {  	_ =	shalt  }
0x5c: {  	_ =	shalt  }
0x5d: {  	_ =	shalt  }
0x5e: {  	_ =	shalt  }
0x5f: {  	_ =	shalt  }
0x60: {  	_ =	shalt  }
0x61: {  	_ =	shalt  }
0x62: {  	_ =	shalt  }
0x63: {  	_ =	shalt  }
0x64: {  	_ =	shalt  }
0x65: {  	_ =	shalt  }
0x66: {  	_ =	shalt  }
0x67: {  	_ =	shalt  }
0x68: {  	_ =	shalt  }
0x69: {  	_ =	shalt  }
0x6a: {  	_ =	shalt  }
0x6b: {  	_ =	shalt  }
0x6c: {  	_ =	shalt  }
0x6d: {  	_ =	shalt  }
0x6e: {  	_ =	shalt  }
0x6f: {  	_ =	shalt  }
0x70: {  	_ =	shalt  }
0x71: {  	_ =	shalt  }
0x72: {  	_ =	shalt  }
0x73: {  	_ =	shalt  }
0x74: {  	_ =	shalt  }
0x75: {  	_ =	shalt  }
0x76: {  	_ =	shalt  }
0x77: {  	_ =	shalt  }
0x78: {  	_ =	shalt  }
0x79: {  	_ =	shalt  }
0x7a: {  	_ =	shalt  }
0x7b: {  	_ =	shalt  }
0x7c: {  	_ =	shalt  }
0x7d: {  	_ =	shalt  }
0x7e: {  	_ =	shalt  }
0x7f: {  	_ =	shalt  }
0x80: {  	_ =	shalt  }
0x81: {  	_ =	shalt  }
0x82: {  	_ =	shalt  }
0x83: {  	_ =	shalt  }
0x84: {  	_ =	shalt  }
0x85: {  	_ =	shalt  }
0x86: {  	_ =	shalt  }
0x87: {  	_ =	shalt  }
.Lfunc_end0:
.L_simem_size_0:
called_computation_lowered:
.L_overlay_start_0:
0x88: {  	s2 =	sld [smem:$0x3FD9]  }
0x89: {  	s3 =	sld [smem:$0x3FFE];
	_ =	sdelay $0x1  }
0x8a: {  	s1 =	srdreg.scid  }
0x8b: {  	s0 =	sand.u32 $0x1, s1  }
0x8c: {  	s14 =	sshll.u32 s0, $0xA;
	s2 =	sadd.s32 s3, s2  }
0x8d: {  	s2 =	sadd.s32 s2, s14  }
0x8e: {  	[smem:$0x3FC2] =	sst s2  }
0x8f: {  	_ = 	snop  }
0x90: {  	s2 =	sld [smem:$0x3FD0];
	_ =	sdelay $0x1  }
0x91: {  	s15 =	sld [smem:$0x3FC5]  }
0x92: {  	s5 =	simm.s32 $0xA;
	s6 =	simm.s32 $0x10;
	s4 =	sld [smem:$0x3FC4]  }
0x93: {  	[smem:s6], [sflag:s5] =	dma.local [hbm:s2], $0x1  }
0x94: {  	_ =	swait.eq [sflag:s5], $0x1  }
0x95: {  	[sflag:s5] =	ssyncset.done $0x0  }
0x96: {  	s16 =	sld [smem:$0x10];
	[sflag:s5] =	ssyncadd.s32 $0xFFFFFFFF  }
0x97: {  	s17 =	sld [smem:$0x11];
	(tm) =	ssettm $0x1  }
0x98: {  	s18 =	sld [smem:$0x3FFB];
	_ =	sdelay $0x3  }
0x99: {  	_ =	strace s18  }
0x9a: {  	s6 =	sld [smem:$0x3FFC];
	_ =	sdelay $0x3  }
0x9b: {  	_ =	strace s6  }
0x9c: {  	s6 =	sld [smem:$0x3FFD];
	_ =	sdelay $0x3  }
0x9d: {  	_ =	strace s6  }
0x9e: {  	_ =	strace $0x8FFFFFFF  }
0x9f: {  	s19 =	sld [smem:$0x3FDB];
	_ =	sdelay $0x1  }
0xa0: {  	s7 =	simm.s32 $_scs_section_size  }
0xa1: {  	s8 =	simm.s32 $_size__tile_overlayer_lowered;
	s9 =	simm.s32 $_tile_overlayer_lowered  }
0xa2: {  	s22 =	simm.s32 $0x1BFF;
	s21 =	sshll.u32 s9, $0x1;
	s6 =	sadd.s32 s7, s19  }
0xa3: {  	s10 =	simm.s32 $0x0;
	s20 =	sshll.u32 s8, $0x1;
	s8 =	sadd.s32 s21, s6  }
0xa4: {  	[timem:s10], [sflag:s22] =	dma.local [hbm:s8], s20  }
0xa5: {  	_ =	swait.ge [sflag:s22], s20  }
0xa6: {  	s7 =	ssub.s32 $0x0, s20;
	[sflag:s22] =	ssyncset.done $0x0  }
0xa7: {  	[sflag:s22] =	ssyncadd.s32 s7;
	_ =	sdelay $0x1  }
0xa8: {  	s23 =	simm.s32 $0x1B8B  }
0xa9: {  	_ =	swait.ge [sflag:s23], $0x1  }
0xaa: {  	[sflag:s23] =	ssyncset.done $0x0  }
0xab: {  	s25 =	simm.s32 $0x1B8E;
	s24 =	sld [smem:$0x3FFE];
	[sflag:s23] =	ssyncadd.s32 $0xFFFFFFFF  }
0xac: {  	s26 =	simm.s32 $execute0_lowered;
	[smem:$0x3FD2] =	sst s25  }
0xad: {  	s8 =	sshll.u32 s26, $0x1;
	_ =	strace $0x80000046;
	[dreg:$0x1] =	wrdreg $0xFFFFFFFF  }
0xae: {  	s28 =	simm.s32 $_size_execute0_lowered;
	s6 =	sadd.s32 s6, s8;
	[dreg:$0x0] =	wrdreg $0x0  }
0xaf: {  	s8 =	sshll.u32 s28, $0x1;
	[dreg:$0x2] =	wrdreg s6  }
0xb0: {  	[dreg:$0x3] =	wrdreg s8  }
0xb1: {  	[dreg:$0x4] =	wrdreg $0xC0  }
0xb2: {  	_ =	task [dreg:s10], $0x5FFFF  }
0xb3: {  	[dreg:$0x1] =	wrdreg $0xFFFFFFFF  }
0xb4: {  	[dreg:$0x0] =	wrdreg $0x60  }
0xb5: {  	[dreg:$0x2] =	wrdreg s24  }
0xb6: {  	[dreg:$0x3] =	wrdreg s15  }
0xb7: {  	[dreg:$0x4] =	wrdreg s4  }
0xb8: {  	[dreg:$0x5] =	wrdreg s17  }
0xb9: {  	[dreg:$0x6] =	wrdreg s16  }
0xba: {  	[dreg:$0x7] =	wrdreg $0x9  }
0xbb: {  	_ =	task.clear_ibuf [dreg:s10], $0x8FFFF;
	_ =	strace $0x90000046  }
0xbc: {  	s29 =	simm.s32 $0x9;
	_ =	strace $0x80000048  }
0xbd: {  	_ =	swait.ge [sflag:s29], $0x1  }
0xbe: {  	[sflag:s29] =	ssyncadd.s32 $0xFFFFFFFF  }
0xbf: {  	_ =	strace $0x90000048  }
0xc0: {  	_ =	sfence  }
0xc1: {  	s30 =	sld [smem:$0x0];
	_ =	sdelay $0x2  }
0xc2: {  	s31 =	sshll.u32 s1, $0xD;
	s1 =	sshrl.u32 s1, $0x2  }
0xc3: {  	s3 =	sand.u32 $0x4000, s31;
	s1 =	sadd.s32 s1, s30  }
0xc4: {  	s0 =	sor.u32 s3, s0;
	s1 =	sshll.u32 s1, $0x11  }
0xc5: {  	s0 =	sor.u32 s1, s0  }
0xc6: {  	s0 =	sadd.s32 $0x8F2B, s0  }
0xc7: {  	[sflag:s0] =	ssyncadd.remote.s32 $0x1  }
0xc8: {  	_ =	sfence.sel $0xFFFF  }
0xc9: {  	[dreg:$0x0] =	wrdreg $0xFFFFFFFF;
	(pc) =	sbr.abs _section_cstart, $3  }
0xca: {  	[dreg:$0x1] =	wrdreg $0xFFFFFFFF  }
0xcb: {  	_ =	task.clear_ibuf [dreg:s10], $0x2FFFF;
	_ =	strace $0x9FFFFFFF  }
0xcc: {  	(tm) =	ssettm $0x7FFFFFFF  }
0xcd: {  	_ =	shalt  }
tec
execute0_lowered:
.L_overlay_start_1:
0x0: {  	(tag) =	ssettag $0x1  }
0x1: {  	s3 =	rddreg [dreg:$0x0]  }
0x2: {  	v0 =	vimm.s32 $0xEFCDAB89;
	s5 =	rddreg [dreg:$0x1];
	v1 =	vimm.s32 $0x67452301;
	v2 =	vimm.s32 $0xDCFE98BA  }
0x3: {  	s6 =	rddreg [dreg:$0x2];
	v3 =	vimm.s32 $0x54761032;
	v4 =	vimm.s32 $0xBA98FEDC;
	v5 =	vimm.s32 $0x32107654  }
0x4: {  	s9 =	rddreg [dreg:$0x3];
	s1 =	srdreg.scid;
	v6 =	vimm.s32 $0xFEDCBA98;
	v7 =	vimm.s32 $0x76543210;
	vm0 =	vmmov $0x1  }
0x5: {  	s0 =	stileid.u32;
	s10 =	rddreg [dreg:$0x4];
	s2 =	simm.s32 $0x0;
	vm1 =	vmmov $0x3;
	vm2 =	vmmov $0x7;
	vm3 =	vmmov $0xf  }
0x6: {  	vm4 =	vmmov $0x1f;
	vm5 =	vmmov $0x3f;
	vm6 =	vmmov $0x7f;
	s15 =	simm.s32 $0x1;
	s16 =	simm.s32 $0x2;
	s17 =	simm.s32 $0x8080  }
0x7: {  	vm7 =	vmmov $0xff;
	vm8 =	vmmov $0x1ff;
	vm9 =	vmmov $0x3ff;
	s18 =	simm.s32 $0x8680;
	s19 =	simm.s32 $0x3;
	s20 =	simm.s32 $0x0  }
0x8: {  	vm10 =	vmmov $0x7ff;
	vm11 =	vmmov $0xfff;
	vm12 =	vmmov $0x1fff;
	s4 =	sand.u32 $0x1, s1;
	s7 =	sshll.u32 s0, $0x1;
	s1 =	rddreg [dreg:$0x5]  }
0x9: {  	v0 =	vunpack.c.l.s4.s8 v0;
	v1 =	vunpack.c.l.s4.s8 v1;
	v2 =	vunpack.c.l.s4.s8 v2;
	[smem:$0x7FF] =	sst s2;
	s3 =	sadd.s32 $0x1A00, s3;
	s11 =	sor.u32 s4, s7  }
0xa: {  	v3 =	vunpack.c.l.s4.s8 v3;
	v4 =	vunpack.c.l.s4.s8 v4;
	v5 =	vunpack.c.l.s4.s8 v5;
	_ =	strace $0x80000047;
	s4 =	ssub.s32 $0x2, s4;
	s12 =	smul.u32 $0x300, s11  }
0xb: {  	v6 =	vunpack.c.l.s4.s8 v6;
	v7 =	vunpack.c.l.s4.s8 v7;
	v0 =	vunpack.c.0.s8.s32 v0;
	s7 =	smul.u32 $0x18000, s11;
	s8 =	sshrl.u32 s4, $0x1;
	s11 =	sshll.u32 s11, $0x4  }
0xc: {  	v1 =	vunpack.c.0.s8.s32 v1;
	v2 =	vunpack.c.0.s8.s32 v2;
	v3 =	vunpack.c.0.s8.s32 v3;
	s14 =	ssub.s32 s4, s8;
	s10 =	sadd.s32 s10, s11;
	s13 =	sadd.s32 $0x126A0, s12  }
0xd: {  	v4 =	vunpack.c.0.s8.s32 v4;
	v5 =	vunpack.c.0.s8.s32 v5;
	v6 =	vunpack.c.0.s8.s32 v6;
	s7 =	sshrl.u32 s7, $0x3;
	s12 =	sshrl.u32 s12, $0x3;
	s11 =	smax.u32 s14, $0x1  }
0xe: {  	vm13 =	vmmov $0x3fff;
	v7 =	vunpack.c.0.s8.s32 v7;
	v0 =	vcombine.low v1, v0;
	s14 =	simm.s32 $0x4080;
	s30 =	sshll.u32 s13, $0x4;
	s31 =	sshrl.u32 s13, $0x3  }
0xf: {  	v1 =	vcombine.low v3, v2;
	v2 =	vcombine.low v5, v4;
	v6 =	vand.u32 $0xF, v6;
	s7 =	sadd.s32 s5, s7;
	s9 =	sadd.s32 s9, s12;
	s12 =	simm.s32 $0x4  }
0x10: {  	vm14 =	vmmov $0x7fff;
	vm15 =	vcmask $0x3F08;
	v6 =	vcombine.low v6, v7;
	s13 =	simm.s32 $0x80;
	s4 =	sadd.s32 s5, s30;
	s5 =	sadd.s32 s6, s31  }
0x11: {  	v3 =	vand.u32 $0xF, v0;
	v4 =	vand.u32 $0xF, v1;
	s6 =	sadd.s32 $0x127200, s7;
	v5 =	vand.u32 $0xF, v2;
	s7 =	sadd.s32 $0x1000, s4;
	s8 =	sadd.s32 $0x1800, s4  }
.LBB2_1:
0x12: {  	[tilespmem:s2], [sflag:$0x4] =	stream.linear.gather [hbm4b:s3+s2], $0x80, $0x38;
	[tilespmem:$0x8700] =	vst v63  }
0x13: {  	_ =	swait.ge [sflag:s12], $0x80  }
0x14: {  	[sflag:s12] =	ssyncset.done $0x0  }
0x15: {  	s21 =	simm.s32 $0x8380;
	[sflag:s12] =	ssyncadd.s32 $0xFFFFFF80  }
0x16: {  	[tilespmem:s21], [sflag:$0x4] =	stream.linear.gather [hbm4b:s5+s2], $0x300, $0x38;
	[tilespmem:$0x8700] =	vst v63  }
0x17: {  	_ =	swait.ge [sflag:s12], $0x300  }
0x18: {  	[sflag:s12] =	ssyncset.done $0x0  }
0x19: {  	[sflag:s12] =	ssyncadd.s32 $0xFFFFFD00  }
0x1a: {  	v7 =	vld [tilespmem:$0x0]  }
0x1b: {  	v8 =	vld [tilespmem:$0x10]  }
0x1c: {  	v9 =	vld [tilespmem:$0x20]  }
0x1d: {  	v10 =	vld [tilespmem:$0x30]  }
0x1e: {  	v11 =	vld [tilespmem:$0x40]  }
0x1f: {  	v12 =	vld [tilespmem:$0x50]  }
0x20: {  	s22 =	simm.s32 $0x8100;
	v13 =	vld [tilespmem:$0x60]  }
0x21: {  	v14 =	vld [tilespmem:$0x70];
	[tilespmem:s13], [sflag:$0x1] =	stream.linear.gather [hbm4b:s4+s2], $0x4000, $0x38  }
0x22: {  	s23 =	simm.s32 $0x8400;
	s24 =	simm.s32 $0x8080;
	s25 =	simm.s32 $0x0  }
0x23: {  	[tilespmem:s14], [sflag:$0x2] =	stream.linear.gather [hbm4b:s6+s2], $0x4000, $0x38;
	[tilespmem:$0x8700] =	vst v63  }
.LBB2_2:
0x24: {  	_ =	swait.ge [sflag:s15], $0x4000  }
0x25: {  	[sflag:s15] =	ssyncset.done $0x0  }
0x26: {  	s26 =	simm.s32 $0x480;
	[sflag:s15] =	ssyncadd.s32 $0xFFFFC000  }
0x27: {  	v15 =	vld [tilespmem:s26+$0x3F0]  }
0x28: {  	v16 =	vld [tilespmem:s26+$0x370]  }
0x29: {  	v17 =	vld [tilespmem:s26+$0x3E0]  }
0x2a: {  	v18 =	vld [tilespmem:s26+$0x2F0]  }
0x2b: {  	v19 =	vld [tilespmem:s26+$0x360]  }
0x2c: {  	v20 =	vld [tilespmem:s26+$0x3D0]  }
0x2d: {  	v21 =	vld [tilespmem:s26+$0x270]  }
0x2e: {  	v22 =	vld [tilespmem:s26+$0x2E0]  }
0x2f: {  	v23 =	vld [tilespmem:s26+$0x350]  }
0x30: {  	v24 =	vld [tilespmem:s26+$0x3C0]  }
0x31: {  	v25 =	vld [tilespmem:s26+$0x1F0]  }
0x32: {  	v26 =	vld [tilespmem:s26+$0x260]  }
0x33: {  	v27 =	vld [tilespmem:s26+$0x2D0]  }
0x34: {  	v28 =	vld [tilespmem:s26+$0x340]  }
0x35: {  	v29 =	vld [tilespmem:s26+$0x3B0]  }
0x36: {  	v30 =	vld [tilespmem:s26+$0x170]  }
0x37: {  	v31 =	vld [tilespmem:s26+$0x1E0]  }
0x38: {  	v32 =	vld [tilespmem:s26+$0x250]  }
0x39: {  	v33 =	vld [tilespmem:s26+$0x2C0]  }
0x3a: {  	v34 =	vld [tilespmem:s26+$0x330]  }
0x3b: {  	v35 =	vld [tilespmem:s26+$0x3A0]  }
0x3c: {  	v36 =	vld [tilespmem:s26+$0xF0]  }
0x3d: {  	v37 =	vld [tilespmem:s26+$0x160]  }
0x3e: {  	v38 =	vld [tilespmem:s26+$0x1D0]  }
0x3f: {  	v39 =	vld [tilespmem:s26+$0x240]  }
0x40: {  	v40 =	vld [tilespmem:s26+$0x2B0]  }
0x41: {  	v42 =	vld [tilespmem:s26+$0x380]  }
0x42: {  	v43 =	vld [tilespmem:s26+$0x390]  }
0x43: {  	v41 =	vld [tilespmem:s26+$0x320]  }
0x44: {  	v44 =	vld [tilespmem:s26+$0x70]  }
0x45: {  	v45 =	vld [tilespmem:s26+$0xE0];
	v15 =	vmul.f32 v15, v14;
	v16 =	vmul.f32 v16, v14  }
0x46: {  	v46 =	vld [tilespmem:s26+$0x150];
	v17 =	vmul.f32 v17, v13;
	v42 =	vmul.f32 v42, v7  }
0x47: {  	v50 =	vld [tilespmem:s26+$0x300];
	v43 =	vmul.f32 v43, v8;
	v18 =	vmul.f32 v18, v14  }
0x48: {  	v51 =	vld [tilespmem:s26+$0x310];
	v19 =	vmul.f32 v19, v13;
	v35 =	vmul.f32 v35, v9  }
0x49: {  	v47 =	vld [tilespmem:s26+$0x1C0];
	v20 =	vmul.f32 v20, v12;
	v21 =	vmul.f32 v21, v14  }
0x4a: {  	v52 =	vld [tilespmem:s26+$0x280];
	v22 =	vmul.f32 v22, v13;
	v53 =	vmul.f32 v23, v12  }
0x4b: {  	v48 =	vld [tilespmem:s26+$0x230];
	v29 =	vmul.f32 v29, v10;
	v24 =	vmul.f32 v24, v11  }
0x4c: {  	v49 =	vld [tilespmem:s26+$0x2A0];
	v26 =	vmul.f32 v26, v13;
	v27 =	vmul.f32 v27, v12  }
0x4d: {  	v54 =	vld [tilespmem:s26+$0x200];
	v50 =	vmul.f32 v50, v7;
	v51 =	vmul.f32 v51, v8  }
0x4e: {  	v63 =	vld [tilespmem:s26+$0x220];
	v28 =	vmul.f32 v28, v11;
	v31 =	vmul.f32 v31, v13;
	v42 =	vadd.f32 v43, v42  }
0x4f: {  	v55 =	vld [tilespmem:s26+$0x140];
	v41 =	vmul.f32 v41, v9;
	v52 =	vmul.f32 v52, v7  }
0x50: {  	v32 =	vmul.f32 v32, v12;
	v23 =	vadd.f32 v35, v42;
	v35 =	vmul.f32 v25, v14;
	v25 =	vld [tilespmem:s26+$0x290]  }
0x51: {  	v58 =	vld [tilespmem:s26+$0x190];
	v34 =	vmul.f32 v34, v10;
	v49 =	vmul.f32 v49, v9  }
0x52: {  	v60 =	vld [tilespmem:s26+$0x1A0];
	v54 =	vmul.f32 v54, v7;
	v40 =	vmul.f32 v40, v10;
	v29 =	vadd.f32 v29, v23  }
0x53: {  	v56 =	vmul.f32 v63, v9;
	v23 =	vmul.f32 v30, v14;
	v30 =	vld [tilespmem:s26+$0x210]  }
0x54: {  	v62 =	vld [tilespmem:s26+$0x130];
	v33 =	vmul.f32 v33, v11;
	v48 =	vmul.f32 v48, v10;
	v24 =	vadd.f32 v24, v29  }
0x55: {  	v61 =	vmul.f32 v39, v11;
	v50 =	vadd.f32 v51, v50;
	v51 =	vld [tilespmem:s26+$0xC0];
	v25 =	vmul.f32 v25, v8  }
0x56: {  	v37 =	vmul.f32 v37, v13;
	v38 =	vmul.f32 v38, v12;
	v42 =	vld [tilespmem:s26+$0x60];
	v20 =	vadd.f32 v20, v24  }
0x57: {  	v63 =	vld [tilespmem:s26+$0xFFFFFEF0];
	v45 =	vmul.f32 v45, v13;
	v24 =	vadd.f32 v41, v50;
	v25 =	vadd.f32 v25, v52  }
0x58: {  	v46 =	vmul.f32 v46, v12;
	v29 =	vld [tilespmem:s26+$0xD0];
	v30 =	vmul.f32 v30, v8;
	v17 =	vadd.f32 v17, v20  }
0x59: {  	v39 =	vmul.f32 v62, v10;
	v52 =	vld [tilespmem:s26+$0xA0];
	v24 =	vadd.f32 v34, v24;
	v25 =	vadd.f32 v49, v25  }
0x5a: {  	v51 =	vmul.f32 v51, v11;
	v34 =	vld [tilespmem:s26+$0xFFFFFFE0];
	v30 =	vadd.f32 v30, v54;
	v15 =	vadd.f32 v15, v17  }
0x5b: {  	v43 =	vld [tilespmem:s26+$0xFFFFFFF0];
	v42 =	vmul.f32 v42, v13;
	v54 =	vmul.f32 v55, v11;
	v24 =	vadd.f32 v28, v24  }
0x5c: {  	v28 =	vld [tilespmem:s26+$0x180];
	v25 =	vadd.f32 v40, v25;
	v30 =	vadd.f32 v56, v30;
	v57 =	vperm.xlane v15, v3  }
0x5d: {  	v40 =	vld [tilespmem:s26+$0x0];
	v59 =	vadd.f32 v53, v24;
	v24 =	vmul.f32 v36, v14;
	v53 =	vmul.f32 v29, v12  }
0x5e: {  	v29 =	vld [tilespmem:s26+$0x110];
	v52 =	vmul.f32 v52, v9;
	v25 =	vadd.f32 v33, v25;
	v30 =	vadd.f32 v48, v30  }
0x5f: {  	v41 =	vld [tilespmem:s26+$0x1B0];
	v34 =	vmul.f32 v34, v13;
	v15 =	vadd.f32 v15, v57;
	v19 =	vadd.f32 v19, v59  }
0x60: {  	v17 =	vld [tilespmem:s26+$0x50];
	v57 =	vmul.f32 v58, v8;
	v25 =	vadd.f32 v27, v25;
	v27 =	vadd.f32 v61, v30  }
0x61: {  	v50 =	vld [tilespmem:s26+$0xFFFFFFC0];
	v28 =	vmul.f32 v28, v7;
	v16 =	vadd.f32 v16, v19;
	v19 =	vperm.xlane v15, v4  }
0x62: {  	v20 =	vld [tilespmem:s26+$0xFFFFFF70];
	v40 =	vmul.f32 v40, v7;
	v22 =	vadd.f32 v22, v25;
	v25 =	vadd.f32 v32, v27  }
0x63: {  	v49 =	vld [tilespmem:s26+$0xFFFFFEE0];
	v29 =	vmul.f32 v29, v8;
	v27 =	vperm.xlane v16, v3;
	v19 =	vadd.f32 v15, v19  }
0x64: {  	v56 =	vld [tilespmem:s26+$0xFFFFFE60];
	v15 =	vadd.f32 v57, v28;
	v28 =	vmul.f32 v60, v9;
	v18 =	vadd.f32 v18, v22  }
0x65: {  	v36 =	vld [tilespmem:s26+$0x120];
	v57 =	vmul.f32 v17, v12;
	v25 =	vadd.f32 v26, v25;
	v16 =	vadd.f32 v16, v27  }
0x66: {  	v48 =	vld [tilespmem:s26+$0xFFFFFFD0];
	v26 =	vmul.f32 v41, v10;
	v15 =	vadd.f32 v28, v15;
	v27 =	vperm.xlane v18, v3  }
0x67: {  	v30 =	vld [tilespmem:s26+$0xFFFFFF60];
	v33 =	vperm.xlane v19, v5;
	v21 =	vadd.f32 v21, v25;
	v58 =	vperm.xlane v16, v4  }
0x68: {  	v32 =	vld [tilespmem:s26+$0x40];
	v15 =	vadd.f32 v26, v15;
	v26 =	vmul.f32 v47, v11;
	v18 =	vadd.f32 v18, v27  }
0x69: {  	v41 =	vmul.f32 v44, v14;
	v17 =	vadd.f32 v19, v33;
	v33 =	vld [tilespmem:s26+$0x10];
	v59 =	vperm.xlane v21, v3  }
0x6a: {  	v22 =	vld [tilespmem:s26+$0xB0];
	v44 =	vadd.f32 v16, v58;
	v15 =	vadd.f32 v26, v15;
	v16 =	vperm.xlane v18, v4  }
0x6b: {  	v36 =	vmul.f32 v36, v9;
	v27 =	vmul.f32 v43, v14;
	v43 =	vld [tilespmem:s26+$0x30];
	v21 =	vadd.f32 v21, v59  }
0x6c: {  	v30 =	vmul.f32 v30, v13;
	v26 =	vadd.f32 v38, v15;
	v38 =	vadd.f32 v18, v16;
	v18 =	vld [tilespmem:s26+$0x100]  }
0x6d: {  	v28 =	vld [tilespmem:s26+$0xFFFFFE70];
	v32 =	vmul.f32 v32, v11;
	v47 =	vperm.xlane v44, v5  }
0x6e: {  	v25 =	vld [tilespmem:s26+$0xFFFFFF50];
	v16 =	vperm.xlane v21, v4;
	v33 =	vmul.f32 v33, v8;
	v31 =	vadd.f32 v31, v26  }
0x6f: {  	v58 =	vld [tilespmem:s26+$0x80];
	v26 =	vmul.f32 v20, v14;
	v55 =	vperm.xlane v38, v5  }
0x70: {  	v20 =	vadd.f32 v21, v16;
	v21 =	vmul.f32 v63, v14;
	v31 =	vadd.f32 v35, v31;
	v35 =	vld [tilespmem:s26+$0x90]  }
0x71: {  	v63 =	vmul.f32 v43, v10;
	v19 =	vadd.f32 v38, v55;
	v38 =	vld [tilespmem:s26+$0x20];
	v61 =	vmul.f32 v18, v7  }
0x72: {  	v33 =	vadd.f32 v33, v40;
	v43 =	vld [tilespmem:s26+$0xFFFFFC60];
	v59 =	vperm.xlane v20, v5;
	v60 =	vperm.xlane v31, v3  }
0x73: {  	v22 =	vmul.f32 v22, v10;
	v18 =	vadd.f32 v44, v47;
	v44 =	vld [tilespmem:s26+$0xFFFFFED0];
	v29 =	vadd.f32 v29, v61  }
0x74: {  	v25 =	vmul.f32 v25, v12;
	v20 =	vadd.f32 v20, v59;
	v59 =	vld [tilespmem:s26+$0xFFFFFF90];
	v31 =	vadd.f32 v31, v60  }
0x75: {  	v40 =	vld [tilespmem:s26+$0xFFFFFDA0];
	v60 =	vmul.f32 v58, v7;
	v35 =	vmul.f32 v35, v8;
	v29 =	vadd.f32 v36, v29  }
0x76: {  	v15 =	vmov s21;
	v58 =	vld [tilespmem:s26+$0xFFFFFF80];
	v61 =	vperm.xlane v31, v4;
	v62 =	vmul.f32 v38, v9  }
0x77: {  	v16 =	vmov s24;
	v55 =	vld [tilespmem:s26+$0xFFFFFFB0];
	v35 =	vadd.f32 v35, v60;
	v29 =	vadd.f32 v39, v29  }
0x78: {  	v47 =	vmul.f32 v48, v12;
	v60 =	vadd.f32 v31, v61;
	v31 =	vld [tilespmem:s26+$0xFFFFFFA0];
	v33 =	vadd.f32 v62, v33  }
0x79: {  	v48 =	vld [tilespmem:s26+$0xFFFFFF40];
	v36 =	vmul.f32 v44, v12;
	v61 =	vmul.f32 v59, v8;
	v35 =	vadd.f32 v52, v35  }
0x7a: {  	v39 =	vld [tilespmem:s26+$0xFFFFFF00];
	v59 =	vmul.f32 v50, v11;
	v29 =	vadd.f32 v54, v29;
	v33 =	vadd.f32 v63, v33  }
0x7b: {  	v58 =	vmul.f32 v58, v7;
	v35 =	vadd.f32 v22, v35;
	v22 =	vmul.f32 v28, v14;
	v28 =	vld [tilespmem:s26+$0xFFFFFF10]  }
0x7c: {  	v38 =	vld [tilespmem:s26+$0xFFFFFDE0];
	v52 =	vperm.xlane v60, v5;
	v29 =	vadd.f32 v46, v29;
	v32 =	vadd.f32 v32, v33  }
0x7d: {  	v50 =	vld [tilespmem:s26+$0xFFFFFEB0];
	v62 =	vadd.f32 v61, v58;
	v35 =	vadd.f32 v51, v35;
	v31 =	vmul.f32 v31, v9  }
0x7e: {  	v63 =	vld [tilespmem:s26+$0xFFFFFF20];
	v58 =	vmul.f32 v55, v10;
	v37 =	vadd.f32 v37, v29;
	v32 =	vadd.f32 v57, v32  }
0x7f: {  	v39 =	vmul.f32 v39, v7;
	v53 =	vadd.f32 v53, v35;
	v35 =	vld [tilespmem:s26+$0xFFFFFF30];
	v31 =	vadd.f32 v31, v62  }
0x80: {  	v54 =	vld [tilespmem:s26+$0xFFFFFE50];
	v23 =	vadd.f32 v23, v37;
	v28 =	vmul.f32 v28, v8;
	v32 =	vadd.f32 v42, v32  }
0x81: {  	v55 =	vld [tilespmem:s26+$0xFFFFFEA0];
	v29 =	vmul.f32 v49, v13;
	v33 =	vadd.f32 v45, v53;
	v31 =	vadd.f32 v58, v31  }
0x82: {  	v46 =	vld [tilespmem:s26+$0xFFFFFEC0];
	v61 =	vperm.xlane v23, v3;
	v28 =	vadd.f32 v28, v39;
	v32 =	vadd.f32 v41, v32  }
0x83: {  	v62 =	vmul.f32 v63, v9;
	v45 =	vld [tilespmem:s26+$0xFFFFFDD0];
	v24 =	vadd.f32 v24, v33;
	v31 =	vadd.f32 v59, v31  }
0x84: {  	v49 =	vld [tilespmem:s26+$0xFFFFFE40];
	v23 =	vadd.f32 v23, v61;
	v41 =	vmul.f32 v35, v10;
	v42 =	vperm.xlane v32, v3  }
0x85: {  	v53 =	vld [tilespmem:s26+$0xFFFFFE30];
	v28 =	vadd.f32 v62, v28;
	v61 =	vmul.f32 v48, v11;
	v35 =	vmul.f32 v54, v12  }
0x86: {  	v51 =	vld [tilespmem:s26+$0xFFFFFDC0];
	v63 =	vperm.xlane v24, v3;
	v31 =	vadd.f32 v47, v31;
	v47 =	vperm.xlane v23, v4  }
0x87: {  	v59 =	vld [tilespmem:s26+$0xFFFFFE20];
	v28 =	vadd.f32 v41, v28;
	v32 =	vadd.f32 v32, v42;
	v42 =	vmul.f32 v46, v11  }
0x88: {  	v37 =	vld [tilespmem:s26+$0xFFFFFC70];
	v33 =	vmul.f32 v45, v12;
	v24 =	vadd.f32 v24, v63;
	v31 =	vadd.f32 v34, v31  }
0x89: {  	v57 =	vld [tilespmem:s26+$0xFFFFFC50];
	v41 =	vmul.f32 v49, v11;
	v63 =	vadd.f32 v23, v47;
	v23 =	vadd.f32 v61, v28  }
0x8a: {  	v58 =	vld [tilespmem:s26+$0xFFFFFDB0];
	v53 =	vmul.f32 v53, v10;
	v62 =	vperm.xlane v24, v4;
	v27 =	vadd.f32 v27, v31  }
0x8b: {  	v28 =	vmul.f32 v56, v13;
	v61 =	vld [tilespmem:s26+$0xFFFFFE80];
	v31 =	vperm.xlane v32, v4;
	v23 =	vadd.f32 v25, v23  }
0x8c: {  	v59 =	vmul.f32 v59, v9;
	v34 =	vadd.f32 v24, v62;
	v25 =	vperm.xlane v27, v3;
	v62 =	vld [tilespmem:s26+$0xFFFFFE90]  }
0x8d: {  	v44 =	vadd.f32 v32, v31;
	v32 =	vmul.f32 v37, v14;
	v37 =	vld [tilespmem:s26+$0xFFFFFE10];
	v30 =	vadd.f32 v30, v23  }
0x8e: {  	v39 =	vld [tilespmem:s26+$0xFFFFFC40];
	v24 =	vperm.xlane v63, v5;
	v31 =	vmul.f32 v38, v13;
	v25 =	vadd.f32 v27, v25  }
0x8f: {  	v56 =	vperm.xlane v34, v5;
	v27 =	vld [tilespmem:s26+$0xFFFFFE00];
	v38 =	vperm.xlane v44, v5;
	v30 =	vadd.f32 v26, v30  }
0x90: {  	v48 =	vld [tilespmem:s26+$0xFFFFFC20];
	v23 =	vadd.f32 v60, v52;
	v54 =	vmul.f32 v61, v7;
	v26 =	vperm.xlane v25, v4  }
0x91: {  	v45 =	vld [tilespmem:s26+$0xFFFFFC30];
	v24 =	vadd.f32 v63, v24;
	v49 =	vperm.xlane v30, v3;
	v60 =	vmul.f32 v62, v8  }
0x92: {  	v46 =	vld [tilespmem:s26+$0xFFFFFD80];
	v62 =	vmul.f32 v37, v8;
	v37 =	vmul.f32 v51, v11;
	v52 =	vadd.f32 v25, v26  }
0x93: {  	v47 =	vld [tilespmem:s26+$0xFFFFFD90];
	v25 =	vadd.f32 v34, v56;
	v63 =	vadd.f32 v60, v54;
	v60 =	vmul.f32 v55, v9  }
0x94: {  	v51 =	vld [tilespmem:s26+$0xFFFFFC80];
	v30 =	vadd.f32 v30, v49;
	v61 =	vmul.f32 v27, v7;
	v34 =	vperm.xlane v52, v5  }
0x95: {  	v56 =	vmul.f32 v50, v10;
	v26 =	vadd.f32 v44, v38;
	v44 =	vld [tilespmem:s26+$0xFFFFFD00];
	v38 =	vadd.f32 v60, v63  }
0x96: {  	v50 =	vld [tilespmem:s26+$0xFFFFFC10];
	v63 =	vperm.xlane v30, v4;
	v55 =	vadd.f32 v62, v61;
	v27 =	vadd.f32 v52, v34  }
0x97: {  	v49 =	vld [tilespmem:s26+$0xFFFFFC00];
	v34 =	vmul.f32 v43, v13;
	v43 =	vmul.f32 v58, v10;
	v54 =	vadd.f32 v56, v38  }
0x98: {  	s28 =	simm.s32 $0x0;
	s29 =	simm.s32 $0x40;
	v52 =	vld [tilespmem:s26+$0xFFFFFC90];
	v30 =	vadd.f32 v30, v63;
	v38 =	vmul.f32 v57, v12;
	v55 =	vadd.f32 v59, v55  }
.LBB2_3:
0x99: {  	p0 =	sne.s32 s29, $0x1C0;
	v39 =	vmul.f32 v39, v11;
	v56 =	vld [tilespmem:s26+$0xFFFFFD10];
	v40 =	vmul.f32 v40, v9;
	v42 =	vadd.f32 v42, v54  }
0x9a: {  	v45 =	vmul.f32 v45, v10;
	v46 =	vmul.f32 v46, v7;
	v54 =	vld [tilespmem:s26+$0xFFFFFCA0];
	v53 =	vadd.f32 v53, v55  }
0x9b: {  	v48 =	vmul.f32 v48, v9;
	v47 =	vmul.f32 v47, v8;
	v55 =	vld [tilespmem:s26+$0xFFFFFD20];
	v36 =	vadd.f32 v36, v42  }
0x9c: {  	v42 =	vmul.f32 v49, v7;
	v49 =	vmul.f32 v50, v8;
	v50 =	vld [tilespmem:s26+$0xFFFFFCB0];
	v41 =	vadd.f32 v41, v53  }
0x9d: {  	v51 =	vmul.f32 v51, v7;
	v52 =	vmul.f32 v52, v8;
	v53 =	vld [tilespmem:s26+$0xFFFFFD30];
	v29 =	vadd.f32 v29, v36  }
0x9e: {  	v44 =	vmul.f32 v44, v7;
	v36 =	vld [tilespmem:s26+$0xFFFFFCC0];
	v56 =	vmul.f32 v56, v8;
	v35 =	vadd.f32 v35, v41  }
0x9f: {  	v41 =	vadd.f32 v49, v42;
	v42 =	vadd.f32 v52, v51;
	v49 =	vmul.f32 v54, v9;
	v51 =	vld [tilespmem:s26+$0xFFFFFD40]  }
0xa0: {  	v46 =	vadd.f32 v47, v46;
	v52 =	vld [tilespmem:s26+$0xFFFFFCD0];
	v44 =	vadd.f32 v56, v44;
	v54 =	vmul.f32 v55, v9  }
0xa1: {  	v41 =	vadd.f32 v48, v41;
	v42 =	vadd.f32 v49, v42;
	v47 =	vmul.f32 v50, v10;
	v48 =	vld [tilespmem:s26+$0xFFFFFD50]  }
0xa2: {  	v40 =	vadd.f32 v40, v46;
	v49 =	vld [tilespmem:s26+$0xFFFFFCE0];
	v44 =	vadd.f32 v54, v44;
	v50 =	vmul.f32 v53, v10  }
0xa3: {  	v41 =	vadd.f32 v45, v41;
	v42 =	vadd.f32 v47, v42;
	v36 =	vmul.f32 v36, v11;
	v45 =	vld [tilespmem:s26+$0xFFFFFD60]  }
0xa4: {  	v40 =	vadd.f32 v43, v40;
	v46 =	vld [tilespmem:s26+$0xFFFFFCF0];
	v44 =	vadd.f32 v50, v44;
	v47 =	vmul.f32 v51, v11  }
0xa5: {  	v39 =	vadd.f32 v39, v41;
	v36 =	vadd.f32 v36, v42;
	v41 =	vmul.f32 v52, v12;
	v42 =	vld [tilespmem:s26+$0xFFFFFD70]  }
0xa6: {  	v37 =	vadd.f32 v37, v40;
	v43 =	vadd.f32 v47, v44;
	v44 =	vmul.f32 v48, v12;
	v40 =	vld [tilespmem:s26+$0xFFFFFDF0]  }
0xa7: {  	v38 =	vadd.f32 v38, v39;
	v36 =	vadd.f32 v41, v36;
	v39 =	vmul.f32 v49, v13  }
0xa8: {  	v33 =	vadd.f32 v33, v37;
	v41 =	vadd.f32 v44, v43;
	v43 =	vmul.f32 v45, v13  }
0xa9: {  	v34 =	vadd.f32 v34, v38;
	v36 =	vadd.f32 v39, v36;
	v37 =	vmul.f32 v46, v14  }
0xaa: {  	v31 =	vadd.f32 v31, v33;
	v38 =	vadd.f32 v43, v41;
	v39 =	vmul.f32 v42, v14  }
0xab: {  	v32 =	vadd.f32 v32, v34;
	v33 =	vadd.f32 v37, v36;
	v34 =	vmul.f32 v40, v14  }
0xac: {  	v28 =	vadd.f32 v28, v35;
	v35 =	vperm.xlane v30, v5;
	v36 =	vadd.f32 v39, v38  }
0xad: {  	v37 =	vperm.xlane v32, v3;
	v38 =	vperm.xlane v33, v3;
	v31 =	vadd.f32 v34, v31  }
0xae: {  	v21 =	vadd.f32 v21, v29;
	v22 =	vadd.f32 v22, v28;
	v34 =	vperm.xlane v36, v3  }
0xaf: {  	v28 =	vadd.f32 v32, v37;
	v29 =	vadd.f32 v33, v38;
	v32 =	vperm.xlane v31, v3  }
0xb0: {  	v33 =	vadd.f32 v36, v34;
	v34 =	vperm.xlane v22, v3;
	v36 =	vperm.xlane v21, v3  }
0xb1: {  	v37 =	vperm.xlane v28, v4;
	v38 =	vperm.xlane v29, v4;
	v31 =	vadd.f32 v31, v32  }
0xb2: {  	v32 =	vperm.xlane v33, v4;
	v22 =	vadd.f32 v22, v34;
	v21 =	vadd.f32 v21, v36  }
0xb3: {  	v28 =	vadd.f32 v28, v37;
	v29 =	vadd.f32 v29, v38;
	v34 =	vperm.xlane v31, v4  }
0xb4: {  	v32 =	vadd.f32 v33, v32;
	v33 =	vperm.xlane v22, v4;
	v36 =	vperm.xlane v21, v4  }
0xb5: {  	v37 =	vperm.xlane v28, v5;
	v38 =	vperm.xlane v29, v5;
	v31 =	vadd.f32 v31, v34  }
0xb6: {  	v34 =	vperm.xlane v32, v5;
	v22 =	vadd.f32 v22, v33;
	v21 =	vadd.f32 v21, v36  }
0xb7: {  	v28 =	vadd.f32 v28, v37;
	v29 =	vadd.f32 v29, v38;
	v33 =	vperm.xlane v31, v5  }
0xb8: {  	v32 =	vadd.f32 v32, v34;
	v34 =	vperm.xlane v22, v5;
	v36 =	vperm.xlane v21, v5  }
0xb9: {  	v37 =	vperm.xlane v28, v6;
	v38 =	vperm.xlane v29, v6;
	v31 =	vadd.f32 v31, v33  }
0xba: {  	v33 =	vperm.xlane v32, v6;
	v22 =	vadd.f32 v22, v34;
	v21 =	vadd.f32 v21, v36  }
0xbb: {  	v28 =	vadd.f32 v28, v37;
	v29 =	vadd.f32 v29, v38;
	v34 =	vperm.xlane v31, v6  }
0xbc: {  	v30 =	vadd.f32 v30, v35;
	v32 =	vadd.f32 v32, v33;
	v33 =	vperm.xlane v22, v6  }
0xbd: {  	v28 =	vsel vm0, v28, v29;
	v29 =	vadd.f32 v31, v34;
	v31 =	vperm.xlane v21, v6  }
0xbe: {  	v28 =	vsel vm1, v28, v32;
	v22 =	vadd.f32 v22, v33;
	v32 =	vperm.xlane v30, v6  }
0xbf: {  	v28 =	vsel vm2, v28, v29;
	v21 =	vadd.f32 v21, v31;
	v29 =	vperm.xlane v27, v6  }
0xc0: {  	v22 =	vsel vm3, v28, v22;
	v28 =	vadd.f32 v30, v32;
	v30 =	vperm.xlane v26, v6  }
0xc1: {  	v21 =	vsel vm4, v22, v21;
	v22 =	vadd.f32 v27, v29;
	v27 =	vperm.xlane v25, v6  }
0xc2: {  	v21 =	vsel vm5, v21, v28;
	v26 =	vadd.f32 v26, v30;
	v28 =	vperm.xlane v24, v6  }
0xc3: {  	v21 =	vsel vm6, v21, v22;
	v22 =	vadd.f32 v25, v27;
	v25 =	vperm.xlane v23, v6  }
0xc4: {  	v21 =	vsel vm7, v21, v26;
	v24 =	vadd.f32 v24, v28;
	v26 =	vperm.xlane v20, v6  }
0xc5: {  	s30 =	sshra.s32 s28, $0x2;
	s28 =	smov.u32 s29;
	v21 =	vsel vm8, v21, v22;
	v22 =	vadd.f32 v23, v25;
	v23 =	vperm.xlane v19, v6  }
0xc6: {  	v21 =	vsel vm9, v21, v24;
	v20 =	vadd.f32 v20, v26;
	v24 =	vperm.xlane v18, v6;
	v25 =	vld.idx.msk [tilespmem:v15+s30+$0x0 ss:$0x1], $0xffff  }
0xc7: {  	v21 =	vsel vm10, v21, v22;
	v19 =	vadd.f32 v19, v23;
	v22 =	vperm.xlane v17, v6  }
0xc8: {  	v20 =	vsel vm11, v21, v20;
	v18 =	vadd.f32 v18, v24  }
0xc9: {  	v19 =	vsel vm12, v20, v19;
	v17 =	vadd.f32 v17, v22  }
0xca: {  	v18 =	vsel vm13, v19, v18  }
0xcb: {  	v17 =	vsel vm14, v18, v17  }
0xcc: {  	v17 =	vadd.f32 v17, v25;
	_ =	sdelay $0x1  }
0xcd: {  	s26 =	sadd.s32 $0x800, s26;
	[tilespmem:v16+s30+$0x0 ss:$0x1] =	vst.idx.msk $0xffff, v17  }
0xce: {  	v18 =	vld [tilespmem:s26+$0x3F0]  }
0xcf: {  	v22 =	vld [tilespmem:s26+$0x370]  }
0xd0: {  	v23 =	vld [tilespmem:s26+$0x3E0]  }
0xd1: {  	v24 =	vld [tilespmem:s26+$0x2F0]  }
0xd2: {  	v25 =	vld [tilespmem:s26+$0x360]  }
0xd3: {  	v26 =	vld [tilespmem:s26+$0x3D0]  }
0xd4: {  	v27 =	vld [tilespmem:s26+$0x270]  }
0xd5: {  	v28 =	vld [tilespmem:s26+$0x2E0]  }
0xd6: {  	v29 =	vld [tilespmem:s26+$0x350]  }
0xd7: {  	v30 =	vld [tilespmem:s26+$0x3C0]  }
0xd8: {  	v31 =	vld [tilespmem:s26+$0x1F0]  }
0xd9: {  	v32 =	vld [tilespmem:s26+$0x260]  }
0xda: {  	v33 =	vld [tilespmem:s26+$0x2D0]  }
0xdb: {  	v34 =	vld [tilespmem:s26+$0x340]  }
0xdc: {  	v35 =	vld [tilespmem:s26+$0x3B0]  }
0xdd: {  	v36 =	vld [tilespmem:s26+$0x170]  }
0xde: {  	v37 =	vld [tilespmem:s26+$0x1E0]  }
0xdf: {  	v38 =	vld [tilespmem:s26+$0x250]  }
0xe0: {  	v39 =	vld [tilespmem:s26+$0x2C0]  }
0xe1: {  	v40 =	vld [tilespmem:s26+$0x330]  }
0xe2: {  	v41 =	vld [tilespmem:s26+$0x3A0]  }
0xe3: {  	v42 =	vld [tilespmem:s26+$0xF0]  }
0xe4: {  	v43 =	vld [tilespmem:s26+$0x160]  }
0xe5: {  	v44 =	vld [tilespmem:s26+$0x1D0]  }
0xe6: {  	v45 =	vld [tilespmem:s26+$0x240]  }
0xe7: {  	v46 =	vld [tilespmem:s26+$0x2B0]  }
0xe8: {  	v47 =	vld [tilespmem:s26+$0x320]  }
0xe9: {  	v48 =	vld [tilespmem:s26+$0x380]  }
0xea: {  	v49 =	vld [tilespmem:s26+$0x390]  }
0xeb: {  	v20 =	vld [tilespmem:s26+$0x70]  }
0xec: {  	v19 =	vld [tilespmem:s26+$0xE0]  }
0xed: {  	v17 =	vld [tilespmem:s26+$0x150]  }
0xee: {  	v50 =	vmul.f32 v18, v14;
	v21 =	vld [tilespmem:s26+$0x1C0]  }
0xef: {  	v52 =	vmul.f32 v22, v14;
	v53 =	vmul.f32 v23, v13;
	v51 =	vld [tilespmem:s26+$0x230]  }
0xf0: {  	v18 =	vmul.f32 v48, v7;
	v22 =	vmul.f32 v49, v8;
	v54 =	vld [tilespmem:s26+$0x2A0]  }
0xf1: {  	v25 =	vmul.f32 v25, v13;
	v48 =	vmul.f32 v24, v14;
	v23 =	vld [tilespmem:s26+$0x300]  }
0xf2: {  	v41 =	vmul.f32 v41, v9;
	v49 =	vmul.f32 v26, v12;
	v18 =	vadd.f32 v22, v18;
	v24 =	vld [tilespmem:s26+$0x310]  }
0xf3: {  	v27 =	vmul.f32 v27, v14;
	v55 =	vmul.f32 v28, v13;
	v22 =	vld [tilespmem:s26+$0xFFFFFFF0]  }
0xf4: {  	v29 =	vmul.f32 v29, v12;
	v35 =	vmul.f32 v35, v10;
	v41 =	vadd.f32 v41, v18;
	v28 =	vld [tilespmem:s26+$0x280]  }
0xf5: {  	v30 =	vmul.f32 v30, v11;
	v18 =	vmul.f32 v31, v14;
	v31 =	vld [tilespmem:s26+$0x290]  }
0xf6: {  	v32 =	vmul.f32 v32, v13;
	v33 =	vmul.f32 v33, v12;
	v35 =	vadd.f32 v35, v41;
	v26 =	vld [tilespmem:s26+$0x60]  }
0xf7: {  	v56 =	vmul.f32 v23, v7;
	v41 =	vld [tilespmem:s26+$0x200];
	v24 =	vmul.f32 v24, v8  }
0xf8: {  	v34 =	vmul.f32 v34, v11;
	v23 =	vmul.f32 v36, v14;
	v30 =	vadd.f32 v30, v35;
	v36 =	vld [tilespmem:s26+$0x210]  }
0xf9: {  	v37 =	vmul.f32 v37, v13;
	v47 =	vmul.f32 v47, v9;
	v35 =	vld [tilespmem:s26+$0xD0];
	v24 =	vadd.f32 v24, v56  }
0xfa: {  	v28 =	vmul.f32 v28, v7;
	v30 =	vadd.f32 v49, v30;
	v56 =	vld [tilespmem:s26+$0x220];
	v31 =	vmul.f32 v31, v8  }
0xfb: {  	v38 =	vmul.f32 v38, v12;
	v40 =	vmul.f32 v40, v10;
	v49 =	vld [tilespmem:s26+$0x140];
	v24 =	vadd.f32 v47, v24  }
0xfc: {  	v30 =	vadd.f32 v53, v30;
	v47 =	vld [tilespmem:s26+$0x1B0];
	v28 =	vadd.f32 v31, v28;
	v31 =	vmul.f32 v54, v9  }
0xfd: {  	v41 =	vmul.f32 v41, v7;
	v53 =	vld [tilespmem:s26+$0xFFFFFF70];
	v36 =	vmul.f32 v36, v8;
	v24 =	vadd.f32 v40, v24  }
0xfe: {  	v30 =	vadd.f32 v50, v30;
	v40 =	vld [tilespmem:s26+$0xFFFFFFE0];
	v28 =	vadd.f32 v31, v28;
	v31 =	vmul.f32 v46, v10  }
0xff: {  	v46 =	vld [tilespmem:s26+$0x50];
	v36 =	vadd.f32 v36, v41;
	v41 =	vmul.f32 v56, v9;
	v24 =	vadd.f32 v34, v24  }
0x100: {  	v34 =	vld [tilespmem:s26+$0x180];
	v28 =	vadd.f32 v31, v28;
	v31 =	vmul.f32 v39, v11;
	v39 =	vperm.xlane v30, v3  }
0x101: {  	v50 =	vld [tilespmem:s26+$0x190];
	v36 =	vadd.f32 v41, v36;
	v41 =	vmul.f32 v51, v10;
	v29 =	vadd.f32 v29, v24  }
0x102: {  	v24 =	vmul.f32 v42, v14;
	v51 =	vld [tilespmem:s26+$0xC0];
	v31 =	vadd.f32 v31, v28;
	v30 =	vadd.f32 v30, v39  }
0x103: {  	v39 =	vld [tilespmem:s26+$0x1A0];
	v36 =	vadd.f32 v41, v36;
	v41 =	vmul.f32 v45, v11;
	v25 =	vadd.f32 v25, v29  }
0x104: {  	v42 =	vmul.f32 v44, v12;
	v28 =	vmul.f32 v43, v13;
	v29 =	vld [tilespmem:s26+$0x130];
	v31 =	vadd.f32 v33, v31  }
0x105: {  	v33 =	vld [tilespmem:s26+$0xFFFFFEF0];
	v36 =	vadd.f32 v41, v36;
	v25 =	vadd.f32 v52, v25;
	v41 =	vperm.xlane v30, v4  }
0x106: {  	v34 =	vmul.f32 v34, v7;
	v43 =	vld [tilespmem:s26+$0xFFFFFF60];
	v44 =	vmul.f32 v50, v8;
	v31 =	vadd.f32 v55, v31  }
0x107: {  	v45 =	vld [tilespmem:s26+$0xFFFFFFD0];
	v36 =	vadd.f32 v38, v36;
	v38 =	vperm.xlane v25, v3;
	v41 =	vadd.f32 v30, v41  }
0x108: {  	v50 =	vld [tilespmem:s26+$0x40];
	v30 =	vadd.f32 v44, v34;
	v34 =	vmul.f32 v39, v9;
	v31 =	vadd.f32 v48, v31  }
0x109: {  	v39 =	vld [tilespmem:s26+$0xB0];
	v32 =	vadd.f32 v32, v36;
	v36 =	vadd.f32 v25, v38;
	v38 =	vperm.xlane v41, v5  }
0x10a: {  	v44 =	vld [tilespmem:s26+$0x120];
	v25 =	vadd.f32 v34, v30;
	v34 =	vmul.f32 v47, v10;
	v47 =	vperm.xlane v31, v3  }
0x10b: {  	v30 =	vmul.f32 v20, v14;
	v48 =	vld [tilespmem:s26+$0xFFFFFE70];
	v20 =	vadd.f32 v27, v32;
	v27 =	vperm.xlane v36, v4  }
0x10c: {  	v21 =	vmul.f32 v21, v11;
	v52 =	vld [tilespmem:s26+$0xFFFFFEE0];
	v32 =	vadd.f32 v34, v25;
	v31 =	vadd.f32 v31, v47  }
0x10d: {  	v47 =	vmul.f32 v19, v13;
	v25 =	vld [tilespmem:s26+$0xFFFFFF50];
	v19 =	vperm.xlane v20, v3;
	v36 =	vadd.f32 v36, v27  }
0x10e: {  	v55 =	vmul.f32 v17, v12;
	v54 =	vld [tilespmem:s26+$0xFFFFFFC0];
	v17 =	vadd.f32 v21, v32;
	v21 =	vperm.xlane v31, v4  }
0x10f: {  	v27 =	vmul.f32 v22, v14;
	v22 =	vld [tilespmem:s26+$0x30];
	v19 =	vadd.f32 v20, v19;
	v20 =	vperm.xlane v36, v5  }
0x110: {  	v56 =	vmul.f32 v26, v13;
	v57 =	vld [tilespmem:s26+$0xA0];
	v17 =	vadd.f32 v42, v17;
	v42 =	vadd.f32 v31, v21  }
0x111: {  	v35 =	vmul.f32 v35, v12;
	v32 =	vld [tilespmem:s26+$0x100];
	v21 =	vperm.xlane v19, v4  }
0x112: {  	v49 =	vmul.f32 v49, v11;
	v58 =	vld [tilespmem:s26+$0x110];
	v17 =	vadd.f32 v37, v17;
	v37 =	vperm.xlane v42, v5  }
0x113: {  	v26 =	vmul.f32 v53, v14;
	v34 =	vmul.f32 v40, v13;
	v31 =	vld [tilespmem:s26+$0xFFFFFE60];
	v40 =	vadd.f32 v19, v21  }
0x114: {  	v46 =	vmul.f32 v46, v12;
	v51 =	vmul.f32 v51, v11;
	v53 =	vld [tilespmem:s26+$0x80];
	v59 =	vadd.f32 v18, v17  }
0x115: {  	v29 =	vmul.f32 v29, v10;
	v60 =	vld [tilespmem:s26+$0x90];
	v61 =	vperm.xlane v40, v5  }
0x116: {  	v21 =	vmul.f32 v33, v14;
	v17 =	vadd.f32 v41, v38;
	v62 =	vld [tilespmem:s26+$0x0];
	v63 =	vperm.xlane v59, v3  }
0x117: {  	v18 =	vadd.f32 v36, v20;
	v41 =	vmul.f32 v32, v7;
	v38 =	vld [tilespmem:s26+$0x10];
	v58 =	vmul.f32 v58, v8  }
0x118: {  	v36 =	vmul.f32 v45, v12;
	v19 =	vadd.f32 v42, v37;
	v32 =	vmul.f32 v43, v13;
	v33 =	vld [tilespmem:s26+$0xFFFFFED0]  }
0x119: {  	v42 =	vmul.f32 v44, v9;
	v43 =	vadd.f32 v59, v63;
	v37 =	vld [tilespmem:s26+$0x20];
	v41 =	vadd.f32 v58, v41  }
0x11a: {  	v20 =	vadd.f32 v40, v61;
	v45 =	vmul.f32 v53, v7;
	v44 =	vld [tilespmem:s26+$0xFFFFFF40];
	v53 =	vmul.f32 v60, v8  }
0x11b: {  	v57 =	vmul.f32 v57, v9;
	v40 =	vld [tilespmem:s26+$0xFFFFFF80];
	v41 =	vadd.f32 v42, v41;
	v42 =	vperm.xlane v43, v4  }
0x11c: {  	v59 =	vmul.f32 v62, v7;
	v58 =	vld [tilespmem:s26+$0xFFFFFF90];
	v38 =	vmul.f32 v38, v8;
	v45 =	vadd.f32 v53, v45  }
0x11d: {  	v39 =	vmul.f32 v39, v10;
	v53 =	vld [tilespmem:s26+$0xFFFFFFB0];
	v29 =	vadd.f32 v29, v41;
	v41 =	vadd.f32 v43, v42  }
0x11e: {  	v42 =	vld [tilespmem:s26+$0xFFFFFFA0];
	v38 =	vadd.f32 v38, v59;
	v37 =	vmul.f32 v37, v9;
	v43 =	vadd.f32 v57, v45  }
0x11f: {  	v50 =	vmul.f32 v50, v11;
	v45 =	vld [tilespmem:s26+$0xFFFFFDE0];
	v29 =	vadd.f32 v49, v29;
	v49 =	vperm.xlane v41, v5  }
0x120: {  	v57 =	vld [tilespmem:s26+$0xFFFFFE50];
	v37 =	vadd.f32 v37, v38;
	v38 =	vmul.f32 v22, v10;
	v39 =	vadd.f32 v39, v43  }
0x121: {  	v40 =	vmul.f32 v40, v7;
	v43 =	vld [tilespmem:s26+$0xFFFFFF00];
	v58 =	vmul.f32 v58, v8;
	v29 =	vadd.f32 v55, v29  }
0x122: {  	v22 =	vmul.f32 v48, v14;
	v48 =	vld [tilespmem:s26+$0xFFFFFF10];
	v37 =	vadd.f32 v38, v37;
	v38 =	vadd.f32 v51, v39  }
0x123: {  	v51 =	vld [tilespmem:s26+$0xFFFFFEC0];
	v39 =	vadd.f32 v58, v40;
	v40 =	vmul.f32 v42, v9;
	v28 =	vadd.f32 v28, v29  }
0x124: {  	v29 =	vmul.f32 v52, v13;
	v42 =	vld [tilespmem:s26+$0xFFFFFF20];
	v37 =	vadd.f32 v50, v37;
	v35 =	vadd.f32 v35, v38  }
0x125: {  	v38 =	vld [tilespmem:s26+$0xFFFFFF30];
	v39 =	vadd.f32 v40, v39;
	v40 =	vmul.f32 v53, v10;
	v23 =	vadd.f32 v23, v28  }
0x126: {  	v28 =	vmul.f32 v54, v11;
	v50 =	vld [tilespmem:s26+$0xFFFFFC70];
	v37 =	vadd.f32 v46, v37;
	v35 =	vadd.f32 v47, v35  }
0x127: {  	v43 =	vmul.f32 v43, v7;
	v46 =	vld [tilespmem:s26+$0xFFFFFDD0];
	v47 =	vmul.f32 v48, v8;
	v39 =	vadd.f32 v40, v39  }
0x128: {  	v48 =	vld [tilespmem:s26+$0xFFFFFE40];
	v37 =	vadd.f32 v56, v37;
	v24 =	vadd.f32 v24, v35;
	v35 =	vperm.xlane v23, v3  }
0x129: {  	v52 =	vld [tilespmem:s26+$0xFFFFFEB0];
	v40 =	vadd.f32 v47, v43;
	v42 =	vmul.f32 v42, v9;
	v28 =	vadd.f32 v28, v39  }
0x12a: {  	v43 =	vld [tilespmem:s26+$0xFFFFFC60];
	v30 =	vadd.f32 v30, v37;
	v37 =	vperm.xlane v24, v3;
	v23 =	vadd.f32 v23, v35  }
0x12b: {  	v38 =	vmul.f32 v38, v10;
	v53 =	vld [tilespmem:s26+$0xFFFFFDC0];
	v35 =	vadd.f32 v42, v40;
	v28 =	vadd.f32 v36, v28  }
0x12c: {  	v54 =	vld [tilespmem:s26+$0xFFFFFE30];
	v36 =	vperm.xlane v30, v3;
	v24 =	vadd.f32 v24, v37;
	v37 =	vperm.xlane v23, v4  }
0x12d: {  	v55 =	vld [tilespmem:s26+$0xFFFFFEA0];
	v35 =	vadd.f32 v38, v35;
	v38 =	vmul.f32 v44, v11;
	v28 =	vadd.f32 v34, v28  }
0x12e: {  	v56 =	vld [tilespmem:s26+$0xFFFFFC50];
	v30 =	vadd.f32 v30, v36;
	v34 =	vperm.xlane v24, v4;
	v37 =	vadd.f32 v23, v37  }
0x12f: {  	v25 =	vmul.f32 v25, v12;
	v58 =	vld [tilespmem:s26+$0xFFFFFDB0];
	v23 =	vadd.f32 v38, v35;
	v27 =	vadd.f32 v27, v28  }
0x130: {  	v38 =	vld [tilespmem:s26+$0xFFFFFE20];
	v35 =	vperm.xlane v30, v4;
	v34 =	vadd.f32 v24, v34;
	v24 =	vperm.xlane v37, v5  }
0x131: {  	v28 =	vmul.f32 v31, v13;
	v44 =	vld [tilespmem:s26+$0xFFFFFE80];
	v23 =	vadd.f32 v25, v23;
	v25 =	vperm.xlane v27, v3  }
0x132: {  	v36 =	vmul.f32 v33, v12;
	v47 =	vld [tilespmem:s26+$0xFFFFFE90];
	v30 =	vadd.f32 v30, v35;
	v59 =	vperm.xlane v34, v5  }
0x133: {  	v31 =	vmul.f32 v45, v13;
	v39 =	vld [tilespmem:s26+$0xFFFFFC40];
	v32 =	vadd.f32 v32, v23;
	v25 =	vadd.f32 v27, v25  }
0x134: {  	v42 =	vmul.f32 v51, v11;
	v35 =	vmul.f32 v57, v12;
	v23 =	vadd.f32 v41, v49;
	v40 =	vld [tilespmem:s26+$0xFFFFFDA0]  }
0x135: {  	v51 =	vperm.xlane v30, v5;
	v27 =	vld [tilespmem:s26+$0xFFFFFE00];
	v49 =	vadd.f32 v26, v32;
	v26 =	vperm.xlane v25, v4  }
0x136: {  	v33 =	vmul.f32 v46, v12;
	v24 =	vadd.f32 v37, v24;
	v32 =	vmul.f32 v50, v14;
	v50 =	vld [tilespmem:s26+$0xFFFFFE10]  }
0x137: {  	v41 =	vmul.f32 v48, v11;
	v45 =	vld [tilespmem:s26+$0xFFFFFC30];
	v37 =	vperm.xlane v49, v3;
	v57 =	vadd.f32 v25, v26  }
0x138: {  	v44 =	vmul.f32 v44, v7;
	v60 =	vmul.f32 v47, v8;
	v25 =	vadd.f32 v34, v59;
	v46 =	vld [tilespmem:s26+$0xFFFFFD80]  }
0x139: {  	v52 =	vmul.f32 v52, v10;
	v26 =	vadd.f32 v30, v51;
	v47 =	vld [tilespmem:s26+$0xFFFFFD90];
	v34 =	vperm.xlane v57, v5  }
0x13a: {  	v51 =	vmul.f32 v55, v9;
	v30 =	vadd.f32 v60, v44;
	v55 =	vadd.f32 v49, v37;
	v48 =	vld [tilespmem:s26+$0xFFFFFC20]  }
.Ltmp0:
0x13b: {  	v59 =	vmul.f32 v27, v7;
	v44 =	vld [tilespmem:s26+$0xFFFFFD00];
	v60 =	vmul.f32 v50, v8;
	v27 =	vadd.f32 v57, v34;
	(pc) =	sbr.rel @p0 .LBB2_3-.Ltmp0, $4  }
0x13c: {  	v34 =	vmul.f32 v43, v13;
	v30 =	vadd.f32 v51, v30;
	v43 =	vperm.xlane v55, v4;
	v49 =	vld [tilespmem:s26+$0xFFFFFC00]  }
0x13d: {  	v37 =	vmul.f32 v53, v11;
	v50 =	vld [tilespmem:s26+$0xFFFFFC10];
	v57 =	vadd.f32 v60, v59;
	v59 =	vmul.f32 v38, v9  }
0x13e: {  	v53 =	vmul.f32 v54, v10;
	v54 =	vadd.f32 v52, v30;
	v30 =	vadd.f32 v55, v43;
	v51 =	vld [tilespmem:s26+$0xFFFFFC80]  }
0x13f: {  	s29 =	sadd.s32 $0x40, s29;
	v38 =	vmul.f32 v56, v12;
	v43 =	vmul.f32 v58, v10;
	v52 =	vld [tilespmem:s26+$0xFFFFFC90];
	v55 =	vadd.f32 v59, v57  }
0x140: {  	v39 =	vmul.f32 v39, v11;
	v40 =	vmul.f32 v40, v9  }
0x141: {  	v56 =	vld [tilespmem:s26+$0xFFFFFD10];
	v45 =	vmul.f32 v45, v10;
	v46 =	vmul.f32 v46, v7  }
0x142: {  	v42 =	vadd.f32 v42, v54;
	v54 =	vld [tilespmem:s26+$0xFFFFFCA0];
	v48 =	vmul.f32 v48, v9;
	v47 =	vmul.f32 v47, v8  }
0x143: {  	v44 =	vmul.f32 v44, v7;
	v53 =	vadd.f32 v53, v55;
	v55 =	vld [tilespmem:s26+$0xFFFFFD20];
	v62 =	vmul.f32 v49, v7  }
0x144: {  	v60 =	vld [tilespmem:s26+$0xFFFFFCB0];
	v36 =	vadd.f32 v36, v42;
	v63 =	vmul.f32 v50, v8;
	v46 =	vadd.f32 v47, v46  }
0x145: {  	v41 =	vadd.f32 v41, v53;
	v51 =	vmul.f32 v51, v7;
	v53 =	vld [tilespmem:s26+$0xFFFFFD30];
	v52 =	vmul.f32 v52, v8  }
0x146: {  	v29 =	vadd.f32 v29, v36;
	v36 =	vld [tilespmem:s26+$0xFFFFFCC0];
	v61 =	vadd.f32 v63, v62;
	v56 =	vmul.f32 v56, v8  }
0x147: {  	v40 =	vadd.f32 v40, v46;
	v63 =	vmul.f32 v54, v9;
	v62 =	vadd.f32 v52, v51;
	v51 =	vld [tilespmem:s26+$0xFFFFFD40]  }
0x148: {  	v35 =	vadd.f32 v35, v41;
	v52 =	vld [tilespmem:s26+$0xFFFFFCD0];
	v57 =	vmul.f32 v55, v9;
	v44 =	vadd.f32 v56, v44  }
0x149: {  	v59 =	vld [tilespmem:s26+$0xFFFFFD50];
	v58 =	vmul.f32 v60, v10;
	v41 =	vadd.f32 v48, v61;
	v42 =	vadd.f32 v63, v62  }
0x14a: {  	v60 =	vld [tilespmem:s26+$0xFFFFFCE0];
	v40 =	vadd.f32 v43, v40;
	v61 =	vmul.f32 v53, v10;
	v44 =	vadd.f32 v57, v44  }
0x14b: {  	v41 =	vadd.f32 v45, v41;
	v62 =	vld [tilespmem:s26+$0xFFFFFD60];
	v36 =	vmul.f32 v36, v11;
	v42 =	vadd.f32 v58, v42  }
0x14c: {  	v28 =	vadd.f32 v28, v35;
	v63 =	vld [tilespmem:s26+$0xFFFFFCF0];
	v44 =	vadd.f32 v61, v44;
	v51 =	vmul.f32 v51, v11  }
0x14d: {  	v54 =	vld [tilespmem:s26+$0xFFFFFD70];
	v39 =	vadd.f32 v39, v41;
	v53 =	vmul.f32 v52, v12;
	v36 =	vadd.f32 v36, v42  }
0x14e: {  	v56 =	vmul.f32 v59, v12;
	v37 =	vadd.f32 v37, v40;
	v57 =	vld [tilespmem:s26+$0xFFFFFDF0];
	v55 =	vadd.f32 v51, v44  }
0x14f: {  	v58 =	vmul.f32 v60, v13;
	v38 =	vadd.f32 v38, v39;
	v36 =	vadd.f32 v53, v36  }
0x150: {  	v33 =	vadd.f32 v33, v37;
	v60 =	vmul.f32 v62, v13;
	v59 =	vadd.f32 v56, v55  }
0x151: {  	v61 =	vmul.f32 v63, v14;
	v34 =	vadd.f32 v34, v38;
	v36 =	vadd.f32 v58, v36  }
0x152: {  	v31 =	vadd.f32 v31, v33;
	v63 =	vmul.f32 v54, v14;
	v62 =	vadd.f32 v60, v59  }
0x153: {  	v42 =	vmul.f32 v57, v14;
	v32 =	vadd.f32 v32, v34;
	v41 =	vadd.f32 v61, v36  }
0x154: {  	v22 =	vadd.f32 v22, v28;
	v43 =	vadd.f32 v63, v62  }
0x155: {  	v31 =	vadd.f32 v42, v31;
	v45 =	vperm.xlane v32, v3;
	v46 =	vperm.xlane v41, v3  }
0x156: {  	v21 =	vadd.f32 v21, v29;
	v50 =	vperm.xlane v22, v3;
	v47 =	vperm.xlane v43, v3  }
0x157: {  	v48 =	vperm.xlane v31, v3;
	v28 =	vadd.f32 v32, v45;
	v29 =	vadd.f32 v41, v46  }
0x158: {  	v44 =	vperm.xlane v30, v5;
	v51 =	vperm.xlane v21, v3;
	v49 =	vadd.f32 v43, v47  }
0x159: {  	v31 =	vadd.f32 v31, v48;
	v37 =	vperm.xlane v28, v4;
	v38 =	vperm.xlane v29, v4  }
0x15a: {  	v22 =	vadd.f32 v22, v50;
	v21 =	vadd.f32 v21, v51;
	v52 =	vperm.xlane v49, v4  }
0x15b: {  	v53 =	vperm.xlane v31, v4;
	v28 =	vadd.f32 v28, v37;
	v29 =	vadd.f32 v29, v38  }
0x15c: {  	v54 =	vperm.xlane v22, v4;
	v36 =	vperm.xlane v21, v4;
	v32 =	vadd.f32 v49, v52  }
0x15d: {  	v31 =	vadd.f32 v31, v53;
	v37 =	vperm.xlane v28, v5;
	v38 =	vperm.xlane v29, v5  }
0x15e: {  	v22 =	vadd.f32 v22, v54;
	v21 =	vadd.f32 v21, v36;
	v55 =	vperm.xlane v32, v5  }
0x15f: {  	v56 =	vperm.xlane v31, v5;
	v28 =	vadd.f32 v28, v37;
	v29 =	vadd.f32 v29, v38  }
0x160: {  	v57 =	vperm.xlane v22, v5;
	v36 =	vperm.xlane v21, v5;
	v32 =	vadd.f32 v32, v55  }
0x161: {  	v31 =	vadd.f32 v31, v56;
	v37 =	vperm.xlane v28, v6;
	v38 =	vperm.xlane v29, v6  }
0x162: {  	v22 =	vadd.f32 v22, v57;
	v21 =	vadd.f32 v21, v36;
	v58 =	vperm.xlane v32, v6  }
0x163: {  	v59 =	vperm.xlane v31, v6;
	v28 =	vadd.f32 v28, v37;
	v29 =	vadd.f32 v29, v38  }
0x164: {  	v30 =	vadd.f32 v30, v44;
	v60 =	vperm.xlane v22, v6;
	v32 =	vadd.f32 v32, v58  }
0x165: {  	v28 =	vsel vm0, v28, v29;
	v29 =	vadd.f32 v31, v59;
	v31 =	vperm.xlane v21, v6  }
0x166: {  	v61 =	vperm.xlane v30, v6;
	v22 =	vadd.f32 v22, v60;
	v28 =	vsel vm1, v28, v32  }
0x167: {  	v28 =	vsel vm2, v28, v29;
	v21 =	vadd.f32 v21, v31;
	v29 =	vperm.xlane v27, v6  }
0x168: {  	v22 =	vsel vm3, v28, v22;
	v28 =	vadd.f32 v30, v61;
	v30 =	vperm.xlane v26, v6  }
0x169: {  	v21 =	vsel vm4, v22, v21;
	v22 =	vadd.f32 v27, v29;
	v27 =	vperm.xlane v25, v6  }
0x16a: {  	v21 =	vsel vm5, v21, v28;
	v26 =	vadd.f32 v26, v30;
	v28 =	vperm.xlane v24, v6  }
0x16b: {  	v21 =	vsel vm6, v21, v22;
	v22 =	vadd.f32 v25, v27;
	v25 =	vperm.xlane v23, v6  }
0x16c: {  	v21 =	vsel vm7, v21, v26;
	v24 =	vadd.f32 v24, v28;
	v26 =	vperm.xlane v20, v6  }
0x16d: {  	v21 =	vsel vm8, v21, v22;
	v22 =	vadd.f32 v23, v25;
	v23 =	vperm.xlane v19, v6  }
0x16e: {  	s28 =	sshra.s32 s28, $0x2;
	v21 =	vsel vm9, v21, v24;
	v20 =	vadd.f32 v20, v26;
	v24 =	vperm.xlane v18, v6  }
0x16f: {  	v15 =	vld.idx.msk [tilespmem:v15+s28+$0x0 ss:$0x1], $0xffff;
	v21 =	vsel vm10, v21, v22;
	v19 =	vadd.f32 v19, v23;
	v22 =	vperm.xlane v17, v6  }
0x170: {  	v20 =	vsel vm11, v21, v20;
	v18 =	vadd.f32 v18, v24  }
0x171: {  	v19 =	vsel vm12, v20, v19;
	v17 =	vadd.f32 v17, v22  }
0x172: {  	v18 =	vsel vm13, v19, v18  }
0x173: {  	v17 =	vsel vm14, v18, v17  }
0x174: {  	v15 =	vadd.f32 v17, v15  }
0x175: {  	p0 =	seq.s32 s25, $0x2;
	s26 =	sshll.u32 s25, $0xC  }
0x176: {  	s29 =	simm.s32 @!p0 $0x0;
	s30 =	simm.s32 @!p0 $0x80;
	[tilespmem:v16+s28+$0x0 ss:$0x1] =	vst.idx.msk $0xffff, v15;
	s28 =	sadd.s32 @!p0 s26, s7  }
0x177: {  	[tilespmem:s30], [sflag:$0x1] =	stream.linear.gather @!p0 [hbm4b:s28+s29], $0x4000, $0x38;
	[tilespmem:$0x8700] =	vst v63  }
0x178: {  	_ =	swait.ge [sflag:s16], $0x4000  }
0x179: {  	[sflag:s16] =	ssyncset.done $0x0  }
0x17a: {  	s28 =	simm.s32 $0x4480;
	[sflag:s16] =	ssyncadd.s32 $0xFFFFC000  }
0x17b: {  	v15 =	vld [tilespmem:s28+$0x3F0]  }
0x17c: {  	v16 =	vld [tilespmem:s28+$0x370]  }
0x17d: {  	v17 =	vld [tilespmem:s28+$0x3E0]  }
0x17e: {  	v18 =	vld [tilespmem:s28+$0x2F0]  }
0x17f: {  	v19 =	vld [tilespmem:s28+$0x360]  }
0x180: {  	v20 =	vld [tilespmem:s28+$0x3D0]  }
0x181: {  	v21 =	vld [tilespmem:s28+$0x270]  }
0x182: {  	v22 =	vld [tilespmem:s28+$0x2E0]  }
0x183: {  	v23 =	vld [tilespmem:s28+$0x350]  }
0x184: {  	v24 =	vld [tilespmem:s28+$0x3C0]  }
0x185: {  	v25 =	vld [tilespmem:s28+$0x1F0]  }
0x186: {  	v26 =	vld [tilespmem:s28+$0x260]  }
0x187: {  	v27 =	vld [tilespmem:s28+$0x2D0]  }
0x188: {  	v28 =	vld [tilespmem:s28+$0x340]  }
0x189: {  	v29 =	vld [tilespmem:s28+$0x3B0]  }
0x18a: {  	v30 =	vld [tilespmem:s28+$0x170]  }
0x18b: {  	v31 =	vld [tilespmem:s28+$0x1E0]  }
0x18c: {  	v32 =	vld [tilespmem:s28+$0x250]  }
0x18d: {  	v33 =	vld [tilespmem:s28+$0x2C0]  }
0x18e: {  	v34 =	vld [tilespmem:s28+$0x330]  }
0x18f: {  	v62 =	vld [tilespmem:s28+$0x3A0]  }
0x190: {  	v36 =	vld [tilespmem:s28+$0xF0]  }
0x191: {  	v37 =	vld [tilespmem:s28+$0x160]  }
0x192: {  	v38 =	vld [tilespmem:s28+$0x1D0]  }
0x193: {  	v39 =	vld [tilespmem:s28+$0x240]  }
0x194: {  	v55 =	vld [tilespmem:s28+$0x380]  }
0x195: {  	v56 =	vld [tilespmem:s28+$0x390]  }
0x196: {  	v40 =	vld [tilespmem:s28+$0x2B0]  }
0x197: {  	v63 =	vld [tilespmem:s28+$0x320]  }
0x198: {  	v44 =	vld [tilespmem:s28+$0x70];
	v15 =	vmul.f32 v15, v14  }
0x199: {  	v45 =	vld [tilespmem:s28+$0xE0];
	v16 =	vmul.f32 v16, v14;
	v17 =	vmul.f32 v17, v13  }
0x19a: {  	v46 =	vld [tilespmem:s28+$0x150];
	v42 =	vmul.f32 v55, v7;
	v43 =	vmul.f32 v56, v8  }
0x19b: {  	v58 =	vld [tilespmem:s28+$0x300];
	v18 =	vmul.f32 v18, v14;
	v19 =	vmul.f32 v19, v13  }
0x19c: {  	v59 =	vld [tilespmem:s28+$0x310];
	v35 =	vmul.f32 v62, v9;
	v20 =	vmul.f32 v20, v12  }
0x19d: {  	v47 =	vld [tilespmem:s28+$0x1C0];
	v21 =	vmul.f32 v21, v14;
	v22 =	vmul.f32 v22, v13  }
0x19e: {  	v60 =	vld [tilespmem:s28+$0x280];
	v61 =	vmul.f32 v23, v12;
	v29 =	vmul.f32 v29, v10  }
0x19f: {  	v48 =	vld [tilespmem:s28+$0x230];
	v24 =	vmul.f32 v24, v11;
	v26 =	vmul.f32 v26, v13  }
0x1a0: {  	v57 =	vld [tilespmem:s28+$0x2A0];
	v27 =	vmul.f32 v27, v12;
	v50 =	vmul.f32 v58, v7  }
0x1a1: {  	v62 =	vld [tilespmem:s28+$0x200];
	v51 =	vmul.f32 v59, v8;
	v28 =	vmul.f32 v28, v11  }
0x1a2: {  	v31 =	vmul.f32 v31, v13;
	v41 =	vmul.f32 v63, v9;
	v63 =	vld [tilespmem:s28+$0x220];
	v42 =	vadd.f32 v43, v42  }
0x1a3: {  	v52 =	vmul.f32 v60, v7;
	v55 =	vld [tilespmem:s28+$0x140];
	v32 =	vmul.f32 v32, v12  }
0x1a4: {  	v34 =	vmul.f32 v34, v10;
	v23 =	vadd.f32 v35, v42;
	v35 =	vmul.f32 v25, v14;
	v25 =	vld [tilespmem:s28+$0x290]  }
0x1a5: {  	v49 =	vmul.f32 v57, v9;
	v40 =	vmul.f32 v40, v10;
	v58 =	vld [tilespmem:s28+$0x190]  }
0x1a6: {  	v33 =	vmul.f32 v33, v11;
	v29 =	vadd.f32 v29, v23;
	v23 =	vmul.f32 v30, v14;
	v30 =	vld [tilespmem:s28+$0x210]  }
0x1a7: {  	v48 =	vmul.f32 v48, v10;
	v37 =	vmul.f32 v37, v13;
	v50 =	vadd.f32 v51, v50;
	v51 =	vld [tilespmem:s28+$0xC0]  }
0x1a8: {  	v38 =	vmul.f32 v38, v12;
	v45 =	vmul.f32 v45, v13;
	v42 =	vld [tilespmem:s28+$0x60];
	v24 =	vadd.f32 v24, v29  }
0x1a9: {  	v46 =	vmul.f32 v46, v12;
	v29 =	vld [tilespmem:s28+$0xD0];
	v25 =	vmul.f32 v25, v8  }
0x1aa: {  	v60 =	vld [tilespmem:s28+$0x1A0];
	v54 =	vmul.f32 v62, v7;
	v20 =	vadd.f32 v20, v24;
	v24 =	vadd.f32 v41, v50  }
0x1ab: {  	v43 =	vld [tilespmem:s28+$0xFFFFFFF0];
	v56 =	vmul.f32 v63, v9;
	v25 =	vadd.f32 v25, v52;
	v30 =	vmul.f32 v30, v8  }
0x1ac: {  	v62 =	vld [tilespmem:s28+$0x130];
	v51 =	vmul.f32 v51, v11;
	v17 =	vadd.f32 v17, v20;
	v24 =	vadd.f32 v34, v24  }
0x1ad: {  	v42 =	vmul.f32 v42, v13;
	v52 =	vld [tilespmem:s28+$0xA0];
	v25 =	vadd.f32 v49, v25;
	v30 =	vadd.f32 v30, v54  }
0x1ae: {  	v34 =	vld [tilespmem:s28+$0xFFFFFFE0];
	v53 =	vmul.f32 v29, v12;
	v15 =	vadd.f32 v15, v17;
	v24 =	vadd.f32 v28, v24  }
0x1af: {  	v29 =	vld [tilespmem:s28+$0x110];
	v54 =	vmul.f32 v55, v11;
	v25 =	vadd.f32 v40, v25;
	v30 =	vadd.f32 v56, v30  }
0x1b0: {  	v28 =	vld [tilespmem:s28+$0x180];
	v57 =	vperm.xlane v15, v3;
	v59 =	vadd.f32 v61, v24;
	v24 =	vmul.f32 v36, v14  }
0x1b1: {  	v40 =	vld [tilespmem:s28+$0x0];
	v61 =	vmul.f32 v39, v11;
	v39 =	vmul.f32 v62, v10  }
0x1b2: {  	v63 =	vld [tilespmem:s28+$0xFFFFFEF0];
	v52 =	vmul.f32 v52, v9;
	v25 =	vadd.f32 v33, v25;
	v30 =	vadd.f32 v48, v30  }
0x1b3: {  	v41 =	vld [tilespmem:s28+$0x1B0];
	v34 =	vmul.f32 v34, v13;
	v15 =	vadd.f32 v15, v57;
	v19 =	vadd.f32 v19, v59  }
0x1b4: {  	v17 =	vld [tilespmem:s28+$0x50];
	v57 =	vmul.f32 v58, v8;
	v29 =	vmul.f32 v29, v8;
	v25 =	vadd.f32 v27, v25  }
0x1b5: {  	v50 =	vld [tilespmem:s28+$0xFFFFFFC0];
	v27 =	vadd.f32 v61, v30;
	v16 =	vadd.f32 v16, v19;
	v19 =	vperm.xlane v15, v4  }
0x1b6: {  	v20 =	vld [tilespmem:s28+$0xFFFFFF70];
	v28 =	vmul.f32 v28, v7;
	v40 =	vmul.f32 v40, v7;
	v22 =	vadd.f32 v22, v25  }
0x1b7: {  	v49 =	vld [tilespmem:s28+$0xFFFFFEE0];
	v25 =	vadd.f32 v32, v27;
	v27 =	vperm.xlane v16, v3;
	v19 =	vadd.f32 v15, v19  }
0x1b8: {  	v56 =	vld [tilespmem:s28+$0xFFFFFE60];
	v15 =	vadd.f32 v57, v28;
	v28 =	vmul.f32 v60, v9;
	v18 =	vadd.f32 v18, v22  }
0x1b9: {  	v36 =	vld [tilespmem:s28+$0x120];
	v57 =	vmul.f32 v17, v12;
	v25 =	vadd.f32 v26, v25;
	v16 =	vadd.f32 v16, v27  }
0x1ba: {  	v48 =	vld [tilespmem:s28+$0xFFFFFFD0];
	v26 =	vmul.f32 v41, v10;
	v15 =	vadd.f32 v28, v15;
	v27 =	vperm.xlane v18, v3  }
0x1bb: {  	v30 =	vld [tilespmem:s28+$0xFFFFFF60];
	v33 =	vperm.xlane v19, v5;
	v21 =	vadd.f32 v21, v25;
	v58 =	vperm.xlane v16, v4  }
0x1bc: {  	v32 =	vld [tilespmem:s28+$0x40];
	v15 =	vadd.f32 v26, v15;
	v26 =	vmul.f32 v47, v11;
	v18 =	vadd.f32 v18, v27  }
0x1bd: {  	v41 =	vmul.f32 v44, v14;
	v17 =	vadd.f32 v19, v33;
	v33 =	vld [tilespmem:s28+$0x10];
	v59 =	vperm.xlane v21, v3  }
0x1be: {  	v22 =	vld [tilespmem:s28+$0xB0];
	v44 =	vadd.f32 v16, v58;
	v15 =	vadd.f32 v26, v15;
	v16 =	vperm.xlane v18, v4  }
0x1bf: {  	v36 =	vmul.f32 v36, v9;
	v27 =	vmul.f32 v43, v14;
	v43 =	vld [tilespmem:s28+$0x30];
	v21 =	vadd.f32 v21, v59  }
0x1c0: {  	v30 =	vmul.f32 v30, v13;
	v26 =	vadd.f32 v38, v15;
	v38 =	vadd.f32 v18, v16;
	v18 =	vld [tilespmem:s28+$0x100]  }
0x1c1: {  	v28 =	vld [tilespmem:s28+$0xFFFFFE70];
	v32 =	vmul.f32 v32, v11;
	v47 =	vperm.xlane v44, v5  }
0x1c2: {  	v25 =	vld [tilespmem:s28+$0xFFFFFF50];
	v16 =	vperm.xlane v21, v4;
	v33 =	vmul.f32 v33, v8;
	v31 =	vadd.f32 v31, v26  }
0x1c3: {  	v58 =	vld [tilespmem:s28+$0x80];
	v26 =	vmul.f32 v20, v14;
	v55 =	vperm.xlane v38, v5  }
0x1c4: {  	v20 =	vadd.f32 v21, v16;
	v21 =	vmul.f32 v63, v14;
	v31 =	vadd.f32 v35, v31;
	v35 =	vld [tilespmem:s28+$0x90]  }
0x1c5: {  	v63 =	vmul.f32 v43, v10;
	v19 =	vadd.f32 v38, v55;
	v38 =	vld [tilespmem:s28+$0x20];
	v61 =	vmul.f32 v18, v7  }
0x1c6: {  	v33 =	vadd.f32 v33, v40;
	v43 =	vld [tilespmem:s28+$0xFFFFFC60];
	v59 =	vperm.xlane v20, v5;
	v60 =	vperm.xlane v31, v3  }
0x1c7: {  	v22 =	vmul.f32 v22, v10;
	v18 =	vadd.f32 v44, v47;
	v44 =	vld [tilespmem:s28+$0xFFFFFED0];
	v29 =	vadd.f32 v29, v61  }
0x1c8: {  	v25 =	vmul.f32 v25, v12;
	v20 =	vadd.f32 v20, v59;
	v59 =	vld [tilespmem:s28+$0xFFFFFF90];
	v31 =	vadd.f32 v31, v60  }
0x1c9: {  	v40 =	vld [tilespmem:s28+$0xFFFFFDA0];
	v60 =	vmul.f32 v58, v7;
	v35 =	vmul.f32 v35, v8;
	v29 =	vadd.f32 v36, v29  }
0x1ca: {  	v15 =	vmov s23;
	v58 =	vld [tilespmem:s28+$0xFFFFFF80];
	v61 =	vperm.xlane v31, v4;
	v62 =	vmul.f32 v38, v9  }
0x1cb: {  	v16 =	vmov s22;
	v55 =	vld [tilespmem:s28+$0xFFFFFFB0];
	v35 =	vadd.f32 v35, v60;
	v29 =	vadd.f32 v39, v29  }
0x1cc: {  	v47 =	vmul.f32 v48, v12;
	v60 =	vadd.f32 v31, v61;
	v31 =	vld [tilespmem:s28+$0xFFFFFFA0];
	v33 =	vadd.f32 v62, v33  }
0x1cd: {  	v48 =	vld [tilespmem:s28+$0xFFFFFF40];
	v36 =	vmul.f32 v44, v12;
	v61 =	vmul.f32 v59, v8;
	v35 =	vadd.f32 v52, v35  }
0x1ce: {  	v39 =	vld [tilespmem:s28+$0xFFFFFF00];
	v59 =	vmul.f32 v50, v11;
	v29 =	vadd.f32 v54, v29;
	v33 =	vadd.f32 v63, v33  }
0x1cf: {  	v58 =	vmul.f32 v58, v7;
	v35 =	vadd.f32 v22, v35;
	v22 =	vmul.f32 v28, v14;
	v28 =	vld [tilespmem:s28+$0xFFFFFF10]  }
0x1d0: {  	v38 =	vld [tilespmem:s28+$0xFFFFFDE0];
	v52 =	vperm.xlane v60, v5;
	v29 =	vadd.f32 v46, v29;
	v32 =	vadd.f32 v32, v33  }
0x1d1: {  	v50 =	vld [tilespmem:s28+$0xFFFFFEB0];
	v62 =	vadd.f32 v61, v58;
	v35 =	vadd.f32 v51, v35;
	v31 =	vmul.f32 v31, v9  }
0x1d2: {  	v63 =	vld [tilespmem:s28+$0xFFFFFF20];
	v58 =	vmul.f32 v55, v10;
	v37 =	vadd.f32 v37, v29;
	v32 =	vadd.f32 v57, v32  }
0x1d3: {  	v39 =	vmul.f32 v39, v7;
	v53 =	vadd.f32 v53, v35;
	v35 =	vld [tilespmem:s28+$0xFFFFFF30];
	v31 =	vadd.f32 v31, v62  }
0x1d4: {  	v54 =	vld [tilespmem:s28+$0xFFFFFE50];
	v23 =	vadd.f32 v23, v37;
	v28 =	vmul.f32 v28, v8;
	v32 =	vadd.f32 v42, v32  }
0x1d5: {  	v55 =	vld [tilespmem:s28+$0xFFFFFEA0];
	v29 =	vmul.f32 v49, v13;
	v33 =	vadd.f32 v45, v53;
	v31 =	vadd.f32 v58, v31  }
0x1d6: {  	v46 =	vld [tilespmem:s28+$0xFFFFFEC0];
	v61 =	vperm.xlane v23, v3;
	v28 =	vadd.f32 v28, v39;
	v32 =	vadd.f32 v41, v32  }
0x1d7: {  	v62 =	vmul.f32 v63, v9;
	v45 =	vld [tilespmem:s28+$0xFFFFFDD0];
	v24 =	vadd.f32 v24, v33;
	v31 =	vadd.f32 v59, v31  }
0x1d8: {  	v49 =	vld [tilespmem:s28+$0xFFFFFE40];
	v23 =	vadd.f32 v23, v61;
	v41 =	vmul.f32 v35, v10;
	v42 =	vperm.xlane v32, v3  }
0x1d9: {  	v53 =	vld [tilespmem:s28+$0xFFFFFE30];
	v28 =	vadd.f32 v62, v28;
	v61 =	vmul.f32 v48, v11;
	v35 =	vmul.f32 v54, v12  }
0x1da: {  	v51 =	vld [tilespmem:s28+$0xFFFFFDC0];
	v63 =	vperm.xlane v24, v3;
	v31 =	vadd.f32 v47, v31;
	v47 =	vperm.xlane v23, v4  }
0x1db: {  	v59 =	vld [tilespmem:s28+$0xFFFFFE20];
	v28 =	vadd.f32 v41, v28;
	v32 =	vadd.f32 v32, v42;
	v42 =	vmul.f32 v46, v11  }
0x1dc: {  	v37 =	vld [tilespmem:s28+$0xFFFFFC70];
	v33 =	vmul.f32 v45, v12;
	v24 =	vadd.f32 v24, v63;
	v31 =	vadd.f32 v34, v31  }
0x1dd: {  	v57 =	vld [tilespmem:s28+$0xFFFFFC50];
	v41 =	vmul.f32 v49, v11;
	v63 =	vadd.f32 v23, v47;
	v23 =	vadd.f32 v61, v28  }
0x1de: {  	v58 =	vld [tilespmem:s28+$0xFFFFFDB0];
	v53 =	vmul.f32 v53, v10;
	v62 =	vperm.xlane v24, v4;
	v27 =	vadd.f32 v27, v31  }
0x1df: {  	v28 =	vmul.f32 v56, v13;
	v61 =	vld [tilespmem:s28+$0xFFFFFE80];
	v31 =	vperm.xlane v32, v4;
	v23 =	vadd.f32 v25, v23  }
0x1e0: {  	v59 =	vmul.f32 v59, v9;
	v34 =	vadd.f32 v24, v62;
	v25 =	vperm.xlane v27, v3;
	v62 =	vld [tilespmem:s28+$0xFFFFFE90]  }
0x1e1: {  	v44 =	vadd.f32 v32, v31;
	v32 =	vmul.f32 v37, v14;
	v37 =	vld [tilespmem:s28+$0xFFFFFE10];
	v30 =	vadd.f32 v30, v23  }
0x1e2: {  	v39 =	vld [tilespmem:s28+$0xFFFFFC40];
	v24 =	vperm.xlane v63, v5;
	v31 =	vmul.f32 v38, v13;
	v25 =	vadd.f32 v27, v25  }
0x1e3: {  	v56 =	vperm.xlane v34, v5;
	v27 =	vld [tilespmem:s28+$0xFFFFFE00];
	v38 =	vperm.xlane v44, v5;
	v30 =	vadd.f32 v26, v30  }
0x1e4: {  	v48 =	vld [tilespmem:s28+$0xFFFFFC20];
	v23 =	vadd.f32 v60, v52;
	v54 =	vmul.f32 v61, v7;
	v26 =	vperm.xlane v25, v4  }
0x1e5: {  	v45 =	vld [tilespmem:s28+$0xFFFFFC30];
	v24 =	vadd.f32 v63, v24;
	v49 =	vperm.xlane v30, v3;
	v60 =	vmul.f32 v62, v8  }
0x1e6: {  	v46 =	vld [tilespmem:s28+$0xFFFFFD80];
	v62 =	vmul.f32 v37, v8;
	v37 =	vmul.f32 v51, v11;
	v52 =	vadd.f32 v25, v26  }
0x1e7: {  	v47 =	vld [tilespmem:s28+$0xFFFFFD90];
	v25 =	vadd.f32 v34, v56;
	v63 =	vadd.f32 v60, v54;
	v60 =	vmul.f32 v55, v9  }
0x1e8: {  	v51 =	vld [tilespmem:s28+$0xFFFFFC80];
	v30 =	vadd.f32 v30, v49;
	v61 =	vmul.f32 v27, v7;
	v34 =	vperm.xlane v52, v5  }
0x1e9: {  	v56 =	vmul.f32 v50, v10;
	v26 =	vadd.f32 v44, v38;
	v44 =	vld [tilespmem:s28+$0xFFFFFD00];
	v38 =	vadd.f32 v60, v63  }
0x1ea: {  	v50 =	vld [tilespmem:s28+$0xFFFFFC10];
	v63 =	vperm.xlane v30, v4;
	v55 =	vadd.f32 v62, v61;
	v27 =	vadd.f32 v52, v34  }
0x1eb: {  	v49 =	vld [tilespmem:s28+$0xFFFFFC00];
	v34 =	vmul.f32 v43, v13;
	v43 =	vmul.f32 v58, v10;
	v54 =	vadd.f32 v56, v38  }
0x1ec: {  	s29 =	simm.s32 $0x0;
	s30 =	simm.s32 $0x40;
	v52 =	vld [tilespmem:s28+$0xFFFFFC90];
	v30 =	vadd.f32 v30, v63;
	v38 =	vmul.f32 v57, v12;
	v55 =	vadd.f32 v59, v55  }
.LBB2_5:
0x1ed: {  	p1 =	sne.s32 s30, $0x1C0;
	v39 =	vmul.f32 v39, v11;
	v56 =	vld [tilespmem:s28+$0xFFFFFD10];
	v40 =	vmul.f32 v40, v9;
	v42 =	vadd.f32 v42, v54  }
0x1ee: {  	v45 =	vmul.f32 v45, v10;
	v46 =	vmul.f32 v46, v7;
	v54 =	vld [tilespmem:s28+$0xFFFFFCA0];
	v53 =	vadd.f32 v53, v55  }
0x1ef: {  	v48 =	vmul.f32 v48, v9;
	v47 =	vmul.f32 v47, v8;
	v55 =	vld [tilespmem:s28+$0xFFFFFD20];
	v36 =	vadd.f32 v36, v42  }
0x1f0: {  	v42 =	vmul.f32 v49, v7;
	v49 =	vmul.f32 v50, v8;
	v50 =	vld [tilespmem:s28+$0xFFFFFCB0];
	v41 =	vadd.f32 v41, v53  }
0x1f1: {  	v51 =	vmul.f32 v51, v7;
	v52 =	vmul.f32 v52, v8;
	v53 =	vld [tilespmem:s28+$0xFFFFFD30];
	v29 =	vadd.f32 v29, v36  }
0x1f2: {  	v44 =	vmul.f32 v44, v7;
	v36 =	vld [tilespmem:s28+$0xFFFFFCC0];
	v56 =	vmul.f32 v56, v8;
	v35 =	vadd.f32 v35, v41  }
0x1f3: {  	v41 =	vadd.f32 v49, v42;
	v42 =	vadd.f32 v52, v51;
	v49 =	vmul.f32 v54, v9;
	v51 =	vld [tilespmem:s28+$0xFFFFFD40]  }
0x1f4: {  	v46 =	vadd.f32 v47, v46;
	v52 =	vld [tilespmem:s28+$0xFFFFFCD0];
	v44 =	vadd.f32 v56, v44;
	v54 =	vmul.f32 v55, v9  }
0x1f5: {  	v41 =	vadd.f32 v48, v41;
	v42 =	vadd.f32 v49, v42;
	v47 =	vmul.f32 v50, v10;
	v48 =	vld [tilespmem:s28+$0xFFFFFD50]  }
0x1f6: {  	v40 =	vadd.f32 v40, v46;
	v49 =	vld [tilespmem:s28+$0xFFFFFCE0];
	v44 =	vadd.f32 v54, v44;
	v50 =	vmul.f32 v53, v10  }
0x1f7: {  	v41 =	vadd.f32 v45, v41;
	v42 =	vadd.f32 v47, v42;
	v36 =	vmul.f32 v36, v11;
	v45 =	vld [tilespmem:s28+$0xFFFFFD60]  }
0x1f8: {  	v40 =	vadd.f32 v43, v40;
	v46 =	vld [tilespmem:s28+$0xFFFFFCF0];
	v44 =	vadd.f32 v50, v44;
	v47 =	vmul.f32 v51, v11  }
0x1f9: {  	v39 =	vadd.f32 v39, v41;
	v36 =	vadd.f32 v36, v42;
	v41 =	vmul.f32 v52, v12;
	v42 =	vld [tilespmem:s28+$0xFFFFFD70]  }
0x1fa: {  	v37 =	vadd.f32 v37, v40;
	v43 =	vadd.f32 v47, v44;
	v44 =	vmul.f32 v48, v12;
	v40 =	vld [tilespmem:s28+$0xFFFFFDF0]  }
0x1fb: {  	v38 =	vadd.f32 v38, v39;
	v36 =	vadd.f32 v41, v36;
	v39 =	vmul.f32 v49, v13  }
0x1fc: {  	v33 =	vadd.f32 v33, v37;
	v41 =	vadd.f32 v44, v43;
	v43 =	vmul.f32 v45, v13  }
0x1fd: {  	v34 =	vadd.f32 v34, v38;
	v36 =	vadd.f32 v39, v36;
	v37 =	vmul.f32 v46, v14  }
0x1fe: {  	v31 =	vadd.f32 v31, v33;
	v38 =	vadd.f32 v43, v41;
	v39 =	vmul.f32 v42, v14  }
0x1ff: {  	v32 =	vadd.f32 v32, v34;
	v33 =	vadd.f32 v37, v36;
	v34 =	vmul.f32 v40, v14  }
0x200: {  	v28 =	vadd.f32 v28, v35;
	v35 =	vperm.xlane v30, v5;
	v36 =	vadd.f32 v39, v38  }
0x201: {  	v37 =	vperm.xlane v32, v3;
	v38 =	vperm.xlane v33, v3;
	v31 =	vadd.f32 v34, v31  }
0x202: {  	v21 =	vadd.f32 v21, v29;
	v22 =	vadd.f32 v22, v28;
	v34 =	vperm.xlane v36, v3  }
0x203: {  	v28 =	vadd.f32 v32, v37;
	v29 =	vadd.f32 v33, v38;
	v32 =	vperm.xlane v31, v3  }
0x204: {  	v33 =	vadd.f32 v36, v34;
	v34 =	vperm.xlane v22, v3;
	v36 =	vperm.xlane v21, v3  }
0x205: {  	v37 =	vperm.xlane v28, v4;
	v38 =	vperm.xlane v29, v4;
	v31 =	vadd.f32 v31, v32  }
0x206: {  	v32 =	vperm.xlane v33, v4;
	v22 =	vadd.f32 v22, v34;
	v21 =	vadd.f32 v21, v36  }
0x207: {  	v28 =	vadd.f32 v28, v37;
	v29 =	vadd.f32 v29, v38;
	v34 =	vperm.xlane v31, v4  }
0x208: {  	v32 =	vadd.f32 v33, v32;
	v33 =	vperm.xlane v22, v4;
	v36 =	vperm.xlane v21, v4  }
0x209: {  	v37 =	vperm.xlane v28, v5;
	v38 =	vperm.xlane v29, v5;
	v31 =	vadd.f32 v31, v34  }
0x20a: {  	v34 =	vperm.xlane v32, v5;
	v22 =	vadd.f32 v22, v33;
	v21 =	vadd.f32 v21, v36  }
0x20b: {  	v28 =	vadd.f32 v28, v37;
	v29 =	vadd.f32 v29, v38;
	v33 =	vperm.xlane v31, v5  }
0x20c: {  	v32 =	vadd.f32 v32, v34;
	v34 =	vperm.xlane v22, v5;
	v36 =	vperm.xlane v21, v5  }
0x20d: {  	v37 =	vperm.xlane v28, v6;
	v38 =	vperm.xlane v29, v6;
	v31 =	vadd.f32 v31, v33  }
0x20e: {  	v33 =	vperm.xlane v32, v6;
	v22 =	vadd.f32 v22, v34;
	v21 =	vadd.f32 v21, v36  }
0x20f: {  	v28 =	vadd.f32 v28, v37;
	v29 =	vadd.f32 v29, v38;
	v34 =	vperm.xlane v31, v6  }
0x210: {  	v30 =	vadd.f32 v30, v35;
	v32 =	vadd.f32 v32, v33;
	v33 =	vperm.xlane v22, v6  }
0x211: {  	v28 =	vsel vm0, v28, v29;
	v29 =	vadd.f32 v31, v34;
	v31 =	vperm.xlane v21, v6  }
0x212: {  	v28 =	vsel vm1, v28, v32;
	v22 =	vadd.f32 v22, v33;
	v32 =	vperm.xlane v30, v6  }
0x213: {  	v28 =	vsel vm2, v28, v29;
	v21 =	vadd.f32 v21, v31;
	v29 =	vperm.xlane v27, v6  }
0x214: {  	v22 =	vsel vm3, v28, v22;
	v28 =	vadd.f32 v30, v32;
	v30 =	vperm.xlane v26, v6  }
0x215: {  	v21 =	vsel vm4, v22, v21;
	v22 =	vadd.f32 v27, v29;
	v27 =	vperm.xlane v25, v6  }
0x216: {  	v21 =	vsel vm5, v21, v28;
	v26 =	vadd.f32 v26, v30;
	v28 =	vperm.xlane v24, v6  }
0x217: {  	v21 =	vsel vm6, v21, v22;
	v22 =	vadd.f32 v25, v27;
	v25 =	vperm.xlane v23, v6  }
0x218: {  	v21 =	vsel vm7, v21, v26;
	v24 =	vadd.f32 v24, v28;
	v26 =	vperm.xlane v20, v6  }
0x219: {  	s31 =	sshra.s32 s29, $0x2;
	s29 =	smov.u32 s30;
	v21 =	vsel vm8, v21, v22;
	v22 =	vadd.f32 v23, v25;
	v23 =	vperm.xlane v19, v6  }
0x21a: {  	v21 =	vsel vm9, v21, v24;
	v20 =	vadd.f32 v20, v26;
	v24 =	vperm.xlane v18, v6;
	v25 =	vld.idx.msk [tilespmem:v15+s31+$0x0 ss:$0x1], $0xffff  }
0x21b: {  	v21 =	vsel vm10, v21, v22;
	v19 =	vadd.f32 v19, v23;
	v22 =	vperm.xlane v17, v6  }
0x21c: {  	v20 =	vsel vm11, v21, v20;
	v18 =	vadd.f32 v18, v24  }
0x21d: {  	v19 =	vsel vm12, v20, v19;
	v17 =	vadd.f32 v17, v22  }
0x21e: {  	v18 =	vsel vm13, v19, v18  }
0x21f: {  	v17 =	vsel vm14, v18, v17  }
0x220: {  	v17 =	vadd.f32 v17, v25;
	_ =	sdelay $0x1  }
0x221: {  	s28 =	sadd.s32 $0x800, s28;
	[tilespmem:v16+s31+$0x0 ss:$0x1] =	vst.idx.msk $0xffff, v17  }
0x222: {  	v18 =	vld [tilespmem:s28+$0x3F0]  }
0x223: {  	v22 =	vld [tilespmem:s28+$0x370]  }
0x224: {  	v23 =	vld [tilespmem:s28+$0x3E0]  }
0x225: {  	v24 =	vld [tilespmem:s28+$0x2F0]  }
0x226: {  	v25 =	vld [tilespmem:s28+$0x360]  }
0x227: {  	v26 =	vld [tilespmem:s28+$0x3D0]  }
0x228: {  	v27 =	vld [tilespmem:s28+$0x270]  }
0x229: {  	v28 =	vld [tilespmem:s28+$0x2E0]  }
0x22a: {  	v29 =	vld [tilespmem:s28+$0x350]  }
0x22b: {  	v30 =	vld [tilespmem:s28+$0x3C0]  }
0x22c: {  	v31 =	vld [tilespmem:s28+$0x1F0]  }
0x22d: {  	v32 =	vld [tilespmem:s28+$0x260]  }
0x22e: {  	v33 =	vld [tilespmem:s28+$0x2D0]  }
0x22f: {  	v34 =	vld [tilespmem:s28+$0x340]  }
0x230: {  	v35 =	vld [tilespmem:s28+$0x3B0]  }
0x231: {  	v36 =	vld [tilespmem:s28+$0x170]  }
0x232: {  	v37 =	vld [tilespmem:s28+$0x1E0]  }
0x233: {  	v38 =	vld [tilespmem:s28+$0x250]  }
0x234: {  	v39 =	vld [tilespmem:s28+$0x2C0]  }
0x235: {  	v40 =	vld [tilespmem:s28+$0x330]  }
0x236: {  	v41 =	vld [tilespmem:s28+$0x3A0]  }
0x237: {  	v42 =	vld [tilespmem:s28+$0xF0]  }
0x238: {  	v43 =	vld [tilespmem:s28+$0x160]  }
0x239: {  	v44 =	vld [tilespmem:s28+$0x1D0]  }
0x23a: {  	v45 =	vld [tilespmem:s28+$0x240]  }
0x23b: {  	v46 =	vld [tilespmem:s28+$0x2B0]  }
0x23c: {  	v47 =	vld [tilespmem:s28+$0x320]  }
0x23d: {  	v48 =	vld [tilespmem:s28+$0x380]  }
0x23e: {  	v49 =	vld [tilespmem:s28+$0x390]  }
0x23f: {  	v20 =	vld [tilespmem:s28+$0x70]  }
0x240: {  	v19 =	vld [tilespmem:s28+$0xE0]  }
0x241: {  	v17 =	vld [tilespmem:s28+$0x150]  }
0x242: {  	v50 =	vmul.f32 v18, v14;
	v21 =	vld [tilespmem:s28+$0x1C0]  }
0x243: {  	v52 =	vmul.f32 v22, v14;
	v53 =	vmul.f32 v23, v13;
	v51 =	vld [tilespmem:s28+$0x230]  }
0x244: {  	v18 =	vmul.f32 v48, v7;
	v22 =	vmul.f32 v49, v8;
	v54 =	vld [tilespmem:s28+$0x2A0]  }
0x245: {  	v25 =	vmul.f32 v25, v13;
	v48 =	vmul.f32 v24, v14;
	v23 =	vld [tilespmem:s28+$0x300]  }
0x246: {  	v41 =	vmul.f32 v41, v9;
	v49 =	vmul.f32 v26, v12;
	v18 =	vadd.f32 v22, v18;
	v24 =	vld [tilespmem:s28+$0x310]  }
0x247: {  	v27 =	vmul.f32 v27, v14;
	v55 =	vmul.f32 v28, v13;
	v22 =	vld [tilespmem:s28+$0xFFFFFFF0]  }
0x248: {  	v29 =	vmul.f32 v29, v12;
	v35 =	vmul.f32 v35, v10;
	v41 =	vadd.f32 v41, v18;
	v28 =	vld [tilespmem:s28+$0x280]  }
0x249: {  	v30 =	vmul.f32 v30, v11;
	v18 =	vmul.f32 v31, v14;
	v31 =	vld [tilespmem:s28+$0x290]  }
0x24a: {  	v32 =	vmul.f32 v32, v13;
	v33 =	vmul.f32 v33, v12;
	v35 =	vadd.f32 v35, v41;
	v26 =	vld [tilespmem:s28+$0x60]  }
0x24b: {  	v56 =	vmul.f32 v23, v7;
	v41 =	vld [tilespmem:s28+$0x200];
	v24 =	vmul.f32 v24, v8  }
0x24c: {  	v34 =	vmul.f32 v34, v11;
	v23 =	vmul.f32 v36, v14;
	v30 =	vadd.f32 v30, v35;
	v36 =	vld [tilespmem:s28+$0x210]  }
0x24d: {  	v37 =	vmul.f32 v37, v13;
	v47 =	vmul.f32 v47, v9;
	v35 =	vld [tilespmem:s28+$0xD0];
	v24 =	vadd.f32 v24, v56  }
0x24e: {  	v28 =	vmul.f32 v28, v7;
	v30 =	vadd.f32 v49, v30;
	v56 =	vld [tilespmem:s28+$0x220];
	v31 =	vmul.f32 v31, v8  }
0x24f: {  	v38 =	vmul.f32 v38, v12;
	v40 =	vmul.f32 v40, v10;
	v49 =	vld [tilespmem:s28+$0x140];
	v24 =	vadd.f32 v47, v24  }
0x250: {  	v30 =	vadd.f32 v53, v30;
	v47 =	vld [tilespmem:s28+$0x1B0];
	v28 =	vadd.f32 v31, v28;
	v31 =	vmul.f32 v54, v9  }
0x251: {  	v41 =	vmul.f32 v41, v7;
	v53 =	vld [tilespmem:s28+$0xFFFFFF70];
	v36 =	vmul.f32 v36, v8;
	v24 =	vadd.f32 v40, v24  }
0x252: {  	v30 =	vadd.f32 v50, v30;
	v40 =	vld [tilespmem:s28+$0xFFFFFFE0];
	v28 =	vadd.f32 v31, v28;
	v31 =	vmul.f32 v46, v10  }
0x253: {  	v46 =	vld [tilespmem:s28+$0x50];
	v36 =	vadd.f32 v36, v41;
	v41 =	vmul.f32 v56, v9;
	v24 =	vadd.f32 v34, v24  }
0x254: {  	v34 =	vld [tilespmem:s28+$0x180];
	v28 =	vadd.f32 v31, v28;
	v31 =	vmul.f32 v39, v11;
	v39 =	vperm.xlane v30, v3  }
0x255: {  	v50 =	vld [tilespmem:s28+$0x190];
	v36 =	vadd.f32 v41, v36;
	v41 =	vmul.f32 v51, v10;
	v29 =	vadd.f32 v29, v24  }
0x256: {  	v24 =	vmul.f32 v42, v14;
	v51 =	vld [tilespmem:s28+$0xC0];
	v31 =	vadd.f32 v31, v28;
	v30 =	vadd.f32 v30, v39  }
0x257: {  	v39 =	vld [tilespmem:s28+$0x1A0];
	v36 =	vadd.f32 v41, v36;
	v41 =	vmul.f32 v45, v11;
	v25 =	vadd.f32 v25, v29  }
0x258: {  	v42 =	vmul.f32 v44, v12;
	v28 =	vmul.f32 v43, v13;
	v29 =	vld [tilespmem:s28+$0x130];
	v31 =	vadd.f32 v33, v31  }
0x259: {  	v33 =	vld [tilespmem:s28+$0xFFFFFEF0];
	v36 =	vadd.f32 v41, v36;
	v25 =	vadd.f32 v52, v25;
	v41 =	vperm.xlane v30, v4  }
0x25a: {  	v34 =	vmul.f32 v34, v7;
	v43 =	vld [tilespmem:s28+$0xFFFFFF60];
	v44 =	vmul.f32 v50, v8;
	v31 =	vadd.f32 v55, v31  }
0x25b: {  	v45 =	vld [tilespmem:s28+$0xFFFFFFD0];
	v36 =	vadd.f32 v38, v36;
	v38 =	vperm.xlane v25, v3;
	v41 =	vadd.f32 v30, v41  }
0x25c: {  	v50 =	vld [tilespmem:s28+$0x40];
	v30 =	vadd.f32 v44, v34;
	v34 =	vmul.f32 v39, v9;
	v31 =	vadd.f32 v48, v31  }
0x25d: {  	v39 =	vld [tilespmem:s28+$0xB0];
	v32 =	vadd.f32 v32, v36;
	v36 =	vadd.f32 v25, v38;
	v38 =	vperm.xlane v41, v5  }
0x25e: {  	v44 =	vld [tilespmem:s28+$0x120];
	v25 =	vadd.f32 v34, v30;
	v34 =	vmul.f32 v47, v10;
	v47 =	vperm.xlane v31, v3  }
0x25f: {  	v30 =	vmul.f32 v20, v14;
	v48 =	vld [tilespmem:s28+$0xFFFFFE70];
	v20 =	vadd.f32 v27, v32;
	v27 =	vperm.xlane v36, v4  }
0x260: {  	v21 =	vmul.f32 v21, v11;
	v52 =	vld [tilespmem:s28+$0xFFFFFEE0];
	v32 =	vadd.f32 v34, v25;
	v31 =	vadd.f32 v31, v47  }
0x261: {  	v47 =	vmul.f32 v19, v13;
	v25 =	vld [tilespmem:s28+$0xFFFFFF50];
	v19 =	vperm.xlane v20, v3;
	v36 =	vadd.f32 v36, v27  }
0x262: {  	v55 =	vmul.f32 v17, v12;
	v54 =	vld [tilespmem:s28+$0xFFFFFFC0];
	v17 =	vadd.f32 v21, v32;
	v21 =	vperm.xlane v31, v4  }
0x263: {  	v27 =	vmul.f32 v22, v14;
	v22 =	vld [tilespmem:s28+$0x30];
	v19 =	vadd.f32 v20, v19;
	v20 =	vperm.xlane v36, v5  }
0x264: {  	v56 =	vmul.f32 v26, v13;
	v57 =	vld [tilespmem:s28+$0xA0];
	v17 =	vadd.f32 v42, v17;
	v42 =	vadd.f32 v31, v21  }
0x265: {  	v35 =	vmul.f32 v35, v12;
	v32 =	vld [tilespmem:s28+$0x100];
	v21 =	vperm.xlane v19, v4  }
0x266: {  	v49 =	vmul.f32 v49, v11;
	v58 =	vld [tilespmem:s28+$0x110];
	v17 =	vadd.f32 v37, v17;
	v37 =	vperm.xlane v42, v5  }
0x267: {  	v26 =	vmul.f32 v53, v14;
	v34 =	vmul.f32 v40, v13;
	v31 =	vld [tilespmem:s28+$0xFFFFFE60];
	v40 =	vadd.f32 v19, v21  }
0x268: {  	v46 =	vmul.f32 v46, v12;
	v51 =	vmul.f32 v51, v11;
	v53 =	vld [tilespmem:s28+$0x80];
	v59 =	vadd.f32 v18, v17  }
0x269: {  	v29 =	vmul.f32 v29, v10;
	v60 =	vld [tilespmem:s28+$0x90];
	v61 =	vperm.xlane v40, v5  }
0x26a: {  	v21 =	vmul.f32 v33, v14;
	v17 =	vadd.f32 v41, v38;
	v62 =	vld [tilespmem:s28+$0x0];
	v63 =	vperm.xlane v59, v3  }
0x26b: {  	v18 =	vadd.f32 v36, v20;
	v41 =	vmul.f32 v32, v7;
	v38 =	vld [tilespmem:s28+$0x10];
	v58 =	vmul.f32 v58, v8  }
0x26c: {  	v36 =	vmul.f32 v45, v12;
	v19 =	vadd.f32 v42, v37;
	v32 =	vmul.f32 v43, v13;
	v33 =	vld [tilespmem:s28+$0xFFFFFED0]  }
0x26d: {  	v42 =	vmul.f32 v44, v9;
	v43 =	vadd.f32 v59, v63;
	v37 =	vld [tilespmem:s28+$0x20];
	v41 =	vadd.f32 v58, v41  }
0x26e: {  	v20 =	vadd.f32 v40, v61;
	v45 =	vmul.f32 v53, v7;
	v44 =	vld [tilespmem:s28+$0xFFFFFF40];
	v53 =	vmul.f32 v60, v8  }
0x26f: {  	v57 =	vmul.f32 v57, v9;
	v40 =	vld [tilespmem:s28+$0xFFFFFF80];
	v41 =	vadd.f32 v42, v41;
	v42 =	vperm.xlane v43, v4  }
0x270: {  	v59 =	vmul.f32 v62, v7;
	v58 =	vld [tilespmem:s28+$0xFFFFFF90];
	v38 =	vmul.f32 v38, v8;
	v45 =	vadd.f32 v53, v45  }
0x271: {  	v39 =	vmul.f32 v39, v10;
	v53 =	vld [tilespmem:s28+$0xFFFFFFB0];
	v29 =	vadd.f32 v29, v41;
	v41 =	vadd.f32 v43, v42  }
0x272: {  	v42 =	vld [tilespmem:s28+$0xFFFFFFA0];
	v38 =	vadd.f32 v38, v59;
	v37 =	vmul.f32 v37, v9;
	v43 =	vadd.f32 v57, v45  }
0x273: {  	v50 =	vmul.f32 v50, v11;
	v45 =	vld [tilespmem:s28+$0xFFFFFDE0];
	v29 =	vadd.f32 v49, v29;
	v49 =	vperm.xlane v41, v5  }
0x274: {  	v57 =	vld [tilespmem:s28+$0xFFFFFE50];
	v37 =	vadd.f32 v37, v38;
	v38 =	vmul.f32 v22, v10;
	v39 =	vadd.f32 v39, v43  }
0x275: {  	v40 =	vmul.f32 v40, v7;
	v43 =	vld [tilespmem:s28+$0xFFFFFF00];
	v58 =	vmul.f32 v58, v8;
	v29 =	vadd.f32 v55, v29  }
0x276: {  	v22 =	vmul.f32 v48, v14;
	v48 =	vld [tilespmem:s28+$0xFFFFFF10];
	v37 =	vadd.f32 v38, v37;
	v38 =	vadd.f32 v51, v39  }
0x277: {  	v51 =	vld [tilespmem:s28+$0xFFFFFEC0];
	v39 =	vadd.f32 v58, v40;
	v40 =	vmul.f32 v42, v9;
	v28 =	vadd.f32 v28, v29  }
0x278: {  	v29 =	vmul.f32 v52, v13;
	v42 =	vld [tilespmem:s28+$0xFFFFFF20];
	v37 =	vadd.f32 v50, v37;
	v35 =	vadd.f32 v35, v38  }
0x279: {  	v38 =	vld [tilespmem:s28+$0xFFFFFF30];
	v39 =	vadd.f32 v40, v39;
	v40 =	vmul.f32 v53, v10;
	v23 =	vadd.f32 v23, v28  }
0x27a: {  	v28 =	vmul.f32 v54, v11;
	v50 =	vld [tilespmem:s28+$0xFFFFFC70];
	v37 =	vadd.f32 v46, v37;
	v35 =	vadd.f32 v47, v35  }
0x27b: {  	v43 =	vmul.f32 v43, v7;
	v46 =	vld [tilespmem:s28+$0xFFFFFDD0];
	v47 =	vmul.f32 v48, v8;
	v39 =	vadd.f32 v40, v39  }
0x27c: {  	v48 =	vld [tilespmem:s28+$0xFFFFFE40];
	v37 =	vadd.f32 v56, v37;
	v24 =	vadd.f32 v24, v35;
	v35 =	vperm.xlane v23, v3  }
0x27d: {  	v52 =	vld [tilespmem:s28+$0xFFFFFEB0];
	v40 =	vadd.f32 v47, v43;
	v42 =	vmul.f32 v42, v9;
	v28 =	vadd.f32 v28, v39  }
0x27e: {  	v43 =	vld [tilespmem:s28+$0xFFFFFC60];
	v30 =	vadd.f32 v30, v37;
	v37 =	vperm.xlane v24, v3;
	v23 =	vadd.f32 v23, v35  }
0x27f: {  	v38 =	vmul.f32 v38, v10;
	v53 =	vld [tilespmem:s28+$0xFFFFFDC0];
	v35 =	vadd.f32 v42, v40;
	v28 =	vadd.f32 v36, v28  }
0x280: {  	v54 =	vld [tilespmem:s28+$0xFFFFFE30];
	v36 =	vperm.xlane v30, v3;
	v24 =	vadd.f32 v24, v37;
	v37 =	vperm.xlane v23, v4  }
0x281: {  	v55 =	vld [tilespmem:s28+$0xFFFFFEA0];
	v35 =	vadd.f32 v38, v35;
	v38 =	vmul.f32 v44, v11;
	v28 =	vadd.f32 v34, v28  }
0x282: {  	v56 =	vld [tilespmem:s28+$0xFFFFFC50];
	v30 =	vadd.f32 v30, v36;
	v34 =	vperm.xlane v24, v4;
	v37 =	vadd.f32 v23, v37  }
0x283: {  	v25 =	vmul.f32 v25, v12;
	v58 =	vld [tilespmem:s28+$0xFFFFFDB0];
	v23 =	vadd.f32 v38, v35;
	v27 =	vadd.f32 v27, v28  }
0x284: {  	v38 =	vld [tilespmem:s28+$0xFFFFFE20];
	v35 =	vperm.xlane v30, v4;
	v34 =	vadd.f32 v24, v34;
	v24 =	vperm.xlane v37, v5  }
0x285: {  	v28 =	vmul.f32 v31, v13;
	v44 =	vld [tilespmem:s28+$0xFFFFFE80];
	v23 =	vadd.f32 v25, v23;
	v25 =	vperm.xlane v27, v3  }
0x286: {  	v36 =	vmul.f32 v33, v12;
	v47 =	vld [tilespmem:s28+$0xFFFFFE90];
	v30 =	vadd.f32 v30, v35;
	v59 =	vperm.xlane v34, v5  }
0x287: {  	v31 =	vmul.f32 v45, v13;
	v39 =	vld [tilespmem:s28+$0xFFFFFC40];
	v32 =	vadd.f32 v32, v23;
	v25 =	vadd.f32 v27, v25  }
0x288: {  	v42 =	vmul.f32 v51, v11;
	v35 =	vmul.f32 v57, v12;
	v23 =	vadd.f32 v41, v49;
	v40 =	vld [tilespmem:s28+$0xFFFFFDA0]  }
0x289: {  	v51 =	vperm.xlane v30, v5;
	v27 =	vld [tilespmem:s28+$0xFFFFFE00];
	v49 =	vadd.f32 v26, v32;
	v26 =	vperm.xlane v25, v4  }
0x28a: {  	v33 =	vmul.f32 v46, v12;
	v24 =	vadd.f32 v37, v24;
	v32 =	vmul.f32 v50, v14;
	v50 =	vld [tilespmem:s28+$0xFFFFFE10]  }
0x28b: {  	v41 =	vmul.f32 v48, v11;
	v45 =	vld [tilespmem:s28+$0xFFFFFC30];
	v37 =	vperm.xlane v49, v3;
	v57 =	vadd.f32 v25, v26  }
0x28c: {  	v44 =	vmul.f32 v44, v7;
	v60 =	vmul.f32 v47, v8;
	v25 =	vadd.f32 v34, v59;
	v46 =	vld [tilespmem:s28+$0xFFFFFD80]  }
0x28d: {  	v52 =	vmul.f32 v52, v10;
	v26 =	vadd.f32 v30, v51;
	v47 =	vld [tilespmem:s28+$0xFFFFFD90];
	v34 =	vperm.xlane v57, v5  }
0x28e: {  	v51 =	vmul.f32 v55, v9;
	v30 =	vadd.f32 v60, v44;
	v55 =	vadd.f32 v49, v37;
	v48 =	vld [tilespmem:s28+$0xFFFFFC20]  }
.Ltmp1:
0x28f: {  	v59 =	vmul.f32 v27, v7;
	v44 =	vld [tilespmem:s28+$0xFFFFFD00];
	v60 =	vmul.f32 v50, v8;
	v27 =	vadd.f32 v57, v34;
	(pc) =	sbr.rel @p1 .LBB2_5-.Ltmp1, $4  }
0x290: {  	v34 =	vmul.f32 v43, v13;
	v30 =	vadd.f32 v51, v30;
	v43 =	vperm.xlane v55, v4;
	v49 =	vld [tilespmem:s28+$0xFFFFFC00]  }
0x291: {  	v37 =	vmul.f32 v53, v11;
	v50 =	vld [tilespmem:s28+$0xFFFFFC10];
	v57 =	vadd.f32 v60, v59;
	v59 =	vmul.f32 v38, v9  }
0x292: {  	v53 =	vmul.f32 v54, v10;
	v54 =	vadd.f32 v52, v30;
	v30 =	vadd.f32 v55, v43;
	v51 =	vld [tilespmem:s28+$0xFFFFFC80]  }
0x293: {  	s30 =	sadd.s32 $0x40, s30;
	v38 =	vmul.f32 v56, v12;
	v43 =	vmul.f32 v58, v10;
	v52 =	vld [tilespmem:s28+$0xFFFFFC90];
	v55 =	vadd.f32 v59, v57  }
0x294: {  	v39 =	vmul.f32 v39, v11;
	v40 =	vmul.f32 v40, v9  }
0x295: {  	v56 =	vld [tilespmem:s28+$0xFFFFFD10];
	v45 =	vmul.f32 v45, v10;
	v46 =	vmul.f32 v46, v7  }
0x296: {  	v42 =	vadd.f32 v42, v54;
	v54 =	vld [tilespmem:s28+$0xFFFFFCA0];
	v48 =	vmul.f32 v48, v9;
	v47 =	vmul.f32 v47, v8  }
0x297: {  	v44 =	vmul.f32 v44, v7;
	v53 =	vadd.f32 v53, v55;
	v55 =	vld [tilespmem:s28+$0xFFFFFD20];
	v63 =	vmul.f32 v49, v7  }
0x298: {  	v61 =	vld [tilespmem:s28+$0xFFFFFCB0];
	v36 =	vadd.f32 v36, v42;
	v60 =	vmul.f32 v50, v8;
	v46 =	vadd.f32 v47, v46  }
0x299: {  	v41 =	vadd.f32 v41, v53;
	v51 =	vmul.f32 v51, v7;
	v53 =	vld [tilespmem:s28+$0xFFFFFD30];
	v52 =	vmul.f32 v52, v8  }
0x29a: {  	v29 =	vadd.f32 v29, v36;
	v36 =	vld [tilespmem:s28+$0xFFFFFCC0];
	v62 =	vadd.f32 v60, v63;
	v56 =	vmul.f32 v56, v8  }
0x29b: {  	v58 =	vld [tilespmem:s28+$0xFFFFFD40];
	v40 =	vadd.f32 v40, v46;
	v57 =	vmul.f32 v54, v9;
	v63 =	vadd.f32 v52, v51  }
0x29c: {  	v59 =	vld [tilespmem:s28+$0xFFFFFCD0];
	v35 =	vadd.f32 v35, v41;
	v60 =	vmul.f32 v55, v9;
	v44 =	vadd.f32 v56, v44  }
0x29d: {  	v61 =	vmul.f32 v61, v10;
	v41 =	vadd.f32 v48, v62;
	v62 =	vld [tilespmem:s28+$0xFFFFFD50];
	v42 =	vadd.f32 v57, v63  }
0x29e: {  	v40 =	vadd.f32 v43, v40;
	v63 =	vld [tilespmem:s28+$0xFFFFFCE0];
	v53 =	vmul.f32 v53, v10;
	v44 =	vadd.f32 v60, v44  }
0x29f: {  	v54 =	vld [tilespmem:s28+$0xFFFFFD60];
	v41 =	vadd.f32 v45, v41;
	v36 =	vmul.f32 v36, v11;
	v42 =	vadd.f32 v61, v42  }
0x2a0: {  	v55 =	vld [tilespmem:s28+$0xFFFFFCF0];
	v21 =	vadd.f32 v21, v29;
	v56 =	vmul.f32 v58, v11;
	v44 =	vadd.f32 v53, v44  }
0x2a1: {  	v58 =	vld [tilespmem:s28+$0xFFFFFD70];
	v57 =	vmul.f32 v59, v12;
	v39 =	vadd.f32 v39, v41;
	v36 =	vadd.f32 v36, v42  }
0x2a2: {  	v37 =	vadd.f32 v37, v40;
	v61 =	vld [tilespmem:s28+$0xFFFFFDF0];
	v60 =	vmul.f32 v62, v12;
	v59 =	vadd.f32 v56, v44  }
0x2a3: {  	v38 =	vadd.f32 v38, v39;
	v62 =	vmul.f32 v63, v13;
	v36 =	vadd.f32 v57, v36  }
0x2a4: {  	v47 =	vmul.f32 v54, v13;
	v33 =	vadd.f32 v33, v37;
	v63 =	vadd.f32 v60, v59  }
0x2a5: {  	v48 =	vmul.f32 v55, v14;
	v34 =	vadd.f32 v34, v38;
	v36 =	vadd.f32 v62, v36  }
0x2a6: {  	v50 =	vmul.f32 v58, v14;
	v31 =	vadd.f32 v31, v33;
	v49 =	vadd.f32 v47, v63  }
0x2a7: {  	v52 =	vmul.f32 v61, v14;
	v32 =	vadd.f32 v32, v34;
	v51 =	vadd.f32 v48, v36  }
0x2a8: {  	v28 =	vadd.f32 v28, v35;
	v53 =	vadd.f32 v50, v49  }
0x2a9: {  	v31 =	vadd.f32 v52, v31;
	v55 =	vperm.xlane v32, v3;
	v56 =	vperm.xlane v51, v3  }
0x2aa: {  	v22 =	vadd.f32 v22, v28;
	v54 =	vperm.xlane v30, v5;
	v57 =	vperm.xlane v53, v3  }
0x2ab: {  	v60 =	vperm.xlane v31, v3;
	v58 =	vadd.f32 v32, v55;
	v59 =	vadd.f32 v51, v56  }
0x2ac: {  	v62 =	vperm.xlane v22, v3;
	v63 =	vperm.xlane v21, v3;
	v61 =	vadd.f32 v53, v57  }
0x2ad: {  	v31 =	vadd.f32 v31, v60;
	v37 =	vperm.xlane v58, v4;
	v38 =	vperm.xlane v59, v4  }
0x2ae: {  	v22 =	vadd.f32 v22, v62;
	v21 =	vadd.f32 v21, v63;
	v39 =	vperm.xlane v61, v4  }
0x2af: {  	v40 =	vperm.xlane v31, v4;
	v28 =	vadd.f32 v58, v37;
	v29 =	vadd.f32 v59, v38  }
0x2b0: {  	v41 =	vperm.xlane v22, v4;
	v36 =	vperm.xlane v21, v4;
	v32 =	vadd.f32 v61, v39  }
0x2b1: {  	v31 =	vadd.f32 v31, v40;
	v37 =	vperm.xlane v28, v5;
	v38 =	vperm.xlane v29, v5  }
0x2b2: {  	v22 =	vadd.f32 v22, v41;
	v21 =	vadd.f32 v21, v36;
	v42 =	vperm.xlane v32, v5  }
0x2b3: {  	v43 =	vperm.xlane v31, v5;
	v28 =	vadd.f32 v28, v37;
	v29 =	vadd.f32 v29, v38  }
0x2b4: {  	v44 =	vperm.xlane v22, v5;
	v36 =	vperm.xlane v21, v5;
	v32 =	vadd.f32 v32, v42  }
0x2b5: {  	v31 =	vadd.f32 v31, v43;
	v37 =	vperm.xlane v28, v6;
	v38 =	vperm.xlane v29, v6  }
0x2b6: {  	v22 =	vadd.f32 v22, v44;
	v21 =	vadd.f32 v21, v36;
	v45 =	vperm.xlane v32, v6  }
0x2b7: {  	v46 =	vperm.xlane v31, v6;
	v28 =	vadd.f32 v28, v37;
	v29 =	vadd.f32 v29, v38  }
0x2b8: {  	v30 =	vadd.f32 v30, v54;
	v47 =	vperm.xlane v22, v6;
	v32 =	vadd.f32 v32, v45  }
0x2b9: {  	v49 =	vperm.xlane v21, v6;
	v48 =	vadd.f32 v31, v46;
	v28 =	vsel vm0, v28, v29  }
0x2ba: {  	v50 =	vperm.xlane v30, v6;
	v22 =	vadd.f32 v22, v47;
	v28 =	vsel vm1, v28, v32  }
0x2bb: {  	v51 =	vperm.xlane v27, v6;
	v21 =	vadd.f32 v21, v49;
	v28 =	vsel vm2, v28, v48  }
0x2bc: {  	v52 =	vadd.f32 v30, v50;
	v53 =	vperm.xlane v26, v6;
	v22 =	vsel vm3, v28, v22  }
0x2bd: {  	v55 =	vperm.xlane v25, v6;
	v54 =	vadd.f32 v27, v51;
	v21 =	vsel vm4, v22, v21  }
0x2be: {  	v56 =	vperm.xlane v24, v6;
	v26 =	vadd.f32 v26, v53;
	v21 =	vsel vm5, v21, v52  }
0x2bf: {  	v57 =	vadd.f32 v25, v55;
	v58 =	vperm.xlane v23, v6;
	v21 =	vsel vm6, v21, v54  }
0x2c0: {  	v24 =	vadd.f32 v24, v56;
	v59 =	vperm.xlane v20, v6;
	v21 =	vsel vm7, v21, v26  }
0x2c1: {  	v60 =	vadd.f32 v23, v58;
	v61 =	vperm.xlane v19, v6;
	v21 =	vsel vm8, v21, v57  }
0x2c2: {  	s31 =	sshra.s32 s29, $0x2;
	v62 =	vperm.xlane v18, v6;
	v20 =	vadd.f32 v20, v59;
	v21 =	vsel vm9, v21, v24  }
0x2c3: {  	v15 =	vld.idx.msk [tilespmem:v15+s31+$0x0 ss:$0x1], $0xffff;
	v63 =	vperm.xlane v17, v6;
	v19 =	vadd.f32 v19, v61;
	v21 =	vsel vm10, v21, v60  }
0x2c4: {  	v18 =	vadd.f32 v18, v62;
	v20 =	vsel vm11, v21, v20  }
0x2c5: {  	v17 =	vadd.f32 v17, v63;
	v19 =	vsel vm12, v20, v19  }
.Ltmp2:
0x2c6: {  	v18 =	vsel vm13, v19, v18;
	(pc) =	sbr.rel @p0 .LBB2_8-.Ltmp2, $3  }
0x2c7: {  	v17 =	vsel vm14, v18, v17  }
0x2c8: {  	v15 =	vadd.f32 v17, v15;
	_ =	sdelay $0x1  }
0x2c9: {  	[tilespmem:v16+s31+$0x0 ss:$0x1] =	vst.idx.msk $0xffff, v15  }
.Ltmp3:
0x2ca: {  	(pc) =	sbr.rel .LBB2_2-.Ltmp3, $4  }
0x2cb: {  	_ = 	snop  }
0x2cc: {  	s26 =	sadd.s32 s26, s8;
	s25 =	sadd.s32 $0x1, s25;
	s24 =	sadd.s32 $0x100, s24  }
0x2cd: {  	s21 =	sadd.s32 $0x100, s21;
	s22 =	sadd.s32 $0x100, s22;
	s23 =	sadd.s32 $0x100, s23  }
0x2ce: {  	[tilespmem:s14], [sflag:$0x2] =	stream.linear.gather [hbm4b:s26+s2], $0x4000, $0x38;
	[tilespmem:$0x8700] =	vst v63  }
.LBB2_8:
0x2cf: {  	v7 =	vld [tilespmem:$0x8080];
	s22 =	simm.s32 $0x10  }
0x2d0: {  	s21 =	simm.s32 $0x80;
	v8 =	vld [tilespmem:s22+$0x8080]  }
.LBB2_9:
0x2d1: {  	p0 =	sne.s32 s21, $0xBC0  }
.Ltmp4:
0x2d2: {  	_ = 	snop;
	(pc) =	sbr.rel @p0 .LBB2_9-.Ltmp4, $3  }
0x2d3: {  	_ =	sdelay $0x1  }
0x2d4: {  	s22 =	sshra.s32 s21, $0x2;
	s21 =	sadd.s32 $0x40, s21;
	v7 =	vmax.f32 v7, v8  }
0x2d5: {  	v8 =	vld [tilespmem:s22+$0x8080]  }
0x2d6: {  	_ =	sdelay $0x3  }
0x2d7: {  	v7 =	vmax.f32 v7, v8  }
0x2d8: {  	v8 =	vperm.xlane v7, v0;
	_ =	sdelay $0x1  }
0x2d9: {  	v7 =	vmax.f32 v7, v8  }
0x2da: {  	v8 =	vperm.xlane v7, v1;
	_ =	sdelay $0x1  }
0x2db: {  	v7 =	vmax.f32 v7, v8  }
0x2dc: {  	s21 =	simm.s32 $0x0;
	v8 =	vperm.xlane v7, v2  }
0x2dd: {  	v9 =	vld [tilespmem:s21+$0x8080]  }
0x2de: {  	v7 =	vmax.f32 v7, v8  }
0x2df: {  	s31 =	simm.s32 $0x10;
	v10 =	vperm.xlane v7, v6  }
0x2e0: {  	v8 =	vld [tilespmem:s31+$0x8080]  }
0x2e1: {  	v7 =	vmax.f32 v7, v10  }
0x2e2: {  	v9 =	vsub.f32 v9, v7;
	_ =	sdelay $0x1  }
0x2e3: {  	v9 =	vmul.f32 $1.442695020e+00, v9  }
0x2e4: {  	v8 =	vsub.f32 v8, v7  }
0x2e5: {  	(erf) = vpow2.f32 v9  }
0x2e6: {  	v10 =	vmul.f32 $1.442695020e+00, v8  }
0x2e7: {  	s22 =	simm.s32 $0x20  }
0x2e8: {  	v9 =	vld [tilespmem:s22+$0x8080];
	(erf) = vpow2.f32 v10;
	_ =	sdelay $0x2  }
0x2e9: {  	s21 =	simm.s32 $0xC0;
	v8 =	vimm.f32 $0.0e+00  }
.LBB2_11:
0x2ea: {  	p0 =	sne.s32 s21, $0xBC0  }
.Ltmp5:
0x2eb: {  	s22 =	sshra.s32 s21, $0x2;
	s21 =	sadd.s32 $0x40, s21;
	v10 =	vsub.f32 v9, v7;
	(pc) =	sbr.rel @p0 .LBB2_11-.Ltmp5, $3  }
0x2ec: {  	v9 =	vld [tilespmem:s22+$0x8080];
	v11 =	vpop (erf)  }
0x2ed: {  	v10 =	vmul.f32 $1.442695020e+00, v10;
	v8 =	vadd.f32 v11, v8;
	_ =	sdelay $0x1  }
0x2ee: {  	(erf) = vpow2.f32 v10  }
0x2ef: {  	_ = 	snop  }
0x2f0: {  	v9 =	vsub.f32 v9, v7;
	_ =	sdelay $0x1  }
0x2f1: {  	v9 =	vmul.f32 $1.442695020e+00, v9;
	_ =	sdelay $0x1  }
0x2f2: {  	(erf) = vpow2.f32 v9;
	_ =	sdelay $0x4  }
0x2f3: {  	v61 =	vpop (erf)  }
0x2f4: {  	v8 =	vadd.f32 v61, v8  }
0x2f5: {  	v62 =	vpop (erf)  }
0x2f6: {  	v8 =	vadd.f32 v62, v8  }
0x2f7: {  	v63 =	vpop (erf)  }
0x2f8: {  	v8 =	vadd.f32 v63, v8;
	_ =	sdelay $0x1  }
0x2f9: {  	v9 =	vperm.xlane v8, v0;
	_ =	sdelay $0x1  }
0x2fa: {  	v8 =	vadd.f32 v9, v8;
	_ =	sdelay $0x1  }
0x2fb: {  	v9 =	vperm.xlane v8, v1;
	_ =	sdelay $0x1  }
0x2fc: {  	v8 =	vadd.f32 v9, v8;
	_ =	sdelay $0x1  }
0x2fd: {  	v9 =	vperm.xlane v8, v2;
	_ =	sdelay $0x1  }
0x2fe: {  	v8 =	vadd.f32 v9, v8;
	_ =	sdelay $0x1  }
0x2ff: {  	v9 =	vperm.xlane v8, v6;
	_ =	sdelay $0x1  }
0x300: {  	v8 =	vadd.f32 v9, v8;
	_ =	sdelay $0x1  }
0x301: {  	v8 =	vsel vm15, $0x0, v8  }
0x302: {  	v7 =	vsel vm0, v7, v8  }
0x303: {  	[tilespmem:$0x8680] =	vst v7  }
0x304: {  	[hbm4b:s9+s2] =	stream.linear.scatter [tilespmem:s17], [sflag:$0x4], $0x300, $0x38;
	[tilespmem:$0x8700] =	vst v63  }
0x305: {  	s20 =	sadd.s32 $0x1, s20;
	_ =	swait.ge [sflag:s12], $0x300  }
0x306: {  	p0 =	sne.s32 s20, s11;
	[sflag:s12] =	ssyncset.done $0x0  }
.Ltmp6:
0x307: {  	[sflag:s12] =	ssyncadd.s32 $0xFFFFFD00;
	(pc) =	sbr.rel @p0 .LBB2_1-.Ltmp6, $4  }
0x308: {  	[hbm4b:s10+s2] =	stream.linear.scatter [tilespmem:s18], [sflag:$0x3], $0x80, $0x38;
	[tilespmem:$0x8700] =	vst v63  }
0x309: {  	_ =	swait.ge [sflag:s19], $0x80  }
0x30a: {  	[sflag:s19] =	ssyncset.done $0x0  }
0x30b: {  	[sflag:s19] =	ssyncadd.s32 $0xFFFFFF80  }
0x30c: {  	_ =	sfence.sel $0x180000  }
0x30d: {  	[bflag:$0x0] =	sbarrier.arrive $0xFFFF  }
0x30e: {  	p0 =	sne.s32 s0, $0x0;
	_ =	strace $0x90000047  }
0x30f: {  	s0 =	sadd.s32 @!p0 $0x100000, s1;
	[bflag:$0x2] =	sbarrier.arrive $0xFFFF  }
0x310: {  	[sflag:s0] =	ssyncadd.tile.s32 @!p0 $0x1;
	_ =	shalt  }
.Lfunc_end2:
_tile_overlayer_lowered:
.L_overlay_start_2:
0x311: {  	(tag) =	ssettag $0x2  }
0x312: {  	s0 =	rddreg [dreg:$0x0];
	s2 =	stileid.u32  }
0x313: {  	s1 =	rddreg [dreg:$0x1];
	p0 =	sne.s32 s2, $0x0  }
0x314: {  	s3 =	rddreg [dreg:$0x2];
	[bflag:$0x3] =	sbarrier.arrive $0xFFFF;
	s2 =	simm.s32 @!p0 $0x1C04  }
0x315: {  	[timem:s3], [sflag:s2] =	dma.local @!p0 [hbm:s0], s1  }
0x316: {  	s0 =	simm.s32 @!p0 $0x4  }
0x317: {  	_ =	swait.ge @!p0 [sflag:s0], s1  }
0x318: {  	s1 =	ssub.s32 @!p0 $0x0, s1;
	[sflag:s0] =	ssyncset.done @!p0 $0x0  }
0x319: {  	[sflag:s0] =	ssyncadd.s32 @!p0 s1  }
0x31a: {  	[bflag:$0x3] =	sbarrier.arrive $0xFFFF  }
0x31b: {  	_ =	shalt  }

</sc_bundles>
